<compile_context>
chip_gen: v7x
topology: tpu7x:2x2x1
jax: 0.10.2.dev20260603
libtpu: 0.0.44.dev20260713+nightly
codegen_flags: <defaults>
</compile_context>

<pallas_src>
import functools

import jax
import jax.numpy as jnp
from jax import lax
from jax.experimental import pallas as pl
from jax.experimental.pallas import tpu as pltpu
from jax.experimental.pallas import tpu_sc as plsc

N = 10000
E = 320000
D = 128
H = 8
DH = 16

NC = 2
NS = 16
HH = H // NC
DC = D // NC
EPT = E // NS
BLK = 80
NBLK = EPT // BLK
NP = 10240
RPT = NP // NS
SBE = 4000
NSB = EPT // SBE
SBB = SBE // BLK

_f32 = jnp.float32



def _qkv_body(x_ref, wq_ref, wk_ref, wv_ref, bq_ref, bk_ref, bv_ref,
              q_ref, k_ref, v_ref):
    xb = x_ref[...]
    q = jnp.dot(xb, wq_ref[...], preferred_element_type=_f32) + bq_ref[...]
    q_ref[...] = q * 0.25
    k_ref[...] = jnp.dot(xb, wk_ref[...], preferred_element_type=_f32) + bk_ref[...]
    v_ref[...] = jnp.dot(xb, wv_ref[...], preferred_element_type=_f32) + bv_ref[...]


def _qkv(x, wq, wk, wv, bq, bk, bv):
    bn = 1000
    grid = (N // bn,)
    row = pl.BlockSpec((bn, D), lambda i: (i, 0))
    full = pl.BlockSpec((D, D), lambda i: (0, 0))
    bias = pl.BlockSpec((1, D), lambda i: (0, 0))
    return pl.pallas_call(
        _qkv_body,
        grid=grid,
        in_specs=[row, full, full, full, bias, bias, bias],
        out_specs=[row, row, row],
        out_shape=[jax.ShapeDtypeStruct((N, D), _f32)] * 3,
    )(x, wq, wk, wv, bq, bk, bv)



_mesh = plsc.VectorSubcoreMesh(core_axis_name="c", subcore_axis_name="s")


@functools.partial(
    pl.kernel,
    mesh=_mesh,
    out_type=(jax.ShapeDtypeStruct((NC, NP, DC), _f32),
              jax.ShapeDtypeStruct((NC, NP, 16), _f32)),
    compiler_params=pltpu.CompilerParams(needs_layout_passes=False,
                                         use_tc_tiling_on_sc=False),
    scratch_types=[
        pltpu.VMEM((2, SBE), jnp.int32),
        pltpu.VMEM((2, SBE), jnp.int32),
        pltpu.VMEM((2 * BLK, DC), _f32),
        pltpu.VMEM((2 * BLK, DC), _f32),
        pltpu.VMEM((2 * BLK, DC), _f32),
        pltpu.VMEM((2 * BLK, DC), _f32),
        pltpu.VMEM((2 * BLK, 16), _f32),
        pltpu.VMEM_SHARED((NP, DC), _f32),
        pltpu.VMEM_SHARED((NP, 16), _f32),
        pltpu.SemaphoreType.DMA,
        pltpu.SemaphoreType.DMA,
        pltpu.SemaphoreType.DMA,
        pltpu.SemaphoreType.DMA,
        pltpu.SemaphoreType.DMA,
    ],
)
def _edge_kernel(qkv_hbm_q, qkv_hbm_k, qkv_hbm_v, src_hbm, dst_hbm,
                 num_out, ssum_out,
                 all_src, all_dst, krows, qrows, vrows, mrows, ebuf,
                 num_sh, ssum_sh, sem_g0, sem_g1, sem_s0, sem_s1, sem_i):
    cid = lax.axis_index("c")
    sid = lax.axis_index("s")
    z16 = jnp.zeros((16,), _f32)
    lane = lax.iota(jnp.int32, 16)
    cols = [[h * 16 + ((lane + f) & 15) for f in range(DH)] for h in range(HH)]
    hvecs = [jnp.full((16,), h, jnp.int32) for h in range(HH)]
    kview = qkv_hbm_k.at[pl.ds(cid * NP, NP)]
    qview = qkv_hbm_q.at[pl.ds(cid * NP, NP)]
    vview = qkv_hbm_v.at[pl.ds(cid * NP, NP)]

    ebase = sid * EPT

    def _start_idx(sb, sp):
        pltpu.async_copy(src_hbm.at[pl.ds(ebase + sb * SBE, SBE)],
                         all_src.at[sp], sem_i)
        pltpu.async_copy(dst_hbm.at[pl.ds(ebase + sb * SBE, SBE)],
                         all_dst.at[sp], sem_i)

    def _wait_idx(sb, sp):
        pltpu.make_async_copy(src_hbm.at[pl.ds(ebase + sb * SBE, SBE)],
                              all_src.at[sp], sem_i).wait()
        pltpu.make_async_copy(dst_hbm.at[pl.ds(ebase + sb * SBE, SBE)],
                              all_dst.at[sp], sem_i).wait()

    _start_idx(0, 0)

    def zb_body(r, c):
        for c8 in range(DC // 16):
            krows[r, pl.ds(c8 * 16, 16)] = z16
        ebuf[r, :] = z16
        return c
    lax.fori_loop(0, 2 * BLK, zb_body, 0)

    rbase = sid * RPT
    for j in range(RPT // BLK):
        pltpu.sync_copy(krows.at[pl.ds(0, BLK)],
                        num_sh.at[pl.ds(rbase + j * BLK, BLK)])
        pltpu.sync_copy(ebuf.at[pl.ds(0, BLK)],
                        ssum_sh.at[pl.ds(rbase + j * BLK, BLK)])
    plsc.subcore_barrier()

    sems = (sem_g0, sem_g1)
    ssems = (sem_s0, sem_s1)

    def _rows(buf, p):
        return buf.at[pl.ds(p * BLK, BLK)]

    def _start_gathers(sp, b, p):
        isrc = all_src.at[sp, pl.ds(b * BLK, BLK)]
        idst = all_dst.at[sp, pl.ds(b * BLK, BLK)]
        pltpu.async_copy(kview.at[isrc], _rows(krows, p), sems[p])
        pltpu.async_copy(qview.at[idst], _rows(qrows, p), sems[p])
        pltpu.async_copy(vview.at[isrc], _rows(vrows, p), sems[p])

    def _wait_gathers(sp, b, p):
        isrc = all_src.at[sp, pl.ds(b * BLK, BLK)]
        idst = all_dst.at[sp, pl.ds(b * BLK, BLK)]
        pltpu.make_async_copy(kview.at[isrc], _rows(krows, p), sems[p]).wait()
        pltpu.make_async_copy(qview.at[idst], _rows(qrows, p), sems[p]).wait()
        pltpu.make_async_copy(vview.at[isrc], _rows(vrows, p), sems[p]).wait()

    def _compute(p):
        def group_body(g, ec):
            ids = p * BLK + g * 16 + lane
            for h in range(HH):
                acc = z16
                for f in range(DH):
                    kf = plsc.load_gather(krows, [ids, cols[h][f]])
                    qf = plsc.load_gather(qrows, [ids, cols[h][f]])
                    acc = acc + kf * qf
                e_h = jnp.exp(acc)
                plsc.store_scatter(ebuf, [ids, hvecs[h]], e_h)
                for f in range(DH):
                    vf = plsc.load_gather(vrows, [ids, cols[h][f]])
                    plsc.store_scatter(mrows, [ids, cols[h][f]], e_h * vf)
            return ec
        lax.fori_loop(0, BLK // 16, group_body, 0)

    def _scatter(sp, b, p):
        idst = all_dst.at[sp, pl.ds(b * BLK, BLK)]
        pltpu.async_copy(_rows(mrows, p), num_sh.at[idst], ssems[p], add=True)
        pltpu.async_copy(_rows(ebuf, p), ssum_sh.at[idst], ssems[p], add=True)

    def _wait_scatter(sp, b, p):
        idst = all_dst.at[sp, pl.ds(b * BLK, BLK)]
        pltpu.make_async_copy(_rows(mrows, p), num_sh.at[idst], ssems[p]).wait()
        pltpu.make_async_copy(_rows(ebuf, p), ssum_sh.at[idst], ssems[p]).wait()

    def sb_body(sb, c):
        sp = sb % 2
        _wait_idx(sb, sp)

        @pl.when(sb < NSB - 1)
        def _():
            _start_idx(sb + 1, 1 - sp)

        _start_gathers(sp, 0, 0)

        def pair_body(b2, cc):
            b0 = 2 * b2
            _start_gathers(sp, b0 + 1, 1)
            _wait_gathers(sp, b0, 0)

            @pl.when(b2 > 0)
            def _():
                _wait_scatter(sp, b0 - 2, 0)
            _compute(0)
            _scatter(sp, b0, 0)

            @pl.when(b2 < SBB // 2 - 1)
            def _():
                _start_gathers(sp, b0 + 2, 0)
            _wait_gathers(sp, b0 + 1, 1)

            @pl.when(b2 > 0)
            def _():
                _wait_scatter(sp, b0 - 1, 1)
            _compute(1)
            _scatter(sp, b0 + 1, 1)
            return cc
        lax.fori_loop(0, SBB // 2, pair_body, 0)
        _wait_scatter(sp, SBB - 2, 0)
        _wait_scatter(sp, SBB - 1, 1)
        return c
    lax.fori_loop(0, NSB, sb_body, 0)

    plsc.subcore_barrier()
    pltpu.sync_copy(num_sh.at[pl.ds(rbase, RPT)],
                    num_out.at[cid, pl.ds(rbase, RPT)])
    pltpu.sync_copy(ssum_sh.at[pl.ds(rbase, RPT)],
                    ssum_out.at[cid, pl.ds(rbase, RPT)])



def _combine_body(num_ref, ssum_ref, out_ref):
    f_iota = lax.broadcasted_iota(jnp.int32, (16, DC), 1)
    h_iota = lax.broadcasted_iota(jnp.int32, (16, DC), 0)
    sel = jnp.where((f_iota // DH) == h_iota, 1.0, 0.0)
    halves = []
    for c in range(NC):
        ssum = ssum_ref[c]
        scale = jnp.where(ssum > 0.0, 1.0 / ssum, 0.0)
        scale64 = jnp.dot(scale, sel, preferred_element_type=_f32)
        halves.append(num_ref[c] * scale64)
    out_ref[...] = jnp.concatenate(halves, axis=1)


def _combine(num, ssum):
    bn = 1024
    grid = (NP // bn,)
    return pl.pallas_call(
        _combine_body,
        grid=grid,
        in_specs=[pl.BlockSpec((NC, bn, DC), lambda i: (0, i, 0)),
                  pl.BlockSpec((NC, bn, 16), lambda i: (0, i, 0))],
        out_specs=pl.BlockSpec((bn, D), lambda i: (i, 0)),
        out_shape=jax.ShapeDtypeStruct((NP, D), _f32),
    )(num, ssum)



@jax.jit
def kernel(x, edge_index, Wq, bq, Wk, bk, Wv, bv):
    wq2 = jnp.transpose(Wq, (1, 0, 2)).reshape(D, H * DH)
    wk2 = jnp.transpose(Wk, (1, 0, 2)).reshape(D, H * DH)
    wv2 = jnp.transpose(Wv, (1, 0, 2)).reshape(D, H * DH)
    bq2 = bq.reshape(1, H * DH)
    bk2 = bk.reshape(1, H * DH)
    bv2 = bv.reshape(1, H * DH)
    q, k, v = _qkv(x, wq2, wk2, wv2, bq2, bk2, bv2)
    zpad = jnp.zeros((NP - N, DC), _f32)
    qh = jnp.concatenate([q[:, :DC], zpad, q[:, DC:], zpad], axis=0)
    kh = jnp.concatenate([k[:, :DC], zpad, k[:, DC:], zpad], axis=0)
    vh = jnp.concatenate([v[:, :DC], zpad, v[:, DC:], zpad], axis=0)
    num, ssum = _edge_kernel(qh, kh, vh, edge_index[0], edge_index[1])
    return _combine(num, ssum)[:N]

# --- scband reference (transcript-rebuilt; emitter-appended) ---
"""Pipeline reference for scband-transformer-conv-3401614098972 (READ-ONLY COPY).

The authoritative reference and input builder live on the scoring server;
editing this copy changes nothing except your own understanding.
"""

import jax, jax.numpy as jnp
import numpy as np

N = 10000
E = 320000
D = 128
H = 8
DH = 16  # out_feats // num_heads = 128 // 8


def setup_inputs(seed: int = 0) -> dict:
    key = jax.random.key(seed)
    ks = jax.random.split(key, 10)
    x = jax.random.normal(ks[0], (N, D), dtype=jnp.float32)
    edge_index = jax.random.randint(ks[1], (2, E), 0, N, dtype=jnp.int32)
    # xavier_uniform for weights (per-head linears stacked along H)
    sw = float(np.sqrt(6.0 / (D + DH)))
    # default nn.Linear bias init: uniform(-1/sqrt(fan_in), 1/sqrt(fan_in))
    sb = float(1.0 / np.sqrt(D))
    Wq = jax.random.uniform(ks[2], (H, D, DH), minval=-sw, maxval=sw, dtype=jnp.float32)
    Wk = jax.random.uniform(ks[3], (H, D, DH), minval=-sw, maxval=sw, dtype=jnp.float32)
    Wv = jax.random.uniform(ks[4], (H, D, DH), minval=-sw, maxval=sw, dtype=jnp.float32)
    bq = jax.random.uniform(ks[5], (H, DH), minval=-sb, maxval=sb, dtype=jnp.float32)
    bk = jax.random.uniform(ks[6], (H, DH), minval=-sb, maxval=sb, dtype=jnp.float32)
    bv = jax.random.uniform(ks[7], (H, DH), minval=-sb, maxval=sb, dtype=jnp.float32)
    return {"x": x, "edge_index": edge_index, "Wq": Wq, "bq": bq, "Wk": Wk, "bk": bk, "Wv": Wv, "bv": bv}


def reference(x, edge_index, Wq, bq, Wk, bk, Wv, bv):
    src = edge_index[0]
    dst = edge_index[1]
    # per-head projections (all heads at once via stacked weights)
    q = jnp.einsum('nd,hde->nhe', x, Wq) + bq  # [N, H, DH] (dst features)
    k = jnp.einsum('nd,hde->nhe', x, Wk) + bk  # [N, H, DH] (src features)
    v = jnp.einsum('nd,hde->nhe', x, Wv) + bv  # [N, H, DH] (src features)
    # edge scores: sum over feature dim of k[u] * q[v]
    scores = (k[src] * q[dst]).sum(-1) / np.sqrt(DH)  # [E, H]
    # edge softmax over incoming edges of each dst node
    smax = jax.ops.segment_max(scores, dst, num_segments=N)  # [N, H]
    smax = jnp.where(jnp.isfinite(smax), smax, 0.0)
    smax = jax.lax.stop_gradient(smax)
    e = jnp.exp(scores - smax[dst])  # [E, H]
    ssum = jax.ops.segment_sum(e, dst, num_segments=N)  # [N, H]
    attn = e / ssum[dst]  # [E, H]
    # aggregate: sum_u attn(u->v) * v_feat(u)
    msgs = v[src] * attn[:, :, None]  # [E, H, DH]
    h = jax.ops.segment_sum(msgs, dst, num_segments=N)  # [N, H, DH]
    rst = h.reshape(N, H * DH)  # concat heads (residual=False)
    return rst

if __name__ == "__main__":
    import jax
    _d = setup_inputs()
    print(jax.jit(kernel)(*tuple(_d.values())))

</pallas_src>

<mosaic_0001>
#map = affine_map<(d0, d1) -> (0, 0)>
#map1 = affine_map<(d0, d1) -> (0)>
#map2 = affine_map<(d0, d1) -> (0, 0, 0)>
module attributes {stable_mosaic.version = 14 : i64} {
  func.func @_edge_kernel(%arg0: i32, %arg1: i32, %arg2: memref<20480x64xf32, #tpu.memory_space<hbm>>, %arg3: memref<20480x64xf32, #tpu.memory_space<hbm>>, %arg4: memref<20480x64xf32, #tpu.memory_space<hbm>>, %arg5: memref<320000xi32, #tpu.memory_space<hbm>>, %arg6: memref<320000xi32, #tpu.memory_space<hbm>>, %arg7: memref<2x10240x64xf32, #tpu.memory_space<hbm>>, %arg8: memref<2x10240x16xf32, #tpu.memory_space<hbm>>, %arg9: memref<2x4000xi32, #tpu.memory_space<vmem>>, %arg10: memref<2x4000xi32, #tpu.memory_space<vmem>>, %arg11: memref<160x64xf32, #tpu.memory_space<vmem>>, %arg12: memref<160x64xf32, #tpu.memory_space<vmem>>, %arg13: memref<160x64xf32, #tpu.memory_space<vmem>>, %arg14: memref<160x64xf32, #tpu.memory_space<vmem>>, %arg15: memref<160x16xf32, #tpu.memory_space<vmem>>, %arg16: memref<10240x64xf32, #tpu.memory_space<vmem_shared>>, %arg17: memref<10240x16xf32, #tpu.memory_space<vmem_shared>>, %arg18: memref<!tpu.dma_semaphore, #tpu.memory_space<semaphore_mem>>, %arg19: memref<!tpu.dma_semaphore, #tpu.memory_space<semaphore_mem>>, %arg20: memref<!tpu.dma_semaphore, #tpu.memory_space<semaphore_mem>>, %arg21: memref<!tpu.dma_semaphore, #tpu.memory_space<semaphore_mem>>, %arg22: memref<!tpu.dma_semaphore, #tpu.memory_space<semaphore_mem>>) attributes {dimension_semantics = [#tpu.dimension_semantics<core_parallel>, #tpu.dimension_semantics<subcore_parallel>], iteration_bounds = array<i64: 2, 16>, scalar_prefetch = 0 : i64, scratch_operands = 14 : i64, tpu.core_type = #tpu.core_type<sc_vector_subcore>, window_params = [{transform_indices = #map}, {transform_indices = #map}, {transform_indices = #map}, {transform_indices = #map1}, {transform_indices = #map1}, {transform_indices = #map2}, {transform_indices = #map2}]} {
    %broadcast_in_dim3A = arith.constant 0.000000e+00 : f32
    %broadcast_in_dim3A_0 = vector.broadcast %broadcast_in_dim3A : f32 to vector<16xf32>
    %iota3A = tpu.iota {dimensions = array<i32: 0>} : vector<16xi32>
    %add3A = arith.constant 0 : i32
    %add3A_1 = vector.broadcast %add3A : i32 to vector<16xi32>
    %add3A_2 = arith.addi %iota3A, %add3A_1 : vector<16xi32>
    %and3A = arith.constant 15 : i32
    %and3A_3 = vector.broadcast %and3A : i32 to vector<16xi32>
    %and3A_4 = arith.andi %add3A_2, %and3A_3 : vector<16xi32>
    %add3A_5 = arith.constant 0 : i32
    %add3A_6 = vector.broadcast %add3A_5 : i32 to vector<16xi32>
    %add3A_7 = arith.addi %add3A_6, %and3A_4 : vector<16xi32>
    %add3A_8 = arith.constant 1 : i32
    %add3A_9 = vector.broadcast %add3A_8 : i32 to vector<16xi32>
    %add3A_10 = arith.addi %iota3A, %add3A_9 : vector<16xi32>
    %and3A_11 = arith.constant 15 : i32
    %and3A_12 = vector.broadcast %and3A_11 : i32 to vector<16xi32>
    %and3A_13 = arith.andi %add3A_10, %and3A_12 : vector<16xi32>
    %add3A_14 = arith.constant 0 : i32
    %add3A_15 = vector.broadcast %add3A_14 : i32 to vector<16xi32>
    %add3A_16 = arith.addi %add3A_15, %and3A_13 : vector<16xi32>
    %add3A_17 = arith.constant 2 : i32
    %add3A_18 = vector.broadcast %add3A_17 : i32 to vector<16xi32>
    %add3A_19 = arith.addi %iota3A, %add3A_18 : vector<16xi32>
    %and3A_20 = arith.constant 15 : i32
    %and3A_21 = vector.broadcast %and3A_20 : i32 to vector<16xi32>
    %and3A_22 = arith.andi %add3A_19, %and3A_21 : vector<16xi32>
    %add3A_23 = arith.constant 0 : i32
    %add3A_24 = vector.broadcast %add3A_23 : i32 to vector<16xi32>
    %add3A_25 = arith.addi %add3A_24, %and3A_22 : vector<16xi32>
    %add3A_26 = arith.constant 3 : i32
    %add3A_27 = vector.broadcast %add3A_26 : i32 to vector<16xi32>
    %add3A_28 = arith.addi %iota3A, %add3A_27 : vector<16xi32>
    %and3A_29 = arith.constant 15 : i32
    %and3A_30 = vector.broadcast %and3A_29 : i32 to vector<16xi32>
    %and3A_31 = arith.andi %add3A_28, %and3A_30 : vector<16xi32>
    %add3A_32 = arith.constant 0 : i32
    %add3A_33 = vector.broadcast %add3A_32 : i32 to vector<16xi32>
    %add3A_34 = arith.addi %add3A_33, %and3A_31 : vector<16xi32>
    %add3A_35 = arith.constant 4 : i32
    %add3A_36 = vector.broadcast %add3A_35 : i32 to vector<16xi32>
    %add3A_37 = arith.addi %iota3A, %add3A_36 : vector<16xi32>
    %and3A_38 = arith.constant 15 : i32
    %and3A_39 = vector.broadcast %and3A_38 : i32 to vector<16xi32>
    %and3A_40 = arith.andi %add3A_37, %and3A_39 : vector<16xi32>
    %add3A_41 = arith.constant 0 : i32
    %add3A_42 = vector.broadcast %add3A_41 : i32 to vector<16xi32>
    %add3A_43 = arith.addi %add3A_42, %and3A_40 : vector<16xi32>
    %add3A_44 = arith.constant 5 : i32
    %add3A_45 = vector.broadcast %add3A_44 : i32 to vector<16xi32>
    %add3A_46 = arith.addi %iota3A, %add3A_45 : vector<16xi32>
    %and3A_47 = arith.constant 15 : i32
    %and3A_48 = vector.broadcast %and3A_47 : i32 to vector<16xi32>
    %and3A_49 = arith.andi %add3A_46, %and3A_48 : vector<16xi32>
    %add3A_50 = arith.constant 0 : i32
    %add3A_51 = vector.broadcast %add3A_50 : i32 to vector<16xi32>
    %add3A_52 = arith.addi %add3A_51, %and3A_49 : vector<16xi32>
    %add3A_53 = arith.constant 6 : i32
    %add3A_54 = vector.broadcast %add3A_53 : i32 to vector<16xi32>
    %add3A_55 = arith.addi %iota3A, %add3A_54 : vector<16xi32>
    %and3A_56 = arith.constant 15 : i32
    %and3A_57 = vector.broadcast %and3A_56 : i32 to vector<16xi32>
    %and3A_58 = arith.andi %add3A_55, %and3A_57 : vector<16xi32>
    %add3A_59 = arith.constant 0 : i32
    %add3A_60 = vector.broadcast %add3A_59 : i32 to vector<16xi32>
    %add3A_61 = arith.addi %add3A_60, %and3A_58 : vector<16xi32>
    %add3A_62 = arith.constant 7 : i32
    %add3A_63 = vector.broadcast %add3A_62 : i32 to vector<16xi32>
    %add3A_64 = arith.addi %iota3A, %add3A_63 : vector<16xi32>
    %and3A_65 = arith.constant 15 : i32
    %and3A_66 = vector.broadcast %and3A_65 : i32 to vector<16xi32>
    %and3A_67 = arith.andi %add3A_64, %and3A_66 : vector<16xi32>
    %add3A_68 = arith.constant 0 : i32
    %add3A_69 = vector.broadcast %add3A_68 : i32 to vector<16xi32>
    %add3A_70 = arith.addi %add3A_69, %and3A_67 : vector<16xi32>
    %add3A_71 = arith.constant 8 : i32
    %add3A_72 = vector.broadcast %add3A_71 : i32 to vector<16xi32>
    %add3A_73 = arith.addi %iota3A, %add3A_72 : vector<16xi32>
    %and3A_74 = arith.constant 15 : i32
    %and3A_75 = vector.broadcast %and3A_74 : i32 to vector<16xi32>
    %and3A_76 = arith.andi %add3A_73, %and3A_75 : vector<16xi32>
    %add3A_77 = arith.constant 0 : i32
    %add3A_78 = vector.broadcast %add3A_77 : i32 to vector<16xi32>
    %add3A_79 = arith.addi %add3A_78, %and3A_76 : vector<16xi32>
    %add3A_80 = arith.constant 9 : i32
    %add3A_81 = vector.broadcast %add3A_80 : i32 to vector<16xi32>
    %add3A_82 = arith.addi %iota3A, %add3A_81 : vector<16xi32>
    %and3A_83 = arith.constant 15 : i32
    %and3A_84 = vector.broadcast %and3A_83 : i32 to vector<16xi32>
    %and3A_85 = arith.andi %add3A_82, %and3A_84 : vector<16xi32>
    %add3A_86 = arith.constant 0 : i32
    %add3A_87 = vector.broadcast %add3A_86 : i32 to vector<16xi32>
    %add3A_88 = arith.addi %add3A_87, %and3A_85 : vector<16xi32>
    %add3A_89 = arith.constant 10 : i32
    %add3A_90 = vector.broadcast %add3A_89 : i32 to vector<16xi32>
    %add3A_91 = arith.addi %iota3A, %add3A_90 : vector<16xi32>
    %and3A_92 = arith.constant 15 : i32
    %and3A_93 = vector.broadcast %and3A_92 : i32 to vector<16xi32>
    %and3A_94 = arith.andi %add3A_91, %and3A_93 : vector<16xi32>
    %add3A_95 = arith.constant 0 : i32
    %add3A_96 = vector.broadcast %add3A_95 : i32 to vector<16xi32>
    %add3A_97 = arith.addi %add3A_96, %and3A_94 : vector<16xi32>
    %add3A_98 = arith.constant 11 : i32
    %add3A_99 = vector.broadcast %add3A_98 : i32 to vector<16xi32>
    %add3A_100 = arith.addi %iota3A, %add3A_99 : vector<16xi32>
    %and3A_101 = arith.constant 15 : i32
    %and3A_102 = vector.broadcast %and3A_101 : i32 to vector<16xi32>
    %and3A_103 = arith.andi %add3A_100, %and3A_102 : vector<16xi32>
    %add3A_104 = arith.constant 0 : i32
    %add3A_105 = vector.broadcast %add3A_104 : i32 to vector<16xi32>
    %add3A_106 = arith.addi %add3A_105, %and3A_103 : vector<16xi32>
    %add3A_107 = arith.constant 12 : i32
    %add3A_108 = vector.broadcast %add3A_107 : i32 to vector<16xi32>
    %add3A_109 = arith.addi %iota3A, %add3A_108 : vector<16xi32>
    %and3A_110 = arith.constant 15 : i32
    %and3A_111 = vector.broadcast %and3A_110 : i32 to vector<16xi32>
    %and3A_112 = arith.andi %add3A_109, %and3A_111 : vector<16xi32>
    %add3A_113 = arith.constant 0 : i32
    %add3A_114 = vector.broadcast %add3A_113 : i32 to vector<16xi32>
    %add3A_115 = arith.addi %add3A_114, %and3A_112 : vector<16xi32>
    %add3A_116 = arith.constant 13 : i32
    %add3A_117 = vector.broadcast %add3A_116 : i32 to vector<16xi32>
    %add3A_118 = arith.addi %iota3A, %add3A_117 : vector<16xi32>
    %and3A_119 = arith.constant 15 : i32
    %and3A_120 = vector.broadcast %and3A_119 : i32 to vector<16xi32>
    %and3A_121 = arith.andi %add3A_118, %and3A_120 : vector<16xi32>
    %add3A_122 = arith.constant 0 : i32
    %add3A_123 = vector.broadcast %add3A_122 : i32 to vector<16xi32>
    %add3A_124 = arith.addi %add3A_123, %and3A_121 : vector<16xi32>
    %add3A_125 = arith.constant 14 : i32
    %add3A_126 = vector.broadcast %add3A_125 : i32 to vector<16xi32>
    %add3A_127 = arith.addi %iota3A, %add3A_126 : vector<16xi32>
    %and3A_128 = arith.constant 15 : i32
    %and3A_129 = vector.broadcast %and3A_128 : i32 to vector<16xi32>
    %and3A_130 = arith.andi %add3A_127, %and3A_129 : vector<16xi32>
    %add3A_131 = arith.constant 0 : i32
    %add3A_132 = vector.broadcast %add3A_131 : i32 to vector<16xi32>
    %add3A_133 = arith.addi %add3A_132, %and3A_130 : vector<16xi32>
    %add3A_134 = arith.constant 15 : i32
    %add3A_135 = vector.broadcast %add3A_134 : i32 to vector<16xi32>
    %add3A_136 = arith.addi %iota3A, %add3A_135 : vector<16xi32>
    %and3A_137 = arith.constant 15 : i32
    %and3A_138 = vector.broadcast %and3A_137 : i32 to vector<16xi32>
    %and3A_139 = arith.andi %add3A_136, %and3A_138 : vector<16xi32>
    %add3A_140 = arith.constant 0 : i32
    %add3A_141 = vector.broadcast %add3A_140 : i32 to vector<16xi32>
    %add3A_142 = arith.addi %add3A_141, %and3A_139 : vector<16xi32>
    %add3A_143 = arith.constant 0 : i32
    %add3A_144 = vector.broadcast %add3A_143 : i32 to vector<16xi32>
    %add3A_145 = arith.addi %iota3A, %add3A_144 : vector<16xi32>
    %and3A_146 = arith.constant 15 : i32
    %and3A_147 = vector.broadcast %and3A_146 : i32 to vector<16xi32>
    %and3A_148 = arith.andi %add3A_145, %and3A_147 : vector<16xi32>
    %add3A_149 = arith.constant 16 : i32
    %add3A_150 = vector.broadcast %add3A_149 : i32 to vector<16xi32>
    %add3A_151 = arith.addi %add3A_150, %and3A_148 : vector<16xi32>
    %add3A_152 = arith.constant 1 : i32
    %add3A_153 = vector.broadcast %add3A_152 : i32 to vector<16xi32>
    %add3A_154 = arith.addi %iota3A, %add3A_153 : vector<16xi32>
    %and3A_155 = arith.constant 15 : i32
    %and3A_156 = vector.broadcast %and3A_155 : i32 to vector<16xi32>
    %and3A_157 = arith.andi %add3A_154, %and3A_156 : vector<16xi32>
    %add3A_158 = arith.constant 16 : i32
    %add3A_159 = vector.broadcast %add3A_158 : i32 to vector<16xi32>
    %add3A_160 = arith.addi %add3A_159, %and3A_157 : vector<16xi32>
    %add3A_161 = arith.constant 2 : i32
    %add3A_162 = vector.broadcast %add3A_161 : i32 to vector<16xi32>
    %add3A_163 = arith.addi %iota3A, %add3A_162 : vector<16xi32>
    %and3A_164 = arith.constant 15 : i32
    %and3A_165 = vector.broadcast %and3A_164 : i32 to vector<16xi32>
    %and3A_166 = arith.andi %add3A_163, %and3A_165 : vector<16xi32>
    %add3A_167 = arith.constant 16 : i32
    %add3A_168 = vector.broadcast %add3A_167 : i32 to vector<16xi32>
    %add3A_169 = arith.addi %add3A_168, %and3A_166 : vector<16xi32>
    %add3A_170 = arith.constant 3 : i32
    %add3A_171 = vector.broadcast %add3A_170 : i32 to vector<16xi32>
    %add3A_172 = arith.addi %iota3A, %add3A_171 : vector<16xi32>
    %and3A_173 = arith.constant 15 : i32
    %and3A_174 = vector.broadcast %and3A_173 : i32 to vector<16xi32>
    %and3A_175 = arith.andi %add3A_172, %and3A_174 : vector<16xi32>
    %add3A_176 = arith.constant 16 : i32
    %add3A_177 = vector.broadcast %add3A_176 : i32 to vector<16xi32>
    %add3A_178 = arith.addi %add3A_177, %and3A_175 : vector<16xi32>
    %add3A_179 = arith.constant 4 : i32
    %add3A_180 = vector.broadcast %add3A_179 : i32 to vector<16xi32>
    %add3A_181 = arith.addi %iota3A, %add3A_180 : vector<16xi32>
    %and3A_182 = arith.constant 15 : i32
    %and3A_183 = vector.broadcast %and3A_182 : i32 to vector<16xi32>
    %and3A_184 = arith.andi %add3A_181, %and3A_183 : vector<16xi32>
    %add3A_185 = arith.constant 16 : i32
    %add3A_186 = vector.broadcast %add3A_185 : i32 to vector<16xi32>
    %add3A_187 = arith.addi %add3A_186, %and3A_184 : vector<16xi32>
    %add3A_188 = arith.constant 5 : i32
    %add3A_189 = vector.broadcast %add3A_188 : i32 to vector<16xi32>
    %add3A_190 = arith.addi %iota3A, %add3A_189 : vector<16xi32>
    %and3A_191 = arith.constant 15 : i32
    %and3A_192 = vector.broadcast %and3A_191 : i32 to vector<16xi32>
    %and3A_193 = arith.andi %add3A_190, %and3A_192 : vector<16xi32>
    %add3A_194 = arith.constant 16 : i32
    %add3A_195 = vector.broadcast %add3A_194 : i32 to vector<16xi32>
    %add3A_196 = arith.addi %add3A_195, %and3A_193 : vector<16xi32>
    %add3A_197 = arith.constant 6 : i32
    %add3A_198 = vector.broadcast %add3A_197 : i32 to vector<16xi32>
    %add3A_199 = arith.addi %iota3A, %add3A_198 : vector<16xi32>
    %and3A_200 = arith.constant 15 : i32
    %and3A_201 = vector.broadcast %and3A_200 : i32 to vector<16xi32>
    %and3A_202 = arith.andi %add3A_199, %and3A_201 : vector<16xi32>
    %add3A_203 = arith.constant 16 : i32
    %add3A_204 = vector.broadcast %add3A_203 : i32 to vector<16xi32>
    %add3A_205 = arith.addi %add3A_204, %and3A_202 : vector<16xi32>
    %add3A_206 = arith.constant 7 : i32
    %add3A_207 = vector.broadcast %add3A_206 : i32 to vector<16xi32>
    %add3A_208 = arith.addi %iota3A, %add3A_207 : vector<16xi32>
    %and3A_209 = arith.constant 15 : i32
    %and3A_210 = vector.broadcast %and3A_209 : i32 to vector<16xi32>
    %and3A_211 = arith.andi %add3A_208, %and3A_210 : vector<16xi32>
    %add3A_212 = arith.constant 16 : i32
    %add3A_213 = vector.broadcast %add3A_212 : i32 to vector<16xi32>
    %add3A_214 = arith.addi %add3A_213, %and3A_211 : vector<16xi32>
    %add3A_215 = arith.constant 8 : i32
    %add3A_216 = vector.broadcast %add3A_215 : i32 to vector<16xi32>
    %add3A_217 = arith.addi %iota3A, %add3A_216 : vector<16xi32>
    %and3A_218 = arith.constant 15 : i32
    %and3A_219 = vector.broadcast %and3A_218 : i32 to vector<16xi32>
    %and3A_220 = arith.andi %add3A_217, %and3A_219 : vector<16xi32>
    %add3A_221 = arith.constant 16 : i32
    %add3A_222 = vector.broadcast %add3A_221 : i32 to vector<16xi32>
    %add3A_223 = arith.addi %add3A_222, %and3A_220 : vector<16xi32>
    %add3A_224 = arith.constant 9 : i32
    %add3A_225 = vector.broadcast %add3A_224 : i32 to vector<16xi32>
    %add3A_226 = arith.addi %iota3A, %add3A_225 : vector<16xi32>
    %and3A_227 = arith.constant 15 : i32
    %and3A_228 = vector.broadcast %and3A_227 : i32 to vector<16xi32>
    %and3A_229 = arith.andi %add3A_226, %and3A_228 : vector<16xi32>
    %add3A_230 = arith.constant 16 : i32
    %add3A_231 = vector.broadcast %add3A_230 : i32 to vector<16xi32>
    %add3A_232 = arith.addi %add3A_231, %and3A_229 : vector<16xi32>
    %add3A_233 = arith.constant 10 : i32
    %add3A_234 = vector.broadcast %add3A_233 : i32 to vector<16xi32>
    %add3A_235 = arith.addi %iota3A, %add3A_234 : vector<16xi32>
    %and3A_236 = arith.constant 15 : i32
    %and3A_237 = vector.broadcast %and3A_236 : i32 to vector<16xi32>
    %and3A_238 = arith.andi %add3A_235, %and3A_237 : vector<16xi32>
    %add3A_239 = arith.constant 16 : i32
    %add3A_240 = vector.broadcast %add3A_239 : i32 to vector<16xi32>
    %add3A_241 = arith.addi %add3A_240, %and3A_238 : vector<16xi32>
    %add3A_242 = arith.constant 11 : i32
    %add3A_243 = vector.broadcast %add3A_242 : i32 to vector<16xi32>
    %add3A_244 = arith.addi %iota3A, %add3A_243 : vector<16xi32>
    %and3A_245 = arith.constant 15 : i32
    %and3A_246 = vector.broadcast %and3A_245 : i32 to vector<16xi32>
    %and3A_247 = arith.andi %add3A_244, %and3A_246 : vector<16xi32>
    %add3A_248 = arith.constant 16 : i32
    %add3A_249 = vector.broadcast %add3A_248 : i32 to vector<16xi32>
    %add3A_250 = arith.addi %add3A_249, %and3A_247 : vector<16xi32>
    %add3A_251 = arith.constant 12 : i32
    %add3A_252 = vector.broadcast %add3A_251 : i32 to vector<16xi32>
    %add3A_253 = arith.addi %iota3A, %add3A_252 : vector<16xi32>
    %and3A_254 = arith.constant 15 : i32
    %and3A_255 = vector.broadcast %and3A_254 : i32 to vector<16xi32>
    %and3A_256 = arith.andi %add3A_253, %and3A_255 : vector<16xi32>
    %add3A_257 = arith.constant 16 : i32
    %add3A_258 = vector.broadcast %add3A_257 : i32 to vector<16xi32>
    %add3A_259 = arith.addi %add3A_258, %and3A_256 : vector<16xi32>
    %add3A_260 = arith.constant 13 : i32
    %add3A_261 = vector.broadcast %add3A_260 : i32 to vector<16xi32>
    %add3A_262 = arith.addi %iota3A, %add3A_261 : vector<16xi32>
    %and3A_263 = arith.constant 15 : i32
    %and3A_264 = vector.broadcast %and3A_263 : i32 to vector<16xi32>
    %and3A_265 = arith.andi %add3A_262, %and3A_264 : vector<16xi32>
    %add3A_266 = arith.constant 16 : i32
    %add3A_267 = vector.broadcast %add3A_266 : i32 to vector<16xi32>
    %add3A_268 = arith.addi %add3A_267, %and3A_265 : vector<16xi32>
    %add3A_269 = arith.constant 14 : i32
    %add3A_270 = vector.broadcast %add3A_269 : i32 to vector<16xi32>
    %add3A_271 = arith.addi %iota3A, %add3A_270 : vector<16xi32>
    %and3A_272 = arith.constant 15 : i32
    %and3A_273 = vector.broadcast %and3A_272 : i32 to vector<16xi32>
    %and3A_274 = arith.andi %add3A_271, %and3A_273 : vector<16xi32>
    %add3A_275 = arith.constant 16 : i32
    %add3A_276 = vector.broadcast %add3A_275 : i32 to vector<16xi32>
    %add3A_277 = arith.addi %add3A_276, %and3A_274 : vector<16xi32>
    %add3A_278 = arith.constant 15 : i32
    %add3A_279 = vector.broadcast %add3A_278 : i32 to vector<16xi32>
    %add3A_280 = arith.addi %iota3A, %add3A_279 : vector<16xi32>
    %and3A_281 = arith.constant 15 : i32
    %and3A_282 = vector.broadcast %and3A_281 : i32 to vector<16xi32>
    %and3A_283 = arith.andi %add3A_280, %and3A_282 : vector<16xi32>
    %add3A_284 = arith.constant 16 : i32
    %add3A_285 = vector.broadcast %add3A_284 : i32 to vector<16xi32>
    %add3A_286 = arith.addi %add3A_285, %and3A_283 : vector<16xi32>
    %add3A_287 = arith.constant 0 : i32
    %add3A_288 = vector.broadcast %add3A_287 : i32 to vector<16xi32>
    %add3A_289 = arith.addi %iota3A, %add3A_288 : vector<16xi32>
    %and3A_290 = arith.constant 15 : i32
    %and3A_291 = vector.broadcast %and3A_290 : i32 to vector<16xi32>
    %and3A_292 = arith.andi %add3A_289, %and3A_291 : vector<16xi32>
    %add3A_293 = arith.constant 32 : i32
    %add3A_294 = vector.broadcast %add3A_293 : i32 to vector<16xi32>
    %add3A_295 = arith.addi %add3A_294, %and3A_292 : vector<16xi32>
    %add3A_296 = arith.constant 1 : i32
    %add3A_297 = vector.broadcast %add3A_296 : i32 to vector<16xi32>
    %add3A_298 = arith.addi %iota3A, %add3A_297 : vector<16xi32>
    %and3A_299 = arith.constant 15 : i32
    %and3A_300 = vector.broadcast %and3A_299 : i32 to vector<16xi32>
    %and3A_301 = arith.andi %add3A_298, %and3A_300 : vector<16xi32>
    %add3A_302 = arith.constant 32 : i32
    %add3A_303 = vector.broadcast %add3A_302 : i32 to vector<16xi32>
    %add3A_304 = arith.addi %add3A_303, %and3A_301 : vector<16xi32>
    %add3A_305 = arith.constant 2 : i32
    %add3A_306 = vector.broadcast %add3A_305 : i32 to vector<16xi32>
    %add3A_307 = arith.addi %iota3A, %add3A_306 : vector<16xi32>
    %and3A_308 = arith.constant 15 : i32
    %and3A_309 = vector.broadcast %and3A_308 : i32 to vector<16xi32>
    %and3A_310 = arith.andi %add3A_307, %and3A_309 : vector<16xi32>
    %add3A_311 = arith.constant 32 : i32
    %add3A_312 = vector.broadcast %add3A_311 : i32 to vector<16xi32>
    %add3A_313 = arith.addi %add3A_312, %and3A_310 : vector<16xi32>
    %add3A_314 = arith.constant 3 : i32
    %add3A_315 = vector.broadcast %add3A_314 : i32 to vector<16xi32>
    %add3A_316 = arith.addi %iota3A, %add3A_315 : vector<16xi32>
    %and3A_317 = arith.constant 15 : i32
    %and3A_318 = vector.broadcast %and3A_317 : i32 to vector<16xi32>
    %and3A_319 = arith.andi %add3A_316, %and3A_318 : vector<16xi32>
    %add3A_320 = arith.constant 32 : i32
    %add3A_321 = vector.broadcast %add3A_320 : i32 to vector<16xi32>
    %add3A_322 = arith.addi %add3A_321, %and3A_319 : vector<16xi32>
    %add3A_323 = arith.constant 4 : i32
    %add3A_324 = vector.broadcast %add3A_323 : i32 to vector<16xi32>
    %add3A_325 = arith.addi %iota3A, %add3A_324 : vector<16xi32>
    %and3A_326 = arith.constant 15 : i32
    %and3A_327 = vector.broadcast %and3A_326 : i32 to vector<16xi32>
    %and3A_328 = arith.andi %add3A_325, %and3A_327 : vector<16xi32>
    %add3A_329 = arith.constant 32 : i32
    %add3A_330 = vector.broadcast %add3A_329 : i32 to vector<16xi32>
    %add3A_331 = arith.addi %add3A_330, %and3A_328 : vector<16xi32>
    %add3A_332 = arith.constant 5 : i32
    %add3A_333 = vector.broadcast %add3A_332 : i32 to vector<16xi32>
    %add3A_334 = arith.addi %iota3A, %add3A_333 : vector<16xi32>
    %and3A_335 = arith.constant 15 : i32
    %and3A_336 = vector.broadcast %and3A_335 : i32 to vector<16xi32>
    %and3A_337 = arith.andi %add3A_334, %and3A_336 : vector<16xi32>
    %add3A_338 = arith.constant 32 : i32
    %add3A_339 = vector.broadcast %add3A_338 : i32 to vector<16xi32>
    %add3A_340 = arith.addi %add3A_339, %and3A_337 : vector<16xi32>
    %add3A_341 = arith.constant 6 : i32
    %add3A_342 = vector.broadcast %add3A_341 : i32 to vector<16xi32>
    %add3A_343 = arith.addi %iota3A, %add3A_342 : vector<16xi32>
    %and3A_344 = arith.constant 15 : i32
    %and3A_345 = vector.broadcast %and3A_344 : i32 to vector<16xi32>
    %and3A_346 = arith.andi %add3A_343, %and3A_345 : vector<16xi32>
    %add3A_347 = arith.constant 32 : i32
    %add3A_348 = vector.broadcast %add3A_347 : i32 to vector<16xi32>
    %add3A_349 = arith.addi %add3A_348, %and3A_346 : vector<16xi32>
    %add3A_350 = arith.constant 7 : i32
    %add3A_351 = vector.broadcast %add3A_350 : i32 to vector<16xi32>
    %add3A_352 = arith.addi %iota3A, %add3A_351 : vector<16xi32>
    %and3A_353 = arith.constant 15 : i32
    %and3A_354 = vector.broadcast %and3A_353 : i32 to vector<16xi32>
    %and3A_355 = arith.andi %add3A_352, %and3A_354 : vector<16xi32>
    %add3A_356 = arith.constant 32 : i32
    %add3A_357 = vector.broadcast %add3A_356 : i32 to vector<16xi32>
    %add3A_358 = arith.addi %add3A_357, %and3A_355 : vector<16xi32>
    %add3A_359 = arith.constant 8 : i32
    %add3A_360 = vector.broadcast %add3A_359 : i32 to vector<16xi32>
    %add3A_361 = arith.addi %iota3A, %add3A_360 : vector<16xi32>
    %and3A_362 = arith.constant 15 : i32
    %and3A_363 = vector.broadcast %and3A_362 : i32 to vector<16xi32>
    %and3A_364 = arith.andi %add3A_361, %and3A_363 : vector<16xi32>
    %add3A_365 = arith.constant 32 : i32
    %add3A_366 = vector.broadcast %add3A_365 : i32 to vector<16xi32>
    %add3A_367 = arith.addi %add3A_366, %and3A_364 : vector<16xi32>
    %add3A_368 = arith.constant 9 : i32
    %add3A_369 = vector.broadcast %add3A_368 : i32 to vector<16xi32>
    %add3A_370 = arith.addi %iota3A, %add3A_369 : vector<16xi32>
    %and3A_371 = arith.constant 15 : i32
    %and3A_372 = vector.broadcast %and3A_371 : i32 to vector<16xi32>
    %and3A_373 = arith.andi %add3A_370, %and3A_372 : vector<16xi32>
    %add3A_374 = arith.constant 32 : i32
    %add3A_375 = vector.broadcast %add3A_374 : i32 to vector<16xi32>
    %add3A_376 = arith.addi %add3A_375, %and3A_373 : vector<16xi32>
    %add3A_377 = arith.constant 10 : i32
    %add3A_378 = vector.broadcast %add3A_377 : i32 to vector<16xi32>
    %add3A_379 = arith.addi %iota3A, %add3A_378 : vector<16xi32>
    %and3A_380 = arith.constant 15 : i32
    %and3A_381 = vector.broadcast %and3A_380 : i32 to vector<16xi32>
    %and3A_382 = arith.andi %add3A_379, %and3A_381 : vector<16xi32>
    %add3A_383 = arith.constant 32 : i32
    %add3A_384 = vector.broadcast %add3A_383 : i32 to vector<16xi32>
    %add3A_385 = arith.addi %add3A_384, %and3A_382 : vector<16xi32>
    %add3A_386 = arith.constant 11 : i32
    %add3A_387 = vector.broadcast %add3A_386 : i32 to vector<16xi32>
    %add3A_388 = arith.addi %iota3A, %add3A_387 : vector<16xi32>
    %and3A_389 = arith.constant 15 : i32
    %and3A_390 = vector.broadcast %and3A_389 : i32 to vector<16xi32>
    %and3A_391 = arith.andi %add3A_388, %and3A_390 : vector<16xi32>
    %add3A_392 = arith.constant 32 : i32
    %add3A_393 = vector.broadcast %add3A_392 : i32 to vector<16xi32>
    %add3A_394 = arith.addi %add3A_393, %and3A_391 : vector<16xi32>
    %add3A_395 = arith.constant 12 : i32
    %add3A_396 = vector.broadcast %add3A_395 : i32 to vector<16xi32>
    %add3A_397 = arith.addi %iota3A, %add3A_396 : vector<16xi32>
    %and3A_398 = arith.constant 15 : i32
    %and3A_399 = vector.broadcast %and3A_398 : i32 to vector<16xi32>
    %and3A_400 = arith.andi %add3A_397, %and3A_399 : vector<16xi32>
    %add3A_401 = arith.constant 32 : i32
    %add3A_402 = vector.broadcast %add3A_401 : i32 to vector<16xi32>
    %add3A_403 = arith.addi %add3A_402, %and3A_400 : vector<16xi32>
    %add3A_404 = arith.constant 13 : i32
    %add3A_405 = vector.broadcast %add3A_404 : i32 to vector<16xi32>
    %add3A_406 = arith.addi %iota3A, %add3A_405 : vector<16xi32>
    %and3A_407 = arith.constant 15 : i32
    %and3A_408 = vector.broadcast %and3A_407 : i32 to vector<16xi32>
    %and3A_409 = arith.andi %add3A_406, %and3A_408 : vector<16xi32>
    %add3A_410 = arith.constant 32 : i32
    %add3A_411 = vector.broadcast %add3A_410 : i32 to vector<16xi32>
    %add3A_412 = arith.addi %add3A_411, %and3A_409 : vector<16xi32>
    %add3A_413 = arith.constant 14 : i32
    %add3A_414 = vector.broadcast %add3A_413 : i32 to vector<16xi32>
    %add3A_415 = arith.addi %iota3A, %add3A_414 : vector<16xi32>
    %and3A_416 = arith.constant 15 : i32
    %and3A_417 = vector.broadcast %and3A_416 : i32 to vector<16xi32>
    %and3A_418 = arith.andi %add3A_415, %and3A_417 : vector<16xi32>
    %add3A_419 = arith.constant 32 : i32
    %add3A_420 = vector.broadcast %add3A_419 : i32 to vector<16xi32>
    %add3A_421 = arith.addi %add3A_420, %and3A_418 : vector<16xi32>
    %add3A_422 = arith.constant 15 : i32
    %add3A_423 = vector.broadcast %add3A_422 : i32 to vector<16xi32>
    %add3A_424 = arith.addi %iota3A, %add3A_423 : vector<16xi32>
    %and3A_425 = arith.constant 15 : i32
    %and3A_426 = vector.broadcast %and3A_425 : i32 to vector<16xi32>
    %and3A_427 = arith.andi %add3A_424, %and3A_426 : vector<16xi32>
    %add3A_428 = arith.constant 32 : i32
    %add3A_429 = vector.broadcast %add3A_428 : i32 to vector<16xi32>
    %add3A_430 = arith.addi %add3A_429, %and3A_427 : vector<16xi32>
    %add3A_431 = arith.constant 0 : i32
    %add3A_432 = vector.broadcast %add3A_431 : i32 to vector<16xi32>
    %add3A_433 = arith.addi %iota3A, %add3A_432 : vector<16xi32>
    %and3A_434 = arith.constant 15 : i32
    %and3A_435 = vector.broadcast %and3A_434 : i32 to vector<16xi32>
    %and3A_436 = arith.andi %add3A_433, %and3A_435 : vector<16xi32>
    %add3A_437 = arith.constant 48 : i32
    %add3A_438 = vector.broadcast %add3A_437 : i32 to vector<16xi32>
    %add3A_439 = arith.addi %add3A_438, %and3A_436 : vector<16xi32>
    %add3A_440 = arith.constant 1 : i32
    %add3A_441 = vector.broadcast %add3A_440 : i32 to vector<16xi32>
    %add3A_442 = arith.addi %iota3A, %add3A_441 : vector<16xi32>
    %and3A_443 = arith.constant 15 : i32
    %and3A_444 = vector.broadcast %and3A_443 : i32 to vector<16xi32>
    %and3A_445 = arith.andi %add3A_442, %and3A_444 : vector<16xi32>
    %add3A_446 = arith.constant 48 : i32
    %add3A_447 = vector.broadcast %add3A_446 : i32 to vector<16xi32>
    %add3A_448 = arith.addi %add3A_447, %and3A_445 : vector<16xi32>
    %add3A_449 = arith.constant 2 : i32
    %add3A_450 = vector.broadcast %add3A_449 : i32 to vector<16xi32>
    %add3A_451 = arith.addi %iota3A, %add3A_450 : vector<16xi32>
    %and3A_452 = arith.constant 15 : i32
    %and3A_453 = vector.broadcast %and3A_452 : i32 to vector<16xi32>
    %and3A_454 = arith.andi %add3A_451, %and3A_453 : vector<16xi32>
    %add3A_455 = arith.constant 48 : i32
    %add3A_456 = vector.broadcast %add3A_455 : i32 to vector<16xi32>
    %add3A_457 = arith.addi %add3A_456, %and3A_454 : vector<16xi32>
    %add3A_458 = arith.constant 3 : i32
    %add3A_459 = vector.broadcast %add3A_458 : i32 to vector<16xi32>
    %add3A_460 = arith.addi %iota3A, %add3A_459 : vector<16xi32>
    %and3A_461 = arith.constant 15 : i32
    %and3A_462 = vector.broadcast %and3A_461 : i32 to vector<16xi32>
    %and3A_463 = arith.andi %add3A_460, %and3A_462 : vector<16xi32>
    %add3A_464 = arith.constant 48 : i32
    %add3A_465 = vector.broadcast %add3A_464 : i32 to vector<16xi32>
    %add3A_466 = arith.addi %add3A_465, %and3A_463 : vector<16xi32>
    %add3A_467 = arith.constant 4 : i32
    %add3A_468 = vector.broadcast %add3A_467 : i32 to vector<16xi32>
    %add3A_469 = arith.addi %iota3A, %add3A_468 : vector<16xi32>
    %and3A_470 = arith.constant 15 : i32
    %and3A_471 = vector.broadcast %and3A_470 : i32 to vector<16xi32>
    %and3A_472 = arith.andi %add3A_469, %and3A_471 : vector<16xi32>
    %add3A_473 = arith.constant 48 : i32
    %add3A_474 = vector.broadcast %add3A_473 : i32 to vector<16xi32>
    %add3A_475 = arith.addi %add3A_474, %and3A_472 : vector<16xi32>
    %add3A_476 = arith.constant 5 : i32
    %add3A_477 = vector.broadcast %add3A_476 : i32 to vector<16xi32>
    %add3A_478 = arith.addi %iota3A, %add3A_477 : vector<16xi32>
    %and3A_479 = arith.constant 15 : i32
    %and3A_480 = vector.broadcast %and3A_479 : i32 to vector<16xi32>
    %and3A_481 = arith.andi %add3A_478, %and3A_480 : vector<16xi32>
    %add3A_482 = arith.constant 48 : i32
    %add3A_483 = vector.broadcast %add3A_482 : i32 to vector<16xi32>
    %add3A_484 = arith.addi %add3A_483, %and3A_481 : vector<16xi32>
    %add3A_485 = arith.constant 6 : i32
    %add3A_486 = vector.broadcast %add3A_485 : i32 to vector<16xi32>
    %add3A_487 = arith.addi %iota3A, %add3A_486 : vector<16xi32>
    %and3A_488 = arith.constant 15 : i32
    %and3A_489 = vector.broadcast %and3A_488 : i32 to vector<16xi32>
    %and3A_490 = arith.andi %add3A_487, %and3A_489 : vector<16xi32>
    %add3A_491 = arith.constant 48 : i32
    %add3A_492 = vector.broadcast %add3A_491 : i32 to vector<16xi32>
    %add3A_493 = arith.addi %add3A_492, %and3A_490 : vector<16xi32>
    %add3A_494 = arith.constant 7 : i32
    %add3A_495 = vector.broadcast %add3A_494 : i32 to vector<16xi32>
    %add3A_496 = arith.addi %iota3A, %add3A_495 : vector<16xi32>
    %and3A_497 = arith.constant 15 : i32
    %and3A_498 = vector.broadcast %and3A_497 : i32 to vector<16xi32>
    %and3A_499 = arith.andi %add3A_496, %and3A_498 : vector<16xi32>
    %add3A_500 = arith.constant 48 : i32
    %add3A_501 = vector.broadcast %add3A_500 : i32 to vector<16xi32>
    %add3A_502 = arith.addi %add3A_501, %and3A_499 : vector<16xi32>
    %add3A_503 = arith.constant 8 : i32
    %add3A_504 = vector.broadcast %add3A_503 : i32 to vector<16xi32>
    %add3A_505 = arith.addi %iota3A, %add3A_504 : vector<16xi32>
    %and3A_506 = arith.constant 15 : i32
    %and3A_507 = vector.broadcast %and3A_506 : i32 to vector<16xi32>
    %and3A_508 = arith.andi %add3A_505, %and3A_507 : vector<16xi32>
    %add3A_509 = arith.constant 48 : i32
    %add3A_510 = vector.broadcast %add3A_509 : i32 to vector<16xi32>
    %add3A_511 = arith.addi %add3A_510, %and3A_508 : vector<16xi32>
    %add3A_512 = arith.constant 9 : i32
    %add3A_513 = vector.broadcast %add3A_512 : i32 to vector<16xi32>
    %add3A_514 = arith.addi %iota3A, %add3A_513 : vector<16xi32>
    %and3A_515 = arith.constant 15 : i32
    %and3A_516 = vector.broadcast %and3A_515 : i32 to vector<16xi32>
    %and3A_517 = arith.andi %add3A_514, %and3A_516 : vector<16xi32>
    %add3A_518 = arith.constant 48 : i32
    %add3A_519 = vector.broadcast %add3A_518 : i32 to vector<16xi32>
    %add3A_520 = arith.addi %add3A_519, %and3A_517 : vector<16xi32>
    %add3A_521 = arith.constant 10 : i32
    %add3A_522 = vector.broadcast %add3A_521 : i32 to vector<16xi32>
    %add3A_523 = arith.addi %iota3A, %add3A_522 : vector<16xi32>
    %and3A_524 = arith.constant 15 : i32
    %and3A_525 = vector.broadcast %and3A_524 : i32 to vector<16xi32>
    %and3A_526 = arith.andi %add3A_523, %and3A_525 : vector<16xi32>
    %add3A_527 = arith.constant 48 : i32
    %add3A_528 = vector.broadcast %add3A_527 : i32 to vector<16xi32>
    %add3A_529 = arith.addi %add3A_528, %and3A_526 : vector<16xi32>
    %add3A_530 = arith.constant 11 : i32
    %add3A_531 = vector.broadcast %add3A_530 : i32 to vector<16xi32>
    %add3A_532 = arith.addi %iota3A, %add3A_531 : vector<16xi32>
    %and3A_533 = arith.constant 15 : i32
    %and3A_534 = vector.broadcast %and3A_533 : i32 to vector<16xi32>
    %and3A_535 = arith.andi %add3A_532, %and3A_534 : vector<16xi32>
    %add3A_536 = arith.constant 48 : i32
    %add3A_537 = vector.broadcast %add3A_536 : i32 to vector<16xi32>
    %add3A_538 = arith.addi %add3A_537, %and3A_535 : vector<16xi32>
    %add3A_539 = arith.constant 12 : i32
    %add3A_540 = vector.broadcast %add3A_539 : i32 to vector<16xi32>
    %add3A_541 = arith.addi %iota3A, %add3A_540 : vector<16xi32>
    %and3A_542 = arith.constant 15 : i32
    %and3A_543 = vector.broadcast %and3A_542 : i32 to vector<16xi32>
    %and3A_544 = arith.andi %add3A_541, %and3A_543 : vector<16xi32>
    %add3A_545 = arith.constant 48 : i32
    %add3A_546 = vector.broadcast %add3A_545 : i32 to vector<16xi32>
    %add3A_547 = arith.addi %add3A_546, %and3A_544 : vector<16xi32>
    %add3A_548 = arith.constant 13 : i32
    %add3A_549 = vector.broadcast %add3A_548 : i32 to vector<16xi32>
    %add3A_550 = arith.addi %iota3A, %add3A_549 : vector<16xi32>
    %and3A_551 = arith.constant 15 : i32
    %and3A_552 = vector.broadcast %and3A_551 : i32 to vector<16xi32>
    %and3A_553 = arith.andi %add3A_550, %and3A_552 : vector<16xi32>
    %add3A_554 = arith.constant 48 : i32
    %add3A_555 = vector.broadcast %add3A_554 : i32 to vector<16xi32>
    %add3A_556 = arith.addi %add3A_555, %and3A_553 : vector<16xi32>
    %add3A_557 = arith.constant 14 : i32
    %add3A_558 = vector.broadcast %add3A_557 : i32 to vector<16xi32>
    %add3A_559 = arith.addi %iota3A, %add3A_558 : vector<16xi32>
    %and3A_560 = arith.constant 15 : i32
    %and3A_561 = vector.broadcast %and3A_560 : i32 to vector<16xi32>
    %and3A_562 = arith.andi %add3A_559, %and3A_561 : vector<16xi32>
    %add3A_563 = arith.constant 48 : i32
    %add3A_564 = vector.broadcast %add3A_563 : i32 to vector<16xi32>
    %add3A_565 = arith.addi %add3A_564, %and3A_562 : vector<16xi32>
    %add3A_566 = arith.constant 15 : i32
    %add3A_567 = vector.broadcast %add3A_566 : i32 to vector<16xi32>
    %add3A_568 = arith.addi %iota3A, %add3A_567 : vector<16xi32>
    %and3A_569 = arith.constant 15 : i32
    %and3A_570 = vector.broadcast %and3A_569 : i32 to vector<16xi32>
    %and3A_571 = arith.andi %add3A_568, %and3A_570 : vector<16xi32>
    %add3A_572 = arith.constant 48 : i32
    %add3A_573 = vector.broadcast %add3A_572 : i32 to vector<16xi32>
    %add3A_574 = arith.addi %add3A_573, %and3A_571 : vector<16xi32>
    %broadcast_in_dim3A_575 = arith.constant 0 : i32
    %broadcast_in_dim3A_576 = vector.broadcast %broadcast_in_dim3A_575 : i32 to vector<16xi32>
    %broadcast_in_dim3A_577 = arith.constant 1 : i32
    %broadcast_in_dim3A_578 = vector.broadcast %broadcast_in_dim3A_577 : i32 to vector<16xi32>
    %broadcast_in_dim3A_579 = arith.constant 2 : i32
    %broadcast_in_dim3A_580 = vector.broadcast %broadcast_in_dim3A_579 : i32 to vector<16xi32>
    %broadcast_in_dim3A_581 = arith.constant 3 : i32
    %broadcast_in_dim3A_582 = vector.broadcast %broadcast_in_dim3A_581 : i32 to vector<16xi32>
    %mul3A = arith.constant 10240 : i32
    %mul3A_583 = arith.muli %arg0, %mul3A : i32
    %mul3A_584 = arith.constant 10240 : i32
    %mul3A_585 = arith.muli %arg0, %mul3A_584 : i32
    %mul3A_586 = arith.constant 10240 : i32
    %mul3A_587 = arith.muli %arg0, %mul3A_586 : i32
    %mul3A_588 = arith.constant 20000 : i32
    %mul3A_589 = arith.muli %arg1, %mul3A_588 : i32
    %add3A_590 = arith.constant 0 : i32
    %add3A_591 = arith.addi %mul3A_589, %add3A_590 : i32
    %dma_start3A = arith.constant 0 : i32
    %dma_start3A_592 = arith.constant 0 : i32
    %dma_start3A_593 = tpu.memref_slice %arg9[%dma_start3A, %dma_start3A_592] : memref<2x4000xi32, #tpu.memory_space<vmem>> -> memref<1x4000xi32, #tpu.memory_space<vmem>>
    %dma_start3A_594 = tpu.memref_squeeze %dma_start3A_593 : memref<1x4000xi32, #tpu.memory_space<vmem>> -> memref<4000xi32, #tpu.memory_space<vmem>>
    %dma_start3A_595 = tpu.memref_slice %arg5[%add3A_591] : memref<320000xi32, #tpu.memory_space<hbm>> -> memref<4000xi32, #tpu.memory_space<hbm>>
    %dma_start3A_596 = arith.constant 0 : i32
    %dma_start3A_597 = tpu.memref_slice %arg9[%dma_start3A, %dma_start3A_596] : memref<2x4000xi32, #tpu.memory_space<vmem>> -> memref<1x4000xi32, #tpu.memory_space<vmem>>
    %dma_start3A_598 = tpu.memref_squeeze %dma_start3A_597 : memref<1x4000xi32, #tpu.memory_space<vmem>> -> memref<4000xi32, #tpu.memory_space<vmem>>
    %dma_start3A_599 = tpu.memref_slice %arg5[%add3A_591] : memref<320000xi32, #tpu.memory_space<hbm>> -> memref<4000xi32, #tpu.memory_space<hbm>>
    tpu.enqueue_dma source(%dma_start3A_599 : memref<4000xi32, #tpu.memory_space<hbm>>) target(%dma_start3A_598 : memref<4000xi32, #tpu.memory_space<vmem>>) target_semaphore(%arg22 : memref<!tpu.dma_semaphore, #tpu.memory_space<semaphore_mem>>)
    %add3A_600 = arith.constant 0 : i32
    %add3A_601 = arith.addi %mul3A_589, %add3A_600 : i32
    %dma_start3A_602 = arith.constant 0 : i32
    %dma_start3A_603 = arith.constant 0 : i32
    %dma_start3A_604 = tpu.memref_slice %arg10[%dma_start3A_602, %dma_start3A_603] : memref<2x4000xi32, #tpu.memory_space<vmem>> -> memref<1x4000xi32, #tpu.memory_space<vmem>>
    %dma_start3A_605 = tpu.memref_squeeze %dma_start3A_604 : memref<1x4000xi32, #tpu.memory_space<vmem>> -> memref<4000xi32, #tpu.memory_space<vmem>>
    %dma_start3A_606 = tpu.memref_slice %arg6[%add3A_601] : memref<320000xi32, #tpu.memory_space<hbm>> -> memref<4000xi32, #tpu.memory_space<hbm>>
    %dma_start3A_607 = arith.constant 0 : i32
    %dma_start3A_608 = tpu.memref_slice %arg10[%dma_start3A_602, %dma_start3A_607] : memref<2x4000xi32, #tpu.memory_space<vmem>> -> memref<1x4000xi32, #tpu.memory_space<vmem>>
    %dma_start3A_609 = tpu.memref_squeeze %dma_start3A_608 : memref<1x4000xi32, #tpu.memory_space<vmem>> -> memref<4000xi32, #tpu.memory_space<vmem>>
    %dma_start3A_610 = tpu.memref_slice %arg6[%add3A_601] : memref<320000xi32, #tpu.memory_space<hbm>> -> memref<4000xi32, #tpu.memory_space<hbm>>
    tpu.enqueue_dma source(%dma_start3A_610 : memref<4000xi32, #tpu.memory_space<hbm>>) target(%dma_start3A_609 : memref<4000xi32, #tpu.memory_space<vmem>>) target_semaphore(%arg22 : memref<!tpu.dma_semaphore, #tpu.memory_space<semaphore_mem>>)
    %scan3A = arith.constant 0 : i32
    %scan3A_611 = arith.constant 0 : i32
    %scan3A_612 = arith.constant 160 : i32
    %scan3A_613 = arith.addi %scan3A_611, %scan3A_612 : i32
    %scan3A_614 = arith.constant 1 : i32
    scf.for %scan3A_657 = %scan3A_611 to %scan3A_613 step %scan3A_614  : i32 {
      %swap3A = arith.index_cast %scan3A_657 : i32 to index
      %swap3A_658 = arith.constant 0 : index
      %swap3A_659 = tpu.vector_load %arg11[%swap3A, %swap3A_658] {strides = array<i32>} : memref<160x64xf32, #tpu.memory_space<vmem>>, vector<16xf32>,
      tpu.vector_store %arg11[%swap3A, %swap3A_658], %broadcast_in_dim3A_0 {strides = array<i32>} : memref<160x64xf32, #tpu.memory_space<vmem>>, vector<16xf32>,
      %swap3A_660 = arith.index_cast %scan3A_657 : i32 to index
      %swap3A_661 = arith.constant 16 : index
      %swap3A_662 = tpu.vector_load %arg11[%swap3A_660, %swap3A_661] {strides = array<i32>} : memref<160x64xf32, #tpu.memory_space<vmem>>, vector<16xf32>,
      tpu.vector_store %arg11[%swap3A_660, %swap3A_661], %broadcast_in_dim3A_0 {strides = array<i32>} : memref<160x64xf32, #tpu.memory_space<vmem>>, vector<16xf32>,
      %swap3A_663 = arith.index_cast %scan3A_657 : i32 to index
      %swap3A_664 = arith.constant 32 : index
      %swap3A_665 = tpu.vector_load %arg11[%swap3A_663, %swap3A_664] {strides = array<i32>} : memref<160x64xf32, #tpu.memory_space<vmem>>, vector<16xf32>,
      tpu.vector_store %arg11[%swap3A_663, %swap3A_664], %broadcast_in_dim3A_0 {strides = array<i32>} : memref<160x64xf32, #tpu.memory_space<vmem>>, vector<16xf32>,
      %swap3A_666 = arith.index_cast %scan3A_657 : i32 to index
      %swap3A_667 = arith.constant 48 : index
      %swap3A_668 = tpu.vector_load %arg11[%swap3A_666, %swap3A_667] {strides = array<i32>} : memref<160x64xf32, #tpu.memory_space<vmem>>, vector<16xf32>,
      tpu.vector_store %arg11[%swap3A_666, %swap3A_667], %broadcast_in_dim3A_0 {strides = array<i32>} : memref<160x64xf32, #tpu.memory_space<vmem>>, vector<16xf32>,
      %swap3A_669 = arith.index_cast %scan3A_657 : i32 to index
      %swap3A_670 = arith.constant 0 : index
      %swap3A_671 = tpu.vector_load %arg15[%swap3A_669, %swap3A_670] {strides = array<i32>} : memref<160x16xf32, #tpu.memory_space<vmem>>, vector<16xf32>,
      tpu.vector_store %arg15[%swap3A_669, %swap3A_670], %broadcast_in_dim3A_0 {strides = array<i32>} : memref<160x16xf32, #tpu.memory_space<vmem>>, vector<16xf32>,
    }
    %scan3A_615 = arith.constant 160 : i32
    %mul3A_616 = arith.constant 640 : i32
    %mul3A_617 = arith.muli %arg1, %mul3A_616 : i32
    %add3A_618 = arith.constant 0 : i32
    %add3A_619 = arith.addi %mul3A_617, %add3A_618 : i32
    "tpu.region"() ({
      %run_scoped3A = tpu.sem_alloc : memref<!tpu.dma_semaphore, #tpu.memory_space<semaphore_mem>>
      %dma_start3A_657 = arith.constant 0 : i32
      %dma_start3A_658 = arith.constant 0 : i32
      %dma_start3A_659 = tpu.memref_slice %arg11[%dma_start3A_657, %dma_start3A_658] : memref<160x64xf32, #tpu.memory_space<vmem>> -> memref<80x64xf32, #tpu.memory_space<vmem>>
      %dma_start3A_660 = arith.constant 0 : i32
      %dma_start3A_661 = tpu.memref_slice %arg16[%add3A_619, %dma_start3A_660] : memref<10240x64xf32, #tpu.memory_space<vmem_shared>> -> memref<80x64xf32, #tpu.memory_space<vmem_shared>>
      %dma_start3A_662 = arith.constant 0 : i32
      %dma_start3A_663 = tpu.memref_slice %arg16[%add3A_619, %dma_start3A_662] : memref<10240x64xf32, #tpu.memory_space<vmem_shared>> -> memref<80x64xf32, #tpu.memory_space<vmem_shared>>
      %dma_start3A_664 = arith.constant 0 : i32
      %dma_start3A_665 = arith.constant 0 : i32
      %dma_start3A_666 = tpu.memref_slice %arg11[%dma_start3A_664, %dma_start3A_665] : memref<160x64xf32, #tpu.memory_space<vmem>> -> memref<80x64xf32, #tpu.memory_space<vmem>>
      tpu.enqueue_dma source(%dma_start3A_666 : memref<80x64xf32, #tpu.memory_space<vmem>>) target(%dma_start3A_663 : memref<80x64xf32, #tpu.memory_space<vmem_shared>>) target_semaphore(%run_scoped3A : memref<!tpu.dma_semaphore, #tpu.memory_space<semaphore_mem>>)
      %dma_wait3A = arith.constant 0 : i32
      %dma_wait3A_667 = arith.constant 0 : i32
      %dma_wait3A_668 = tpu.memref_slice %arg11[%dma_wait3A, %dma_wait3A_667] : memref<160x64xf32, #tpu.memory_space<vmem>> -> memref<80x64xf32, #tpu.memory_space<vmem>>
      %dma_wait3A_669 = arith.constant 0 : i32
      %dma_wait3A_670 = tpu.memref_slice %arg16[%add3A_619, %dma_wait3A_669] : memref<10240x64xf32, #tpu.memory_space<vmem_shared>> -> memref<80x64xf32, #tpu.memory_space<vmem_shared>>
      %dma_wait3A_671 = arith.constant 0 : i32
      %dma_wait3A_672 = tpu.memref_slice %arg16[%add3A_619, %dma_wait3A_671] : memref<10240x64xf32, #tpu.memory_space<vmem_shared>> -> memref<80x64xf32, #tpu.memory_space<vmem_shared>>
      %dma_wait3A_673 = arith.constant 0 : i32
      %dma_wait3A_674 = arith.constant 0 : i32
      %dma_wait3A_675 = tpu.memref_slice %arg11[%dma_wait3A_673, %dma_wait3A_674] : memref<160x64xf32, #tpu.memory_space<vmem>> -> memref<80x64xf32, #tpu.memory_space<vmem>>
      tpu.wait_dma2 semaphore(%run_scoped3A : memref<!tpu.dma_semaphore, #tpu.memory_space<semaphore_mem>>) src(%dma_wait3A_675 : memref<80x64xf32, #tpu.memory_space<vmem>>) dst(%dma_wait3A_672 : memref<80x64xf32, #tpu.memory_space<vmem_shared>>)
      tpu.yield
    }) : () -> ()
    %add3A_620 = arith.constant 0 : i32
    %add3A_621 = arith.addi %mul3A_617, %add3A_620 : i32
    "tpu.region"() ({
      %run_scoped3A = tpu.sem_alloc : memref<!tpu.dma_semaphore, #tpu.memory_space<semaphore_mem>>
      %dma_start3A_657 = arith.constant 0 : i32
      %dma_start3A_658 = arith.constant 0 : i32
      %dma_start3A_659 = tpu.memref_slice %arg15[%dma_start3A_657, %dma_start3A_658] : memref<160x16xf32, #tpu.memory_space<vmem>> -> memref<80x16xf32, #tpu.memory_space<vmem>>
      %dma_start3A_660 = arith.constant 0 : i32
      %dma_start3A_661 = tpu.memref_slice %arg17[%add3A_621, %dma_start3A_660] : memref<10240x16xf32, #tpu.memory_space<vmem_shared>> -> memref<80x16xf32, #tpu.memory_space<vmem_shared>>
      %dma_start3A_662 = arith.constant 0 : i32
      %dma_start3A_663 = tpu.memref_slice %arg17[%add3A_621, %dma_start3A_662] : memref<10240x16xf32, #tpu.memory_space<vmem_shared>> -> memref<80x16xf32, #tpu.memory_space<vmem_shared>>
      %dma_start3A_664 = arith.constant 0 : i32
      %dma_start3A_665 = arith.constant 0 : i32
      %dma_start3A_666 = tpu.memref_slice %arg15[%dma_start3A_664, %dma_start3A_665] : memref<160x16xf32, #tpu.memory_space<vmem>> -> memref<80x16xf32, #tpu.memory_space<vmem>>
      tpu.enqueue_dma source(%dma_start3A_666 : memref<80x16xf32, #tpu.memory_space<vmem>>) target(%dma_start3A_663 : memref<80x16xf32, #tpu.memory_space<vmem_shared>>) target_semaphore(%run_scoped3A : memref<!tpu.dma_semaphore, #tpu.memory_space<semaphore_mem>>)
      %dma_wait3A = arith.constant 0 : i32
      %dma_wait3A_667 = arith.constant 0 : i32
      %dma_wait3A_668 = tpu.memref_slice %arg15[%dma_wait3A, %dma_wait3A_667] : memref<160x16xf32, #tpu.memory_space<vmem>> -> memref<80x16xf32, #tpu.memory_space<vmem>>
      %dma_wait3A_669 = arith.constant 0 : i32
      %dma_wait3A_670 = tpu.memref_slice %arg17[%add3A_621, %dma_wait3A_669] : memref<10240x16xf32, #tpu.memory_space<vmem_shared>> -> memref<80x16xf32, #tpu.memory_space<vmem_shared>>
      %dma_wait3A_671 = arith.constant 0 : i32
      %dma_wait3A_672 = tpu.memref_slice %arg17[%add3A_621, %dma_wait3A_671] : memref<10240x16xf32, #tpu.memory_space<vmem_shared>> -> memref<80x16xf32, #tpu.memory_space<vmem_shared>>
      %dma_wait3A_673 = arith.constant 0 : i32
      %dma_wait3A_674 = arith.constant 0 : i32
      %dma_wait3A_675 = tpu.memref_slice %arg15[%dma_wait3A_673, %dma_wait3A_674] : memref<160x16xf32, #tpu.memory_space<vmem>> -> memref<80x16xf32, #tpu.memory_space<vmem>>
      tpu.wait_dma2 semaphore(%run_scoped3A : memref<!tpu.dma_semaphore, #tpu.memory_space<semaphore_mem>>) src(%dma_wait3A_675 : memref<80x16xf32, #tpu.memory_space<vmem>>) dst(%dma_wait3A_672 : memref<80x16xf32, #tpu.memory_space<vmem_shared>>)
      tpu.yield
    }) : () -> ()
    %add3A_622 = arith.constant 80 : i32
    %add3A_623 = arith.addi %mul3A_617, %add3A_622 : i32
    "tpu.region"() ({
      %run_scoped3A = tpu.sem_alloc : memref<!tpu.dma_semaphore, #tpu.memory_space<semaphore_mem>>
      %dma_start3A_657 = arith.constant 0 : i32
      %dma_start3A_658 = arith.constant 0 : i32
      %dma_start3A_659 = tpu.memref_slice %arg11[%dma_start3A_657, %dma_start3A_658] : memref<160x64xf32, #tpu.memory_space<vmem>> -> memref<80x64xf32, #tpu.memory_space<vmem>>
      %dma_start3A_660 = arith.constant 0 : i32
      %dma_start3A_661 = tpu.memref_slice %arg16[%add3A_623, %dma_start3A_660] : memref<10240x64xf32, #tpu.memory_space<vmem_shared>> -> memref<80x64xf32, #tpu.memory_space<vmem_shared>>
      %dma_start3A_662 = arith.constant 0 : i32
      %dma_start3A_663 = tpu.memref_slice %arg16[%add3A_623, %dma_start3A_662] : memref<10240x64xf32, #tpu.memory_space<vmem_shared>> -> memref<80x64xf32, #tpu.memory_space<vmem_shared>>
      %dma_start3A_664 = arith.constant 0 : i32
      %dma_start3A_665 = arith.constant 0 : i32
      %dma_start3A_666 = tpu.memref_slice %arg11[%dma_start3A_664, %dma_start3A_665] : memref<160x64xf32, #tpu.memory_space<vmem>> -> memref<80x64xf32, #tpu.memory_space<vmem>>
      tpu.enqueue_dma source(%dma_start3A_666 : memref<80x64xf32, #tpu.memory_space<vmem>>) target(%dma_start3A_663 : memref<80x64xf32, #tpu.memory_space<vmem_shared>>) target_semaphore(%run_scoped3A : memref<!tpu.dma_semaphore, #tpu.memory_space<semaphore_mem>>)
      %dma_wait3A = arith.constant 0 : i32
      %dma_wait3A_667 = arith.constant 0 : i32
      %dma_wait3A_668 = tpu.memref_slice %arg11[%dma_wait3A, %dma_wait3A_667] : memref<160x64xf32, #tpu.memory_space<vmem>> -> memref<80x64xf32, #tpu.memory_space<vmem>>
      %dma_wait3A_669 = arith.constant 0 : i32
      %dma_wait3A_670 = tpu.memref_slice %arg16[%add3A_623, %dma_wait3A_669] : memref<10240x64xf32, #tpu.memory_space<vmem_shared>> -> memref<80x64xf32, #tpu.memory_space<vmem_shared>>
      %dma_wait3A_671 = arith.constant 0 : i32
      %dma_wait3A_672 = tpu.memref_slice %arg16[%add3A_623, %dma_wait3A_671] : memref<10240x64xf32, #tpu.memory_space<vmem_shared>> -> memref<80x64xf32, #tpu.memory_space<vmem_shared>>
      %dma_wait3A_673 = arith.constant 0 : i32
      %dma_wait3A_674 = arith.constant 0 : i32
      %dma_wait3A_675 = tpu.memref_slice %arg11[%dma_wait3A_673, %dma_wait3A_674] : memref<160x64xf32, #tpu.memory_space<vmem>> -> memref<80x64xf32, #tpu.memory_space<vmem>>
      tpu.wait_dma2 semaphore(%run_scoped3A : memref<!tpu.dma_semaphore, #tpu.memory_space<semaphore_mem>>) src(%dma_wait3A_675 : memref<80x64xf32, #tpu.memory_space<vmem>>) dst(%dma_wait3A_672 : memref<80x64xf32, #tpu.memory_space<vmem_shared>>)
      tpu.yield
    }) : () -> ()
    %add3A_624 = arith.constant 80 : i32
    %add3A_625 = arith.addi %mul3A_617, %add3A_624 : i32
    "tpu.region"() ({
      %run_scoped3A = tpu.sem_alloc : memref<!tpu.dma_semaphore, #tpu.memory_space<semaphore_mem>>
      %dma_start3A_657 = arith.constant 0 : i32
      %dma_start3A_658 = arith.constant 0 : i32
      %dma_start3A_659 = tpu.memref_slice %arg15[%dma_start3A_657, %dma_start3A_658] : memref<160x16xf32, #tpu.memory_space<vmem>> -> memref<80x16xf32, #tpu.memory_space<vmem>>
      %dma_start3A_660 = arith.constant 0 : i32
      %dma_start3A_661 = tpu.memref_slice %arg17[%add3A_625, %dma_start3A_660] : memref<10240x16xf32, #tpu.memory_space<vmem_shared>> -> memref<80x16xf32, #tpu.memory_space<vmem_shared>>
      %dma_start3A_662 = arith.constant 0 : i32
      %dma_start3A_663 = tpu.memref_slice %arg17[%add3A_625, %dma_start3A_662] : memref<10240x16xf32, #tpu.memory_space<vmem_shared>> -> memref<80x16xf32, #tpu.memory_space<vmem_shared>>
      %dma_start3A_664 = arith.constant 0 : i32
      %dma_start3A_665 = arith.constant 0 : i32
      %dma_start3A_666 = tpu.memref_slice %arg15[%dma_start3A_664, %dma_start3A_665] : memref<160x16xf32, #tpu.memory_space<vmem>> -> memref<80x16xf32, #tpu.memory_space<vmem>>
      tpu.enqueue_dma source(%dma_start3A_666 : memref<80x16xf32, #tpu.memory_space<vmem>>) target(%dma_start3A_663 : memref<80x16xf32, #tpu.memory_space<vmem_shared>>) target_semaphore(%run_scoped3A : memref<!tpu.dma_semaphore, #tpu.memory_space<semaphore_mem>>)
      %dma_wait3A = arith.constant 0 : i32
      %dma_wait3A_667 = arith.constant 0 : i32
      %dma_wait3A_668 = tpu.memref_slice %arg15[%dma_wait3A, %dma_wait3A_667] : memref<160x16xf32, #tpu.memory_space<vmem>> -> memref<80x16xf32, #tpu.memory_space<vmem>>
      %dma_wait3A_669 = arith.constant 0 : i32
      %dma_wait3A_670 = tpu.memref_slice %arg17[%add3A_625, %dma_wait3A_669] : memref<10240x16xf32, #tpu.memory_space<vmem_shared>> -> memref<80x16xf32, #tpu.memory_space<vmem_shared>>
      %dma_wait3A_671 = arith.constant 0 : i32
      %dma_wait3A_672 = tpu.memref_slice %arg17[%add3A_625, %dma_wait3A_671] : memref<10240x16xf32, #tpu.memory_space<vmem_shared>> -> memref<80x16xf32, #tpu.memory_space<vmem_shared>>
      %dma_wait3A_673 = arith.constant 0 : i32
      %dma_wait3A_674 = arith.constant 0 : i32
      %dma_wait3A_675 = tpu.memref_slice %arg15[%dma_wait3A_673, %dma_wait3A_674] : memref<160x16xf32, #tpu.memory_space<vmem>> -> memref<80x16xf32, #tpu.memory_space<vmem>>
      tpu.wait_dma2 semaphore(%run_scoped3A : memref<!tpu.dma_semaphore, #tpu.memory_space<semaphore_mem>>) src(%dma_wait3A_675 : memref<80x16xf32, #tpu.memory_space<vmem>>) dst(%dma_wait3A_672 : memref<80x16xf32, #tpu.memory_space<vmem_shared>>)
      tpu.yield
    }) : () -> ()
    %add3A_626 = arith.constant 160 : i32
    %add3A_627 = arith.addi %mul3A_617, %add3A_626 : i32
    "tpu.region"() ({
      %run_scoped3A = tpu.sem_alloc : memref<!tpu.dma_semaphore, #tpu.memory_space<semaphore_mem>>
      %dma_start3A_657 = arith.constant 0 : i32
      %dma_start3A_658 = arith.constant 0 : i32
      %dma_start3A_659 = tpu.memref_slice %arg11[%dma_start3A_657, %dma_start3A_658] : memref<160x64xf32, #tpu.memory_space<vmem>> -> memref<80x64xf32, #tpu.memory_space<vmem>>
      %dma_start3A_660 = arith.constant 0 : i32
      %dma_start3A_661 = tpu.memref_slice %arg16[%add3A_627, %dma_start3A_660] : memref<10240x64xf32, #tpu.memory_space<vmem_shared>> -> memref<80x64xf32, #tpu.memory_space<vmem_shared>>
      %dma_start3A_662 = arith.constant 0 : i32
      %dma_start3A_663 = tpu.memref_slice %arg16[%add3A_627, %dma_start3A_662] : memref<10240x64xf32, #tpu.memory_space<vmem_shared>> -> memref<80x64xf32, #tpu.memory_space<vmem_shared>>
      %dma_start3A_664 = arith.constant 0 : i32
      %dma_start3A_665 = arith.constant 0 : i32
      %dma_start3A_666 = tpu.memref_slice %arg11[%dma_start3A_664, %dma_start3A_665] : memref<160x64xf32, #tpu.memory_space<vmem>> -> memref<80x64xf32, #tpu.memory_space<vmem>>
      tpu.enqueue_dma source(%dma_start3A_666 : memref<80x64xf32, #tpu.memory_space<vmem>>) target(%dma_start3A_663 : memref<80x64xf32, #tpu.memory_space<vmem_shared>>) target_semaphore(%run_scoped3A : memref<!tpu.dma_semaphore, #tpu.memory_space<semaphore_mem>>)
      %dma_wait3A = arith.constant 0 : i32
      %dma_wait3A_667 = arith.constant 0 : i32
      %dma_wait3A_668 = tpu.memref_slice %arg11[%dma_wait3A, %dma_wait3A_667] : memref<160x64xf32, #tpu.memory_space<vmem>> -> memref<80x64xf32, #tpu.memory_space<vmem>>
      %dma_wait3A_669 = arith.constant 0 : i32
      %dma_wait3A_670 = tpu.memref_slice %arg16[%add3A_627, %dma_wait3A_669] : memref<10240x64xf32, #tpu.memory_space<vmem_shared>> -> memref<80x64xf32, #tpu.memory_space<vmem_shared>>
      %dma_wait3A_671 = arith.constant 0 : i32
      %dma_wait3A_672 = tpu.memref_slice %arg16[%add3A_627, %dma_wait3A_671] : memref<10240x64xf32, #tpu.memory_space<vmem_shared>> -> memref<80x64xf32, #tpu.memory_space<vmem_shared>>
      %dma_wait3A_673 = arith.constant 0 : i32
      %dma_wait3A_674 = arith.constant 0 : i32
      %dma_wait3A_675 = tpu.memref_slice %arg11[%dma_wait3A_673, %dma_wait3A_674] : memref<160x64xf32, #tpu.memory_space<vmem>> -> memref<80x64xf32, #tpu.memory_space<vmem>>
      tpu.wait_dma2 semaphore(%run_scoped3A : memref<!tpu.dma_semaphore, #tpu.memory_space<semaphore_mem>>) src(%dma_wait3A_675 : memref<80x64xf32, #tpu.memory_space<vmem>>) dst(%dma_wait3A_672 : memref<80x64xf32, #tpu.memory_space<vmem_shared>>)
      tpu.yield
    }) : () -> ()
    %add3A_628 = arith.constant 160 : i32
    %add3A_629 = arith.addi %mul3A_617, %add3A_628 : i32
    "tpu.region"() ({
      %run_scoped3A = tpu.sem_alloc : memref<!tpu.dma_semaphore, #tpu.memory_space<semaphore_mem>>
      %dma_start3A_657 = arith.constant 0 : i32
      %dma_start3A_658 = arith.constant 0 : i32
      %dma_start3A_659 = tpu.memref_slice %arg15[%dma_start3A_657, %dma_start3A_658] : memref<160x16xf32, #tpu.memory_space<vmem>> -> memref<80x16xf32, #tpu.memory_space<vmem>>
      %dma_start3A_660 = arith.constant 0 : i32
      %dma_start3A_661 = tpu.memref_slice %arg17[%add3A_629, %dma_start3A_660] : memref<10240x16xf32, #tpu.memory_space<vmem_shared>> -> memref<80x16xf32, #tpu.memory_space<vmem_shared>>
      %dma_start3A_662 = arith.constant 0 : i32
      %dma_start3A_663 = tpu.memref_slice %arg17[%add3A_629, %dma_start3A_662] : memref<10240x16xf32, #tpu.memory_space<vmem_shared>> -> memref<80x16xf32, #tpu.memory_space<vmem_shared>>
      %dma_start3A_664 = arith.constant 0 : i32
      %dma_start3A_665 = arith.constant 0 : i32
      %dma_start3A_666 = tpu.memref_slice %arg15[%dma_start3A_664, %dma_start3A_665] : memref<160x16xf32, #tpu.memory_space<vmem>> -> memref<80x16xf32, #tpu.memory_space<vmem>>
      tpu.enqueue_dma source(%dma_start3A_666 : memref<80x16xf32, #tpu.memory_space<vmem>>) target(%dma_start3A_663 : memref<80x16xf32, #tpu.memory_space<vmem_shared>>) target_semaphore(%run_scoped3A : memref<!tpu.dma_semaphore, #tpu.memory_space<semaphore_mem>>)
      %dma_wait3A = arith.constant 0 : i32
      %dma_wait3A_667 = arith.constant 0 : i32
      %dma_wait3A_668 = tpu.memref_slice %arg15[%dma_wait3A, %dma_wait3A_667] : memref<160x16xf32, #tpu.memory_space<vmem>> -> memref<80x16xf32, #tpu.memory_space<vmem>>
      %dma_wait3A_669 = arith.constant 0 : i32
      %dma_wait3A_670 = tpu.memref_slice %arg17[%add3A_629, %dma_wait3A_669] : memref<10240x16xf32, #tpu.memory_space<vmem_shared>> -> memref<80x16xf32, #tpu.memory_space<vmem_shared>>
      %dma_wait3A_671 = arith.constant 0 : i32
      %dma_wait3A_672 = tpu.memref_slice %arg17[%add3A_629, %dma_wait3A_671] : memref<10240x16xf32, #tpu.memory_space<vmem_shared>> -> memref<80x16xf32, #tpu.memory_space<vmem_shared>>
      %dma_wait3A_673 = arith.constant 0 : i32
      %dma_wait3A_674 = arith.constant 0 : i32
      %dma_wait3A_675 = tpu.memref_slice %arg15[%dma_wait3A_673, %dma_wait3A_674] : memref<160x16xf32, #tpu.memory_space<vmem>> -> memref<80x16xf32, #tpu.memory_space<vmem>>
      tpu.wait_dma2 semaphore(%run_scoped3A : memref<!tpu.dma_semaphore, #tpu.memory_space<semaphore_mem>>) src(%dma_wait3A_675 : memref<80x16xf32, #tpu.memory_space<vmem>>) dst(%dma_wait3A_672 : memref<80x16xf32, #tpu.memory_space<vmem_shared>>)
      tpu.yield
    }) : () -> ()
    %add3A_630 = arith.constant 240 : i32
    %add3A_631 = arith.addi %mul3A_617, %add3A_630 : i32
    "tpu.region"() ({
      %run_scoped3A = tpu.sem_alloc : memref<!tpu.dma_semaphore, #tpu.memory_space<semaphore_mem>>
      %dma_start3A_657 = arith.constant 0 : i32
      %dma_start3A_658 = arith.constant 0 : i32
      %dma_start3A_659 = tpu.memref_slice %arg11[%dma_start3A_657, %dma_start3A_658] : memref<160x64xf32, #tpu.memory_space<vmem>> -> memref<80x64xf32, #tpu.memory_space<vmem>>
      %dma_start3A_660 = arith.constant 0 : i32
      %dma_start3A_661 = tpu.memref_slice %arg16[%add3A_631, %dma_start3A_660] : memref<10240x64xf32, #tpu.memory_space<vmem_shared>> -> memref<80x64xf32, #tpu.memory_space<vmem_shared>>
      %dma_start3A_662 = arith.constant 0 : i32
      %dma_start3A_663 = tpu.memref_slice %arg16[%add3A_631, %dma_start3A_662] : memref<10240x64xf32, #tpu.memory_space<vmem_shared>> -> memref<80x64xf32, #tpu.memory_space<vmem_shared>>
      %dma_start3A_664 = arith.constant 0 : i32
      %dma_start3A_665 = arith.constant 0 : i32
      %dma_start3A_666 = tpu.memref_slice %arg11[%dma_start3A_664, %dma_start3A_665] : memref<160x64xf32, #tpu.memory_space<vmem>> -> memref<80x64xf32, #tpu.memory_space<vmem>>
      tpu.enqueue_dma source(%dma_start3A_666 : memref<80x64xf32, #tpu.memory_space<vmem>>) target(%dma_start3A_663 : memref<80x64xf32, #tpu.memory_space<vmem_shared>>) target_semaphore(%run_scoped3A : memref<!tpu.dma_semaphore, #tpu.memory_space<semaphore_mem>>)
      %dma_wait3A = arith.constant 0 : i32
      %dma_wait3A_667 = arith.constant 0 : i32
      %dma_wait3A_668 = tpu.memref_slice %arg11[%dma_wait3A, %dma_wait3A_667] : memref<160x64xf32, #tpu.memory_space<vmem>> -> memref<80x64xf32, #tpu.memory_space<vmem>>
      %dma_wait3A_669 = arith.constant 0 : i32
      %dma_wait3A_670 = tpu.memref_slice %arg16[%add3A_631, %dma_wait3A_669] : memref<10240x64xf32, #tpu.memory_space<vmem_shared>> -> memref<80x64xf32, #tpu.memory_space<vmem_shared>>
      %dma_wait3A_671 = arith.constant 0 : i32
      %dma_wait3A_672 = tpu.memref_slice %arg16[%add3A_631, %dma_wait3A_671] : memref<10240x64xf32, #tpu.memory_space<vmem_shared>> -> memref<80x64xf32, #tpu.memory_space<vmem_shared>>
      %dma_wait3A_673 = arith.constant 0 : i32
      %dma_wait3A_674 = arith.constant 0 : i32
      %dma_wait3A_675 = tpu.memref_slice %arg11[%dma_wait3A_673, %dma_wait3A_674] : memref<160x64xf32, #tpu.memory_space<vmem>> -> memref<80x64xf32, #tpu.memory_space<vmem>>
      tpu.wait_dma2 semaphore(%run_scoped3A : memref<!tpu.dma_semaphore, #tpu.memory_space<semaphore_mem>>) src(%dma_wait3A_675 : memref<80x64xf32, #tpu.memory_space<vmem>>) dst(%dma_wait3A_672 : memref<80x64xf32, #tpu.memory_space<vmem_shared>>)
      tpu.yield
    }) : () -> ()
    %add3A_632 = arith.constant 240 : i32
    %add3A_633 = arith.addi %mul3A_617, %add3A_632 : i32
    "tpu.region"() ({
      %run_scoped3A = tpu.sem_alloc : memref<!tpu.dma_semaphore, #tpu.memory_space<semaphore_mem>>
      %dma_start3A_657 = arith.constant 0 : i32
      %dma_start3A_658 = arith.constant 0 : i32
      %dma_start3A_659 = tpu.memref_slice %arg15[%dma_start3A_657, %dma_start3A_658] : memref<160x16xf32, #tpu.memory_space<vmem>> -> memref<80x16xf32, #tpu.memory_space<vmem>>
      %dma_start3A_660 = arith.constant 0 : i32
      %dma_start3A_661 = tpu.memref_slice %arg17[%add3A_633, %dma_start3A_660] : memref<10240x16xf32, #tpu.memory_space<vmem_shared>> -> memref<80x16xf32, #tpu.memory_space<vmem_shared>>
      %dma_start3A_662 = arith.constant 0 : i32
      %dma_start3A_663 = tpu.memref_slice %arg17[%add3A_633, %dma_start3A_662] : memref<10240x16xf32, #tpu.memory_space<vmem_shared>> -> memref<80x16xf32, #tpu.memory_space<vmem_shared>>
      %dma_start3A_664 = arith.constant 0 : i32
      %dma_start3A_665 = arith.constant 0 : i32
      %dma_start3A_666 = tpu.memref_slice %arg15[%dma_start3A_664, %dma_start3A_665] : memref<160x16xf32, #tpu.memory_space<vmem>> -> memref<80x16xf32, #tpu.memory_space<vmem>>
      tpu.enqueue_dma source(%dma_start3A_666 : memref<80x16xf32, #tpu.memory_space<vmem>>) target(%dma_start3A_663 : memref<80x16xf32, #tpu.memory_space<vmem_shared>>) target_semaphore(%run_scoped3A : memref<!tpu.dma_semaphore, #tpu.memory_space<semaphore_mem>>)
      %dma_wait3A = arith.constant 0 : i32
      %dma_wait3A_667 = arith.constant 0 : i32
      %dma_wait3A_668 = tpu.memref_slice %arg15[%dma_wait3A, %dma_wait3A_667] : memref<160x16xf32, #tpu.memory_space<vmem>> -> memref<80x16xf32, #tpu.memory_space<vmem>>
      %dma_wait3A_669 = arith.constant 0 : i32
      %dma_wait3A_670 = tpu.memref_slice %arg17[%add3A_633, %dma_wait3A_669] : memref<10240x16xf32, #tpu.memory_space<vmem_shared>> -> memref<80x16xf32, #tpu.memory_space<vmem_shared>>
      %dma_wait3A_671 = arith.constant 0 : i32
      %dma_wait3A_672 = tpu.memref_slice %arg17[%add3A_633, %dma_wait3A_671] : memref<10240x16xf32, #tpu.memory_space<vmem_shared>> -> memref<80x16xf32, #tpu.memory_space<vmem_shared>>
      %dma_wait3A_673 = arith.constant 0 : i32
      %dma_wait3A_674 = arith.constant 0 : i32
      %dma_wait3A_675 = tpu.memref_slice %arg15[%dma_wait3A_673, %dma_wait3A_674] : memref<160x16xf32, #tpu.memory_space<vmem>> -> memref<80x16xf32, #tpu.memory_space<vmem>>
      tpu.wait_dma2 semaphore(%run_scoped3A : memref<!tpu.dma_semaphore, #tpu.memory_space<semaphore_mem>>) src(%dma_wait3A_675 : memref<80x16xf32, #tpu.memory_space<vmem>>) dst(%dma_wait3A_672 : memref<80x16xf32, #tpu.memory_space<vmem_shared>>)
      tpu.yield
    }) : () -> ()
    %add3A_634 = arith.constant 320 : i32
    %add3A_635 = arith.addi %mul3A_617, %add3A_634 : i32
    "tpu.region"() ({
      %run_scoped3A = tpu.sem_alloc : memref<!tpu.dma_semaphore, #tpu.memory_space<semaphore_mem>>
      %dma_start3A_657 = arith.constant 0 : i32
      %dma_start3A_658 = arith.constant 0 : i32
      %dma_start3A_659 = tpu.memref_slice %arg11[%dma_start3A_657, %dma_start3A_658] : memref<160x64xf32, #tpu.memory_space<vmem>> -> memref<80x64xf32, #tpu.memory_space<vmem>>
      %dma_start3A_660 = arith.constant 0 : i32
      %dma_start3A_661 = tpu.memref_slice %arg16[%add3A_635, %dma_start3A_660] : memref<10240x64xf32, #tpu.memory_space<vmem_shared>> -> memref<80x64xf32, #tpu.memory_space<vmem_shared>>
      %dma_start3A_662 = arith.constant 0 : i32
      %dma_start3A_663 = tpu.memref_slice %arg16[%add3A_635, %dma_start3A_662] : memref<10240x64xf32, #tpu.memory_space<vmem_shared>> -> memref<80x64xf32, #tpu.memory_space<vmem_shared>>
      %dma_start3A_664 = arith.constant 0 : i32
      %dma_start3A_665 = arith.constant 0 : i32
      %dma_start3A_666 = tpu.memref_slice %arg11[%dma_start3A_664, %dma_start3A_665] : memref<160x64xf32, #tpu.memory_space<vmem>> -> memref<80x64xf32, #tpu.memory_space<vmem>>
      tpu.enqueue_dma source(%dma_start3A_666 : memref<80x64xf32, #tpu.memory_space<vmem>>) target(%dma_start3A_663 : memref<80x64xf32, #tpu.memory_space<vmem_shared>>) target_semaphore(%run_scoped3A : memref<!tpu.dma_semaphore, #tpu.memory_space<semaphore_mem>>)
      %dma_wait3A = arith.constant 0 : i32
      %dma_wait3A_667 = arith.constant 0 : i32
      %dma_wait3A_668 = tpu.memref_slice %arg11[%dma_wait3A, %dma_wait3A_667] : memref<160x64xf32, #tpu.memory_space<vmem>> -> memref<80x64xf32, #tpu.memory_space<vmem>>
      %dma_wait3A_669 = arith.constant 0 : i32
      %dma_wait3A_670 = tpu.memref_slice %arg16[%add3A_635, %dma_wait3A_669] : memref<10240x64xf32, #tpu.memory_space<vmem_shared>> -> memref<80x64xf32, #tpu.memory_space<vmem_shared>>
      %dma_wait3A_671 = arith.constant 0 : i32
      %dma_wait3A_672 = tpu.memref_slice %arg16[%add3A_635, %dma_wait3A_671] : memref<10240x64xf32, #tpu.memory_space<vmem_shared>> -> memref<80x64xf32, #tpu.memory_space<vmem_shared>>
      %dma_wait3A_673 = arith.constant 0 : i32
      %dma_wait3A_674 = arith.constant 0 : i32
      %dma_wait3A_675 = tpu.memref_slice %arg11[%dma_wait3A_673, %dma_wait3A_674] : memref<160x64xf32, #tpu.memory_space<vmem>> -> memref<80x64xf32, #tpu.memory_space<vmem>>
      tpu.wait_dma2 semaphore(%run_scoped3A : memref<!tpu.dma_semaphore, #tpu.memory_space<semaphore_mem>>) src(%dma_wait3A_675 : memref<80x64xf32, #tpu.memory_space<vmem>>) dst(%dma_wait3A_672 : memref<80x64xf32, #tpu.memory_space<vmem_shared>>)
      tpu.yield
    }) : () -> ()
    %add3A_636 = arith.constant 320 : i32
    %add3A_637 = arith.addi %mul3A_617, %add3A_636 : i32
    "tpu.region"() ({
      %run_scoped3A = tpu.sem_alloc : memref<!tpu.dma_semaphore, #tpu.memory_space<semaphore_mem>>
      %dma_start3A_657 = arith.constant 0 : i32
      %dma_start3A_658 = arith.constant 0 : i32
      %dma_start3A_659 = tpu.memref_slice %arg15[%dma_start3A_657, %dma_start3A_658] : memref<160x16xf32, #tpu.memory_space<vmem>> -> memref<80x16xf32, #tpu.memory_space<vmem>>
      %dma_start3A_660 = arith.constant 0 : i32
      %dma_start3A_661 = tpu.memref_slice %arg17[%add3A_637, %dma_start3A_660] : memref<10240x16xf32, #tpu.memory_space<vmem_shared>> -> memref<80x16xf32, #tpu.memory_space<vmem_shared>>
      %dma_start3A_662 = arith.constant 0 : i32
      %dma_start3A_663 = tpu.memref_slice %arg17[%add3A_637, %dma_start3A_662] : memref<10240x16xf32, #tpu.memory_space<vmem_shared>> -> memref<80x16xf32, #tpu.memory_space<vmem_shared>>
      %dma_start3A_664 = arith.constant 0 : i32
      %dma_start3A_665 = arith.constant 0 : i32
      %dma_start3A_666 = tpu.memref_slice %arg15[%dma_start3A_664, %dma_start3A_665] : memref<160x16xf32, #tpu.memory_space<vmem>> -> memref<80x16xf32, #tpu.memory_space<vmem>>
      tpu.enqueue_dma source(%dma_start3A_666 : memref<80x16xf32, #tpu.memory_space<vmem>>) target(%dma_start3A_663 : memref<80x16xf32, #tpu.memory_space<vmem_shared>>) target_semaphore(%run_scoped3A : memref<!tpu.dma_semaphore, #tpu.memory_space<semaphore_mem>>)
      %dma_wait3A = arith.constant 0 : i32
      %dma_wait3A_667 = arith.constant 0 : i32
      %dma_wait3A_668 = tpu.memref_slice %arg15[%dma_wait3A, %dma_wait3A_667] : memref<160x16xf32, #tpu.memory_space<vmem>> -> memref<80x16xf32, #tpu.memory_space<vmem>>
      %dma_wait3A_669 = arith.constant 0 : i32
      %dma_wait3A_670 = tpu.memref_slice %arg17[%add3A_637, %dma_wait3A_669] : memref<10240x16xf32, #tpu.memory_space<vmem_shared>> -> memref<80x16xf32, #tpu.memory_space<vmem_shared>>
      %dma_wait3A_671 = arith.constant 0 : i32
      %dma_wait3A_672 = tpu.memref_slice %arg17[%add3A_637, %dma_wait3A_671] : memref<10240x16xf32, #tpu.memory_space<vmem_shared>> -> memref<80x16xf32, #tpu.memory_space<vmem_shared>>
      %dma_wait3A_673 = arith.constant 0 : i32
      %dma_wait3A_674 = arith.constant 0 : i32
      %dma_wait3A_675 = tpu.memref_slice %arg15[%dma_wait3A_673, %dma_wait3A_674] : memref<160x16xf32, #tpu.memory_space<vmem>> -> memref<80x16xf32, #tpu.memory_space<vmem>>
      tpu.wait_dma2 semaphore(%run_scoped3A : memref<!tpu.dma_semaphore, #tpu.memory_space<semaphore_mem>>) src(%dma_wait3A_675 : memref<80x16xf32, #tpu.memory_space<vmem>>) dst(%dma_wait3A_672 : memref<80x16xf32, #tpu.memory_space<vmem_shared>>)
      tpu.yield
    }) : () -> ()
    %add3A_638 = arith.constant 400 : i32
    %add3A_639 = arith.addi %mul3A_617, %add3A_638 : i32
    "tpu.region"() ({
      %run_scoped3A = tpu.sem_alloc : memref<!tpu.dma_semaphore, #tpu.memory_space<semaphore_mem>>
      %dma_start3A_657 = arith.constant 0 : i32
      %dma_start3A_658 = arith.constant 0 : i32
      %dma_start3A_659 = tpu.memref_slice %arg11[%dma_start3A_657, %dma_start3A_658] : memref<160x64xf32, #tpu.memory_space<vmem>> -> memref<80x64xf32, #tpu.memory_space<vmem>>
      %dma_start3A_660 = arith.constant 0 : i32
      %dma_start3A_661 = tpu.memref_slice %arg16[%add3A_639, %dma_start3A_660] : memref<10240x64xf32, #tpu.memory_space<vmem_shared>> -> memref<80x64xf32, #tpu.memory_space<vmem_shared>>
      %dma_start3A_662 = arith.constant 0 : i32
      %dma_start3A_663 = tpu.memref_slice %arg16[%add3A_639, %dma_start3A_662] : memref<10240x64xf32, #tpu.memory_space<vmem_shared>> -> memref<80x64xf32, #tpu.memory_space<vmem_shared>>
      %dma_start3A_664 = arith.constant 0 : i32
      %dma_start3A_665 = arith.constant 0 : i32
      %dma_start3A_666 = tpu.memref_slice %arg11[%dma_start3A_664, %dma_start3A_665] : memref<160x64xf32, #tpu.memory_space<vmem>> -> memref<80x64xf32, #tpu.memory_space<vmem>>
      tpu.enqueue_dma source(%dma_start3A_666 : memref<80x64xf32, #tpu.memory_space<vmem>>) target(%dma_start3A_663 : memref<80x64xf32, #tpu.memory_space<vmem_shared>>) target_semaphore(%run_scoped3A : memref<!tpu.dma_semaphore, #tpu.memory_space<semaphore_mem>>)
      %dma_wait3A = arith.constant 0 : i32
      %dma_wait3A_667 = arith.constant 0 : i32
      %dma_wait3A_668 = tpu.memref_slice %arg11[%dma_wait3A, %dma_wait3A_667] : memref<160x64xf32, #tpu.memory_space<vmem>> -> memref<80x64xf32, #tpu.memory_space<vmem>>
      %dma_wait3A_669 = arith.constant 0 : i32
      %dma_wait3A_670 = tpu.memref_slice %arg16[%add3A_639, %dma_wait3A_669] : memref<10240x64xf32, #tpu.memory_space<vmem_shared>> -> memref<80x64xf32, #tpu.memory_space<vmem_shared>>
      %dma_wait3A_671 = arith.constant 0 : i32
      %dma_wait3A_672 = tpu.memref_slice %arg16[%add3A_639, %dma_wait3A_671] : memref<10240x64xf32, #tpu.memory_space<vmem_shared>> -> memref<80x64xf32, #tpu.memory_space<vmem_shared>>
      %dma_wait3A_673 = arith.constant 0 : i32
      %dma_wait3A_674 = arith.constant 0 : i32
      %dma_wait3A_675 = tpu.memref_slice %arg11[%dma_wait3A_673, %dma_wait3A_674] : memref<160x64xf32, #tpu.memory_space<vmem>> -> memref<80x64xf32, #tpu.memory_space<vmem>>
      tpu.wait_dma2 semaphore(%run_scoped3A : memref<!tpu.dma_semaphore, #tpu.memory_space<semaphore_mem>>) src(%dma_wait3A_675 : memref<80x64xf32, #tpu.memory_space<vmem>>) dst(%dma_wait3A_672 : memref<80x64xf32, #tpu.memory_space<vmem_shared>>)
      tpu.yield
    }) : () -> ()
    %add3A_640 = arith.constant 400 : i32
    %add3A_641 = arith.addi %mul3A_617, %add3A_640 : i32
    "tpu.region"() ({
      %run_scoped3A = tpu.sem_alloc : memref<!tpu.dma_semaphore, #tpu.memory_space<semaphore_mem>>
      %dma_start3A_657 = arith.constant 0 : i32
      %dma_start3A_658 = arith.constant 0 : i32
      %dma_start3A_659 = tpu.memref_slice %arg15[%dma_start3A_657, %dma_start3A_658] : memref<160x16xf32, #tpu.memory_space<vmem>> -> memref<80x16xf32, #tpu.memory_space<vmem>>
      %dma_start3A_660 = arith.constant 0 : i32
      %dma_start3A_661 = tpu.memref_slice %arg17[%add3A_641, %dma_start3A_660] : memref<10240x16xf32, #tpu.memory_space<vmem_shared>> -> memref<80x16xf32, #tpu.memory_space<vmem_shared>>
      %dma_start3A_662 = arith.constant 0 : i32
      %dma_start3A_663 = tpu.memref_slice %arg17[%add3A_641, %dma_start3A_662] : memref<10240x16xf32, #tpu.memory_space<vmem_shared>> -> memref<80x16xf32, #tpu.memory_space<vmem_shared>>
      %dma_start3A_664 = arith.constant 0 : i32
      %dma_start3A_665 = arith.constant 0 : i32
      %dma_start3A_666 = tpu.memref_slice %arg15[%dma_start3A_664, %dma_start3A_665] : memref<160x16xf32, #tpu.memory_space<vmem>> -> memref<80x16xf32, #tpu.memory_space<vmem>>
      tpu.enqueue_dma source(%dma_start3A_666 : memref<80x16xf32, #tpu.memory_space<vmem>>) target(%dma_start3A_663 : memref<80x16xf32, #tpu.memory_space<vmem_shared>>) target_semaphore(%run_scoped3A : memref<!tpu.dma_semaphore, #tpu.memory_space<semaphore_mem>>)
      %dma_wait3A = arith.constant 0 : i32
      %dma_wait3A_667 = arith.constant 0 : i32
      %dma_wait3A_668 = tpu.memref_slice %arg15[%dma_wait3A, %dma_wait3A_667] : memref<160x16xf32, #tpu.memory_space<vmem>> -> memref<80x16xf32, #tpu.memory_space<vmem>>
      %dma_wait3A_669 = arith.constant 0 : i32
      %dma_wait3A_670 = tpu.memref_slice %arg17[%add3A_641, %dma_wait3A_669] : memref<10240x16xf32, #tpu.memory_space<vmem_shared>> -> memref<80x16xf32, #tpu.memory_space<vmem_shared>>
      %dma_wait3A_671 = arith.constant 0 : i32
      %dma_wait3A_672 = tpu.memref_slice %arg17[%add3A_641, %dma_wait3A_671] : memref<10240x16xf32, #tpu.memory_space<vmem_shared>> -> memref<80x16xf32, #tpu.memory_space<vmem_shared>>
      %dma_wait3A_673 = arith.constant 0 : i32
      %dma_wait3A_674 = arith.constant 0 : i32
      %dma_wait3A_675 = tpu.memref_slice %arg15[%dma_wait3A_673, %dma_wait3A_674] : memref<160x16xf32, #tpu.memory_space<vmem>> -> memref<80x16xf32, #tpu.memory_space<vmem>>
      tpu.wait_dma2 semaphore(%run_scoped3A : memref<!tpu.dma_semaphore, #tpu.memory_space<semaphore_mem>>) src(%dma_wait3A_675 : memref<80x16xf32, #tpu.memory_space<vmem>>) dst(%dma_wait3A_672 : memref<80x16xf32, #tpu.memory_space<vmem_shared>>)
      tpu.yield
    }) : () -> ()
    %add3A_642 = arith.constant 480 : i32
    %add3A_643 = arith.addi %mul3A_617, %add3A_642 : i32
    "tpu.region"() ({
      %run_scoped3A = tpu.sem_alloc : memref<!tpu.dma_semaphore, #tpu.memory_space<semaphore_mem>>
      %dma_start3A_657 = arith.constant 0 : i32
      %dma_start3A_658 = arith.constant 0 : i32
      %dma_start3A_659 = tpu.memref_slice %arg11[%dma_start3A_657, %dma_start3A_658] : memref<160x64xf32, #tpu.memory_space<vmem>> -> memref<80x64xf32, #tpu.memory_space<vmem>>
      %dma_start3A_660 = arith.constant 0 : i32
      %dma_start3A_661 = tpu.memref_slice %arg16[%add3A_643, %dma_start3A_660] : memref<10240x64xf32, #tpu.memory_space<vmem_shared>> -> memref<80x64xf32, #tpu.memory_space<vmem_shared>>
      %dma_start3A_662 = arith.constant 0 : i32
      %dma_start3A_663 = tpu.memref_slice %arg16[%add3A_643, %dma_start3A_662] : memref<10240x64xf32, #tpu.memory_space<vmem_shared>> -> memref<80x64xf32, #tpu.memory_space<vmem_shared>>
      %dma_start3A_664 = arith.constant 0 : i32
      %dma_start3A_665 = arith.constant 0 : i32
      %dma_start3A_666 = tpu.memref_slice %arg11[%dma_start3A_664, %dma_start3A_665] : memref<160x64xf32, #tpu.memory_space<vmem>> -> memref<80x64xf32, #tpu.memory_space<vmem>>
      tpu.enqueue_dma source(%dma_start3A_666 : memref<80x64xf32, #tpu.memory_space<vmem>>) target(%dma_start3A_663 : memref<80x64xf32, #tpu.memory_space<vmem_shared>>) target_semaphore(%run_scoped3A : memref<!tpu.dma_semaphore, #tpu.memory_space<semaphore_mem>>)
      %dma_wait3A = arith.constant 0 : i32
      %dma_wait3A_667 = arith.constant 0 : i32
      %dma_wait3A_668 = tpu.memref_slice %arg11[%dma_wait3A, %dma_wait3A_667] : memref<160x64xf32, #tpu.memory_space<vmem>> -> memref<80x64xf32, #tpu.memory_space<vmem>>
      %dma_wait3A_669 = arith.constant 0 : i32
      %dma_wait3A_670 = tpu.memref_slice %arg16[%add3A_643, %dma_wait3A_669] : memref<10240x64xf32, #tpu.memory_space<vmem_shared>> -> memref<80x64xf32, #tpu.memory_space<vmem_shared>>
      %dma_wait3A_671 = arith.constant 0 : i32
      %dma_wait3A_672 = tpu.memref_slice %arg16[%add3A_643, %dma_wait3A_671] : memref<10240x64xf32, #tpu.memory_space<vmem_shared>> -> memref<80x64xf32, #tpu.memory_space<vmem_shared>>
      %dma_wait3A_673 = arith.constant 0 : i32
      %dma_wait3A_674 = arith.constant 0 : i32
      %dma_wait3A_675 = tpu.memref_slice %arg11[%dma_wait3A_673, %dma_wait3A_674] : memref<160x64xf32, #tpu.memory_space<vmem>> -> memref<80x64xf32, #tpu.memory_space<vmem>>
      tpu.wait_dma2 semaphore(%run_scoped3A : memref<!tpu.dma_semaphore, #tpu.memory_space<semaphore_mem>>) src(%dma_wait3A_675 : memref<80x64xf32, #tpu.memory_space<vmem>>) dst(%dma_wait3A_672 : memref<80x64xf32, #tpu.memory_space<vmem_shared>>)
      tpu.yield
    }) : () -> ()
    %add3A_644 = arith.constant 480 : i32
    %add3A_645 = arith.addi %mul3A_617, %add3A_644 : i32
    "tpu.region"() ({
      %run_scoped3A = tpu.sem_alloc : memref<!tpu.dma_semaphore, #tpu.memory_space<semaphore_mem>>
      %dma_start3A_657 = arith.constant 0 : i32
      %dma_start3A_658 = arith.constant 0 : i32
      %dma_start3A_659 = tpu.memref_slice %arg15[%dma_start3A_657, %dma_start3A_658] : memref<160x16xf32, #tpu.memory_space<vmem>> -> memref<80x16xf32, #tpu.memory_space<vmem>>
      %dma_start3A_660 = arith.constant 0 : i32
      %dma_start3A_661 = tpu.memref_slice %arg17[%add3A_645, %dma_start3A_660] : memref<10240x16xf32, #tpu.memory_space<vmem_shared>> -> memref<80x16xf32, #tpu.memory_space<vmem_shared>>
      %dma_start3A_662 = arith.constant 0 : i32
      %dma_start3A_663 = tpu.memref_slice %arg17[%add3A_645, %dma_start3A_662] : memref<10240x16xf32, #tpu.memory_space<vmem_shared>> -> memref<80x16xf32, #tpu.memory_space<vmem_shared>>
      %dma_start3A_664 = arith.constant 0 : i32
      %dma_start3A_665 = arith.constant 0 : i32
      %dma_start3A_666 = tpu.memref_slice %arg15[%dma_start3A_664, %dma_start3A_665] : memref<160x16xf32, #tpu.memory_space<vmem>> -> memref<80x16xf32, #tpu.memory_space<vmem>>
      tpu.enqueue_dma source(%dma_start3A_666 : memref<80x16xf32, #tpu.memory_space<vmem>>) target(%dma_start3A_663 : memref<80x16xf32, #tpu.memory_space<vmem_shared>>) target_semaphore(%run_scoped3A : memref<!tpu.dma_semaphore, #tpu.memory_space<semaphore_mem>>)
      %dma_wait3A = arith.constant 0 : i32
      %dma_wait3A_667 = arith.constant 0 : i32
      %dma_wait3A_668 = tpu.memref_slice %arg15[%dma_wait3A, %dma_wait3A_667] : memref<160x16xf32, #tpu.memory_space<vmem>> -> memref<80x16xf32, #tpu.memory_space<vmem>>
      %dma_wait3A_669 = arith.constant 0 : i32
      %dma_wait3A_670 = tpu.memref_slice %arg17[%add3A_645, %dma_wait3A_669] : memref<10240x16xf32, #tpu.memory_space<vmem_shared>> -> memref<80x16xf32, #tpu.memory_space<vmem_shared>>
      %dma_wait3A_671 = arith.constant 0 : i32
      %dma_wait3A_672 = tpu.memref_slice %arg17[%add3A_645, %dma_wait3A_671] : memref<10240x16xf32, #tpu.memory_space<vmem_shared>> -> memref<80x16xf32, #tpu.memory_space<vmem_shared>>
      %dma_wait3A_673 = arith.constant 0 : i32
      %dma_wait3A_674 = arith.constant 0 : i32
      %dma_wait3A_675 = tpu.memref_slice %arg15[%dma_wait3A_673, %dma_wait3A_674] : memref<160x16xf32, #tpu.memory_space<vmem>> -> memref<80x16xf32, #tpu.memory_space<vmem>>
      tpu.wait_dma2 semaphore(%run_scoped3A : memref<!tpu.dma_semaphore, #tpu.memory_space<semaphore_mem>>) src(%dma_wait3A_675 : memref<80x16xf32, #tpu.memory_space<vmem>>) dst(%dma_wait3A_672 : memref<80x16xf32, #tpu.memory_space<vmem_shared>>)
      tpu.yield
    }) : () -> ()
    %add3A_646 = arith.constant 560 : i32
    %add3A_647 = arith.addi %mul3A_617, %add3A_646 : i32
    "tpu.region"() ({
      %run_scoped3A = tpu.sem_alloc : memref<!tpu.dma_semaphore, #tpu.memory_space<semaphore_mem>>
      %dma_start3A_657 = arith.constant 0 : i32
      %dma_start3A_658 = arith.constant 0 : i32
      %dma_start3A_659 = tpu.memref_slice %arg11[%dma_start3A_657, %dma_start3A_658] : memref<160x64xf32, #tpu.memory_space<vmem>> -> memref<80x64xf32, #tpu.memory_space<vmem>>
      %dma_start3A_660 = arith.constant 0 : i32
      %dma_start3A_661 = tpu.memref_slice %arg16[%add3A_647, %dma_start3A_660] : memref<10240x64xf32, #tpu.memory_space<vmem_shared>> -> memref<80x64xf32, #tpu.memory_space<vmem_shared>>
      %dma_start3A_662 = arith.constant 0 : i32
      %dma_start3A_663 = tpu.memref_slice %arg16[%add3A_647, %dma_start3A_662] : memref<10240x64xf32, #tpu.memory_space<vmem_shared>> -> memref<80x64xf32, #tpu.memory_space<vmem_shared>>
      %dma_start3A_664 = arith.constant 0 : i32
      %dma_start3A_665 = arith.constant 0 : i32
      %dma_start3A_666 = tpu.memref_slice %arg11[%dma_start3A_664, %dma_start3A_665] : memref<160x64xf32, #tpu.memory_space<vmem>> -> memref<80x64xf32, #tpu.memory_space<vmem>>
      tpu.enqueue_dma source(%dma_start3A_666 : memref<80x64xf32, #tpu.memory_space<vmem>>) target(%dma_start3A_663 : memref<80x64xf32, #tpu.memory_space<vmem_shared>>) target_semaphore(%run_scoped3A : memref<!tpu.dma_semaphore, #tpu.memory_space<semaphore_mem>>)
      %dma_wait3A = arith.constant 0 : i32
      %dma_wait3A_667 = arith.constant 0 : i32
      %dma_wait3A_668 = tpu.memref_slice %arg11[%dma_wait3A, %dma_wait3A_667] : memref<160x64xf32, #tpu.memory_space<vmem>> -> memref<80x64xf32, #tpu.memory_space<vmem>>
      %dma_wait3A_669 = arith.constant 0 : i32
      %dma_wait3A_670 = tpu.memref_slice %arg16[%add3A_647, %dma_wait3A_669] : memref<10240x64xf32, #tpu.memory_space<vmem_shared>> -> memref<80x64xf32, #tpu.memory_space<vmem_shared>>
      %dma_wait3A_671 = arith.constant 0 : i32
      %dma_wait3A_672 = tpu.memref_slice %arg16[%add3A_647, %dma_wait3A_671] : memref<10240x64xf32, #tpu.memory_space<vmem_shared>> -> memref<80x64xf32, #tpu.memory_space<vmem_shared>>
      %dma_wait3A_673 = arith.constant 0 : i32
      %dma_wait3A_674 = arith.constant 0 : i32
      %dma_wait3A_675 = tpu.memref_slice %arg11[%dma_wait3A_673, %dma_wait3A_674] : memref<160x64xf32, #tpu.memory_space<vmem>> -> memref<80x64xf32, #tpu.memory_space<vmem>>
      tpu.wait_dma2 semaphore(%run_scoped3A : memref<!tpu.dma_semaphore, #tpu.memory_space<semaphore_mem>>) src(%dma_wait3A_675 : memref<80x64xf32, #tpu.memory_space<vmem>>) dst(%dma_wait3A_672 : memref<80x64xf32, #tpu.memory_space<vmem_shared>>)
      tpu.yield
    }) : () -> ()
    %add3A_648 = arith.constant 560 : i32
    %add3A_649 = arith.addi %mul3A_617, %add3A_648 : i32
    "tpu.region"() ({
      %run_scoped3A = tpu.sem_alloc : memref<!tpu.dma_semaphore, #tpu.memory_space<semaphore_mem>>
      %dma_start3A_657 = arith.constant 0 : i32
      %dma_start3A_658 = arith.constant 0 : i32
      %dma_start3A_659 = tpu.memref_slice %arg15[%dma_start3A_657, %dma_start3A_658] : memref<160x16xf32, #tpu.memory_space<vmem>> -> memref<80x16xf32, #tpu.memory_space<vmem>>
      %dma_start3A_660 = arith.constant 0 : i32
      %dma_start3A_661 = tpu.memref_slice %arg17[%add3A_649, %dma_start3A_660] : memref<10240x16xf32, #tpu.memory_space<vmem_shared>> -> memref<80x16xf32, #tpu.memory_space<vmem_shared>>
      %dma_start3A_662 = arith.constant 0 : i32
      %dma_start3A_663 = tpu.memref_slice %arg17[%add3A_649, %dma_start3A_662] : memref<10240x16xf32, #tpu.memory_space<vmem_shared>> -> memref<80x16xf32, #tpu.memory_space<vmem_shared>>
      %dma_start3A_664 = arith.constant 0 : i32
      %dma_start3A_665 = arith.constant 0 : i32
      %dma_start3A_666 = tpu.memref_slice %arg15[%dma_start3A_664, %dma_start3A_665] : memref<160x16xf32, #tpu.memory_space<vmem>> -> memref<80x16xf32, #tpu.memory_space<vmem>>
      tpu.enqueue_dma source(%dma_start3A_666 : memref<80x16xf32, #tpu.memory_space<vmem>>) target(%dma_start3A_663 : memref<80x16xf32, #tpu.memory_space<vmem_shared>>) target_semaphore(%run_scoped3A : memref<!tpu.dma_semaphore, #tpu.memory_space<semaphore_mem>>)
      %dma_wait3A = arith.constant 0 : i32
      %dma_wait3A_667 = arith.constant 0 : i32
      %dma_wait3A_668 = tpu.memref_slice %arg15[%dma_wait3A, %dma_wait3A_667] : memref<160x16xf32, #tpu.memory_space<vmem>> -> memref<80x16xf32, #tpu.memory_space<vmem>>
      %dma_wait3A_669 = arith.constant 0 : i32
      %dma_wait3A_670 = tpu.memref_slice %arg17[%add3A_649, %dma_wait3A_669] : memref<10240x16xf32, #tpu.memory_space<vmem_shared>> -> memref<80x16xf32, #tpu.memory_space<vmem_shared>>
      %dma_wait3A_671 = arith.constant 0 : i32
      %dma_wait3A_672 = tpu.memref_slice %arg17[%add3A_649, %dma_wait3A_671] : memref<10240x16xf32, #tpu.memory_space<vmem_shared>> -> memref<80x16xf32, #tpu.memory_space<vmem_shared>>
      %dma_wait3A_673 = arith.constant 0 : i32
      %dma_wait3A_674 = arith.constant 0 : i32
      %dma_wait3A_675 = tpu.memref_slice %arg15[%dma_wait3A_673, %dma_wait3A_674] : memref<160x16xf32, #tpu.memory_space<vmem>> -> memref<80x16xf32, #tpu.memory_space<vmem>>
      tpu.wait_dma2 semaphore(%run_scoped3A : memref<!tpu.dma_semaphore, #tpu.memory_space<semaphore_mem>>) src(%dma_wait3A_675 : memref<80x16xf32, #tpu.memory_space<vmem>>) dst(%dma_wait3A_672 : memref<80x16xf32, #tpu.memory_space<vmem_shared>>)
      tpu.yield
    }) : () -> ()
    %barrier3A = arith.constant 0 : index
    tpu.barrier barrier_id(%barrier3A)
    %scan3A_650 = arith.constant 0 : i32
    %scan3A_651 = arith.constant 0 : i32
    %scan3A_652 = arith.constant 5 : i32
    %scan3A_653 = arith.addi %scan3A_651, %scan3A_652 : i32
    %scan3A_654 = arith.constant 1 : i32
    scf.for %scan3A_657 = %scan3A_651 to %scan3A_653 step %scan3A_654  : i32 {
      %jit3A = arith.constant 2 : i32
      %eq3A = arith.constant 0 : i32
      %eq3A_658 = arith.cmpi eq, %jit3A, %eq3A : i32
      %jit3A_659 = arith.constant 1 : i32
      %select_n3A = arith.select %eq3A_658, %jit3A_659, %jit3A : i32
      %rem3A = arith.remsi %scan3A_657, %select_n3A : i32
      %ne3A = arith.constant 0 : i32
      %ne3A_660 = arith.cmpi ne, %rem3A, %ne3A : i32
      %lt3A = arith.constant 0 : i32
      %lt3A_661 = arith.cmpi slt, %rem3A, %lt3A : i32
      %lt3A_662 = arith.constant 0 : i32
      %lt3A_663 = arith.cmpi slt, %select_n3A, %lt3A_662 : i32
      %ne3A_664 = arith.xori %lt3A_661, %lt3A_663 : i1
      %and3A_665 = arith.andi %ne3A_664, %ne3A_660 : i1
      %add3A_666 = arith.addi %rem3A, %select_n3A : i32
      %select_n3A_667 = arith.select %and3A_665, %add3A_666, %rem3A : i32
      %mul3A_668 = arith.constant 4000 : i32
      %mul3A_669 = arith.muli %scan3A_657, %mul3A_668 : i32
      %add3A_670 = arith.addi %mul3A_589, %mul3A_669 : i32
      %dma_wait3A = arith.constant 0 : i32
      %dma_wait3A_671 = tpu.memref_slice %arg9[%select_n3A_667, %dma_wait3A] : memref<2x4000xi32, #tpu.memory_space<vmem>> -> memref<1x4000xi32, #tpu.memory_space<vmem>>
      %dma_wait3A_672 = tpu.memref_squeeze %dma_wait3A_671 : memref<1x4000xi32, #tpu.memory_space<vmem>> -> memref<4000xi32, #tpu.memory_space<vmem>>
      %dma_wait3A_673 = tpu.memref_slice %arg5[%add3A_670] : memref<320000xi32, #tpu.memory_space<hbm>> -> memref<4000xi32, #tpu.memory_space<hbm>>
      %dma_wait3A_674 = arith.constant 0 : i32
      %dma_wait3A_675 = tpu.memref_slice %arg9[%select_n3A_667, %dma_wait3A_674] : memref<2x4000xi32, #tpu.memory_space<vmem>> -> memref<1x4000xi32, #tpu.memory_space<vmem>>
      %dma_wait3A_676 = tpu.memref_squeeze %dma_wait3A_675 : memref<1x4000xi32, #tpu.memory_space<vmem>> -> memref<4000xi32, #tpu.memory_space<vmem>>
      %dma_wait3A_677 = tpu.memref_slice %arg5[%add3A_670] : memref<320000xi32, #tpu.memory_space<hbm>> -> memref<4000xi32, #tpu.memory_space<hbm>>
      tpu.wait_dma2 semaphore(%arg22 : memref<!tpu.dma_semaphore, #tpu.memory_space<semaphore_mem>>) src(%dma_wait3A_677 : memref<4000xi32, #tpu.memory_space<hbm>>) dst(%dma_wait3A_676 : memref<4000xi32, #tpu.memory_space<vmem>>)
      %mul3A_678 = arith.constant 4000 : i32
      %mul3A_679 = arith.muli %scan3A_657, %mul3A_678 : i32
      %add3A_680 = arith.addi %mul3A_589, %mul3A_679 : i32
      %dma_wait3A_681 = arith.constant 0 : i32
      %dma_wait3A_682 = tpu.memref_slice %arg10[%select_n3A_667, %dma_wait3A_681] : memref<2x4000xi32, #tpu.memory_space<vmem>> -> memref<1x4000xi32, #tpu.memory_space<vmem>>
      %dma_wait3A_683 = tpu.memref_squeeze %dma_wait3A_682 : memref<1x4000xi32, #tpu.memory_space<vmem>> -> memref<4000xi32, #tpu.memory_space<vmem>>
      %dma_wait3A_684 = tpu.memref_slice %arg6[%add3A_680] : memref<320000xi32, #tpu.memory_space<hbm>> -> memref<4000xi32, #tpu.memory_space<hbm>>
      %dma_wait3A_685 = arith.constant 0 : i32
      %dma_wait3A_686 = tpu.memref_slice %arg10[%select_n3A_667, %dma_wait3A_685] : memref<2x4000xi32, #tpu.memory_space<vmem>> -> memref<1x4000xi32, #tpu.memory_space<vmem>>
      %dma_wait3A_687 = tpu.memref_squeeze %dma_wait3A_686 : memref<1x4000xi32, #tpu.memory_space<vmem>> -> memref<4000xi32, #tpu.memory_space<vmem>>
      %dma_wait3A_688 = tpu.memref_slice %arg6[%add3A_680] : memref<320000xi32, #tpu.memory_space<hbm>> -> memref<4000xi32, #tpu.memory_space<hbm>>
      tpu.wait_dma2 semaphore(%arg22 : memref<!tpu.dma_semaphore, #tpu.memory_space<semaphore_mem>>) src(%dma_wait3A_688 : memref<4000xi32, #tpu.memory_space<hbm>>) dst(%dma_wait3A_687 : memref<4000xi32, #tpu.memory_space<vmem>>)
      %lt3A_689 = arith.constant 4 : i32
      %lt3A_690 = arith.cmpi slt, %scan3A_657, %lt3A_689 : i32
      %convert_element_type3A = arith.extui %lt3A_690 : i1 to i32
      %cond3A = arith.constant 0 : i32
      %cond3A_691 = arith.cmpi ne, %convert_element_type3A, %cond3A : i32
      scf.if %cond3A_691 {
        %add3A_767 = arith.constant 1 : i32
        %add3A_768 = arith.addi %scan3A_657, %add3A_767 : i32
        %sub3A = arith.constant 1 : i32
        %sub3A_769 = arith.subi %sub3A, %select_n3A_667 : i32
        %mul3A_770 = arith.constant 4000 : i32
        %mul3A_771 = arith.muli %add3A_768, %mul3A_770 : i32
        %add3A_772 = arith.addi %mul3A_589, %mul3A_771 : i32
        %dma_start3A_773 = arith.constant 0 : i32
        %dma_start3A_774 = tpu.memref_slice %arg9[%sub3A_769, %dma_start3A_773] : memref<2x4000xi32, #tpu.memory_space<vmem>> -> memref<1x4000xi32, #tpu.memory_space<vmem>>
        %dma_start3A_775 = tpu.memref_squeeze %dma_start3A_774 : memref<1x4000xi32, #tpu.memory_space<vmem>> -> memref<4000xi32, #tpu.memory_space<vmem>>
        %dma_start3A_776 = tpu.memref_slice %arg5[%add3A_772] : memref<320000xi32, #tpu.memory_space<hbm>> -> memref<4000xi32, #tpu.memory_space<hbm>>
        %dma_start3A_777 = arith.constant 0 : i32
        %dma_start3A_778 = tpu.memref_slice %arg9[%sub3A_769, %dma_start3A_777] : memref<2x4000xi32, #tpu.memory_space<vmem>> -> memref<1x4000xi32, #tpu.memory_space<vmem>>
        %dma_start3A_779 = tpu.memref_squeeze %dma_start3A_778 : memref<1x4000xi32, #tpu.memory_space<vmem>> -> memref<4000xi32, #tpu.memory_space<vmem>>
        %dma_start3A_780 = tpu.memref_slice %arg5[%add3A_772] : memref<320000xi32, #tpu.memory_space<hbm>> -> memref<4000xi32, #tpu.memory_space<hbm>>
        tpu.enqueue_dma source(%dma_start3A_780 : memref<4000xi32, #tpu.memory_space<hbm>>) target(%dma_start3A_779 : memref<4000xi32, #tpu.memory_space<vmem>>) target_semaphore(%arg22 : memref<!tpu.dma_semaphore, #tpu.memory_space<semaphore_mem>>)
        %mul3A_781 = arith.constant 4000 : i32
        %mul3A_782 = arith.muli %add3A_768, %mul3A_781 : i32
        %add3A_783 = arith.addi %mul3A_589, %mul3A_782 : i32
        %dma_start3A_784 = arith.constant 0 : i32
        %dma_start3A_785 = tpu.memref_slice %arg10[%sub3A_769, %dma_start3A_784] : memref<2x4000xi32, #tpu.memory_space<vmem>> -> memref<1x4000xi32, #tpu.memory_space<vmem>>
        %dma_start3A_786 = tpu.memref_squeeze %dma_start3A_785 : memref<1x4000xi32, #tpu.memory_space<vmem>> -> memref<4000xi32, #tpu.memory_space<vmem>>
        %dma_start3A_787 = tpu.memref_slice %arg6[%add3A_783] : memref<320000xi32, #tpu.memory_space<hbm>> -> memref<4000xi32, #tpu.memory_space<hbm>>
        %dma_start3A_788 = arith.constant 0 : i32
        %dma_start3A_789 = tpu.memref_slice %arg10[%sub3A_769, %dma_start3A_788] : memref<2x4000xi32, #tpu.memory_space<vmem>> -> memref<1x4000xi32, #tpu.memory_space<vmem>>
        %dma_start3A_790 = tpu.memref_squeeze %dma_start3A_789 : memref<1x4000xi32, #tpu.memory_space<vmem>> -> memref<4000xi32, #tpu.memory_space<vmem>>
        %dma_start3A_791 = tpu.memref_slice %arg6[%add3A_783] : memref<320000xi32, #tpu.memory_space<hbm>> -> memref<4000xi32, #tpu.memory_space<hbm>>
        tpu.enqueue_dma source(%dma_start3A_791 : memref<4000xi32, #tpu.memory_space<hbm>>) target(%dma_start3A_790 : memref<4000xi32, #tpu.memory_space<vmem>>) target_semaphore(%arg22 : memref<!tpu.dma_semaphore, #tpu.memory_space<semaphore_mem>>)
      } else {
      }
      %dma_start3A_692 = arith.constant 0 : i32
      %dma_start3A_693 = arith.constant 0 : i32
      %dma_start3A_694 = tpu.memref_slice %arg11[%dma_start3A_692, %dma_start3A_693] : memref<160x64xf32, #tpu.memory_space<vmem>> -> memref<80x64xf32, #tpu.memory_space<vmem>>
      %dma_start3A_695 = arith.constant 0 : i32
      %dma_start3A_696 = tpu.memref_slice %arg9[%select_n3A_667, %dma_start3A_695] : memref<2x4000xi32, #tpu.memory_space<vmem>> -> memref<1x80xi32, #tpu.memory_space<vmem>>
      %dma_start3A_697 = tpu.memref_squeeze %dma_start3A_696 : memref<1x80xi32, #tpu.memory_space<vmem>> -> memref<80xi32, #tpu.memory_space<vmem>>
      %dma_start3A_698 = arith.constant 0 : i32
      %dma_start3A_699 = tpu.memref_slice %arg3[%mul3A_583, %dma_start3A_698] : memref<20480x64xf32, #tpu.memory_space<hbm>> -> memref<10240x64xf32, #tpu.memory_space<hbm>>
      %dma_start3A_700 = arith.constant 0 : i32
      %dma_start3A_701 = arith.constant 0 : i32
      %dma_start3A_702 = tpu.memref_slice %dma_start3A_699[%dma_start3A_700, %dma_start3A_701] : memref<10240x64xf32, #tpu.memory_space<hbm>> -> memref<10240x64xf32, #tpu.memory_space<hbm>>
      tpu.enqueue_indirect_dma source(%dma_start3A_702 : memref<10240x64xf32, #tpu.memory_space<hbm>>) target(%dma_start3A_694 : memref<80x64xf32, #tpu.memory_space<vmem>>) offsets(%dma_start3A_697 : memref<80xi32, #tpu.memory_space<vmem>>) semaphore(%arg18 : memref<!tpu.dma_semaphore, #tpu.memory_space<semaphore_mem>>)
      %dma_start3A_703 = arith.constant 0 : i32
      %dma_start3A_704 = arith.constant 0 : i32
      %dma_start3A_705 = tpu.memref_slice %arg12[%dma_start3A_703, %dma_start3A_704] : memref<160x64xf32, #tpu.memory_space<vmem>> -> memref<80x64xf32, #tpu.memory_space<vmem>>
      %dma_start3A_706 = arith.constant 0 : i32
      %dma_start3A_707 = tpu.memref_slice %arg10[%select_n3A_667, %dma_start3A_706] : memref<2x4000xi32, #tpu.memory_space<vmem>> -> memref<1x80xi32, #tpu.memory_space<vmem>>
      %dma_start3A_708 = tpu.memref_squeeze %dma_start3A_707 : memref<1x80xi32, #tpu.memory_space<vmem>> -> memref<80xi32, #tpu.memory_space<vmem>>
      %dma_start3A_709 = arith.constant 0 : i32
      %dma_start3A_710 = tpu.memref_slice %arg2[%mul3A_585, %dma_start3A_709] : memref<20480x64xf32, #tpu.memory_space<hbm>> -> memref<10240x64xf32, #tpu.memory_space<hbm>>
      %dma_start3A_711 = arith.constant 0 : i32
      %dma_start3A_712 = arith.constant 0 : i32
      %dma_start3A_713 = tpu.memref_slice %dma_start3A_710[%dma_start3A_711, %dma_start3A_712] : memref<10240x64xf32, #tpu.memory_space<hbm>> -> memref<10240x64xf32, #tpu.memory_space<hbm>>
      tpu.enqueue_indirect_dma source(%dma_start3A_713 : memref<10240x64xf32, #tpu.memory_space<hbm>>) target(%dma_start3A_705 : memref<80x64xf32, #tpu.memory_space<vmem>>) offsets(%dma_start3A_708 : memref<80xi32, #tpu.memory_space<vmem>>) semaphore(%arg18 : memref<!tpu.dma_semaphore, #tpu.memory_space<semaphore_mem>>)
      %dma_start3A_714 = arith.constant 0 : i32
      %dma_start3A_715 = arith.constant 0 : i32
      %dma_start3A_716 = tpu.memref_slice %arg13[%dma_start3A_714, %dma_start3A_715] : memref<160x64xf32, #tpu.memory_space<vmem>> -> memref<80x64xf32, #tpu.memory_space<vmem>>
      %dma_start3A_717 = arith.constant 0 : i32
      %dma_start3A_718 = tpu.memref_slice %arg9[%select_n3A_667, %dma_start3A_717] : memref<2x4000xi32, #tpu.memory_space<vmem>> -> memref<1x80xi32, #tpu.memory_space<vmem>>
      %dma_start3A_719 = tpu.memref_squeeze %dma_start3A_718 : memref<1x80xi32, #tpu.memory_space<vmem>> -> memref<80xi32, #tpu.memory_space<vmem>>
      %dma_start3A_720 = arith.constant 0 : i32
      %dma_start3A_721 = tpu.memref_slice %arg4[%mul3A_587, %dma_start3A_720] : memref<20480x64xf32, #tpu.memory_space<hbm>> -> memref<10240x64xf32, #tpu.memory_space<hbm>>
      %dma_start3A_722 = arith.constant 0 : i32
      %dma_start3A_723 = arith.constant 0 : i32
      %dma_start3A_724 = tpu.memref_slice %dma_start3A_721[%dma_start3A_722, %dma_start3A_723] : memref<10240x64xf32, #tpu.memory_space<hbm>> -> memref<10240x64xf32, #tpu.memory_space<hbm>>
      tpu.enqueue_indirect_dma source(%dma_start3A_724 : memref<10240x64xf32, #tpu.memory_space<hbm>>) target(%dma_start3A_716 : memref<80x64xf32, #tpu.memory_space<vmem>>) offsets(%dma_start3A_719 : memref<80xi32, #tpu.memory_space<vmem>>) semaphore(%arg18 : memref<!tpu.dma_semaphore, #tpu.memory_space<semaphore_mem>>)
      %scan3A_725 = arith.constant 0 : i32
      %scan3A_726 = arith.constant 0 : i32
      %scan3A_727 = arith.constant 25 : i32
      %scan3A_728 = arith.addi %scan3A_726, %scan3A_727 : i32
      %scan3A_729 = arith.constant 1 : i32
      scf.for %scan3A_767 = %scan3A_726 to %scan3A_728 step %scan3A_729  : i32 {
        %mul3A_768 = arith.constant 2 : i32
        %mul3A_769 = arith.muli %mul3A_768, %scan3A_767 : i32
        %add3A_770 = arith.constant 1 : i32
        %add3A_771 = arith.addi %mul3A_769, %add3A_770 : i32
        %mul3A_772 = arith.constant 80 : i32
        %mul3A_773 = arith.muli %add3A_771, %mul3A_772 : i32
        %mul3A_774 = arith.constant 80 : i32
        %mul3A_775 = arith.muli %add3A_771, %mul3A_774 : i32
        %dma_start3A_776 = arith.constant 80 : i32
        %dma_start3A_777 = arith.constant 0 : i32
        %dma_start3A_778 = tpu.memref_slice %arg11[%dma_start3A_776, %dma_start3A_777] : memref<160x64xf32, #tpu.memory_space<vmem>> -> memref<80x64xf32, #tpu.memory_space<vmem>>
        %dma_start3A_779 = tpu.memref_slice %arg9[%select_n3A_667, %mul3A_773] : memref<2x4000xi32, #tpu.memory_space<vmem>> -> memref<1x80xi32, #tpu.memory_space<vmem>>
        %dma_start3A_780 = tpu.memref_squeeze %dma_start3A_779 : memref<1x80xi32, #tpu.memory_space<vmem>> -> memref<80xi32, #tpu.memory_space<vmem>>
        %dma_start3A_781 = arith.constant 0 : i32
        %dma_start3A_782 = tpu.memref_slice %arg3[%mul3A_583, %dma_start3A_781] : memref<20480x64xf32, #tpu.memory_space<hbm>> -> memref<10240x64xf32, #tpu.memory_space<hbm>>
        %dma_start3A_783 = arith.constant 0 : i32
        %dma_start3A_784 = arith.constant 0 : i32
        %dma_start3A_785 = tpu.memref_slice %dma_start3A_782[%dma_start3A_783, %dma_start3A_784] : memref<10240x64xf32, #tpu.memory_space<hbm>> -> memref<10240x64xf32, #tpu.memory_space<hbm>>
        tpu.enqueue_indirect_dma source(%dma_start3A_785 : memref<10240x64xf32, #tpu.memory_space<hbm>>) target(%dma_start3A_778 : memref<80x64xf32, #tpu.memory_space<vmem>>) offsets(%dma_start3A_780 : memref<80xi32, #tpu.memory_space<vmem>>) semaphore(%arg19 : memref<!tpu.dma_semaphore, #tpu.memory_space<semaphore_mem>>)
        %dma_start3A_786 = arith.constant 80 : i32
        %dma_start3A_787 = arith.constant 0 : i32
        %dma_start3A_788 = tpu.memref_slice %arg12[%dma_start3A_786, %dma_start3A_787] : memref<160x64xf32, #tpu.memory_space<vmem>> -> memref<80x64xf32, #tpu.memory_space<vmem>>
        %dma_start3A_789 = tpu.memref_slice %arg10[%select_n3A_667, %mul3A_775] : memref<2x4000xi32, #tpu.memory_space<vmem>> -> memref<1x80xi32, #tpu.memory_space<vmem>>
        %dma_start3A_790 = tpu.memref_squeeze %dma_start3A_789 : memref<1x80xi32, #tpu.memory_space<vmem>> -> memref<80xi32, #tpu.memory_space<vmem>>
        %dma_start3A_791 = arith.constant 0 : i32
        %dma_start3A_792 = tpu.memref_slice %arg2[%mul3A_585, %dma_start3A_791] : memref<20480x64xf32, #tpu.memory_space<hbm>> -> memref<10240x64xf32, #tpu.memory_space<hbm>>
        %dma_start3A_793 = arith.constant 0 : i32
        %dma_start3A_794 = arith.constant 0 : i32
        %dma_start3A_795 = tpu.memref_slice %dma_start3A_792[%dma_start3A_793, %dma_start3A_794] : memref<10240x64xf32, #tpu.memory_space<hbm>> -> memref<10240x64xf32, #tpu.memory_space<hbm>>
        tpu.enqueue_indirect_dma source(%dma_start3A_795 : memref<10240x64xf32, #tpu.memory_space<hbm>>) target(%dma_start3A_788 : memref<80x64xf32, #tpu.memory_space<vmem>>) offsets(%dma_start3A_790 : memref<80xi32, #tpu.memory_space<vmem>>) semaphore(%arg19 : memref<!tpu.dma_semaphore, #tpu.memory_space<semaphore_mem>>)
        %dma_start3A_796 = arith.constant 80 : i32
        %dma_start3A_797 = arith.constant 0 : i32
        %dma_start3A_798 = tpu.memref_slice %arg13[%dma_start3A_796, %dma_start3A_797] : memref<160x64xf32, #tpu.memory_space<vmem>> -> memref<80x64xf32, #tpu.memory_space<vmem>>
        %dma_start3A_799 = tpu.memref_slice %arg9[%select_n3A_667, %mul3A_773] : memref<2x4000xi32, #tpu.memory_space<vmem>> -> memref<1x80xi32, #tpu.memory_space<vmem>>
        %dma_start3A_800 = tpu.memref_squeeze %dma_start3A_799 : memref<1x80xi32, #tpu.memory_space<vmem>> -> memref<80xi32, #tpu.memory_space<vmem>>
        %dma_start3A_801 = arith.constant 0 : i32
        %dma_start3A_802 = tpu.memref_slice %arg4[%mul3A_587, %dma_start3A_801] : memref<20480x64xf32, #tpu.memory_space<hbm>> -> memref<10240x64xf32, #tpu.memory_space<hbm>>
        %dma_start3A_803 = arith.constant 0 : i32
        %dma_start3A_804 = arith.constant 0 : i32
        %dma_start3A_805 = tpu.memref_slice %dma_start3A_802[%dma_start3A_803, %dma_start3A_804] : memref<10240x64xf32, #tpu.memory_space<hbm>> -> memref<10240x64xf32, #tpu.memory_space<hbm>>
        tpu.enqueue_indirect_dma source(%dma_start3A_805 : memref<10240x64xf32, #tpu.memory_space<hbm>>) target(%dma_start3A_798 : memref<80x64xf32, #tpu.memory_space<vmem>>) offsets(%dma_start3A_800 : memref<80xi32, #tpu.memory_space<vmem>>) semaphore(%arg19 : memref<!tpu.dma_semaphore, #tpu.memory_space<semaphore_mem>>)
        %mul3A_806 = arith.constant 80 : i32
        %mul3A_807 = arith.muli %mul3A_769, %mul3A_806 : i32
        %mul3A_808 = arith.constant 80 : i32
        %mul3A_809 = arith.muli %mul3A_769, %mul3A_808 : i32
        %dma_wait3A_810 = arith.constant 0 : i32
        %dma_wait3A_811 = arith.constant 0 : i32
        %dma_wait3A_812 = tpu.memref_slice %arg11[%dma_wait3A_810, %dma_wait3A_811] : memref<160x64xf32, #tpu.memory_space<vmem>> -> memref<80x64xf32, #tpu.memory_space<vmem>>
        %dma_wait3A_813 = tpu.memref_slice %arg9[%select_n3A_667, %mul3A_807] : memref<2x4000xi32, #tpu.memory_space<vmem>> -> memref<1x80xi32, #tpu.memory_space<vmem>>
        %dma_wait3A_814 = tpu.memref_squeeze %dma_wait3A_813 : memref<1x80xi32, #tpu.memory_space<vmem>> -> memref<80xi32, #tpu.memory_space<vmem>>
        %dma_wait3A_815 = arith.constant 0 : i32
        %dma_wait3A_816 = tpu.memref_slice %arg3[%mul3A_583, %dma_wait3A_815] : memref<20480x64xf32, #tpu.memory_space<hbm>> -> memref<10240x64xf32, #tpu.memory_space<hbm>>
        %dma_wait3A_817 = arith.constant 0 : i32
        %dma_wait3A_818 = arith.constant 0 : i32
        %dma_wait3A_819 = tpu.memref_slice %dma_wait3A_816[%dma_wait3A_817, %dma_wait3A_818] : memref<10240x64xf32, #tpu.memory_space<hbm>> -> memref<10240x64xf32, #tpu.memory_space<hbm>>
        tpu.wait_indirect_dma semaphore(%arg18 : memref<!tpu.dma_semaphore, #tpu.memory_space<semaphore_mem>>) src(%dma_wait3A_819 : memref<10240x64xf32, #tpu.memory_space<hbm>>) dst(%dma_wait3A_812 : memref<80x64xf32, #tpu.memory_space<vmem>>)
        %dma_wait3A_820 = arith.constant 0 : i32
        %dma_wait3A_821 = arith.constant 0 : i32
        %dma_wait3A_822 = tpu.memref_slice %arg12[%dma_wait3A_820, %dma_wait3A_821] : memref<160x64xf32, #tpu.memory_space<vmem>> -> memref<80x64xf32, #tpu.memory_space<vmem>>
        %dma_wait3A_823 = tpu.memref_slice %arg10[%select_n3A_667, %mul3A_809] : memref<2x4000xi32, #tpu.memory_space<vmem>> -> memref<1x80xi32, #tpu.memory_space<vmem>>
        %dma_wait3A_824 = tpu.memref_squeeze %dma_wait3A_823 : memref<1x80xi32, #tpu.memory_space<vmem>> -> memref<80xi32, #tpu.memory_space<vmem>>
        %dma_wait3A_825 = arith.constant 0 : i32
        %dma_wait3A_826 = tpu.memref_slice %arg2[%mul3A_585, %dma_wait3A_825] : memref<20480x64xf32, #tpu.memory_space<hbm>> -> memref<10240x64xf32, #tpu.memory_space<hbm>>
        %dma_wait3A_827 = arith.constant 0 : i32
        %dma_wait3A_828 = arith.constant 0 : i32
        %dma_wait3A_829 = tpu.memref_slice %dma_wait3A_826[%dma_wait3A_827, %dma_wait3A_828] : memref<10240x64xf32, #tpu.memory_space<hbm>> -> memref<10240x64xf32, #tpu.memory_space<hbm>>
        tpu.wait_indirect_dma semaphore(%arg18 : memref<!tpu.dma_semaphore, #tpu.memory_space<semaphore_mem>>) src(%dma_wait3A_829 : memref<10240x64xf32, #tpu.memory_space<hbm>>) dst(%dma_wait3A_822 : memref<80x64xf32, #tpu.memory_space<vmem>>)
        %dma_wait3A_830 = arith.constant 0 : i32
        %dma_wait3A_831 = arith.constant 0 : i32
        %dma_wait3A_832 = tpu.memref_slice %arg13[%dma_wait3A_830, %dma_wait3A_831] : memref<160x64xf32, #tpu.memory_space<vmem>> -> memref<80x64xf32, #tpu.memory_space<vmem>>
        %dma_wait3A_833 = tpu.memref_slice %arg9[%select_n3A_667, %mul3A_807] : memref<2x4000xi32, #tpu.memory_space<vmem>> -> memref<1x80xi32, #tpu.memory_space<vmem>>
        %dma_wait3A_834 = tpu.memref_squeeze %dma_wait3A_833 : memref<1x80xi32, #tpu.memory_space<vmem>> -> memref<80xi32, #tpu.memory_space<vmem>>
        %dma_wait3A_835 = arith.constant 0 : i32
        %dma_wait3A_836 = tpu.memref_slice %arg4[%mul3A_587, %dma_wait3A_835] : memref<20480x64xf32, #tpu.memory_space<hbm>> -> memref<10240x64xf32, #tpu.memory_space<hbm>>
        %dma_wait3A_837 = arith.constant 0 : i32
        %dma_wait3A_838 = arith.constant 0 : i32
        %dma_wait3A_839 = tpu.memref_slice %dma_wait3A_836[%dma_wait3A_837, %dma_wait3A_838] : memref<10240x64xf32, #tpu.memory_space<hbm>> -> memref<10240x64xf32, #tpu.memory_space<hbm>>
        tpu.wait_indirect_dma semaphore(%arg18 : memref<!tpu.dma_semaphore, #tpu.memory_space<semaphore_mem>>) src(%dma_wait3A_839 : memref<10240x64xf32, #tpu.memory_space<hbm>>) dst(%dma_wait3A_832 : memref<80x64xf32, #tpu.memory_space<vmem>>)
        %gt3A = arith.constant 0 : i32
        %gt3A_840 = arith.cmpi sgt, %scan3A_767, %gt3A : i32
        %convert_element_type3A_841 = arith.extui %gt3A_840 : i1 to i32
        %cond3A_842 = arith.constant 0 : i32
        %cond3A_843 = arith.cmpi ne, %convert_element_type3A_841, %cond3A_842 : i32
        scf.if %cond3A_843 {
          %sub3A = arith.constant 2 : i32
          %sub3A_940 = arith.subi %mul3A_769, %sub3A : i32
          %mul3A_941 = arith.constant 80 : i32
          %mul3A_942 = arith.muli %sub3A_940, %mul3A_941 : i32
          %dma_wait3A_943 = arith.constant 0 : i32
          %dma_wait3A_944 = arith.constant 0 : i32
          %dma_wait3A_945 = tpu.memref_slice %arg14[%dma_wait3A_943, %dma_wait3A_944] : memref<160x64xf32, #tpu.memory_space<vmem>> -> memref<80x64xf32, #tpu.memory_space<vmem>>
          %dma_wait3A_946 = tpu.memref_slice %arg10[%select_n3A_667, %mul3A_942] : memref<2x4000xi32, #tpu.memory_space<vmem>> -> memref<1x80xi32, #tpu.memory_space<vmem>>
          %dma_wait3A_947 = tpu.memref_squeeze %dma_wait3A_946 : memref<1x80xi32, #tpu.memory_space<vmem>> -> memref<80xi32, #tpu.memory_space<vmem>>
          %dma_wait3A_948 = arith.constant 0 : i32
          %dma_wait3A_949 = arith.constant 0 : i32
          %dma_wait3A_950 = tpu.memref_slice %arg16[%dma_wait3A_948, %dma_wait3A_949] : memref<10240x64xf32, #tpu.memory_space<vmem_shared>> -> memref<10240x64xf32, #tpu.memory_space<vmem_shared>>
          tpu.wait_indirect_dma semaphore(%arg20 : memref<!tpu.dma_semaphore, #tpu.memory_space<semaphore_mem>>) src(%dma_wait3A_945 : memref<80x64xf32, #tpu.memory_space<vmem>>) dst(%dma_wait3A_950 : memref<10240x64xf32, #tpu.memory_space<vmem_shared>>)
          %dma_wait3A_951 = arith.constant 0 : i32
          %dma_wait3A_952 = arith.constant 0 : i32
          %dma_wait3A_953 = tpu.memref_slice %arg15[%dma_wait3A_951, %dma_wait3A_952] : memref<160x16xf32, #tpu.memory_space<vmem>> -> memref<80x16xf32, #tpu.memory_space<vmem>>
          %dma_wait3A_954 = tpu.memref_slice %arg10[%select_n3A_667, %mul3A_942] : memref<2x4000xi32, #tpu.memory_space<vmem>> -> memref<1x80xi32, #tpu.memory_space<vmem>>
          %dma_wait3A_955 = tpu.memref_squeeze %dma_wait3A_954 : memref<1x80xi32, #tpu.memory_space<vmem>> -> memref<80xi32, #tpu.memory_space<vmem>>
          %dma_wait3A_956 = arith.constant 0 : i32
          %dma_wait3A_957 = arith.constant 0 : i32
          %dma_wait3A_958 = tpu.memref_slice %arg17[%dma_wait3A_956, %dma_wait3A_957] : memref<10240x16xf32, #tpu.memory_space<vmem_shared>> -> memref<10240x16xf32, #tpu.memory_space<vmem_shared>>
          tpu.wait_indirect_dma semaphore(%arg20 : memref<!tpu.dma_semaphore, #tpu.memory_space<semaphore_mem>>) src(%dma_wait3A_953 : memref<80x16xf32, #tpu.memory_space<vmem>>) dst(%dma_wait3A_958 : memref<10240x16xf32, #tpu.memory_space<vmem_shared>>)
        } else {
        }
        %scan3A_844 = arith.constant 0 : i32
        %scan3A_845 = arith.constant 0 : i32
        %scan3A_846 = arith.constant 5 : i32
        %scan3A_847 = arith.addi %scan3A_845, %scan3A_846 : i32
        %scan3A_848 = arith.constant 1 : i32
        scf.for %scan3A_940 = %scan3A_845 to %scan3A_847 step %scan3A_848  : i32 {
          %mul3A_941 = arith.constant 16 : i32
          %mul3A_942 = arith.muli %scan3A_940, %mul3A_941 : i32
          %add3A_943 = arith.constant 0 : i32
          %add3A_944 = arith.addi %add3A_943, %mul3A_942 : i32
          %add3A_945 = vector.broadcast %add3A_944 : i32 to vector<16xi32>
          %add3A_946 = arith.addi %add3A_945, %iota3A : vector<16xi32>
          %gather3A = tpu.vector_load_idx %arg11[%add3A_946, %add3A_7] : memref<160x64xf32, #tpu.memory_space<vmem>>[vector<16xi32>, vector<16xi32>], vector<16xf32>,
          %gather3A_947 = tpu.vector_load_idx %arg12[%add3A_946, %add3A_7] : memref<160x64xf32, #tpu.memory_space<vmem>>[vector<16xi32>, vector<16xi32>], vector<16xf32>,
          %mul3A_948 = arith.mulf %gather3A, %gather3A_947 : vector<16xf32>
          %add3A_949 = arith.addf %broadcast_in_dim3A_0, %mul3A_948 : vector<16xf32>
          %gather3A_950 = tpu.vector_load_idx %arg11[%add3A_946, %add3A_16] : memref<160x64xf32, #tpu.memory_space<vmem>>[vector<16xi32>, vector<16xi32>], vector<16xf32>,
          %gather3A_951 = tpu.vector_load_idx %arg12[%add3A_946, %add3A_16] : memref<160x64xf32, #tpu.memory_space<vmem>>[vector<16xi32>, vector<16xi32>], vector<16xf32>,
          %mul3A_952 = arith.mulf %gather3A_950, %gather3A_951 : vector<16xf32>
          %add3A_953 = arith.addf %add3A_949, %mul3A_952 : vector<16xf32>
          %gather3A_954 = tpu.vector_load_idx %arg11[%add3A_946, %add3A_25] : memref<160x64xf32, #tpu.memory_space<vmem>>[vector<16xi32>, vector<16xi32>], vector<16xf32>,
          %gather3A_955 = tpu.vector_load_idx %arg12[%add3A_946, %add3A_25] : memref<160x64xf32, #tpu.memory_space<vmem>>[vector<16xi32>, vector<16xi32>], vector<16xf32>,
          %mul3A_956 = arith.mulf %gather3A_954, %gather3A_955 : vector<16xf32>
          %add3A_957 = arith.addf %add3A_953, %mul3A_956 : vector<16xf32>
          %gather3A_958 = tpu.vector_load_idx %arg11[%add3A_946, %add3A_34] : memref<160x64xf32, #tpu.memory_space<vmem>>[vector<16xi32>, vector<16xi32>], vector<16xf32>,
          %gather3A_959 = tpu.vector_load_idx %arg12[%add3A_946, %add3A_34] : memref<160x64xf32, #tpu.memory_space<vmem>>[vector<16xi32>, vector<16xi32>], vector<16xf32>,
          %mul3A_960 = arith.mulf %gather3A_958, %gather3A_959 : vector<16xf32>
          %add3A_961 = arith.addf %add3A_957, %mul3A_960 : vector<16xf32>
          %gather3A_962 = tpu.vector_load_idx %arg11[%add3A_946, %add3A_43] : memref<160x64xf32, #tpu.memory_space<vmem>>[vector<16xi32>, vector<16xi32>], vector<16xf32>,
          %gather3A_963 = tpu.vector_load_idx %arg12[%add3A_946, %add3A_43] : memref<160x64xf32, #tpu.memory_space<vmem>>[vector<16xi32>, vector<16xi32>], vector<16xf32>,
          %mul3A_964 = arith.mulf %gather3A_962, %gather3A_963 : vector<16xf32>
          %add3A_965 = arith.addf %add3A_961, %mul3A_964 : vector<16xf32>
          %gather3A_966 = tpu.vector_load_idx %arg11[%add3A_946, %add3A_52] : memref<160x64xf32, #tpu.memory_space<vmem>>[vector<16xi32>, vector<16xi32>], vector<16xf32>,
          %gather3A_967 = tpu.vector_load_idx %arg12[%add3A_946, %add3A_52] : memref<160x64xf32, #tpu.memory_space<vmem>>[vector<16xi32>, vector<16xi32>], vector<16xf32>,
          %mul3A_968 = arith.mulf %gather3A_966, %gather3A_967 : vector<16xf32>
          %add3A_969 = arith.addf %add3A_965, %mul3A_968 : vector<16xf32>
          %gather3A_970 = tpu.vector_load_idx %arg11[%add3A_946, %add3A_61] : memref<160x64xf32, #tpu.memory_space<vmem>>[vector<16xi32>, vector<16xi32>], vector<16xf32>,
          %gather3A_971 = tpu.vector_load_idx %arg12[%add3A_946, %add3A_61] : memref<160x64xf32, #tpu.memory_space<vmem>>[vector<16xi32>, vector<16xi32>], vector<16xf32>,
          %mul3A_972 = arith.mulf %gather3A_970, %gather3A_971 : vector<16xf32>
          %add3A_973 = arith.addf %add3A_969, %mul3A_972 : vector<16xf32>
          %gather3A_974 = tpu.vector_load_idx %arg11[%add3A_946, %add3A_70] : memref<160x64xf32, #tpu.memory_space<vmem>>[vector<16xi32>, vector<16xi32>], vector<16xf32>,
          %gather3A_975 = tpu.vector_load_idx %arg12[%add3A_946, %add3A_70] : memref<160x64xf32, #tpu.memory_space<vmem>>[vector<16xi32>, vector<16xi32>], vector<16xf32>,
          %mul3A_976 = arith.mulf %gather3A_974, %gather3A_975 : vector<16xf32>
          %add3A_977 = arith.addf %add3A_973, %mul3A_976 : vector<16xf32>
          %gather3A_978 = tpu.vector_load_idx %arg11[%add3A_946, %add3A_79] : memref<160x64xf32, #tpu.memory_space<vmem>>[vector<16xi32>, vector<16xi32>], vector<16xf32>,
          %gather3A_979 = tpu.vector_load_idx %arg12[%add3A_946, %add3A_79] : memref<160x64xf32, #tpu.memory_space<vmem>>[vector<16xi32>, vector<16xi32>], vector<16xf32>,
          %mul3A_980 = arith.mulf %gather3A_978, %gather3A_979 : vector<16xf32>
          %add3A_981 = arith.addf %add3A_977, %mul3A_980 : vector<16xf32>
          %gather3A_982 = tpu.vector_load_idx %arg11[%add3A_946, %add3A_88] : memref<160x64xf32, #tpu.memory_space<vmem>>[vector<16xi32>, vector<16xi32>], vector<16xf32>,
          %gather3A_983 = tpu.vector_load_idx %arg12[%add3A_946, %add3A_88] : memref<160x64xf32, #tpu.memory_space<vmem>>[vector<16xi32>, vector<16xi32>], vector<16xf32>,
          %mul3A_984 = arith.mulf %gather3A_982, %gather3A_983 : vector<16xf32>
          %add3A_985 = arith.addf %add3A_981, %mul3A_984 : vector<16xf32>
          %gather3A_986 = tpu.vector_load_idx %arg11[%add3A_946, %add3A_97] : memref<160x64xf32, #tpu.memory_space<vmem>>[vector<16xi32>, vector<16xi32>], vector<16xf32>,
          %gather3A_987 = tpu.vector_load_idx %arg12[%add3A_946, %add3A_97] : memref<160x64xf32, #tpu.memory_space<vmem>>[vector<16xi32>, vector<16xi32>], vector<16xf32>,
          %mul3A_988 = arith.mulf %gather3A_986, %gather3A_987 : vector<16xf32>
          %add3A_989 = arith.addf %add3A_985, %mul3A_988 : vector<16xf32>
          %gather3A_990 = tpu.vector_load_idx %arg11[%add3A_946, %add3A_106] : memref<160x64xf32, #tpu.memory_space<vmem>>[vector<16xi32>, vector<16xi32>], vector<16xf32>,
          %gather3A_991 = tpu.vector_load_idx %arg12[%add3A_946, %add3A_106] : memref<160x64xf32, #tpu.memory_space<vmem>>[vector<16xi32>, vector<16xi32>], vector<16xf32>,
          %mul3A_992 = arith.mulf %gather3A_990, %gather3A_991 : vector<16xf32>
          %add3A_993 = arith.addf %add3A_989, %mul3A_992 : vector<16xf32>
          %gather3A_994 = tpu.vector_load_idx %arg11[%add3A_946, %add3A_115] : memref<160x64xf32, #tpu.memory_space<vmem>>[vector<16xi32>, vector<16xi32>], vector<16xf32>,
          %gather3A_995 = tpu.vector_load_idx %arg12[%add3A_946, %add3A_115] : memref<160x64xf32, #tpu.memory_space<vmem>>[vector<16xi32>, vector<16xi32>], vector<16xf32>,
          %mul3A_996 = arith.mulf %gather3A_994, %gather3A_995 : vector<16xf32>
          %add3A_997 = arith.addf %add3A_993, %mul3A_996 : vector<16xf32>
          %gather3A_998 = tpu.vector_load_idx %arg11[%add3A_946, %add3A_124] : memref<160x64xf32, #tpu.memory_space<vmem>>[vector<16xi32>, vector<16xi32>], vector<16xf32>,
          %gather3A_999 = tpu.vector_load_idx %arg12[%add3A_946, %add3A_124] : memref<160x64xf32, #tpu.memory_space<vmem>>[vector<16xi32>, vector<16xi32>], vector<16xf32>,
          %mul3A_1000 = arith.mulf %gather3A_998, %gather3A_999 : vector<16xf32>
          %add3A_1001 = arith.addf %add3A_997, %mul3A_1000 : vector<16xf32>
          %gather3A_1002 = tpu.vector_load_idx %arg11[%add3A_946, %add3A_133] : memref<160x64xf32, #tpu.memory_space<vmem>>[vector<16xi32>, vector<16xi32>], vector<16xf32>,
          %gather3A_1003 = tpu.vector_load_idx %arg12[%add3A_946, %add3A_133] : memref<160x64xf32, #tpu.memory_space<vmem>>[vector<16xi32>, vector<16xi32>], vector<16xf32>,
          %mul3A_1004 = arith.mulf %gather3A_1002, %gather3A_1003 : vector<16xf32>
          %add3A_1005 = arith.addf %add3A_1001, %mul3A_1004 : vector<16xf32>
          %gather3A_1006 = tpu.vector_load_idx %arg11[%add3A_946, %add3A_142] : memref<160x64xf32, #tpu.memory_space<vmem>>[vector<16xi32>, vector<16xi32>], vector<16xf32>,
          %gather3A_1007 = tpu.vector_load_idx %arg12[%add3A_946, %add3A_142] : memref<160x64xf32, #tpu.memory_space<vmem>>[vector<16xi32>, vector<16xi32>], vector<16xf32>,
          %mul3A_1008 = arith.mulf %gather3A_1006, %gather3A_1007 : vector<16xf32>
          %add3A_1009 = arith.addf %add3A_1005, %mul3A_1008 : vector<16xf32>
          %exp3A = math.exp %add3A_1009 : vector<16xf32>
          tpu.vector_store_idx %arg15[%add3A_946, %broadcast_in_dim3A_576], %exp3A : memref<160x16xf32, #tpu.memory_space<vmem>>[vector<16xi32>, vector<16xi32>], vector<16xf32>,
          %gather3A_1010 = tpu.vector_load_idx %arg13[%add3A_946, %add3A_7] : memref<160x64xf32, #tpu.memory_space<vmem>>[vector<16xi32>, vector<16xi32>], vector<16xf32>,
          %mul3A_1011 = arith.mulf %exp3A, %gather3A_1010 : vector<16xf32>
          tpu.vector_store_idx %arg14[%add3A_946, %add3A_7], %mul3A_1011 : memref<160x64xf32, #tpu.memory_space<vmem>>[vector<16xi32>, vector<16xi32>], vector<16xf32>,
          %gather3A_1012 = tpu.vector_load_idx %arg13[%add3A_946, %add3A_16] : memref<160x64xf32, #tpu.memory_space<vmem>>[vector<16xi32>, vector<16xi32>], vector<16xf32>,
          %mul3A_1013 = arith.mulf %exp3A, %gather3A_1012 : vector<16xf32>
          tpu.vector_store_idx %arg14[%add3A_946, %add3A_16], %mul3A_1013 : memref<160x64xf32, #tpu.memory_space<vmem>>[vector<16xi32>, vector<16xi32>], vector<16xf32>,
          %gather3A_1014 = tpu.vector_load_idx %arg13[%add3A_946, %add3A_25] : memref<160x64xf32, #tpu.memory_space<vmem>>[vector<16xi32>, vector<16xi32>], vector<16xf32>,
          %mul3A_1015 = arith.mulf %exp3A, %gather3A_1014 : vector<16xf32>
          tpu.vector_store_idx %arg14[%add3A_946, %add3A_25], %mul3A_1015 : memref<160x64xf32, #tpu.memory_space<vmem>>[vector<16xi32>, vector<16xi32>], vector<16xf32>,
          %gather3A_1016 = tpu.vector_load_idx %arg13[%add3A_946, %add3A_34] : memref<160x64xf32, #tpu.memory_space<vmem>>[vector<16xi32>, vector<16xi32>], vector<16xf32>,
          %mul3A_1017 = arith.mulf %exp3A, %gather3A_1016 : vector<16xf32>
          tpu.vector_store_idx %arg14[%add3A_946, %add3A_34], %mul3A_1017 : memref<160x64xf32, #tpu.memory_space<vmem>>[vector<16xi32>, vector<16xi32>], vector<16xf32>,
          %gather3A_1018 = tpu.vector_load_idx %arg13[%add3A_946, %add3A_43] : memref<160x64xf32, #tpu.memory_space<vmem>>[vector<16xi32>, vector<16xi32>], vector<16xf32>,
          %mul3A_1019 = arith.mulf %exp3A, %gather3A_1018 : vector<16xf32>
          tpu.vector_store_idx %arg14[%add3A_946, %add3A_43], %mul3A_1019 : memref<160x64xf32, #tpu.memory_space<vmem>>[vector<16xi32>, vector<16xi32>], vector<16xf32>,
          %gather3A_1020 = tpu.vector_load_idx %arg13[%add3A_946, %add3A_52] : memref<160x64xf32, #tpu.memory_space<vmem>>[vector<16xi32>, vector<16xi32>], vector<16xf32>,
          %mul3A_1021 = arith.mulf %exp3A, %gather3A_1020 : vector<16xf32>
          tpu.vector_store_idx %arg14[%add3A_946, %add3A_52], %mul3A_1021 : memref<160x64xf32, #tpu.memory_space<vmem>>[vector<16xi32>, vector<16xi32>], vector<16xf32>,
          %gather3A_1022 = tpu.vector_load_idx %arg13[%add3A_946, %add3A_61] : memref<160x64xf32, #tpu.memory_space<vmem>>[vector<16xi32>, vector<16xi32>], vector<16xf32>,
          %mul3A_1023 = arith.mulf %exp3A, %gather3A_1022 : vector<16xf32>
          tpu.vector_store_idx %arg14[%add3A_946, %add3A_61], %mul3A_1023 : memref<160x64xf32, #tpu.memory_space<vmem>>[vector<16xi32>, vector<16xi32>], vector<16xf32>,
          %gather3A_1024 = tpu.vector_load_idx %arg13[%add3A_946, %add3A_70] : memref<160x64xf32, #tpu.memory_space<vmem>>[vector<16xi32>, vector<16xi32>], vector<16xf32>,
          %mul3A_1025 = arith.mulf %exp3A, %gather3A_1024 : vector<16xf32>
          tpu.vector_store_idx %arg14[%add3A_946, %add3A_70], %mul3A_1025 : memref<160x64xf32, #tpu.memory_space<vmem>>[vector<16xi32>, vector<16xi32>], vector<16xf32>,
          %gather3A_1026 = tpu.vector_load_idx %arg13[%add3A_946, %add3A_79] : memref<160x64xf32, #tpu.memory_space<vmem>>[vector<16xi32>, vector<16xi32>], vector<16xf32>,
          %mul3A_1027 = arith.mulf %exp3A, %gather3A_1026 : vector<16xf32>
          tpu.vector_store_idx %arg14[%add3A_946, %add3A_79], %mul3A_1027 : memref<160x64xf32, #tpu.memory_space<vmem>>[vector<16xi32>, vector<16xi32>], vector<16xf32>,
          %gather3A_1028 = tpu.vector_load_idx %arg13[%add3A_946, %add3A_88] : memref<160x64xf32, #tpu.memory_space<vmem>>[vector<16xi32>, vector<16xi32>], vector<16xf32>,
          %mul3A_1029 = arith.mulf %exp3A, %gather3A_1028 : vector<16xf32>
          tpu.vector_store_idx %arg14[%add3A_946, %add3A_88], %mul3A_1029 : memref<160x64xf32, #tpu.memory_space<vmem>>[vector<16xi32>, vector<16xi32>], vector<16xf32>,
          %gather3A_1030 = tpu.vector_load_idx %arg13[%add3A_946, %add3A_97] : memref<160x64xf32, #tpu.memory_space<vmem>>[vector<16xi32>, vector<16xi32>], vector<16xf32>,
          %mul3A_1031 = arith.mulf %exp3A, %gather3A_1030 : vector<16xf32>
          tpu.vector_store_idx %arg14[%add3A_946, %add3A_97], %mul3A_1031 : memref<160x64xf32, #tpu.memory_space<vmem>>[vector<16xi32>, vector<16xi32>], vector<16xf32>,
          %gather3A_1032 = tpu.vector_load_idx %arg13[%add3A_946, %add3A_106] : memref<160x64xf32, #tpu.memory_space<vmem>>[vector<16xi32>, vector<16xi32>], vector<16xf32>,
          %mul3A_1033 = arith.mulf %exp3A, %gather3A_1032 : vector<16xf32>
          tpu.vector_store_idx %arg14[%add3A_946, %add3A_106], %mul3A_1033 : memref<160x64xf32, #tpu.memory_space<vmem>>[vector<16xi32>, vector<16xi32>], vector<16xf32>,
          %gather3A_1034 = tpu.vector_load_idx %arg13[%add3A_946, %add3A_115] : memref<160x64xf32, #tpu.memory_space<vmem>>[vector<16xi32>, vector<16xi32>], vector<16xf32>,
          %mul3A_1035 = arith.mulf %exp3A, %gather3A_1034 : vector<16xf32>
          tpu.vector_store_idx %arg14[%add3A_946, %add3A_115], %mul3A_1035 : memref<160x64xf32, #tpu.memory_space<vmem>>[vector<16xi32>, vector<16xi32>], vector<16xf32>,
          %gather3A_1036 = tpu.vector_load_idx %arg13[%add3A_946, %add3A_124] : memref<160x64xf32, #tpu.memory_space<vmem>>[vector<16xi32>, vector<16xi32>], vector<16xf32>,
          %mul3A_1037 = arith.mulf %exp3A, %gather3A_1036 : vector<16xf32>
          tpu.vector_store_idx %arg14[%add3A_946, %add3A_124], %mul3A_1037 : memref<160x64xf32, #tpu.memory_space<vmem>>[vector<16xi32>, vector<16xi32>], vector<16xf32>,
          %gather3A_1038 = tpu.vector_load_idx %arg13[%add3A_946, %add3A_133] : memref<160x64xf32, #tpu.memory_space<vmem>>[vector<16xi32>, vector<16xi32>], vector<16xf32>,
          %mul3A_1039 = arith.mulf %exp3A, %gather3A_1038 : vector<16xf32>
          tpu.vector_store_idx %arg14[%add3A_946, %add3A_133], %mul3A_1039 : memref<160x64xf32, #tpu.memory_space<vmem>>[vector<16xi32>, vector<16xi32>], vector<16xf32>,
          %gather3A_1040 = tpu.vector_load_idx %arg13[%add3A_946, %add3A_142] : memref<160x64xf32, #tpu.memory_space<vmem>>[vector<16xi32>, vector<16xi32>], vector<16xf32>,
          %mul3A_1041 = arith.mulf %exp3A, %gather3A_1040 : vector<16xf32>
          tpu.vector_store_idx %arg14[%add3A_946, %add3A_142], %mul3A_1041 : memref<160x64xf32, #tpu.memory_space<vmem>>[vector<16xi32>, vector<16xi32>], vector<16xf32>,
          %gather3A_1042 = tpu.vector_load_idx %arg11[%add3A_946, %add3A_151] : memref<160x64xf32, #tpu.memory_space<vmem>>[vector<16xi32>, vector<16xi32>], vector<16xf32>,
          %gather3A_1043 = tpu.vector_load_idx %arg12[%add3A_946, %add3A_151] : memref<160x64xf32, #tpu.memory_space<vmem>>[vector<16xi32>, vector<16xi32>], vector<16xf32>,
          %mul3A_1044 = arith.mulf %gather3A_1042, %gather3A_1043 : vector<16xf32>
          %add3A_1045 = arith.addf %broadcast_in_dim3A_0, %mul3A_1044 : vector<16xf32>
          %gather3A_1046 = tpu.vector_load_idx %arg11[%add3A_946, %add3A_160] : memref<160x64xf32, #tpu.memory_space<vmem>>[vector<16xi32>, vector<16xi32>], vector<16xf32>,
          %gather3A_1047 = tpu.vector_load_idx %arg12[%add3A_946, %add3A_160] : memref<160x64xf32, #tpu.memory_space<vmem>>[vector<16xi32>, vector<16xi32>], vector<16xf32>,
          %mul3A_1048 = arith.mulf %gather3A_1046, %gather3A_1047 : vector<16xf32>
          %add3A_1049 = arith.addf %add3A_1045, %mul3A_1048 : vector<16xf32>
          %gather3A_1050 = tpu.vector_load_idx %arg11[%add3A_946, %add3A_169] : memref<160x64xf32, #tpu.memory_space<vmem>>[vector<16xi32>, vector<16xi32>], vector<16xf32>,
          %gather3A_1051 = tpu.vector_load_idx %arg12[%add3A_946, %add3A_169] : memref<160x64xf32, #tpu.memory_space<vmem>>[vector<16xi32>, vector<16xi32>], vector<16xf32>,
          %mul3A_1052 = arith.mulf %gather3A_1050, %gather3A_1051 : vector<16xf32>
          %add3A_1053 = arith.addf %add3A_1049, %mul3A_1052 : vector<16xf32>
          %gather3A_1054 = tpu.vector_load_idx %arg11[%add3A_946, %add3A_178] : memref<160x64xf32, #tpu.memory_space<vmem>>[vector<16xi32>, vector<16xi32>], vector<16xf32>,
          %gather3A_1055 = tpu.vector_load_idx %arg12[%add3A_946, %add3A_178] : memref<160x64xf32, #tpu.memory_space<vmem>>[vector<16xi32>, vector<16xi32>], vector<16xf32>,
          %mul3A_1056 = arith.mulf %gather3A_1054, %gather3A_1055 : vector<16xf32>
          %add3A_1057 = arith.addf %add3A_1053, %mul3A_1056 : vector<16xf32>
          %gather3A_1058 = tpu.vector_load_idx %arg11[%add3A_946, %add3A_187] : memref<160x64xf32, #tpu.memory_space<vmem>>[vector<16xi32>, vector<16xi32>], vector<16xf32>,
          %gather3A_1059 = tpu.vector_load_idx %arg12[%add3A_946, %add3A_187] : memref<160x64xf32, #tpu.memory_space<vmem>>[vector<16xi32>, vector<16xi32>], vector<16xf32>,
          %mul3A_1060 = arith.mulf %gather3A_1058, %gather3A_1059 : vector<16xf32>
          %add3A_1061 = arith.addf %add3A_1057, %mul3A_1060 : vector<16xf32>
          %gather3A_1062 = tpu.vector_load_idx %arg11[%add3A_946, %add3A_196] : memref<160x64xf32, #tpu.memory_space<vmem>>[vector<16xi32>, vector<16xi32>], vector<16xf32>,
          %gather3A_1063 = tpu.vector_load_idx %arg12[%add3A_946, %add3A_196] : memref<160x64xf32, #tpu.memory_space<vmem>>[vector<16xi32>, vector<16xi32>], vector<16xf32>,
          %mul3A_1064 = arith.mulf %gather3A_1062, %gather3A_1063 : vector<16xf32>
          %add3A_1065 = arith.addf %add3A_1061, %mul3A_1064 : vector<16xf32>
          %gather3A_1066 = tpu.vector_load_idx %arg11[%add3A_946, %add3A_205] : memref<160x64xf32, #tpu.memory_space<vmem>>[vector<16xi32>, vector<16xi32>], vector<16xf32>,
          %gather3A_1067 = tpu.vector_load_idx %arg12[%add3A_946, %add3A_205] : memref<160x64xf32, #tpu.memory_space<vmem>>[vector<16xi32>, vector<16xi32>], vector<16xf32>,
          %mul3A_1068 = arith.mulf %gather3A_1066, %gather3A_1067 : vector<16xf32>
          %add3A_1069 = arith.addf %add3A_1065, %mul3A_1068 : vector<16xf32>
          %gather3A_1070 = tpu.vector_load_idx %arg11[%add3A_946, %add3A_214] : memref<160x64xf32, #tpu.memory_space<vmem>>[vector<16xi32>, vector<16xi32>], vector<16xf32>,
          %gather3A_1071 = tpu.vector_load_idx %arg12[%add3A_946, %add3A_214] : memref<160x64xf32, #tpu.memory_space<vmem>>[vector<16xi32>, vector<16xi32>], vector<16xf32>,
          %mul3A_1072 = arith.mulf %gather3A_1070, %gather3A_1071 : vector<16xf32>
          %add3A_1073 = arith.addf %add3A_1069, %mul3A_1072 : vector<16xf32>
          %gather3A_1074 = tpu.vector_load_idx %arg11[%add3A_946, %add3A_223] : memref<160x64xf32, #tpu.memory_space<vmem>>[vector<16xi32>, vector<16xi32>], vector<16xf32>,
          %gather3A_1075 = tpu.vector_load_idx %arg12[%add3A_946, %add3A_223] : memref<160x64xf32, #tpu.memory_space<vmem>>[vector<16xi32>, vector<16xi32>], vector<16xf32>,
          %mul3A_1076 = arith.mulf %gather3A_1074, %gather3A_1075 : vector<16xf32>
          %add3A_1077 = arith.addf %add3A_1073, %mul3A_1076 : vector<16xf32>
          %gather3A_1078 = tpu.vector_load_idx %arg11[%add3A_946, %add3A_232] : memref<160x64xf32, #tpu.memory_space<vmem>>[vector<16xi32>, vector<16xi32>], vector<16xf32>,
          %gather3A_1079 = tpu.vector_load_idx %arg12[%add3A_946, %add3A_232] : memref<160x64xf32, #tpu.memory_space<vmem>>[vector<16xi32>, vector<16xi32>], vector<16xf32>,
          %mul3A_1080 = arith.mulf %gather3A_1078, %gather3A_1079 : vector<16xf32>
          %add3A_1081 = arith.addf %add3A_1077, %mul3A_1080 : vector<16xf32>
          %gather3A_1082 = tpu.vector_load_idx %arg11[%add3A_946, %add3A_241] : memref<160x64xf32, #tpu.memory_space<vmem>>[vector<16xi32>, vector<16xi32>], vector<16xf32>,
          %gather3A_1083 = tpu.vector_load_idx %arg12[%add3A_946, %add3A_241] : memref<160x64xf32, #tpu.memory_space<vmem>>[vector<16xi32>, vector<16xi32>], vector<16xf32>,
          %mul3A_1084 = arith.mulf %gather3A_1082, %gather3A_1083 : vector<16xf32>
          %add3A_1085 = arith.addf %add3A_1081, %mul3A_1084 : vector<16xf32>
          %gather3A_1086 = tpu.vector_load_idx %arg11[%add3A_946, %add3A_250] : memref<160x64xf32, #tpu.memory_space<vmem>>[vector<16xi32>, vector<16xi32>], vector<16xf32>,
          %gather3A_1087 = tpu.vector_load_idx %arg12[%add3A_946, %add3A_250] : memref<160x64xf32, #tpu.memory_space<vmem>>[vector<16xi32>, vector<16xi32>], vector<16xf32>,
          %mul3A_1088 = arith.mulf %gather3A_1086, %gather3A_1087 : vector<16xf32>
          %add3A_1089 = arith.addf %add3A_1085, %mul3A_1088 : vector<16xf32>
          %gather3A_1090 = tpu.vector_load_idx %arg11[%add3A_946, %add3A_259] : memref<160x64xf32, #tpu.memory_space<vmem>>[vector<16xi32>, vector<16xi32>], vector<16xf32>,
          %gather3A_1091 = tpu.vector_load_idx %arg12[%add3A_946, %add3A_259] : memref<160x64xf32, #tpu.memory_space<vmem>>[vector<16xi32>, vector<16xi32>], vector<16xf32>,
          %mul3A_1092 = arith.mulf %gather3A_1090, %gather3A_1091 : vector<16xf32>
          %add3A_1093 = arith.addf %add3A_1089, %mul3A_1092 : vector<16xf32>
          %gather3A_1094 = tpu.vector_load_idx %arg11[%add3A_946, %add3A_268] : memref<160x64xf32, #tpu.memory_space<vmem>>[vector<16xi32>, vector<16xi32>], vector<16xf32>,
          %gather3A_1095 = tpu.vector_load_idx %arg12[%add3A_946, %add3A_268] : memref<160x64xf32, #tpu.memory_space<vmem>>[vector<16xi32>, vector<16xi32>], vector<16xf32>,
          %mul3A_1096 = arith.mulf %gather3A_1094, %gather3A_1095 : vector<16xf32>
          %add3A_1097 = arith.addf %add3A_1093, %mul3A_1096 : vector<16xf32>
          %gather3A_1098 = tpu.vector_load_idx %arg11[%add3A_946, %add3A_277] : memref<160x64xf32, #tpu.memory_space<vmem>>[vector<16xi32>, vector<16xi32>], vector<16xf32>,
          %gather3A_1099 = tpu.vector_load_idx %arg12[%add3A_946, %add3A_277] : memref<160x64xf32, #tpu.memory_space<vmem>>[vector<16xi32>, vector<16xi32>], vector<16xf32>,
          %mul3A_1100 = arith.mulf %gather3A_1098, %gather3A_1099 : vector<16xf32>
          %add3A_1101 = arith.addf %add3A_1097, %mul3A_1100 : vector<16xf32>
          %gather3A_1102 = tpu.vector_load_idx %arg11[%add3A_946, %add3A_286] : memref<160x64xf32, #tpu.memory_space<vmem>>[vector<16xi32>, vector<16xi32>], vector<16xf32>,
          %gather3A_1103 = tpu.vector_load_idx %arg12[%add3A_946, %add3A_286] : memref<160x64xf32, #tpu.memory_space<vmem>>[vector<16xi32>, vector<16xi32>], vector<16xf32>,
          %mul3A_1104 = arith.mulf %gather3A_1102, %gather3A_1103 : vector<16xf32>
          %add3A_1105 = arith.addf %add3A_1101, %mul3A_1104 : vector<16xf32>
          %exp3A_1106 = math.exp %add3A_1105 : vector<16xf32>
          tpu.vector_store_idx %arg15[%add3A_946, %broadcast_in_dim3A_578], %exp3A_1106 : memref<160x16xf32, #tpu.memory_space<vmem>>[vector<16xi32>, vector<16xi32>], vector<16xf32>,
          %gather3A_1107 = tpu.vector_load_idx %arg13[%add3A_946, %add3A_151] : memref<160x64xf32, #tpu.memory_space<vmem>>[vector<16xi32>, vector<16xi32>], vector<16xf32>,
          %mul3A_1108 = arith.mulf %exp3A_1106, %gather3A_1107 : vector<16xf32>
          tpu.vector_store_idx %arg14[%add3A_946, %add3A_151], %mul3A_1108 : memref<160x64xf32, #tpu.memory_space<vmem>>[vector<16xi32>, vector<16xi32>], vector<16xf32>,
          %gather3A_1109 = tpu.vector_load_idx %arg13[%add3A_946, %add3A_160] : memref<160x64xf32, #tpu.memory_space<vmem>>[vector<16xi32>, vector<16xi32>], vector<16xf32>,
          %mul3A_1110 = arith.mulf %exp3A_1106, %gather3A_1109 : vector<16xf32>
          tpu.vector_store_idx %arg14[%add3A_946, %add3A_160], %mul3A_1110 : memref<160x64xf32, #tpu.memory_space<vmem>>[vector<16xi32>, vector<16xi32>], vector<16xf32>,
          %gather3A_1111 = tpu.vector_load_idx %arg13[%add3A_946, %add3A_169] : memref<160x64xf32, #tpu.memory_space<vmem>>[vector<16xi32>, vector<16xi32>], vector<16xf32>,
          %mul3A_1112 = arith.mulf %exp3A_1106, %gather3A_1111 : vector<16xf32>
          tpu.vector_store_idx %arg14[%add3A_946, %add3A_169], %mul3A_1112 : memref<160x64xf32, #tpu.memory_space<vmem>>[vector<16xi32>, vector<16xi32>], vector<16xf32>,
          %gather3A_1113 = tpu.vector_load_idx %arg13[%add3A_946, %add3A_178] : memref<160x64xf32, #tpu.memory_space<vmem>>[vector<16xi32>, vector<16xi32>], vector<16xf32>,
          %mul3A_1114 = arith.mulf %exp3A_1106, %gather3A_1113 : vector<16xf32>
          tpu.vector_store_idx %arg14[%add3A_946, %add3A_178], %mul3A_1114 : memref<160x64xf32, #tpu.memory_space<vmem>>[vector<16xi32>, vector<16xi32>], vector<16xf32>,
          %gather3A_1115 = tpu.vector_load_idx %arg13[%add3A_946, %add3A_187] : memref<160x64xf32, #tpu.memory_space<vmem>>[vector<16xi32>, vector<16xi32>], vector<16xf32>,
          %mul3A_1116 = arith.mulf %exp3A_1106, %gather3A_1115 : vector<16xf32>
          tpu.vector_store_idx %arg14[%add3A_946, %add3A_187], %mul3A_1116 : memref<160x64xf32, #tpu.memory_space<vmem>>[vector<16xi32>, vector<16xi32>], vector<16xf32>,
          %gather3A_1117 = tpu.vector_load_idx %arg13[%add3A_946, %add3A_196] : memref<160x64xf32, #tpu.memory_space<vmem>>[vector<16xi32>, vector<16xi32>], vector<16xf32>,
          %mul3A_1118 = arith.mulf %exp3A_1106, %gather3A_1117 : vector<16xf32>
          tpu.vector_store_idx %arg14[%add3A_946, %add3A_196], %mul3A_1118 : memref<160x64xf32, #tpu.memory_space<vmem>>[vector<16xi32>, vector<16xi32>], vector<16xf32>,
          %gather3A_1119 = tpu.vector_load_idx %arg13[%add3A_946, %add3A_205] : memref<160x64xf32, #tpu.memory_space<vmem>>[vector<16xi32>, vector<16xi32>], vector<16xf32>,
          %mul3A_1120 = arith.mulf %exp3A_1106, %gather3A_1119 : vector<16xf32>
          tpu.vector_store_idx %arg14[%add3A_946, %add3A_205], %mul3A_1120 : memref<160x64xf32, #tpu.memory_space<vmem>>[vector<16xi32>, vector<16xi32>], vector<16xf32>,
          %gather3A_1121 = tpu.vector_load_idx %arg13[%add3A_946, %add3A_214] : memref<160x64xf32, #tpu.memory_space<vmem>>[vector<16xi32>, vector<16xi32>], vector<16xf32>,
          %mul3A_1122 = arith.mulf %exp3A_1106, %gather3A_1121 : vector<16xf32>
          tpu.vector_store_idx %arg14[%add3A_946, %add3A_214], %mul3A_1122 : memref<160x64xf32, #tpu.memory_space<vmem>>[vector<16xi32>, vector<16xi32>], vector<16xf32>,
          %gather3A_1123 = tpu.vector_load_idx %arg13[%add3A_946, %add3A_223] : memref<160x64xf32, #tpu.memory_space<vmem>>[vector<16xi32>, vector<16xi32>], vector<16xf32>,
          %mul3A_1124 = arith.mulf %exp3A_1106, %gather3A_1123 : vector<16xf32>
          tpu.vector_store_idx %arg14[%add3A_946, %add3A_223], %mul3A_1124 : memref<160x64xf32, #tpu.memory_space<vmem>>[vector<16xi32>, vector<16xi32>], vector<16xf32>,
          %gather3A_1125 = tpu.vector_load_idx %arg13[%add3A_946, %add3A_232] : memref<160x64xf32, #tpu.memory_space<vmem>>[vector<16xi32>, vector<16xi32>], vector<16xf32>,
          %mul3A_1126 = arith.mulf %exp3A_1106, %gather3A_1125 : vector<16xf32>
          tpu.vector_store_idx %arg14[%add3A_946, %add3A_232], %mul3A_1126 : memref<160x64xf32, #tpu.memory_space<vmem>>[vector<16xi32>, vector<16xi32>], vector<16xf32>,
          %gather3A_1127 = tpu.vector_load_idx %arg13[%add3A_946, %add3A_241] : memref<160x64xf32, #tpu.memory_space<vmem>>[vector<16xi32>, vector<16xi32>], vector<16xf32>,
          %mul3A_1128 = arith.mulf %exp3A_1106, %gather3A_1127 : vector<16xf32>
          tpu.vector_store_idx %arg14[%add3A_946, %add3A_241], %mul3A_1128 : memref<160x64xf32, #tpu.memory_space<vmem>>[vector<16xi32>, vector<16xi32>], vector<16xf32>,
          %gather3A_1129 = tpu.vector_load_idx %arg13[%add3A_946, %add3A_250] : memref<160x64xf32, #tpu.memory_space<vmem>>[vector<16xi32>, vector<16xi32>], vector<16xf32>,
          %mul3A_1130 = arith.mulf %exp3A_1106, %gather3A_1129 : vector<16xf32>
          tpu.vector_store_idx %arg14[%add3A_946, %add3A_250], %mul3A_1130 : memref<160x64xf32, #tpu.memory_space<vmem>>[vector<16xi32>, vector<16xi32>], vector<16xf32>,
          %gather3A_1131 = tpu.vector_load_idx %arg13[%add3A_946, %add3A_259] : memref<160x64xf32, #tpu.memory_space<vmem>>[vector<16xi32>, vector<16xi32>], vector<16xf32>,
          %mul3A_1132 = arith.mulf %exp3A_1106, %gather3A_1131 : vector<16xf32>
          tpu.vector_store_idx %arg14[%add3A_946, %add3A_259], %mul3A_1132 : memref<160x64xf32, #tpu.memory_space<vmem>>[vector<16xi32>, vector<16xi32>], vector<16xf32>,
          %gather3A_1133 = tpu.vector_load_idx %arg13[%add3A_946, %add3A_268] : memref<160x64xf32, #tpu.memory_space<vmem>>[vector<16xi32>, vector<16xi32>], vector<16xf32>,
          %mul3A_1134 = arith.mulf %exp3A_1106, %gather3A_1133 : vector<16xf32>
          tpu.vector_store_idx %arg14[%add3A_946, %add3A_268], %mul3A_1134 : memref<160x64xf32, #tpu.memory_space<vmem>>[vector<16xi32>, vector<16xi32>], vector<16xf32>,
          %gather3A_1135 = tpu.vector_load_idx %arg13[%add3A_946, %add3A_277] : memref<160x64xf32, #tpu.memory_space<vmem>>[vector<16xi32>, vector<16xi32>], vector<16xf32>,
          %mul3A_1136 = arith.mulf %exp3A_1106, %gather3A_1135 : vector<16xf32>
          tpu.vector_store_idx %arg14[%add3A_946, %add3A_277], %mul3A_1136 : memref<160x64xf32, #tpu.memory_space<vmem>>[vector<16xi32>, vector<16xi32>], vector<16xf32>,
          %gather3A_1137 = tpu.vector_load_idx %arg13[%add3A_946, %add3A_286] : memref<160x64xf32, #tpu.memory_space<vmem>>[vector<16xi32>, vector<16xi32>], vector<16xf32>,
          %mul3A_1138 = arith.mulf %exp3A_1106, %gather3A_1137 : vector<16xf32>
          tpu.vector_store_idx %arg14[%add3A_946, %add3A_286], %mul3A_1138 : memref<160x64xf32, #tpu.memory_space<vmem>>[vector<16xi32>, vector<16xi32>], vector<16xf32>,
          %gather3A_1139 = tpu.vector_load_idx %arg11[%add3A_946, %add3A_295] : memref<160x64xf32, #tpu.memory_space<vmem>>[vector<16xi32>, vector<16xi32>], vector<16xf32>,
          %gather3A_1140 = tpu.vector_load_idx %arg12[%add3A_946, %add3A_295] : memref<160x64xf32, #tpu.memory_space<vmem>>[vector<16xi32>, vector<16xi32>], vector<16xf32>,
          %mul3A_1141 = arith.mulf %gather3A_1139, %gather3A_1140 : vector<16xf32>
          %add3A_1142 = arith.addf %broadcast_in_dim3A_0, %mul3A_1141 : vector<16xf32>
          %gather3A_1143 = tpu.vector_load_idx %arg11[%add3A_946, %add3A_304] : memref<160x64xf32, #tpu.memory_space<vmem>>[vector<16xi32>, vector<16xi32>], vector<16xf32>,
          %gather3A_1144 = tpu.vector_load_idx %arg12[%add3A_946, %add3A_304] : memref<160x64xf32, #tpu.memory_space<vmem>>[vector<16xi32>, vector<16xi32>], vector<16xf32>,
          %mul3A_1145 = arith.mulf %gather3A_1143, %gather3A_1144 : vector<16xf32>
          %add3A_1146 = arith.addf %add3A_1142, %mul3A_1145 : vector<16xf32>
          %gather3A_1147 = tpu.vector_load_idx %arg11[%add3A_946, %add3A_313] : memref<160x64xf32, #tpu.memory_space<vmem>>[vector<16xi32>, vector<16xi32>], vector<16xf32>,
          %gather3A_1148 = tpu.vector_load_idx %arg12[%add3A_946, %add3A_313] : memref<160x64xf32, #tpu.memory_space<vmem>>[vector<16xi32>, vector<16xi32>], vector<16xf32>,
          %mul3A_1149 = arith.mulf %gather3A_1147, %gather3A_1148 : vector<16xf32>
          %add3A_1150 = arith.addf %add3A_1146, %mul3A_1149 : vector<16xf32>
          %gather3A_1151 = tpu.vector_load_idx %arg11[%add3A_946, %add3A_322] : memref<160x64xf32, #tpu.memory_space<vmem>>[vector<16xi32>, vector<16xi32>], vector<16xf32>,
          %gather3A_1152 = tpu.vector_load_idx %arg12[%add3A_946, %add3A_322] : memref<160x64xf32, #tpu.memory_space<vmem>>[vector<16xi32>, vector<16xi32>], vector<16xf32>,
          %mul3A_1153 = arith.mulf %gather3A_1151, %gather3A_1152 : vector<16xf32>
          %add3A_1154 = arith.addf %add3A_1150, %mul3A_1153 : vector<16xf32>
          %gather3A_1155 = tpu.vector_load_idx %arg11[%add3A_946, %add3A_331] : memref<160x64xf32, #tpu.memory_space<vmem>>[vector<16xi32>, vector<16xi32>], vector<16xf32>,
          %gather3A_1156 = tpu.vector_load_idx %arg12[%add3A_946, %add3A_331] : memref<160x64xf32, #tpu.memory_space<vmem>>[vector<16xi32>, vector<16xi32>], vector<16xf32>,
          %mul3A_1157 = arith.mulf %gather3A_1155, %gather3A_1156 : vector<16xf32>
          %add3A_1158 = arith.addf %add3A_1154, %mul3A_1157 : vector<16xf32>
          %gather3A_1159 = tpu.vector_load_idx %arg11[%add3A_946, %add3A_340] : memref<160x64xf32, #tpu.memory_space<vmem>>[vector<16xi32>, vector<16xi32>], vector<16xf32>,
          %gather3A_1160 = tpu.vector_load_idx %arg12[%add3A_946, %add3A_340] : memref<160x64xf32, #tpu.memory_space<vmem>>[vector<16xi32>, vector<16xi32>], vector<16xf32>,
          %mul3A_1161 = arith.mulf %gather3A_1159, %gather3A_1160 : vector<16xf32>
          %add3A_1162 = arith.addf %add3A_1158, %mul3A_1161 : vector<16xf32>
          %gather3A_1163 = tpu.vector_load_idx %arg11[%add3A_946, %add3A_349] : memref<160x64xf32, #tpu.memory_space<vmem>>[vector<16xi32>, vector<16xi32>], vector<16xf32>,
          %gather3A_1164 = tpu.vector_load_idx %arg12[%add3A_946, %add3A_349] : memref<160x64xf32, #tpu.memory_space<vmem>>[vector<16xi32>, vector<16xi32>], vector<16xf32>,
          %mul3A_1165 = arith.mulf %gather3A_1163, %gather3A_1164 : vector<16xf32>
          %add3A_1166 = arith.addf %add3A_1162, %mul3A_1165 : vector<16xf32>
          %gather3A_1167 = tpu.vector_load_idx %arg11[%add3A_946, %add3A_358] : memref<160x64xf32, #tpu.memory_space<vmem>>[vector<16xi32>, vector<16xi32>], vector<16xf32>,
          %gather3A_1168 = tpu.vector_load_idx %arg12[%add3A_946, %add3A_358] : memref<160x64xf32, #tpu.memory_space<vmem>>[vector<16xi32>, vector<16xi32>], vector<16xf32>,
          %mul3A_1169 = arith.mulf %gather3A_1167, %gather3A_1168 : vector<16xf32>
          %add3A_1170 = arith.addf %add3A_1166, %mul3A_1169 : vector<16xf32>
          %gather3A_1171 = tpu.vector_load_idx %arg11[%add3A_946, %add3A_367] : memref<160x64xf32, #tpu.memory_space<vmem>>[vector<16xi32>, vector<16xi32>], vector<16xf32>,
          %gather3A_1172 = tpu.vector_load_idx %arg12[%add3A_946, %add3A_367] : memref<160x64xf32, #tpu.memory_space<vmem>>[vector<16xi32>, vector<16xi32>], vector<16xf32>,
          %mul3A_1173 = arith.mulf %gather3A_1171, %gather3A_1172 : vector<16xf32>
          %add3A_1174 = arith.addf %add3A_1170, %mul3A_1173 : vector<16xf32>
          %gather3A_1175 = tpu.vector_load_idx %arg11[%add3A_946, %add3A_376] : memref<160x64xf32, #tpu.memory_space<vmem>>[vector<16xi32>, vector<16xi32>], vector<16xf32>,
          %gather3A_1176 = tpu.vector_load_idx %arg12[%add3A_946, %add3A_376] : memref<160x64xf32, #tpu.memory_space<vmem>>[vector<16xi32>, vector<16xi32>], vector<16xf32>,
          %mul3A_1177 = arith.mulf %gather3A_1175, %gather3A_1176 : vector<16xf32>
          %add3A_1178 = arith.addf %add3A_1174, %mul3A_1177 : vector<16xf32>
          %gather3A_1179 = tpu.vector_load_idx %arg11[%add3A_946, %add3A_385] : memref<160x64xf32, #tpu.memory_space<vmem>>[vector<16xi32>, vector<16xi32>], vector<16xf32>,
          %gather3A_1180 = tpu.vector_load_idx %arg12[%add3A_946, %add3A_385] : memref<160x64xf32, #tpu.memory_space<vmem>>[vector<16xi32>, vector<16xi32>], vector<16xf32>,
          %mul3A_1181 = arith.mulf %gather3A_1179, %gather3A_1180 : vector<16xf32>
          %add3A_1182 = arith.addf %add3A_1178, %mul3A_1181 : vector<16xf32>
          %gather3A_1183 = tpu.vector_load_idx %arg11[%add3A_946, %add3A_394] : memref<160x64xf32, #tpu.memory_space<vmem>>[vector<16xi32>, vector<16xi32>], vector<16xf32>,
          %gather3A_1184 = tpu.vector_load_idx %arg12[%add3A_946, %add3A_394] : memref<160x64xf32, #tpu.memory_space<vmem>>[vector<16xi32>, vector<16xi32>], vector<16xf32>,
          %mul3A_1185 = arith.mulf %gather3A_1183, %gather3A_1184 : vector<16xf32>
          %add3A_1186 = arith.addf %add3A_1182, %mul3A_1185 : vector<16xf32>
          %gather3A_1187 = tpu.vector_load_idx %arg11[%add3A_946, %add3A_403] : memref<160x64xf32, #tpu.memory_space<vmem>>[vector<16xi32>, vector<16xi32>], vector<16xf32>,
          %gather3A_1188 = tpu.vector_load_idx %arg12[%add3A_946, %add3A_403] : memref<160x64xf32, #tpu.memory_space<vmem>>[vector<16xi32>, vector<16xi32>], vector<16xf32>,
          %mul3A_1189 = arith.mulf %gather3A_1187, %gather3A_1188 : vector<16xf32>
          %add3A_1190 = arith.addf %add3A_1186, %mul3A_1189 : vector<16xf32>
          %gather3A_1191 = tpu.vector_load_idx %arg11[%add3A_946, %add3A_412] : memref<160x64xf32, #tpu.memory_space<vmem>>[vector<16xi32>, vector<16xi32>], vector<16xf32>,
          %gather3A_1192 = tpu.vector_load_idx %arg12[%add3A_946, %add3A_412] : memref<160x64xf32, #tpu.memory_space<vmem>>[vector<16xi32>, vector<16xi32>], vector<16xf32>,
          %mul3A_1193 = arith.mulf %gather3A_1191, %gather3A_1192 : vector<16xf32>
          %add3A_1194 = arith.addf %add3A_1190, %mul3A_1193 : vector<16xf32>
          %gather3A_1195 = tpu.vector_load_idx %arg11[%add3A_946, %add3A_421] : memref<160x64xf32, #tpu.memory_space<vmem>>[vector<16xi32>, vector<16xi32>], vector<16xf32>,
          %gather3A_1196 = tpu.vector_load_idx %arg12[%add3A_946, %add3A_421] : memref<160x64xf32, #tpu.memory_space<vmem>>[vector<16xi32>, vector<16xi32>], vector<16xf32>,
          %mul3A_1197 = arith.mulf %gather3A_1195, %gather3A_1196 : vector<16xf32>
          %add3A_1198 = arith.addf %add3A_1194, %mul3A_1197 : vector<16xf32>
          %gather3A_1199 = tpu.vector_load_idx %arg11[%add3A_946, %add3A_430] : memref<160x64xf32, #tpu.memory_space<vmem>>[vector<16xi32>, vector<16xi32>], vector<16xf32>,
          %gather3A_1200 = tpu.vector_load_idx %arg12[%add3A_946, %add3A_430] : memref<160x64xf32, #tpu.memory_space<vmem>>[vector<16xi32>, vector<16xi32>], vector<16xf32>,
          %mul3A_1201 = arith.mulf %gather3A_1199, %gather3A_1200 : vector<16xf32>
          %add3A_1202 = arith.addf %add3A_1198, %mul3A_1201 : vector<16xf32>
          %exp3A_1203 = math.exp %add3A_1202 : vector<16xf32>
          tpu.vector_store_idx %arg15[%add3A_946, %broadcast_in_dim3A_580], %exp3A_1203 : memref<160x16xf32, #tpu.memory_space<vmem>>[vector<16xi32>, vector<16xi32>], vector<16xf32>,
          %gather3A_1204 = tpu.vector_load_idx %arg13[%add3A_946, %add3A_295] : memref<160x64xf32, #tpu.memory_space<vmem>>[vector<16xi32>, vector<16xi32>], vector<16xf32>,
          %mul3A_1205 = arith.mulf %exp3A_1203, %gather3A_1204 : vector<16xf32>
          tpu.vector_store_idx %arg14[%add3A_946, %add3A_295], %mul3A_1205 : memref<160x64xf32, #tpu.memory_space<vmem>>[vector<16xi32>, vector<16xi32>], vector<16xf32>,
          %gather3A_1206 = tpu.vector_load_idx %arg13[%add3A_946, %add3A_304] : memref<160x64xf32, #tpu.memory_space<vmem>>[vector<16xi32>, vector<16xi32>], vector<16xf32>,
          %mul3A_1207 = arith.mulf %exp3A_1203, %gather3A_1206 : vector<16xf32>
          tpu.vector_store_idx %arg14[%add3A_946, %add3A_304], %mul3A_1207 : memref<160x64xf32, #tpu.memory_space<vmem>>[vector<16xi32>, vector<16xi32>], vector<16xf32>,
          %gather3A_1208 = tpu.vector_load_idx %arg13[%add3A_946, %add3A_313] : memref<160x64xf32, #tpu.memory_space<vmem>>[vector<16xi32>, vector<16xi32>], vector<16xf32>,
          %mul3A_1209 = arith.mulf %exp3A_1203, %gather3A_1208 : vector<16xf32>
          tpu.vector_store_idx %arg14[%add3A_946, %add3A_313], %mul3A_1209 : memref<160x64xf32, #tpu.memory_space<vmem>>[vector<16xi32>, vector<16xi32>], vector<16xf32>,
          %gather3A_1210 = tpu.vector_load_idx %arg13[%add3A_946, %add3A_322] : memref<160x64xf32, #tpu.memory_space<vmem>>[vector<16xi32>, vector<16xi32>], vector<16xf32>,
          %mul3A_1211 = arith.mulf %exp3A_1203, %gather3A_1210 : vector<16xf32>
          tpu.vector_store_idx %arg14[%add3A_946, %add3A_322], %mul3A_1211 : memref<160x64xf32, #tpu.memory_space<vmem>>[vector<16xi32>, vector<16xi32>], vector<16xf32>,
          %gather3A_1212 = tpu.vector_load_idx %arg13[%add3A_946, %add3A_331] : memref<160x64xf32, #tpu.memory_space<vmem>>[vector<16xi32>, vector<16xi32>], vector<16xf32>,
          %mul3A_1213 = arith.mulf %exp3A_1203, %gather3A_1212 : vector<16xf32>
          tpu.vector_store_idx %arg14[%add3A_946, %add3A_331], %mul3A_1213 : memref<160x64xf32, #tpu.memory_space<vmem>>[vector<16xi32>, vector<16xi32>], vector<16xf32>,
          %gather3A_1214 = tpu.vector_load_idx %arg13[%add3A_946, %add3A_340] : memref<160x64xf32, #tpu.memory_space<vmem>>[vector<16xi32>, vector<16xi32>], vector<16xf32>,
          %mul3A_1215 = arith.mulf %exp3A_1203, %gather3A_1214 : vector<16xf32>
          tpu.vector_store_idx %arg14[%add3A_946, %add3A_340], %mul3A_1215 : memref<160x64xf32, #tpu.memory_space<vmem>>[vector<16xi32>, vector<16xi32>], vector<16xf32>,
          %gather3A_1216 = tpu.vector_load_idx %arg13[%add3A_946, %add3A_349] : memref<160x64xf32, #tpu.memory_space<vmem>>[vector<16xi32>, vector<16xi32>], vector<16xf32>,
          %mul3A_1217 = arith.mulf %exp3A_1203, %gather3A_1216 : vector<16xf32>
          tpu.vector_store_idx %arg14[%add3A_946, %add3A_349], %mul3A_1217 : memref<160x64xf32, #tpu.memory_space<vmem>>[vector<16xi32>, vector<16xi32>], vector<16xf32>,
          %gather3A_1218 = tpu.vector_load_idx %arg13[%add3A_946, %add3A_358] : memref<160x64xf32, #tpu.memory_space<vmem>>[vector<16xi32>, vector<16xi32>], vector<16xf32>,
          %mul3A_1219 = arith.mulf %exp3A_1203, %gather3A_1218 : vector<16xf32>
          tpu.vector_store_idx %arg14[%add3A_946, %add3A_358], %mul3A_1219 : memref<160x64xf32, #tpu.memory_space<vmem>>[vector<16xi32>, vector<16xi32>], vector<16xf32>,
          %gather3A_1220 = tpu.vector_load_idx %arg13[%add3A_946, %add3A_367] : memref<160x64xf32, #tpu.memory_space<vmem>>[vector<16xi32>, vector<16xi32>], vector<16xf32>,
          %mul3A_1221 = arith.mulf %exp3A_1203, %gather3A_1220 : vector<16xf32>
          tpu.vector_store_idx %arg14[%add3A_946, %add3A_367], %mul3A_1221 : memref<160x64xf32, #tpu.memory_space<vmem>>[vector<16xi32>, vector<16xi32>], vector<16xf32>,
          %gather3A_1222 = tpu.vector_load_idx %arg13[%add3A_946, %add3A_376] : memref<160x64xf32, #tpu.memory_space<vmem>>[vector<16xi32>, vector<16xi32>], vector<16xf32>,
          %mul3A_1223 = arith.mulf %exp3A_1203, %gather3A_1222 : vector<16xf32>
          tpu.vector_store_idx %arg14[%add3A_946, %add3A_376], %mul3A_1223 : memref<160x64xf32, #tpu.memory_space<vmem>>[vector<16xi32>, vector<16xi32>], vector<16xf32>,
          %gather3A_1224 = tpu.vector_load_idx %arg13[%add3A_946, %add3A_385] : memref<160x64xf32, #tpu.memory_space<vmem>>[vector<16xi32>, vector<16xi32>], vector<16xf32>,
          %mul3A_1225 = arith.mulf %exp3A_1203, %gather3A_1224 : vector<16xf32>
          tpu.vector_store_idx %arg14[%add3A_946, %add3A_385], %mul3A_1225 : memref<160x64xf32, #tpu.memory_space<vmem>>[vector<16xi32>, vector<16xi32>], vector<16xf32>,
          %gather3A_1226 = tpu.vector_load_idx %arg13[%add3A_946, %add3A_394] : memref<160x64xf32, #tpu.memory_space<vmem>>[vector<16xi32>, vector<16xi32>], vector<16xf32>,
          %mul3A_1227 = arith.mulf %exp3A_1203, %gather3A_1226 : vector<16xf32>
          tpu.vector_store_idx %arg14[%add3A_946, %add3A_394], %mul3A_1227 : memref<160x64xf32, #tpu.memory_space<vmem>>[vector<16xi32>, vector<16xi32>], vector<16xf32>,
          %gather3A_1228 = tpu.vector_load_idx %arg13[%add3A_946, %add3A_403] : memref<160x64xf32, #tpu.memory_space<vmem>>[vector<16xi32>, vector<16xi32>], vector<16xf32>,
          %mul3A_1229 = arith.mulf %exp3A_1203, %gather3A_1228 : vector<16xf32>
          tpu.vector_store_idx %arg14[%add3A_946, %add3A_403], %mul3A_1229 : memref<160x64xf32, #tpu.memory_space<vmem>>[vector<16xi32>, vector<16xi32>], vector<16xf32>,
          %gather3A_1230 = tpu.vector_load_idx %arg13[%add3A_946, %add3A_412] : memref<160x64xf32, #tpu.memory_space<vmem>>[vector<16xi32>, vector<16xi32>], vector<16xf32>,
          %mul3A_1231 = arith.mulf %exp3A_1203, %gather3A_1230 : vector<16xf32>
          tpu.vector_store_idx %arg14[%add3A_946, %add3A_412], %mul3A_1231 : memref<160x64xf32, #tpu.memory_space<vmem>>[vector<16xi32>, vector<16xi32>], vector<16xf32>,
          %gather3A_1232 = tpu.vector_load_idx %arg13[%add3A_946, %add3A_421] : memref<160x64xf32, #tpu.memory_space<vmem>>[vector<16xi32>, vector<16xi32>], vector<16xf32>,
          %mul3A_1233 = arith.mulf %exp3A_1203, %gather3A_1232 : vector<16xf32>
          tpu.vector_store_idx %arg14[%add3A_946, %add3A_421], %mul3A_1233 : memref<160x64xf32, #tpu.memory_space<vmem>>[vector<16xi32>, vector<16xi32>], vector<16xf32>,
          %gather3A_1234 = tpu.vector_load_idx %arg13[%add3A_946, %add3A_430] : memref<160x64xf32, #tpu.memory_space<vmem>>[vector<16xi32>, vector<16xi32>], vector<16xf32>,
          %mul3A_1235 = arith.mulf %exp3A_1203, %gather3A_1234 : vector<16xf32>
          tpu.vector_store_idx %arg14[%add3A_946, %add3A_430], %mul3A_1235 : memref<160x64xf32, #tpu.memory_space<vmem>>[vector<16xi32>, vector<16xi32>], vector<16xf32>,
          %gather3A_1236 = tpu.vector_load_idx %arg11[%add3A_946, %add3A_439] : memref<160x64xf32, #tpu.memory_space<vmem>>[vector<16xi32>, vector<16xi32>], vector<16xf32>,
          %gather3A_1237 = tpu.vector_load_idx %arg12[%add3A_946, %add3A_439] : memref<160x64xf32, #tpu.memory_space<vmem>>[vector<16xi32>, vector<16xi32>], vector<16xf32>,
          %mul3A_1238 = arith.mulf %gather3A_1236, %gather3A_1237 : vector<16xf32>
          %add3A_1239 = arith.addf %broadcast_in_dim3A_0, %mul3A_1238 : vector<16xf32>
          %gather3A_1240 = tpu.vector_load_idx %arg11[%add3A_946, %add3A_448] : memref<160x64xf32, #tpu.memory_space<vmem>>[vector<16xi32>, vector<16xi32>], vector<16xf32>,
          %gather3A_1241 = tpu.vector_load_idx %arg12[%add3A_946, %add3A_448] : memref<160x64xf32, #tpu.memory_space<vmem>>[vector<16xi32>, vector<16xi32>], vector<16xf32>,
          %mul3A_1242 = arith.mulf %gather3A_1240, %gather3A_1241 : vector<16xf32>
          %add3A_1243 = arith.addf %add3A_1239, %mul3A_1242 : vector<16xf32>
          %gather3A_1244 = tpu.vector_load_idx %arg11[%add3A_946, %add3A_457] : memref<160x64xf32, #tpu.memory_space<vmem>>[vector<16xi32>, vector<16xi32>], vector<16xf32>,
          %gather3A_1245 = tpu.vector_load_idx %arg12[%add3A_946, %add3A_457] : memref<160x64xf32, #tpu.memory_space<vmem>>[vector<16xi32>, vector<16xi32>], vector<16xf32>,
          %mul3A_1246 = arith.mulf %gather3A_1244, %gather3A_1245 : vector<16xf32>
          %add3A_1247 = arith.addf %add3A_1243, %mul3A_1246 : vector<16xf32>
          %gather3A_1248 = tpu.vector_load_idx %arg11[%add3A_946, %add3A_466] : memref<160x64xf32, #tpu.memory_space<vmem>>[vector<16xi32>, vector<16xi32>], vector<16xf32>,
          %gather3A_1249 = tpu.vector_load_idx %arg12[%add3A_946, %add3A_466] : memref<160x64xf32, #tpu.memory_space<vmem>>[vector<16xi32>, vector<16xi32>], vector<16xf32>,
          %mul3A_1250 = arith.mulf %gather3A_1248, %gather3A_1249 : vector<16xf32>
          %add3A_1251 = arith.addf %add3A_1247, %mul3A_1250 : vector<16xf32>
          %gather3A_1252 = tpu.vector_load_idx %arg11[%add3A_946, %add3A_475] : memref<160x64xf32, #tpu.memory_space<vmem>>[vector<16xi32>, vector<16xi32>], vector<16xf32>,
          %gather3A_1253 = tpu.vector_load_idx %arg12[%add3A_946, %add3A_475] : memref<160x64xf32, #tpu.memory_space<vmem>>[vector<16xi32>, vector<16xi32>], vector<16xf32>,
          %mul3A_1254 = arith.mulf %gather3A_1252, %gather3A_1253 : vector<16xf32>
          %add3A_1255 = arith.addf %add3A_1251, %mul3A_1254 : vector<16xf32>
          %gather3A_1256 = tpu.vector_load_idx %arg11[%add3A_946, %add3A_484] : memref<160x64xf32, #tpu.memory_space<vmem>>[vector<16xi32>, vector<16xi32>], vector<16xf32>,
          %gather3A_1257 = tpu.vector_load_idx %arg12[%add3A_946, %add3A_484] : memref<160x64xf32, #tpu.memory_space<vmem>>[vector<16xi32>, vector<16xi32>], vector<16xf32>,
          %mul3A_1258 = arith.mulf %gather3A_1256, %gather3A_1257 : vector<16xf32>
          %add3A_1259 = arith.addf %add3A_1255, %mul3A_1258 : vector<16xf32>
          %gather3A_1260 = tpu.vector_load_idx %arg11[%add3A_946, %add3A_493] : memref<160x64xf32, #tpu.memory_space<vmem>>[vector<16xi32>, vector<16xi32>], vector<16xf32>,
          %gather3A_1261 = tpu.vector_load_idx %arg12[%add3A_946, %add3A_493] : memref<160x64xf32, #tpu.memory_space<vmem>>[vector<16xi32>, vector<16xi32>], vector<16xf32>,
          %mul3A_1262 = arith.mulf %gather3A_1260, %gather3A_1261 : vector<16xf32>
          %add3A_1263 = arith.addf %add3A_1259, %mul3A_1262 : vector<16xf32>
          %gather3A_1264 = tpu.vector_load_idx %arg11[%add3A_946, %add3A_502] : memref<160x64xf32, #tpu.memory_space<vmem>>[vector<16xi32>, vector<16xi32>], vector<16xf32>,
          %gather3A_1265 = tpu.vector_load_idx %arg12[%add3A_946, %add3A_502] : memref<160x64xf32, #tpu.memory_space<vmem>>[vector<16xi32>, vector<16xi32>], vector<16xf32>,
          %mul3A_1266 = arith.mulf %gather3A_1264, %gather3A_1265 : vector<16xf32>
          %add3A_1267 = arith.addf %add3A_1263, %mul3A_1266 : vector<16xf32>
          %gather3A_1268 = tpu.vector_load_idx %arg11[%add3A_946, %add3A_511] : memref<160x64xf32, #tpu.memory_space<vmem>>[vector<16xi32>, vector<16xi32>], vector<16xf32>,
          %gather3A_1269 = tpu.vector_load_idx %arg12[%add3A_946, %add3A_511] : memref<160x64xf32, #tpu.memory_space<vmem>>[vector<16xi32>, vector<16xi32>], vector<16xf32>,
          %mul3A_1270 = arith.mulf %gather3A_1268, %gather3A_1269 : vector<16xf32>
          %add3A_1271 = arith.addf %add3A_1267, %mul3A_1270 : vector<16xf32>
          %gather3A_1272 = tpu.vector_load_idx %arg11[%add3A_946, %add3A_520] : memref<160x64xf32, #tpu.memory_space<vmem>>[vector<16xi32>, vector<16xi32>], vector<16xf32>,
          %gather3A_1273 = tpu.vector_load_idx %arg12[%add3A_946, %add3A_520] : memref<160x64xf32, #tpu.memory_space<vmem>>[vector<16xi32>, vector<16xi32>], vector<16xf32>,
          %mul3A_1274 = arith.mulf %gather3A_1272, %gather3A_1273 : vector<16xf32>
          %add3A_1275 = arith.addf %add3A_1271, %mul3A_1274 : vector<16xf32>
          %gather3A_1276 = tpu.vector_load_idx %arg11[%add3A_946, %add3A_529] : memref<160x64xf32, #tpu.memory_space<vmem>>[vector<16xi32>, vector<16xi32>], vector<16xf32>,
          %gather3A_1277 = tpu.vector_load_idx %arg12[%add3A_946, %add3A_529] : memref<160x64xf32, #tpu.memory_space<vmem>>[vector<16xi32>, vector<16xi32>], vector<16xf32>,
          %mul3A_1278 = arith.mulf %gather3A_1276, %gather3A_1277 : vector<16xf32>
          %add3A_1279 = arith.addf %add3A_1275, %mul3A_1278 : vector<16xf32>
          %gather3A_1280 = tpu.vector_load_idx %arg11[%add3A_946, %add3A_538] : memref<160x64xf32, #tpu.memory_space<vmem>>[vector<16xi32>, vector<16xi32>], vector<16xf32>,
          %gather3A_1281 = tpu.vector_load_idx %arg12[%add3A_946, %add3A_538] : memref<160x64xf32, #tpu.memory_space<vmem>>[vector<16xi32>, vector<16xi32>], vector<16xf32>,
          %mul3A_1282 = arith.mulf %gather3A_1280, %gather3A_1281 : vector<16xf32>
          %add3A_1283 = arith.addf %add3A_1279, %mul3A_1282 : vector<16xf32>
          %gather3A_1284 = tpu.vector_load_idx %arg11[%add3A_946, %add3A_547] : memref<160x64xf32, #tpu.memory_space<vmem>>[vector<16xi32>, vector<16xi32>], vector<16xf32>,
          %gather3A_1285 = tpu.vector_load_idx %arg12[%add3A_946, %add3A_547] : memref<160x64xf32, #tpu.memory_space<vmem>>[vector<16xi32>, vector<16xi32>], vector<16xf32>,
          %mul3A_1286 = arith.mulf %gather3A_1284, %gather3A_1285 : vector<16xf32>
          %add3A_1287 = arith.addf %add3A_1283, %mul3A_1286 : vector<16xf32>
          %gather3A_1288 = tpu.vector_load_idx %arg11[%add3A_946, %add3A_556] : memref<160x64xf32, #tpu.memory_space<vmem>>[vector<16xi32>, vector<16xi32>], vector<16xf32>,
          %gather3A_1289 = tpu.vector_load_idx %arg12[%add3A_946, %add3A_556] : memref<160x64xf32, #tpu.memory_space<vmem>>[vector<16xi32>, vector<16xi32>], vector<16xf32>,
          %mul3A_1290 = arith.mulf %gather3A_1288, %gather3A_1289 : vector<16xf32>
          %add3A_1291 = arith.addf %add3A_1287, %mul3A_1290 : vector<16xf32>
          %gather3A_1292 = tpu.vector_load_idx %arg11[%add3A_946, %add3A_565] : memref<160x64xf32, #tpu.memory_space<vmem>>[vector<16xi32>, vector<16xi32>], vector<16xf32>,
          %gather3A_1293 = tpu.vector_load_idx %arg12[%add3A_946, %add3A_565] : memref<160x64xf32, #tpu.memory_space<vmem>>[vector<16xi32>, vector<16xi32>], vector<16xf32>,
          %mul3A_1294 = arith.mulf %gather3A_1292, %gather3A_1293 : vector<16xf32>
          %add3A_1295 = arith.addf %add3A_1291, %mul3A_1294 : vector<16xf32>
          %gather3A_1296 = tpu.vector_load_idx %arg11[%add3A_946, %add3A_574] : memref<160x64xf32, #tpu.memory_space<vmem>>[vector<16xi32>, vector<16xi32>], vector<16xf32>,
          %gather3A_1297 = tpu.vector_load_idx %arg12[%add3A_946, %add3A_574] : memref<160x64xf32, #tpu.memory_space<vmem>>[vector<16xi32>, vector<16xi32>], vector<16xf32>,
          %mul3A_1298 = arith.mulf %gather3A_1296, %gather3A_1297 : vector<16xf32>
          %add3A_1299 = arith.addf %add3A_1295, %mul3A_1298 : vector<16xf32>
          %exp3A_1300 = math.exp %add3A_1299 : vector<16xf32>
          tpu.vector_store_idx %arg15[%add3A_946, %broadcast_in_dim3A_582], %exp3A_1300 : memref<160x16xf32, #tpu.memory_space<vmem>>[vector<16xi32>, vector<16xi32>], vector<16xf32>,
          %gather3A_1301 = tpu.vector_load_idx %arg13[%add3A_946, %add3A_439] : memref<160x64xf32, #tpu.memory_space<vmem>>[vector<16xi32>, vector<16xi32>], vector<16xf32>,
          %mul3A_1302 = arith.mulf %exp3A_1300, %gather3A_1301 : vector<16xf32>
          tpu.vector_store_idx %arg14[%add3A_946, %add3A_439], %mul3A_1302 : memref<160x64xf32, #tpu.memory_space<vmem>>[vector<16xi32>, vector<16xi32>], vector<16xf32>,
          %gather3A_1303 = tpu.vector_load_idx %arg13[%add3A_946, %add3A_448] : memref<160x64xf32, #tpu.memory_space<vmem>>[vector<16xi32>, vector<16xi32>], vector<16xf32>,
          %mul3A_1304 = arith.mulf %exp3A_1300, %gather3A_1303 : vector<16xf32>
          tpu.vector_store_idx %arg14[%add3A_946, %add3A_448], %mul3A_1304 : memref<160x64xf32, #tpu.memory_space<vmem>>[vector<16xi32>, vector<16xi32>], vector<16xf32>,
          %gather3A_1305 = tpu.vector_load_idx %arg13[%add3A_946, %add3A_457] : memref<160x64xf32, #tpu.memory_space<vmem>>[vector<16xi32>, vector<16xi32>], vector<16xf32>,
          %mul3A_1306 = arith.mulf %exp3A_1300, %gather3A_1305 : vector<16xf32>
          tpu.vector_store_idx %arg14[%add3A_946, %add3A_457], %mul3A_1306 : memref<160x64xf32, #tpu.memory_space<vmem>>[vector<16xi32>, vector<16xi32>], vector<16xf32>,
          %gather3A_1307 = tpu.vector_load_idx %arg13[%add3A_946, %add3A_466] : memref<160x64xf32, #tpu.memory_space<vmem>>[vector<16xi32>, vector<16xi32>], vector<16xf32>,
          %mul3A_1308 = arith.mulf %exp3A_1300, %gather3A_1307 : vector<16xf32>
          tpu.vector_store_idx %arg14[%add3A_946, %add3A_466], %mul3A_1308 : memref<160x64xf32, #tpu.memory_space<vmem>>[vector<16xi32>, vector<16xi32>], vector<16xf32>,
          %gather3A_1309 = tpu.vector_load_idx %arg13[%add3A_946, %add3A_475] : memref<160x64xf32, #tpu.memory_space<vmem>>[vector<16xi32>, vector<16xi32>], vector<16xf32>,
          %mul3A_1310 = arith.mulf %exp3A_1300, %gather3A_1309 : vector<16xf32>
          tpu.vector_store_idx %arg14[%add3A_946, %add3A_475], %mul3A_1310 : memref<160x64xf32, #tpu.memory_space<vmem>>[vector<16xi32>, vector<16xi32>], vector<16xf32>,
          %gather3A_1311 = tpu.vector_load_idx %arg13[%add3A_946, %add3A_484] : memref<160x64xf32, #tpu.memory_space<vmem>>[vector<16xi32>, vector<16xi32>], vector<16xf32>,
          %mul3A_1312 = arith.mulf %exp3A_1300, %gather3A_1311 : vector<16xf32>
          tpu.vector_store_idx %arg14[%add3A_946, %add3A_484], %mul3A_1312 : memref<160x64xf32, #tpu.memory_space<vmem>>[vector<16xi32>, vector<16xi32>], vector<16xf32>,
          %gather3A_1313 = tpu.vector_load_idx %arg13[%add3A_946, %add3A_493] : memref<160x64xf32, #tpu.memory_space<vmem>>[vector<16xi32>, vector<16xi32>], vector<16xf32>,
          %mul3A_1314 = arith.mulf %exp3A_1300, %gather3A_1313 : vector<16xf32>
          tpu.vector_store_idx %arg14[%add3A_946, %add3A_493], %mul3A_1314 : memref<160x64xf32, #tpu.memory_space<vmem>>[vector<16xi32>, vector<16xi32>], vector<16xf32>,
          %gather3A_1315 = tpu.vector_load_idx %arg13[%add3A_946, %add3A_502] : memref<160x64xf32, #tpu.memory_space<vmem>>[vector<16xi32>, vector<16xi32>], vector<16xf32>,
          %mul3A_1316 = arith.mulf %exp3A_1300, %gather3A_1315 : vector<16xf32>
          tpu.vector_store_idx %arg14[%add3A_946, %add3A_502], %mul3A_1316 : memref<160x64xf32, #tpu.memory_space<vmem>>[vector<16xi32>, vector<16xi32>], vector<16xf32>,
          %gather3A_1317 = tpu.vector_load_idx %arg13[%add3A_946, %add3A_511] : memref<160x64xf32, #tpu.memory_space<vmem>>[vector<16xi32>, vector<16xi32>], vector<16xf32>,
          %mul3A_1318 = arith.mulf %exp3A_1300, %gather3A_1317 : vector<16xf32>
          tpu.vector_store_idx %arg14[%add3A_946, %add3A_511], %mul3A_1318 : memref<160x64xf32, #tpu.memory_space<vmem>>[vector<16xi32>, vector<16xi32>], vector<16xf32>,
          %gather3A_1319 = tpu.vector_load_idx %arg13[%add3A_946, %add3A_520] : memref<160x64xf32, #tpu.memory_space<vmem>>[vector<16xi32>, vector<16xi32>], vector<16xf32>,
          %mul3A_1320 = arith.mulf %exp3A_1300, %gather3A_1319 : vector<16xf32>
          tpu.vector_store_idx %arg14[%add3A_946, %add3A_520], %mul3A_1320 : memref<160x64xf32, #tpu.memory_space<vmem>>[vector<16xi32>, vector<16xi32>], vector<16xf32>,
          %gather3A_1321 = tpu.vector_load_idx %arg13[%add3A_946, %add3A_529] : memref<160x64xf32, #tpu.memory_space<vmem>>[vector<16xi32>, vector<16xi32>], vector<16xf32>,
          %mul3A_1322 = arith.mulf %exp3A_1300, %gather3A_1321 : vector<16xf32>
          tpu.vector_store_idx %arg14[%add3A_946, %add3A_529], %mul3A_1322 : memref<160x64xf32, #tpu.memory_space<vmem>>[vector<16xi32>, vector<16xi32>], vector<16xf32>,
          %gather3A_1323 = tpu.vector_load_idx %arg13[%add3A_946, %add3A_538] : memref<160x64xf32, #tpu.memory_space<vmem>>[vector<16xi32>, vector<16xi32>], vector<16xf32>,
          %mul3A_1324 = arith.mulf %exp3A_1300, %gather3A_1323 : vector<16xf32>
          tpu.vector_store_idx %arg14[%add3A_946, %add3A_538], %mul3A_1324 : memref<160x64xf32, #tpu.memory_space<vmem>>[vector<16xi32>, vector<16xi32>], vector<16xf32>,
          %gather3A_1325 = tpu.vector_load_idx %arg13[%add3A_946, %add3A_547] : memref<160x64xf32, #tpu.memory_space<vmem>>[vector<16xi32>, vector<16xi32>], vector<16xf32>,
          %mul3A_1326 = arith.mulf %exp3A_1300, %gather3A_1325 : vector<16xf32>
          tpu.vector_store_idx %arg14[%add3A_946, %add3A_547], %mul3A_1326 : memref<160x64xf32, #tpu.memory_space<vmem>>[vector<16xi32>, vector<16xi32>], vector<16xf32>,
          %gather3A_1327 = tpu.vector_load_idx %arg13[%add3A_946, %add3A_556] : memref<160x64xf32, #tpu.memory_space<vmem>>[vector<16xi32>, vector<16xi32>], vector<16xf32>,
          %mul3A_1328 = arith.mulf %exp3A_1300, %gather3A_1327 : vector<16xf32>
          tpu.vector_store_idx %arg14[%add3A_946, %add3A_556], %mul3A_1328 : memref<160x64xf32, #tpu.memory_space<vmem>>[vector<16xi32>, vector<16xi32>], vector<16xf32>,
          %gather3A_1329 = tpu.vector_load_idx %arg13[%add3A_946, %add3A_565] : memref<160x64xf32, #tpu.memory_space<vmem>>[vector<16xi32>, vector<16xi32>], vector<16xf32>,
          %mul3A_1330 = arith.mulf %exp3A_1300, %gather3A_1329 : vector<16xf32>
          tpu.vector_store_idx %arg14[%add3A_946, %add3A_565], %mul3A_1330 : memref<160x64xf32, #tpu.memory_space<vmem>>[vector<16xi32>, vector<16xi32>], vector<16xf32>,
          %gather3A_1331 = tpu.vector_load_idx %arg13[%add3A_946, %add3A_574] : memref<160x64xf32, #tpu.memory_space<vmem>>[vector<16xi32>, vector<16xi32>], vector<16xf32>,
          %mul3A_1332 = arith.mulf %exp3A_1300, %gather3A_1331 : vector<16xf32>
          tpu.vector_store_idx %arg14[%add3A_946, %add3A_574], %mul3A_1332 : memref<160x64xf32, #tpu.memory_space<vmem>>[vector<16xi32>, vector<16xi32>], vector<16xf32>,
        }
        %scan3A_849 = arith.constant 5 : i32
        %mul3A_850 = arith.constant 80 : i32
        %mul3A_851 = arith.muli %mul3A_769, %mul3A_850 : i32
        %dma_start3A_852 = arith.constant 0 : i32
        %dma_start3A_853 = arith.constant 0 : i32
        %dma_start3A_854 = tpu.memref_slice %arg14[%dma_start3A_852, %dma_start3A_853] : memref<160x64xf32, #tpu.memory_space<vmem>> -> memref<80x64xf32, #tpu.memory_space<vmem>>
        %dma_start3A_855 = tpu.memref_slice %arg10[%select_n3A_667, %mul3A_851] : memref<2x4000xi32, #tpu.memory_space<vmem>> -> memref<1x80xi32, #tpu.memory_space<vmem>>
        %dma_start3A_856 = tpu.memref_squeeze %dma_start3A_855 : memref<1x80xi32, #tpu.memory_space<vmem>> -> memref<80xi32, #tpu.memory_space<vmem>>
        %dma_start3A_857 = arith.constant 0 : i32
        %dma_start3A_858 = arith.constant 0 : i32
        %dma_start3A_859 = tpu.memref_slice %arg16[%dma_start3A_857, %dma_start3A_858] : memref<10240x64xf32, #tpu.memory_space<vmem_shared>> -> memref<10240x64xf32, #tpu.memory_space<vmem_shared>>
        tpu.enqueue_indirect_dma source(%dma_start3A_854 : memref<80x64xf32, #tpu.memory_space<vmem>>) target(%dma_start3A_859 : memref<10240x64xf32, #tpu.memory_space<vmem_shared>>) offsets(%dma_start3A_856 : memref<80xi32, #tpu.memory_space<vmem>>) semaphore(%arg20 : memref<!tpu.dma_semaphore, #tpu.memory_space<semaphore_mem>>) {add = true}
        %dma_start3A_860 = arith.constant 0 : i32
        %dma_start3A_861 = arith.constant 0 : i32
        %dma_start3A_862 = tpu.memref_slice %arg15[%dma_start3A_860, %dma_start3A_861] : memref<160x16xf32, #tpu.memory_space<vmem>> -> memref<80x16xf32, #tpu.memory_space<vmem>>
        %dma_start3A_863 = tpu.memref_slice %arg10[%select_n3A_667, %mul3A_851] : memref<2x4000xi32, #tpu.memory_space<vmem>> -> memref<1x80xi32, #tpu.memory_space<vmem>>
        %dma_start3A_864 = tpu.memref_squeeze %dma_start3A_863 : memref<1x80xi32, #tpu.memory_space<vmem>> -> memref<80xi32, #tpu.memory_space<vmem>>
        %dma_start3A_865 = arith.constant 0 : i32
        %dma_start3A_866 = arith.constant 0 : i32
        %dma_start3A_867 = tpu.memref_slice %arg17[%dma_start3A_865, %dma_start3A_866] : memref<10240x16xf32, #tpu.memory_space<vmem_shared>> -> memref<10240x16xf32, #tpu.memory_space<vmem_shared>>
        tpu.enqueue_indirect_dma source(%dma_start3A_862 : memref<80x16xf32, #tpu.memory_space<vmem>>) target(%dma_start3A_867 : memref<10240x16xf32, #tpu.memory_space<vmem_shared>>) offsets(%dma_start3A_864 : memref<80xi32, #tpu.memory_space<vmem>>) semaphore(%arg20 : memref<!tpu.dma_semaphore, #tpu.memory_space<semaphore_mem>>) {add = true}
        %lt3A_868 = arith.constant 24 : i32
        %lt3A_869 = arith.cmpi slt, %scan3A_767, %lt3A_868 : i32
        %convert_element_type3A_870 = arith.extui %lt3A_869 : i1 to i32
        %cond3A_871 = arith.constant 0 : i32
        %cond3A_872 = arith.cmpi ne, %convert_element_type3A_870, %cond3A_871 : i32
        scf.if %cond3A_872 {
          %add3A_940 = arith.constant 2 : i32
          %add3A_941 = arith.addi %mul3A_769, %add3A_940 : i32
          %mul3A_942 = arith.constant 80 : i32
          %mul3A_943 = arith.muli %add3A_941, %mul3A_942 : i32
          %mul3A_944 = arith.constant 80 : i32
          %mul3A_945 = arith.muli %add3A_941, %mul3A_944 : i32
          %dma_start3A_946 = arith.constant 0 : i32
          %dma_start3A_947 = arith.constant 0 : i32
          %dma_start3A_948 = tpu.memref_slice %arg11[%dma_start3A_946, %dma_start3A_947] : memref<160x64xf32, #tpu.memory_space<vmem>> -> memref<80x64xf32, #tpu.memory_space<vmem>>
          %dma_start3A_949 = tpu.memref_slice %arg9[%select_n3A_667, %mul3A_943] : memref<2x4000xi32, #tpu.memory_space<vmem>> -> memref<1x80xi32, #tpu.memory_space<vmem>>
          %dma_start3A_950 = tpu.memref_squeeze %dma_start3A_949 : memref<1x80xi32, #tpu.memory_space<vmem>> -> memref<80xi32, #tpu.memory_space<vmem>>
          %dma_start3A_951 = arith.constant 0 : i32
          %dma_start3A_952 = tpu.memref_slice %arg3[%mul3A_583, %dma_start3A_951] : memref<20480x64xf32, #tpu.memory_space<hbm>> -> memref<10240x64xf32, #tpu.memory_space<hbm>>
          %dma_start3A_953 = arith.constant 0 : i32
          %dma_start3A_954 = arith.constant 0 : i32
          %dma_start3A_955 = tpu.memref_slice %dma_start3A_952[%dma_start3A_953, %dma_start3A_954] : memref<10240x64xf32, #tpu.memory_space<hbm>> -> memref<10240x64xf32, #tpu.memory_space<hbm>>
          tpu.enqueue_indirect_dma source(%dma_start3A_955 : memref<10240x64xf32, #tpu.memory_space<hbm>>) target(%dma_start3A_948 : memref<80x64xf32, #tpu.memory_space<vmem>>) offsets(%dma_start3A_950 : memref<80xi32, #tpu.memory_space<vmem>>) semaphore(%arg18 : memref<!tpu.dma_semaphore, #tpu.memory_space<semaphore_mem>>)
          %dma_start3A_956 = arith.constant 0 : i32
          %dma_start3A_957 = arith.constant 0 : i32
          %dma_start3A_958 = tpu.memref_slice %arg12[%dma_start3A_956, %dma_start3A_957] : memref<160x64xf32, #tpu.memory_space<vmem>> -> memref<80x64xf32, #tpu.memory_space<vmem>>
          %dma_start3A_959 = tpu.memref_slice %arg10[%select_n3A_667, %mul3A_945] : memref<2x4000xi32, #tpu.memory_space<vmem>> -> memref<1x80xi32, #tpu.memory_space<vmem>>
          %dma_start3A_960 = tpu.memref_squeeze %dma_start3A_959 : memref<1x80xi32, #tpu.memory_space<vmem>> -> memref<80xi32, #tpu.memory_space<vmem>>
          %dma_start3A_961 = arith.constant 0 : i32
          %dma_start3A_962 = tpu.memref_slice %arg2[%mul3A_585, %dma_start3A_961] : memref<20480x64xf32, #tpu.memory_space<hbm>> -> memref<10240x64xf32, #tpu.memory_space<hbm>>
          %dma_start3A_963 = arith.constant 0 : i32
          %dma_start3A_964 = arith.constant 0 : i32
          %dma_start3A_965 = tpu.memref_slice %dma_start3A_962[%dma_start3A_963, %dma_start3A_964] : memref<10240x64xf32, #tpu.memory_space<hbm>> -> memref<10240x64xf32, #tpu.memory_space<hbm>>
          tpu.enqueue_indirect_dma source(%dma_start3A_965 : memref<10240x64xf32, #tpu.memory_space<hbm>>) target(%dma_start3A_958 : memref<80x64xf32, #tpu.memory_space<vmem>>) offsets(%dma_start3A_960 : memref<80xi32, #tpu.memory_space<vmem>>) semaphore(%arg18 : memref<!tpu.dma_semaphore, #tpu.memory_space<semaphore_mem>>)
          %dma_start3A_966 = arith.constant 0 : i32
          %dma_start3A_967 = arith.constant 0 : i32
          %dma_start3A_968 = tpu.memref_slice %arg13[%dma_start3A_966, %dma_start3A_967] : memref<160x64xf32, #tpu.memory_space<vmem>> -> memref<80x64xf32, #tpu.memory_space<vmem>>
          %dma_start3A_969 = tpu.memref_slice %arg9[%select_n3A_667, %mul3A_943] : memref<2x4000xi32, #tpu.memory_space<vmem>> -> memref<1x80xi32, #tpu.memory_space<vmem>>
          %dma_start3A_970 = tpu.memref_squeeze %dma_start3A_969 : memref<1x80xi32, #tpu.memory_space<vmem>> -> memref<80xi32, #tpu.memory_space<vmem>>
          %dma_start3A_971 = arith.constant 0 : i32
          %dma_start3A_972 = tpu.memref_slice %arg4[%mul3A_587, %dma_start3A_971] : memref<20480x64xf32, #tpu.memory_space<hbm>> -> memref<10240x64xf32, #tpu.memory_space<hbm>>
          %dma_start3A_973 = arith.constant 0 : i32
          %dma_start3A_974 = arith.constant 0 : i32
          %dma_start3A_975 = tpu.memref_slice %dma_start3A_972[%dma_start3A_973, %dma_start3A_974] : memref<10240x64xf32, #tpu.memory_space<hbm>> -> memref<10240x64xf32, #tpu.memory_space<hbm>>
          tpu.enqueue_indirect_dma source(%dma_start3A_975 : memref<10240x64xf32, #tpu.memory_space<hbm>>) target(%dma_start3A_968 : memref<80x64xf32, #tpu.memory_space<vmem>>) offsets(%dma_start3A_970 : memref<80xi32, #tpu.memory_space<vmem>>) semaphore(%arg18 : memref<!tpu.dma_semaphore, #tpu.memory_space<semaphore_mem>>)
        } else {
        }
        %add3A_873 = arith.constant 1 : i32
        %add3A_874 = arith.addi %mul3A_769, %add3A_873 : i32
        %mul3A_875 = arith.constant 80 : i32
        %mul3A_876 = arith.muli %add3A_874, %mul3A_875 : i32
        %mul3A_877 = arith.constant 80 : i32
        %mul3A_878 = arith.muli %add3A_874, %mul3A_877 : i32
        %dma_wait3A_879 = arith.constant 80 : i32
        %dma_wait3A_880 = arith.constant 0 : i32
        %dma_wait3A_881 = tpu.memref_slice %arg11[%dma_wait3A_879, %dma_wait3A_880] : memref<160x64xf32, #tpu.memory_space<vmem>> -> memref<80x64xf32, #tpu.memory_space<vmem>>
        %dma_wait3A_882 = tpu.memref_slice %arg9[%select_n3A_667, %mul3A_876] : memref<2x4000xi32, #tpu.memory_space<vmem>> -> memref<1x80xi32, #tpu.memory_space<vmem>>
        %dma_wait3A_883 = tpu.memref_squeeze %dma_wait3A_882 : memref<1x80xi32, #tpu.memory_space<vmem>> -> memref<80xi32, #tpu.memory_space<vmem>>
        %dma_wait3A_884 = arith.constant 0 : i32
        %dma_wait3A_885 = tpu.memref_slice %arg3[%mul3A_583, %dma_wait3A_884] : memref<20480x64xf32, #tpu.memory_space<hbm>> -> memref<10240x64xf32, #tpu.memory_space<hbm>>
        %dma_wait3A_886 = arith.constant 0 : i32
        %dma_wait3A_887 = arith.constant 0 : i32
        %dma_wait3A_888 = tpu.memref_slice %dma_wait3A_885[%dma_wait3A_886, %dma_wait3A_887] : memref<10240x64xf32, #tpu.memory_space<hbm>> -> memref<10240x64xf32, #tpu.memory_space<hbm>>
        tpu.wait_indirect_dma semaphore(%arg19 : memref<!tpu.dma_semaphore, #tpu.memory_space<semaphore_mem>>) src(%dma_wait3A_888 : memref<10240x64xf32, #tpu.memory_space<hbm>>) dst(%dma_wait3A_881 : memref<80x64xf32, #tpu.memory_space<vmem>>)
        %dma_wait3A_889 = arith.constant 80 : i32
        %dma_wait3A_890 = arith.constant 0 : i32
        %dma_wait3A_891 = tpu.memref_slice %arg12[%dma_wait3A_889, %dma_wait3A_890] : memref<160x64xf32, #tpu.memory_space<vmem>> -> memref<80x64xf32, #tpu.memory_space<vmem>>
        %dma_wait3A_892 = tpu.memref_slice %arg10[%select_n3A_667, %mul3A_878] : memref<2x4000xi32, #tpu.memory_space<vmem>> -> memref<1x80xi32, #tpu.memory_space<vmem>>
        %dma_wait3A_893 = tpu.memref_squeeze %dma_wait3A_892 : memref<1x80xi32, #tpu.memory_space<vmem>> -> memref<80xi32, #tpu.memory_space<vmem>>
        %dma_wait3A_894 = arith.constant 0 : i32
        %dma_wait3A_895 = tpu.memref_slice %arg2[%mul3A_585, %dma_wait3A_894] : memref<20480x64xf32, #tpu.memory_space<hbm>> -> memref<10240x64xf32, #tpu.memory_space<hbm>>
        %dma_wait3A_896 = arith.constant 0 : i32
        %dma_wait3A_897 = arith.constant 0 : i32
        %dma_wait3A_898 = tpu.memref_slice %dma_wait3A_895[%dma_wait3A_896, %dma_wait3A_897] : memref<10240x64xf32, #tpu.memory_space<hbm>> -> memref<10240x64xf32, #tpu.memory_space<hbm>>
        tpu.wait_indirect_dma semaphore(%arg19 : memref<!tpu.dma_semaphore, #tpu.memory_space<semaphore_mem>>) src(%dma_wait3A_898 : memref<10240x64xf32, #tpu.memory_space<hbm>>) dst(%dma_wait3A_891 : memref<80x64xf32, #tpu.memory_space<vmem>>)
        %dma_wait3A_899 = arith.constant 80 : i32
        %dma_wait3A_900 = arith.constant 0 : i32
        %dma_wait3A_901 = tpu.memref_slice %arg13[%dma_wait3A_899, %dma_wait3A_900] : memref<160x64xf32, #tpu.memory_space<vmem>> -> memref<80x64xf32, #tpu.memory_space<vmem>>
        %dma_wait3A_902 = tpu.memref_slice %arg9[%select_n3A_667, %mul3A_876] : memref<2x4000xi32, #tpu.memory_space<vmem>> -> memref<1x80xi32, #tpu.memory_space<vmem>>
        %dma_wait3A_903 = tpu.memref_squeeze %dma_wait3A_902 : memref<1x80xi32, #tpu.memory_space<vmem>> -> memref<80xi32, #tpu.memory_space<vmem>>
        %dma_wait3A_904 = arith.constant 0 : i32
        %dma_wait3A_905 = tpu.memref_slice %arg4[%mul3A_587, %dma_wait3A_904] : memref<20480x64xf32, #tpu.memory_space<hbm>> -> memref<10240x64xf32, #tpu.memory_space<hbm>>
        %dma_wait3A_906 = arith.constant 0 : i32
        %dma_wait3A_907 = arith.constant 0 : i32
        %dma_wait3A_908 = tpu.memref_slice %dma_wait3A_905[%dma_wait3A_906, %dma_wait3A_907] : memref<10240x64xf32, #tpu.memory_space<hbm>> -> memref<10240x64xf32, #tpu.memory_space<hbm>>
        tpu.wait_indirect_dma semaphore(%arg19 : memref<!tpu.dma_semaphore, #tpu.memory_space<semaphore_mem>>) src(%dma_wait3A_908 : memref<10240x64xf32, #tpu.memory_space<hbm>>) dst(%dma_wait3A_901 : memref<80x64xf32, #tpu.memory_space<vmem>>)
        %gt3A_909 = arith.constant 0 : i32
        %gt3A_910 = arith.cmpi sgt, %scan3A_767, %gt3A_909 : i32
        %convert_element_type3A_911 = arith.extui %gt3A_910 : i1 to i32
        %cond3A_912 = arith.constant 0 : i32
        %cond3A_913 = arith.cmpi ne, %convert_element_type3A_911, %cond3A_912 : i32
        scf.if %cond3A_913 {
          %sub3A = arith.constant 1 : i32
          %sub3A_940 = arith.subi %mul3A_769, %sub3A : i32
          %mul3A_941 = arith.constant 80 : i32
          %mul3A_942 = arith.muli %sub3A_940, %mul3A_941 : i32
          %dma_wait3A_943 = arith.constant 80 : i32
          %dma_wait3A_944 = arith.constant 0 : i32
          %dma_wait3A_945 = tpu.memref_slice %arg14[%dma_wait3A_943, %dma_wait3A_944] : memref<160x64xf32, #tpu.memory_space<vmem>> -> memref<80x64xf32, #tpu.memory_space<vmem>>
          %dma_wait3A_946 = tpu.memref_slice %arg10[%select_n3A_667, %mul3A_942] : memref<2x4000xi32, #tpu.memory_space<vmem>> -> memref<1x80xi32, #tpu.memory_space<vmem>>
          %dma_wait3A_947 = tpu.memref_squeeze %dma_wait3A_946 : memref<1x80xi32, #tpu.memory_space<vmem>> -> memref<80xi32, #tpu.memory_space<vmem>>
          %dma_wait3A_948 = arith.constant 0 : i32
          %dma_wait3A_949 = arith.constant 0 : i32
          %dma_wait3A_950 = tpu.memref_slice %arg16[%dma_wait3A_948, %dma_wait3A_949] : memref<10240x64xf32, #tpu.memory_space<vmem_shared>> -> memref<10240x64xf32, #tpu.memory_space<vmem_shared>>
          tpu.wait_indirect_dma semaphore(%arg21 : memref<!tpu.dma_semaphore, #tpu.memory_space<semaphore_mem>>) src(%dma_wait3A_945 : memref<80x64xf32, #tpu.memory_space<vmem>>) dst(%dma_wait3A_950 : memref<10240x64xf32, #tpu.memory_space<vmem_shared>>)
          %dma_wait3A_951 = arith.constant 80 : i32
          %dma_wait3A_952 = arith.constant 0 : i32
          %dma_wait3A_953 = tpu.memref_slice %arg15[%dma_wait3A_951, %dma_wait3A_952] : memref<160x16xf32, #tpu.memory_space<vmem>> -> memref<80x16xf32, #tpu.memory_space<vmem>>
          %dma_wait3A_954 = tpu.memref_slice %arg10[%select_n3A_667, %mul3A_942] : memref<2x4000xi32, #tpu.memory_space<vmem>> -> memref<1x80xi32, #tpu.memory_space<vmem>>
          %dma_wait3A_955 = tpu.memref_squeeze %dma_wait3A_954 : memref<1x80xi32, #tpu.memory_space<vmem>> -> memref<80xi32, #tpu.memory_space<vmem>>
          %dma_wait3A_956 = arith.constant 0 : i32
          %dma_wait3A_957 = arith.constant 0 : i32
          %dma_wait3A_958 = tpu.memref_slice %arg17[%dma_wait3A_956, %dma_wait3A_957] : memref<10240x16xf32, #tpu.memory_space<vmem_shared>> -> memref<10240x16xf32, #tpu.memory_space<vmem_shared>>
          tpu.wait_indirect_dma semaphore(%arg21 : memref<!tpu.dma_semaphore, #tpu.memory_space<semaphore_mem>>) src(%dma_wait3A_953 : memref<80x16xf32, #tpu.memory_space<vmem>>) dst(%dma_wait3A_958 : memref<10240x16xf32, #tpu.memory_space<vmem_shared>>)
        } else {
        }
        %scan3A_914 = arith.constant 0 : i32
        %scan3A_915 = arith.constant 0 : i32
        %scan3A_916 = arith.constant 5 : i32
        %scan3A_917 = arith.addi %scan3A_915, %scan3A_916 : i32
        %scan3A_918 = arith.constant 1 : i32
        scf.for %scan3A_940 = %scan3A_915 to %scan3A_917 step %scan3A_918  : i32 {
          %mul3A_941 = arith.constant 16 : i32
          %mul3A_942 = arith.muli %scan3A_940, %mul3A_941 : i32
          %add3A_943 = arith.constant 80 : i32
          %add3A_944 = arith.addi %add3A_943, %mul3A_942 : i32
          %add3A_945 = vector.broadcast %add3A_944 : i32 to vector<16xi32>
          %add3A_946 = arith.addi %add3A_945, %iota3A : vector<16xi32>
          %gather3A = tpu.vector_load_idx %arg11[%add3A_946, %add3A_7] : memref<160x64xf32, #tpu.memory_space<vmem>>[vector<16xi32>, vector<16xi32>], vector<16xf32>,
          %gather3A_947 = tpu.vector_load_idx %arg12[%add3A_946, %add3A_7] : memref<160x64xf32, #tpu.memory_space<vmem>>[vector<16xi32>, vector<16xi32>], vector<16xf32>,
          %mul3A_948 = arith.mulf %gather3A, %gather3A_947 : vector<16xf32>
          %add3A_949 = arith.addf %broadcast_in_dim3A_0, %mul3A_948 : vector<16xf32>
          %gather3A_950 = tpu.vector_load_idx %arg11[%add3A_946, %add3A_16] : memref<160x64xf32, #tpu.memory_space<vmem>>[vector<16xi32>, vector<16xi32>], vector<16xf32>,
          %gather3A_951 = tpu.vector_load_idx %arg12[%add3A_946, %add3A_16] : memref<160x64xf32, #tpu.memory_space<vmem>>[vector<16xi32>, vector<16xi32>], vector<16xf32>,
          %mul3A_952 = arith.mulf %gather3A_950, %gather3A_951 : vector<16xf32>
          %add3A_953 = arith.addf %add3A_949, %mul3A_952 : vector<16xf32>
          %gather3A_954 = tpu.vector_load_idx %arg11[%add3A_946, %add3A_25] : memref<160x64xf32, #tpu.memory_space<vmem>>[vector<16xi32>, vector<16xi32>], vector<16xf32>,
          %gather3A_955 = tpu.vector_load_idx %arg12[%add3A_946, %add3A_25] : memref<160x64xf32, #tpu.memory_space<vmem>>[vector<16xi32>, vector<16xi32>], vector<16xf32>,
          %mul3A_956 = arith.mulf %gather3A_954, %gather3A_955 : vector<16xf32>
          %add3A_957 = arith.addf %add3A_953, %mul3A_956 : vector<16xf32>
          %gather3A_958 = tpu.vector_load_idx %arg11[%add3A_946, %add3A_34] : memref<160x64xf32, #tpu.memory_space<vmem>>[vector<16xi32>, vector<16xi32>], vector<16xf32>,
          %gather3A_959 = tpu.vector_load_idx %arg12[%add3A_946, %add3A_34] : memref<160x64xf32, #tpu.memory_space<vmem>>[vector<16xi32>, vector<16xi32>], vector<16xf32>,
          %mul3A_960 = arith.mulf %gather3A_958, %gather3A_959 : vector<16xf32>
          %add3A_961 = arith.addf %add3A_957, %mul3A_960 : vector<16xf32>
          %gather3A_962 = tpu.vector_load_idx %arg11[%add3A_946, %add3A_43] : memref<160x64xf32, #tpu.memory_space<vmem>>[vector<16xi32>, vector<16xi32>], vector<16xf32>,
          %gather3A_963 = tpu.vector_load_idx %arg12[%add3A_946, %add3A_43] : memref<160x64xf32, #tpu.memory_space<vmem>>[vector<16xi32>, vector<16xi32>], vector<16xf32>,
          %mul3A_964 = arith.mulf %gather3A_962, %gather3A_963 : vector<16xf32>
          %add3A_965 = arith.addf %add3A_961, %mul3A_964 : vector<16xf32>
          %gather3A_966 = tpu.vector_load_idx %arg11[%add3A_946, %add3A_52] : memref<160x64xf32, #tpu.memory_space<vmem>>[vector<16xi32>, vector<16xi32>], vector<16xf32>,
          %gather3A_967 = tpu.vector_load_idx %arg12[%add3A_946, %add3A_52] : memref<160x64xf32, #tpu.memory_space<vmem>>[vector<16xi32>, vector<16xi32>], vector<16xf32>,
          %mul3A_968 = arith.mulf %gather3A_966, %gather3A_967 : vector<16xf32>
          %add3A_969 = arith.addf %add3A_965, %mul3A_968 : vector<16xf32>
          %gather3A_970 = tpu.vector_load_idx %arg11[%add3A_946, %add3A_61] : memref<160x64xf32, #tpu.memory_space<vmem>>[vector<16xi32>, vector<16xi32>], vector<16xf32>,
          %gather3A_971 = tpu.vector_load_idx %arg12[%add3A_946, %add3A_61] : memref<160x64xf32, #tpu.memory_space<vmem>>[vector<16xi32>, vector<16xi32>], vector<16xf32>,
          %mul3A_972 = arith.mulf %gather3A_970, %gather3A_971 : vector<16xf32>
          %add3A_973 = arith.addf %add3A_969, %mul3A_972 : vector<16xf32>
          %gather3A_974 = tpu.vector_load_idx %arg11[%add3A_946, %add3A_70] : memref<160x64xf32, #tpu.memory_space<vmem>>[vector<16xi32>, vector<16xi32>], vector<16xf32>,
          %gather3A_975 = tpu.vector_load_idx %arg12[%add3A_946, %add3A_70] : memref<160x64xf32, #tpu.memory_space<vmem>>[vector<16xi32>, vector<16xi32>], vector<16xf32>,
          %mul3A_976 = arith.mulf %gather3A_974, %gather3A_975 : vector<16xf32>
          %add3A_977 = arith.addf %add3A_973, %mul3A_976 : vector<16xf32>
          %gather3A_978 = tpu.vector_load_idx %arg11[%add3A_946, %add3A_79] : memref<160x64xf32, #tpu.memory_space<vmem>>[vector<16xi32>, vector<16xi32>], vector<16xf32>,
          %gather3A_979 = tpu.vector_load_idx %arg12[%add3A_946, %add3A_79] : memref<160x64xf32, #tpu.memory_space<vmem>>[vector<16xi32>, vector<16xi32>], vector<16xf32>,
          %mul3A_980 = arith.mulf %gather3A_978, %gather3A_979 : vector<16xf32>
          %add3A_981 = arith.addf %add3A_977, %mul3A_980 : vector<16xf32>
          %gather3A_982 = tpu.vector_load_idx %arg11[%add3A_946, %add3A_88] : memref<160x64xf32, #tpu.memory_space<vmem>>[vector<16xi32>, vector<16xi32>], vector<16xf32>,
          %gather3A_983 = tpu.vector_load_idx %arg12[%add3A_946, %add3A_88] : memref<160x64xf32, #tpu.memory_space<vmem>>[vector<16xi32>, vector<16xi32>], vector<16xf32>,
          %mul3A_984 = arith.mulf %gather3A_982, %gather3A_983 : vector<16xf32>
          %add3A_985 = arith.addf %add3A_981, %mul3A_984 : vector<16xf32>
          %gather3A_986 = tpu.vector_load_idx %arg11[%add3A_946, %add3A_97] : memref<160x64xf32, #tpu.memory_space<vmem>>[vector<16xi32>, vector<16xi32>], vector<16xf32>,
          %gather3A_987 = tpu.vector_load_idx %arg12[%add3A_946, %add3A_97] : memref<160x64xf32, #tpu.memory_space<vmem>>[vector<16xi32>, vector<16xi32>], vector<16xf32>,
          %mul3A_988 = arith.mulf %gather3A_986, %gather3A_987 : vector<16xf32>
          %add3A_989 = arith.addf %add3A_985, %mul3A_988 : vector<16xf32>
          %gather3A_990 = tpu.vector_load_idx %arg11[%add3A_946, %add3A_106] : memref<160x64xf32, #tpu.memory_space<vmem>>[vector<16xi32>, vector<16xi32>], vector<16xf32>,
          %gather3A_991 = tpu.vector_load_idx %arg12[%add3A_946, %add3A_106] : memref<160x64xf32, #tpu.memory_space<vmem>>[vector<16xi32>, vector<16xi32>], vector<16xf32>,
          %mul3A_992 = arith.mulf %gather3A_990, %gather3A_991 : vector<16xf32>
          %add3A_993 = arith.addf %add3A_989, %mul3A_992 : vector<16xf32>
          %gather3A_994 = tpu.vector_load_idx %arg11[%add3A_946, %add3A_115] : memref<160x64xf32, #tpu.memory_space<vmem>>[vector<16xi32>, vector<16xi32>], vector<16xf32>,
          %gather3A_995 = tpu.vector_load_idx %arg12[%add3A_946, %add3A_115] : memref<160x64xf32, #tpu.memory_space<vmem>>[vector<16xi32>, vector<16xi32>], vector<16xf32>,
          %mul3A_996 = arith.mulf %gather3A_994, %gather3A_995 : vector<16xf32>
          %add3A_997 = arith.addf %add3A_993, %mul3A_996 : vector<16xf32>
          %gather3A_998 = tpu.vector_load_idx %arg11[%add3A_946, %add3A_124] : memref<160x64xf32, #tpu.memory_space<vmem>>[vector<16xi32>, vector<16xi32>], vector<16xf32>,
          %gather3A_999 = tpu.vector_load_idx %arg12[%add3A_946, %add3A_124] : memref<160x64xf32, #tpu.memory_space<vmem>>[vector<16xi32>, vector<16xi32>], vector<16xf32>,
          %mul3A_1000 = arith.mulf %gather3A_998, %gather3A_999 : vector<16xf32>
          %add3A_1001 = arith.addf %add3A_997, %mul3A_1000 : vector<16xf32>
          %gather3A_1002 = tpu.vector_load_idx %arg11[%add3A_946, %add3A_133] : memref<160x64xf32, #tpu.memory_space<vmem>>[vector<16xi32>, vector<16xi32>], vector<16xf32>,
          %gather3A_1003 = tpu.vector_load_idx %arg12[%add3A_946, %add3A_133] : memref<160x64xf32, #tpu.memory_space<vmem>>[vector<16xi32>, vector<16xi32>], vector<16xf32>,
          %mul3A_1004 = arith.mulf %gather3A_1002, %gather3A_1003 : vector<16xf32>
          %add3A_1005 = arith.addf %add3A_1001, %mul3A_1004 : vector<16xf32>
          %gather3A_1006 = tpu.vector_load_idx %arg11[%add3A_946, %add3A_142] : memref<160x64xf32, #tpu.memory_space<vmem>>[vector<16xi32>, vector<16xi32>], vector<16xf32>,
          %gather3A_1007 = tpu.vector_load_idx %arg12[%add3A_946, %add3A_142] : memref<160x64xf32, #tpu.memory_space<vmem>>[vector<16xi32>, vector<16xi32>], vector<16xf32>,
          %mul3A_1008 = arith.mulf %gather3A_1006, %gather3A_1007 : vector<16xf32>
          %add3A_1009 = arith.addf %add3A_1005, %mul3A_1008 : vector<16xf32>
          %exp3A = math.exp %add3A_1009 : vector<16xf32>
          tpu.vector_store_idx %arg15[%add3A_946, %broadcast_in_dim3A_576], %exp3A : memref<160x16xf32, #tpu.memory_space<vmem>>[vector<16xi32>, vector<16xi32>], vector<16xf32>,
          %gather3A_1010 = tpu.vector_load_idx %arg13[%add3A_946, %add3A_7] : memref<160x64xf32, #tpu.memory_space<vmem>>[vector<16xi32>, vector<16xi32>], vector<16xf32>,
          %mul3A_1011 = arith.mulf %exp3A, %gather3A_1010 : vector<16xf32>
          tpu.vector_store_idx %arg14[%add3A_946, %add3A_7], %mul3A_1011 : memref<160x64xf32, #tpu.memory_space<vmem>>[vector<16xi32>, vector<16xi32>], vector<16xf32>,
          %gather3A_1012 = tpu.vector_load_idx %arg13[%add3A_946, %add3A_16] : memref<160x64xf32, #tpu.memory_space<vmem>>[vector<16xi32>, vector<16xi32>], vector<16xf32>,
          %mul3A_1013 = arith.mulf %exp3A, %gather3A_1012 : vector<16xf32>
          tpu.vector_store_idx %arg14[%add3A_946, %add3A_16], %mul3A_1013 : memref<160x64xf32, #tpu.memory_space<vmem>>[vector<16xi32>, vector<16xi32>], vector<16xf32>,
          %gather3A_1014 = tpu.vector_load_idx %arg13[%add3A_946, %add3A_25] : memref<160x64xf32, #tpu.memory_space<vmem>>[vector<16xi32>, vector<16xi32>], vector<16xf32>,
          %mul3A_1015 = arith.mulf %exp3A, %gather3A_1014 : vector<16xf32>
          tpu.vector_store_idx %arg14[%add3A_946, %add3A_25], %mul3A_1015 : memref<160x64xf32, #tpu.memory_space<vmem>>[vector<16xi32>, vector<16xi32>], vector<16xf32>,
          %gather3A_1016 = tpu.vector_load_idx %arg13[%add3A_946, %add3A_34] : memref<160x64xf32, #tpu.memory_space<vmem>>[vector<16xi32>, vector<16xi32>], vector<16xf32>,
          %mul3A_1017 = arith.mulf %exp3A, %gather3A_1016 : vector<16xf32>
          tpu.vector_store_idx %arg14[%add3A_946, %add3A_34], %mul3A_1017 : memref<160x64xf32, #tpu.memory_space<vmem>>[vector<16xi32>, vector<16xi32>], vector<16xf32>,
          %gather3A_1018 = tpu.vector_load_idx %arg13[%add3A_946, %add3A_43] : memref<160x64xf32, #tpu.memory_space<vmem>>[vector<16xi32>, vector<16xi32>], vector<16xf32>,
          %mul3A_1019 = arith.mulf %exp3A, %gather3A_1018 : vector<16xf32>
          tpu.vector_store_idx %arg14[%add3A_946, %add3A_43], %mul3A_1019 : memref<160x64xf32, #tpu.memory_space<vmem>>[vector<16xi32>, vector<16xi32>], vector<16xf32>,
          %gather3A_1020 = tpu.vector_load_idx %arg13[%add3A_946, %add3A_52] : memref<160x64xf32, #tpu.memory_space<vmem>>[vector<16xi32>, vector<16xi32>], vector<16xf32>,
          %mul3A_1021 = arith.mulf %exp3A, %gather3A_1020 : vector<16xf32>
          tpu.vector_store_idx %arg14[%add3A_946, %add3A_52], %mul3A_1021 : memref<160x64xf32, #tpu.memory_space<vmem>>[vector<16xi32>, vector<16xi32>], vector<16xf32>,
          %gather3A_1022 = tpu.vector_load_idx %arg13[%add3A_946, %add3A_61] : memref<160x64xf32, #tpu.memory_space<vmem>>[vector<16xi32>, vector<16xi32>], vector<16xf32>,
          %mul3A_1023 = arith.mulf %exp3A, %gather3A_1022 : vector<16xf32>
          tpu.vector_store_idx %arg14[%add3A_946, %add3A_61], %mul3A_1023 : memref<160x64xf32, #tpu.memory_space<vmem>>[vector<16xi32>, vector<16xi32>], vector<16xf32>,
          %gather3A_1024 = tpu.vector_load_idx %arg13[%add3A_946, %add3A_70] : memref<160x64xf32, #tpu.memory_space<vmem>>[vector<16xi32>, vector<16xi32>], vector<16xf32>,
          %mul3A_1025 = arith.mulf %exp3A, %gather3A_1024 : vector<16xf32>
          tpu.vector_store_idx %arg14[%add3A_946, %add3A_70], %mul3A_1025 : memref<160x64xf32, #tpu.memory_space<vmem>>[vector<16xi32>, vector<16xi32>], vector<16xf32>,
          %gather3A_1026 = tpu.vector_load_idx %arg13[%add3A_946, %add3A_79] : memref<160x64xf32, #tpu.memory_space<vmem>>[vector<16xi32>, vector<16xi32>], vector<16xf32>,
          %mul3A_1027 = arith.mulf %exp3A, %gather3A_1026 : vector<16xf32>
          tpu.vector_store_idx %arg14[%add3A_946, %add3A_79], %mul3A_1027 : memref<160x64xf32, #tpu.memory_space<vmem>>[vector<16xi32>, vector<16xi32>], vector<16xf32>,
          %gather3A_1028 = tpu.vector_load_idx %arg13[%add3A_946, %add3A_88] : memref<160x64xf32, #tpu.memory_space<vmem>>[vector<16xi32>, vector<16xi32>], vector<16xf32>,
          %mul3A_1029 = arith.mulf %exp3A, %gather3A_1028 : vector<16xf32>
          tpu.vector_store_idx %arg14[%add3A_946, %add3A_88], %mul3A_1029 : memref<160x64xf32, #tpu.memory_space<vmem>>[vector<16xi32>, vector<16xi32>], vector<16xf32>,
          %gather3A_1030 = tpu.vector_load_idx %arg13[%add3A_946, %add3A_97] : memref<160x64xf32, #tpu.memory_space<vmem>>[vector<16xi32>, vector<16xi32>], vector<16xf32>,
          %mul3A_1031 = arith.mulf %exp3A, %gather3A_1030 : vector<16xf32>
          tpu.vector_store_idx %arg14[%add3A_946, %add3A_97], %mul3A_1031 : memref<160x64xf32, #tpu.memory_space<vmem>>[vector<16xi32>, vector<16xi32>], vector<16xf32>,
          %gather3A_1032 = tpu.vector_load_idx %arg13[%add3A_946, %add3A_106] : memref<160x64xf32, #tpu.memory_space<vmem>>[vector<16xi32>, vector<16xi32>], vector<16xf32>,
          %mul3A_1033 = arith.mulf %exp3A, %gather3A_1032 : vector<16xf32>
          tpu.vector_store_idx %arg14[%add3A_946, %add3A_106], %mul3A_1033 : memref<160x64xf32, #tpu.memory_space<vmem>>[vector<16xi32>, vector<16xi32>], vector<16xf32>,
          %gather3A_1034 = tpu.vector_load_idx %arg13[%add3A_946, %add3A_115] : memref<160x64xf32, #tpu.memory_space<vmem>>[vector<16xi32>, vector<16xi32>], vector<16xf32>,
          %mul3A_1035 = arith.mulf %exp3A, %gather3A_1034 : vector<16xf32>
          tpu.vector_store_idx %arg14[%add3A_946, %add3A_115], %mul3A_1035 : memref<160x64xf32, #tpu.memory_space<vmem>>[vector<16xi32>, vector<16xi32>], vector<16xf32>,
          %gather3A_1036 = tpu.vector_load_idx %arg13[%add3A_946, %add3A_124] : memref<160x64xf32, #tpu.memory_space<vmem>>[vector<16xi32>, vector<16xi32>], vector<16xf32>,
          %mul3A_1037 = arith.mulf %exp3A, %gather3A_1036 : vector<16xf32>
          tpu.vector_store_idx %arg14[%add3A_946, %add3A_124], %mul3A_1037 : memref<160x64xf32, #tpu.memory_space<vmem>>[vector<16xi32>, vector<16xi32>], vector<16xf32>,
          %gather3A_1038 = tpu.vector_load_idx %arg13[%add3A_946, %add3A_133] : memref<160x64xf32, #tpu.memory_space<vmem>>[vector<16xi32>, vector<16xi32>], vector<16xf32>,
          %mul3A_1039 = arith.mulf %exp3A, %gather3A_1038 : vector<16xf32>
          tpu.vector_store_idx %arg14[%add3A_946, %add3A_133], %mul3A_1039 : memref<160x64xf32, #tpu.memory_space<vmem>>[vector<16xi32>, vector<16xi32>], vector<16xf32>,
          %gather3A_1040 = tpu.vector_load_idx %arg13[%add3A_946, %add3A_142] : memref<160x64xf32, #tpu.memory_space<vmem>>[vector<16xi32>, vector<16xi32>], vector<16xf32>,
          %mul3A_1041 = arith.mulf %exp3A, %gather3A_1040 : vector<16xf32>
          tpu.vector_store_idx %arg14[%add3A_946, %add3A_142], %mul3A_1041 : memref<160x64xf32, #tpu.memory_space<vmem>>[vector<16xi32>, vector<16xi32>], vector<16xf32>,
          %gather3A_1042 = tpu.vector_load_idx %arg11[%add3A_946, %add3A_151] : memref<160x64xf32, #tpu.memory_space<vmem>>[vector<16xi32>, vector<16xi32>], vector<16xf32>,
          %gather3A_1043 = tpu.vector_load_idx %arg12[%add3A_946, %add3A_151] : memref<160x64xf32, #tpu.memory_space<vmem>>[vector<16xi32>, vector<16xi32>], vector<16xf32>,
          %mul3A_1044 = arith.mulf %gather3A_1042, %gather3A_1043 : vector<16xf32>
          %add3A_1045 = arith.addf %broadcast_in_dim3A_0, %mul3A_1044 : vector<16xf32>
          %gather3A_1046 = tpu.vector_load_idx %arg11[%add3A_946, %add3A_160] : memref<160x64xf32, #tpu.memory_space<vmem>>[vector<16xi32>, vector<16xi32>], vector<16xf32>,
          %gather3A_1047 = tpu.vector_load_idx %arg12[%add3A_946, %add3A_160] : memref<160x64xf32, #tpu.memory_space<vmem>>[vector<16xi32>, vector<16xi32>], vector<16xf32>,
          %mul3A_1048 = arith.mulf %gather3A_1046, %gather3A_1047 : vector<16xf32>
          %add3A_1049 = arith.addf %add3A_1045, %mul3A_1048 : vector<16xf32>
          %gather3A_1050 = tpu.vector_load_idx %arg11[%add3A_946, %add3A_169] : memref<160x64xf32, #tpu.memory_space<vmem>>[vector<16xi32>, vector<16xi32>], vector<16xf32>,
          %gather3A_1051 = tpu.vector_load_idx %arg12[%add3A_946, %add3A_169] : memref<160x64xf32, #tpu.memory_space<vmem>>[vector<16xi32>, vector<16xi32>], vector<16xf32>,
          %mul3A_1052 = arith.mulf %gather3A_1050, %gather3A_1051 : vector<16xf32>
          %add3A_1053 = arith.addf %add3A_1049, %mul3A_1052 : vector<16xf32>
          %gather3A_1054 = tpu.vector_load_idx %arg11[%add3A_946, %add3A_178] : memref<160x64xf32, #tpu.memory_space<vmem>>[vector<16xi32>, vector<16xi32>], vector<16xf32>,
          %gather3A_1055 = tpu.vector_load_idx %arg12[%add3A_946, %add3A_178] : memref<160x64xf32, #tpu.memory_space<vmem>>[vector<16xi32>, vector<16xi32>], vector<16xf32>,
          %mul3A_1056 = arith.mulf %gather3A_1054, %gather3A_1055 : vector<16xf32>
          %add3A_1057 = arith.addf %add3A_1053, %mul3A_1056 : vector<16xf32>
          %gather3A_1058 = tpu.vector_load_idx %arg11[%add3A_946, %add3A_187] : memref<160x64xf32, #tpu.memory_space<vmem>>[vector<16xi32>, vector<16xi32>], vector<16xf32>,
          %gather3A_1059 = tpu.vector_load_idx %arg12[%add3A_946, %add3A_187] : memref<160x64xf32, #tpu.memory_space<vmem>>[vector<16xi32>, vector<16xi32>], vector<16xf32>,
          %mul3A_1060 = arith.mulf %gather3A_1058, %gather3A_1059 : vector<16xf32>
          %add3A_1061 = arith.addf %add3A_1057, %mul3A_1060 : vector<16xf32>
          %gather3A_1062 = tpu.vector_load_idx %arg11[%add3A_946, %add3A_196] : memref<160x64xf32, #tpu.memory_space<vmem>>[vector<16xi32>, vector<16xi32>], vector<16xf32>,
          %gather3A_1063 = tpu.vector_load_idx %arg12[%add3A_946, %add3A_196] : memref<160x64xf32, #tpu.memory_space<vmem>>[vector<16xi32>, vector<16xi32>], vector<16xf32>,
          %mul3A_1064 = arith.mulf %gather3A_1062, %gather3A_1063 : vector<16xf32>
          %add3A_1065 = arith.addf %add3A_1061, %mul3A_1064 : vector<16xf32>
          %gather3A_1066 = tpu.vector_load_idx %arg11[%add3A_946, %add3A_205] : memref<160x64xf32, #tpu.memory_space<vmem>>[vector<16xi32>, vector<16xi32>], vector<16xf32>,
          %gather3A_1067 = tpu.vector_load_idx %arg12[%add3A_946, %add3A_205] : memref<160x64xf32, #tpu.memory_space<vmem>>[vector<16xi32>, vector<16xi32>], vector<16xf32>,
          %mul3A_1068 = arith.mulf %gather3A_1066, %gather3A_1067 : vector<16xf32>
          %add3A_1069 = arith.addf %add3A_1065, %mul3A_1068 : vector<16xf32>
          %gather3A_1070 = tpu.vector_load_idx %arg11[%add3A_946, %add3A_214] : memref<160x64xf32, #tpu.memory_space<vmem>>[vector<16xi32>, vector<16xi32>], vector<16xf32>,
          %gather3A_1071 = tpu.vector_load_idx %arg12[%add3A_946, %add3A_214] : memref<160x64xf32, #tpu.memory_space<vmem>>[vector<16xi32>, vector<16xi32>], vector<16xf32>,
          %mul3A_1072 = arith.mulf %gather3A_1070, %gather3A_1071 : vector<16xf32>
          %add3A_1073 = arith.addf %add3A_1069, %mul3A_1072 : vector<16xf32>
          %gather3A_1074 = tpu.vector_load_idx %arg11[%add3A_946, %add3A_223] : memref<160x64xf32, #tpu.memory_space<vmem>>[vector<16xi32>, vector<16xi32>], vector<16xf32>,
          %gather3A_1075 = tpu.vector_load_idx %arg12[%add3A_946, %add3A_223] : memref<160x64xf32, #tpu.memory_space<vmem>>[vector<16xi32>, vector<16xi32>], vector<16xf32>,
          %mul3A_1076 = arith.mulf %gather3A_1074, %gather3A_1075 : vector<16xf32>
          %add3A_1077 = arith.addf %add3A_1073, %mul3A_1076 : vector<16xf32>
          %gather3A_1078 = tpu.vector_load_idx %arg11[%add3A_946, %add3A_232] : memref<160x64xf32, #tpu.memory_space<vmem>>[vector<16xi32>, vector<16xi32>], vector<16xf32>,
          %gather3A_1079 = tpu.vector_load_idx %arg12[%add3A_946, %add3A_232] : memref<160x64xf32, #tpu.memory_space<vmem>>[vector<16xi32>, vector<16xi32>], vector<16xf32>,
          %mul3A_1080 = arith.mulf %gather3A_1078, %gather3A_1079 : vector<16xf32>
          %add3A_1081 = arith.addf %add3A_1077, %mul3A_1080 : vector<16xf32>
          %gather3A_1082 = tpu.vector_load_idx %arg11[%add3A_946, %add3A_241] : memref<160x64xf32, #tpu.memory_space<vmem>>[vector<16xi32>, vector<16xi32>], vector<16xf32>,
          %gather3A_1083 = tpu.vector_load_idx %arg12[%add3A_946, %add3A_241] : memref<160x64xf32, #tpu.memory_space<vmem>>[vector<16xi32>, vector<16xi32>], vector<16xf32>,
          %mul3A_1084 = arith.mulf %gather3A_1082, %gather3A_1083 : vector<16xf32>
          %add3A_1085 = arith.addf %add3A_1081, %mul3A_1084 : vector<16xf32>
          %gather3A_1086 = tpu.vector_load_idx %arg11[%add3A_946, %add3A_250] : memref<160x64xf32, #tpu.memory_space<vmem>>[vector<16xi32>, vector<16xi32>], vector<16xf32>,
          %gather3A_1087 = tpu.vector_load_idx %arg12[%add3A_946, %add3A_250] : memref<160x64xf32, #tpu.memory_space<vmem>>[vector<16xi32>, vector<16xi32>], vector<16xf32>,
          %mul3A_1088 = arith.mulf %gather3A_1086, %gather3A_1087 : vector<16xf32>
          %add3A_1089 = arith.addf %add3A_1085, %mul3A_1088 : vector<16xf32>
          %gather3A_1090 = tpu.vector_load_idx %arg11[%add3A_946, %add3A_259] : memref<160x64xf32, #tpu.memory_space<vmem>>[vector<16xi32>, vector<16xi32>], vector<16xf32>,
          %gather3A_1091 = tpu.vector_load_idx %arg12[%add3A_946, %add3A_259] : memref<160x64xf32, #tpu.memory_space<vmem>>[vector<16xi32>, vector<16xi32>], vector<16xf32>,
          %mul3A_1092 = arith.mulf %gather3A_1090, %gather3A_1091 : vector<16xf32>
          %add3A_1093 = arith.addf %add3A_1089, %mul3A_1092 : vector<16xf32>
          %gather3A_1094 = tpu.vector_load_idx %arg11[%add3A_946, %add3A_268] : memref<160x64xf32, #tpu.memory_space<vmem>>[vector<16xi32>, vector<16xi32>], vector<16xf32>,
          %gather3A_1095 = tpu.vector_load_idx %arg12[%add3A_946, %add3A_268] : memref<160x64xf32, #tpu.memory_space<vmem>>[vector<16xi32>, vector<16xi32>], vector<16xf32>,
          %mul3A_1096 = arith.mulf %gather3A_1094, %gather3A_1095 : vector<16xf32>
          %add3A_1097 = arith.addf %add3A_1093, %mul3A_1096 : vector<16xf32>
          %gather3A_1098 = tpu.vector_load_idx %arg11[%add3A_946, %add3A_277] : memref<160x64xf32, #tpu.memory_space<vmem>>[vector<16xi32>, vector<16xi32>], vector<16xf32>,
          %gather3A_1099 = tpu.vector_load_idx %arg12[%add3A_946, %add3A_277] : memref<160x64xf32, #tpu.memory_space<vmem>>[vector<16xi32>, vector<16xi32>], vector<16xf32>,
          %mul3A_1100 = arith.mulf %gather3A_1098, %gather3A_1099 : vector<16xf32>
          %add3A_1101 = arith.addf %add3A_1097, %mul3A_1100 : vector<16xf32>
          %gather3A_1102 = tpu.vector_load_idx %arg11[%add3A_946, %add3A_286] : memref<160x64xf32, #tpu.memory_space<vmem>>[vector<16xi32>, vector<16xi32>], vector<16xf32>,
          %gather3A_1103 = tpu.vector_load_idx %arg12[%add3A_946, %add3A_286] : memref<160x64xf32, #tpu.memory_space<vmem>>[vector<16xi32>, vector<16xi32>], vector<16xf32>,
          %mul3A_1104 = arith.mulf %gather3A_1102, %gather3A_1103 : vector<16xf32>
          %add3A_1105 = arith.addf %add3A_1101, %mul3A_1104 : vector<16xf32>
          %exp3A_1106 = math.exp %add3A_1105 : vector<16xf32>
          tpu.vector_store_idx %arg15[%add3A_946, %broadcast_in_dim3A_578], %exp3A_1106 : memref<160x16xf32, #tpu.memory_space<vmem>>[vector<16xi32>, vector<16xi32>], vector<16xf32>,
          %gather3A_1107 = tpu.vector_load_idx %arg13[%add3A_946, %add3A_151] : memref<160x64xf32, #tpu.memory_space<vmem>>[vector<16xi32>, vector<16xi32>], vector<16xf32>,
          %mul3A_1108 = arith.mulf %exp3A_1106, %gather3A_1107 : vector<16xf32>
          tpu.vector_store_idx %arg14[%add3A_946, %add3A_151], %mul3A_1108 : memref<160x64xf32, #tpu.memory_space<vmem>>[vector<16xi32>, vector<16xi32>], vector<16xf32>,
          %gather3A_1109 = tpu.vector_load_idx %arg13[%add3A_946, %add3A_160] : memref<160x64xf32, #tpu.memory_space<vmem>>[vector<16xi32>, vector<16xi32>], vector<16xf32>,
          %mul3A_1110 = arith.mulf %exp3A_1106, %gather3A_1109 : vector<16xf32>
          tpu.vector_store_idx %arg14[%add3A_946, %add3A_160], %mul3A_1110 : memref<160x64xf32, #tpu.memory_space<vmem>>[vector<16xi32>, vector<16xi32>], vector<16xf32>,
          %gather3A_1111 = tpu.vector_load_idx %arg13[%add3A_946, %add3A_169] : memref<160x64xf32, #tpu.memory_space<vmem>>[vector<16xi32>, vector<16xi32>], vector<16xf32>,
          %mul3A_1112 = arith.mulf %exp3A_1106, %gather3A_1111 : vector<16xf32>
          tpu.vector_store_idx %arg14[%add3A_946, %add3A_169], %mul3A_1112 : memref<160x64xf32, #tpu.memory_space<vmem>>[vector<16xi32>, vector<16xi32>], vector<16xf32>,
          %gather3A_1113 = tpu.vector_load_idx %arg13[%add3A_946, %add3A_178] : memref<160x64xf32, #tpu.memory_space<vmem>>[vector<16xi32>, vector<16xi32>], vector<16xf32>,
          %mul3A_1114 = arith.mulf %exp3A_1106, %gather3A_1113 : vector<16xf32>
          tpu.vector_store_idx %arg14[%add3A_946, %add3A_178], %mul3A_1114 : memref<160x64xf32, #tpu.memory_space<vmem>>[vector<16xi32>, vector<16xi32>], vector<16xf32>,
          %gather3A_1115 = tpu.vector_load_idx %arg13[%add3A_946, %add3A_187] : memref<160x64xf32, #tpu.memory_space<vmem>>[vector<16xi32>, vector<16xi32>], vector<16xf32>,
          %mul3A_1116 = arith.mulf %exp3A_1106, %gather3A_1115 : vector<16xf32>
          tpu.vector_store_idx %arg14[%add3A_946, %add3A_187], %mul3A_1116 : memref<160x64xf32, #tpu.memory_space<vmem>>[vector<16xi32>, vector<16xi32>], vector<16xf32>,
          %gather3A_1117 = tpu.vector_load_idx %arg13[%add3A_946, %add3A_196] : memref<160x64xf32, #tpu.memory_space<vmem>>[vector<16xi32>, vector<16xi32>], vector<16xf32>,
          %mul3A_1118 = arith.mulf %exp3A_1106, %gather3A_1117 : vector<16xf32>
          tpu.vector_store_idx %arg14[%add3A_946, %add3A_196], %mul3A_1118 : memref<160x64xf32, #tpu.memory_space<vmem>>[vector<16xi32>, vector<16xi32>], vector<16xf32>,
          %gather3A_1119 = tpu.vector_load_idx %arg13[%add3A_946, %add3A_205] : memref<160x64xf32, #tpu.memory_space<vmem>>[vector<16xi32>, vector<16xi32>], vector<16xf32>,
          %mul3A_1120 = arith.mulf %exp3A_1106, %gather3A_1119 : vector<16xf32>
          tpu.vector_store_idx %arg14[%add3A_946, %add3A_205], %mul3A_1120 : memref<160x64xf32, #tpu.memory_space<vmem>>[vector<16xi32>, vector<16xi32>], vector<16xf32>,
          %gather3A_1121 = tpu.vector_load_idx %arg13[%add3A_946, %add3A_214] : memref<160x64xf32, #tpu.memory_space<vmem>>[vector<16xi32>, vector<16xi32>], vector<16xf32>,
          %mul3A_1122 = arith.mulf %exp3A_1106, %gather3A_1121 : vector<16xf32>
          tpu.vector_store_idx %arg14[%add3A_946, %add3A_214], %mul3A_1122 : memref<160x64xf32, #tpu.memory_space<vmem>>[vector<16xi32>, vector<16xi32>], vector<16xf32>,
          %gather3A_1123 = tpu.vector_load_idx %arg13[%add3A_946, %add3A_223] : memref<160x64xf32, #tpu.memory_space<vmem>>[vector<16xi32>, vector<16xi32>], vector<16xf32>,
          %mul3A_1124 = arith.mulf %exp3A_1106, %gather3A_1123 : vector<16xf32>
          tpu.vector_store_idx %arg14[%add3A_946, %add3A_223], %mul3A_1124 : memref<160x64xf32, #tpu.memory_space<vmem>>[vector<16xi32>, vector<16xi32>], vector<16xf32>,
          %gather3A_1125 = tpu.vector_load_idx %arg13[%add3A_946, %add3A_232] : memref<160x64xf32, #tpu.memory_space<vmem>>[vector<16xi32>, vector<16xi32>], vector<16xf32>,
          %mul3A_1126 = arith.mulf %exp3A_1106, %gather3A_1125 : vector<16xf32>
          tpu.vector_store_idx %arg14[%add3A_946, %add3A_232], %mul3A_1126 : memref<160x64xf32, #tpu.memory_space<vmem>>[vector<16xi32>, vector<16xi32>], vector<16xf32>,
          %gather3A_1127 = tpu.vector_load_idx %arg13[%add3A_946, %add3A_241] : memref<160x64xf32, #tpu.memory_space<vmem>>[vector<16xi32>, vector<16xi32>], vector<16xf32>,
          %mul3A_1128 = arith.mulf %exp3A_1106, %gather3A_1127 : vector<16xf32>
          tpu.vector_store_idx %arg14[%add3A_946, %add3A_241], %mul3A_1128 : memref<160x64xf32, #tpu.memory_space<vmem>>[vector<16xi32>, vector<16xi32>], vector<16xf32>,
          %gather3A_1129 = tpu.vector_load_idx %arg13[%add3A_946, %add3A_250] : memref<160x64xf32, #tpu.memory_space<vmem>>[vector<16xi32>, vector<16xi32>], vector<16xf32>,
          %mul3A_1130 = arith.mulf %exp3A_1106, %gather3A_1129 : vector<16xf32>
          tpu.vector_store_idx %arg14[%add3A_946, %add3A_250], %mul3A_1130 : memref<160x64xf32, #tpu.memory_space<vmem>>[vector<16xi32>, vector<16xi32>], vector<16xf32>,
          %gather3A_1131 = tpu.vector_load_idx %arg13[%add3A_946, %add3A_259] : memref<160x64xf32, #tpu.memory_space<vmem>>[vector<16xi32>, vector<16xi32>], vector<16xf32>,
          %mul3A_1132 = arith.mulf %exp3A_1106, %gather3A_1131 : vector<16xf32>
          tpu.vector_store_idx %arg14[%add3A_946, %add3A_259], %mul3A_1132 : memref<160x64xf32, #tpu.memory_space<vmem>>[vector<16xi32>, vector<16xi32>], vector<16xf32>,
          %gather3A_1133 = tpu.vector_load_idx %arg13[%add3A_946, %add3A_268] : memref<160x64xf32, #tpu.memory_space<vmem>>[vector<16xi32>, vector<16xi32>], vector<16xf32>,
          %mul3A_1134 = arith.mulf %exp3A_1106, %gather3A_1133 : vector<16xf32>
          tpu.vector_store_idx %arg14[%add3A_946, %add3A_268], %mul3A_1134 : memref<160x64xf32, #tpu.memory_space<vmem>>[vector<16xi32>, vector<16xi32>], vector<16xf32>,
          %gather3A_1135 = tpu.vector_load_idx %arg13[%add3A_946, %add3A_277] : memref<160x64xf32, #tpu.memory_space<vmem>>[vector<16xi32>, vector<16xi32>], vector<16xf32>,
          %mul3A_1136 = arith.mulf %exp3A_1106, %gather3A_1135 : vector<16xf32>
          tpu.vector_store_idx %arg14[%add3A_946, %add3A_277], %mul3A_1136 : memref<160x64xf32, #tpu.memory_space<vmem>>[vector<16xi32>, vector<16xi32>], vector<16xf32>,
          %gather3A_1137 = tpu.vector_load_idx %arg13[%add3A_946, %add3A_286] : memref<160x64xf32, #tpu.memory_space<vmem>>[vector<16xi32>, vector<16xi32>], vector<16xf32>,
          %mul3A_1138 = arith.mulf %exp3A_1106, %gather3A_1137 : vector<16xf32>
          tpu.vector_store_idx %arg14[%add3A_946, %add3A_286], %mul3A_1138 : memref<160x64xf32, #tpu.memory_space<vmem>>[vector<16xi32>, vector<16xi32>], vector<16xf32>,
          %gather3A_1139 = tpu.vector_load_idx %arg11[%add3A_946, %add3A_295] : memref<160x64xf32, #tpu.memory_space<vmem>>[vector<16xi32>, vector<16xi32>], vector<16xf32>,
          %gather3A_1140 = tpu.vector_load_idx %arg12[%add3A_946, %add3A_295] : memref<160x64xf32, #tpu.memory_space<vmem>>[vector<16xi32>, vector<16xi32>], vector<16xf32>,
          %mul3A_1141 = arith.mulf %gather3A_1139, %gather3A_1140 : vector<16xf32>
          %add3A_1142 = arith.addf %broadcast_in_dim3A_0, %mul3A_1141 : vector<16xf32>
          %gather3A_1143 = tpu.vector_load_idx %arg11[%add3A_946, %add3A_304] : memref<160x64xf32, #tpu.memory_space<vmem>>[vector<16xi32>, vector<16xi32>], vector<16xf32>,
          %gather3A_1144 = tpu.vector_load_idx %arg12[%add3A_946, %add3A_304] : memref<160x64xf32, #tpu.memory_space<vmem>>[vector<16xi32>, vector<16xi32>], vector<16xf32>,
          %mul3A_1145 = arith.mulf %gather3A_1143, %gather3A_1144 : vector<16xf32>
          %add3A_1146 = arith.addf %add3A_1142, %mul3A_1145 : vector<16xf32>
          %gather3A_1147 = tpu.vector_load_idx %arg11[%add3A_946, %add3A_313] : memref<160x64xf32, #tpu.memory_space<vmem>>[vector<16xi32>, vector<16xi32>], vector<16xf32>,
          %gather3A_1148 = tpu.vector_load_idx %arg12[%add3A_946, %add3A_313] : memref<160x64xf32, #tpu.memory_space<vmem>>[vector<16xi32>, vector<16xi32>], vector<16xf32>,
          %mul3A_1149 = arith.mulf %gather3A_1147, %gather3A_1148 : vector<16xf32>
          %add3A_1150 = arith.addf %add3A_1146, %mul3A_1149 : vector<16xf32>
          %gather3A_1151 = tpu.vector_load_idx %arg11[%add3A_946, %add3A_322] : memref<160x64xf32, #tpu.memory_space<vmem>>[vector<16xi32>, vector<16xi32>], vector<16xf32>,
          %gather3A_1152 = tpu.vector_load_idx %arg12[%add3A_946, %add3A_322] : memref<160x64xf32, #tpu.memory_space<vmem>>[vector<16xi32>, vector<16xi32>], vector<16xf32>,
          %mul3A_1153 = arith.mulf %gather3A_1151, %gather3A_1152 : vector<16xf32>
          %add3A_1154 = arith.addf %add3A_1150, %mul3A_1153 : vector<16xf32>
          %gather3A_1155 = tpu.vector_load_idx %arg11[%add3A_946, %add3A_331] : memref<160x64xf32, #tpu.memory_space<vmem>>[vector<16xi32>, vector<16xi32>], vector<16xf32>,
          %gather3A_1156 = tpu.vector_load_idx %arg12[%add3A_946, %add3A_331] : memref<160x64xf32, #tpu.memory_space<vmem>>[vector<16xi32>, vector<16xi32>], vector<16xf32>,
          %mul3A_1157 = arith.mulf %gather3A_1155, %gather3A_1156 : vector<16xf32>
          %add3A_1158 = arith.addf %add3A_1154, %mul3A_1157 : vector<16xf32>
          %gather3A_1159 = tpu.vector_load_idx %arg11[%add3A_946, %add3A_340] : memref<160x64xf32, #tpu.memory_space<vmem>>[vector<16xi32>, vector<16xi32>], vector<16xf32>,
          %gather3A_1160 = tpu.vector_load_idx %arg12[%add3A_946, %add3A_340] : memref<160x64xf32, #tpu.memory_space<vmem>>[vector<16xi32>, vector<16xi32>], vector<16xf32>,
          %mul3A_1161 = arith.mulf %gather3A_1159, %gather3A_1160 : vector<16xf32>
          %add3A_1162 = arith.addf %add3A_1158, %mul3A_1161 : vector<16xf32>
          %gather3A_1163 = tpu.vector_load_idx %arg11[%add3A_946, %add3A_349] : memref<160x64xf32, #tpu.memory_space<vmem>>[vector<16xi32>, vector<16xi32>], vector<16xf32>,
          %gather3A_1164 = tpu.vector_load_idx %arg12[%add3A_946, %add3A_349] : memref<160x64xf32, #tpu.memory_space<vmem>>[vector<16xi32>, vector<16xi32>], vector<16xf32>,
          %mul3A_1165 = arith.mulf %gather3A_1163, %gather3A_1164 : vector<16xf32>
          %add3A_1166 = arith.addf %add3A_1162, %mul3A_1165 : vector<16xf32>
          %gather3A_1167 = tpu.vector_load_idx %arg11[%add3A_946, %add3A_358] : memref<160x64xf32, #tpu.memory_space<vmem>>[vector<16xi32>, vector<16xi32>], vector<16xf32>,
          %gather3A_1168 = tpu.vector_load_idx %arg12[%add3A_946, %add3A_358] : memref<160x64xf32, #tpu.memory_space<vmem>>[vector<16xi32>, vector<16xi32>], vector<16xf32>,
          %mul3A_1169 = arith.mulf %gather3A_1167, %gather3A_1168 : vector<16xf32>
          %add3A_1170 = arith.addf %add3A_1166, %mul3A_1169 : vector<16xf32>
          %gather3A_1171 = tpu.vector_load_idx %arg11[%add3A_946, %add3A_367] : memref<160x64xf32, #tpu.memory_space<vmem>>[vector<16xi32>, vector<16xi32>], vector<16xf32>,
          %gather3A_1172 = tpu.vector_load_idx %arg12[%add3A_946, %add3A_367] : memref<160x64xf32, #tpu.memory_space<vmem>>[vector<16xi32>, vector<16xi32>], vector<16xf32>,
          %mul3A_1173 = arith.mulf %gather3A_1171, %gather3A_1172 : vector<16xf32>
          %add3A_1174 = arith.addf %add3A_1170, %mul3A_1173 : vector<16xf32>
          %gather3A_1175 = tpu.vector_load_idx %arg11[%add3A_946, %add3A_376] : memref<160x64xf32, #tpu.memory_space<vmem>>[vector<16xi32>, vector<16xi32>], vector<16xf32>,
          %gather3A_1176 = tpu.vector_load_idx %arg12[%add3A_946, %add3A_376] : memref<160x64xf32, #tpu.memory_space<vmem>>[vector<16xi32>, vector<16xi32>], vector<16xf32>,
          %mul3A_1177 = arith.mulf %gather3A_1175, %gather3A_1176 : vector<16xf32>
          %add3A_1178 = arith.addf %add3A_1174, %mul3A_1177 : vector<16xf32>
          %gather3A_1179 = tpu.vector_load_idx %arg11[%add3A_946, %add3A_385] : memref<160x64xf32, #tpu.memory_space<vmem>>[vector<16xi32>, vector<16xi32>], vector<16xf32>,
          %gather3A_1180 = tpu.vector_load_idx %arg12[%add3A_946, %add3A_385] : memref<160x64xf32, #tpu.memory_space<vmem>>[vector<16xi32>, vector<16xi32>], vector<16xf32>,
          %mul3A_1181 = arith.mulf %gather3A_1179, %gather3A_1180 : vector<16xf32>
          %add3A_1182 = arith.addf %add3A_1178, %mul3A_1181 : vector<16xf32>
          %gather3A_1183 = tpu.vector_load_idx %arg11[%add3A_946, %add3A_394] : memref<160x64xf32, #tpu.memory_space<vmem>>[vector<16xi32>, vector<16xi32>], vector<16xf32>,
          %gather3A_1184 = tpu.vector_load_idx %arg12[%add3A_946, %add3A_394] : memref<160x64xf32, #tpu.memory_space<vmem>>[vector<16xi32>, vector<16xi32>], vector<16xf32>,
          %mul3A_1185 = arith.mulf %gather3A_1183, %gather3A_1184 : vector<16xf32>
          %add3A_1186 = arith.addf %add3A_1182, %mul3A_1185 : vector<16xf32>
          %gather3A_1187 = tpu.vector_load_idx %arg11[%add3A_946, %add3A_403] : memref<160x64xf32, #tpu.memory_space<vmem>>[vector<16xi32>, vector<16xi32>], vector<16xf32>,
          %gather3A_1188 = tpu.vector_load_idx %arg12[%add3A_946, %add3A_403] : memref<160x64xf32, #tpu.memory_space<vmem>>[vector<16xi32>, vector<16xi32>], vector<16xf32>,
          %mul3A_1189 = arith.mulf %gather3A_1187, %gather3A_1188 : vector<16xf32>
          %add3A_1190 = arith.addf %add3A_1186, %mul3A_1189 : vector<16xf32>
          %gather3A_1191 = tpu.vector_load_idx %arg11[%add3A_946, %add3A_412] : memref<160x64xf32, #tpu.memory_space<vmem>>[vector<16xi32>, vector<16xi32>], vector<16xf32>,
          %gather3A_1192 = tpu.vector_load_idx %arg12[%add3A_946, %add3A_412] : memref<160x64xf32, #tpu.memory_space<vmem>>[vector<16xi32>, vector<16xi32>], vector<16xf32>,
          %mul3A_1193 = arith.mulf %gather3A_1191, %gather3A_1192 : vector<16xf32>
          %add3A_1194 = arith.addf %add3A_1190, %mul3A_1193 : vector<16xf32>
          %gather3A_1195 = tpu.vector_load_idx %arg11[%add3A_946, %add3A_421] : memref<160x64xf32, #tpu.memory_space<vmem>>[vector<16xi32>, vector<16xi32>], vector<16xf32>,
          %gather3A_1196 = tpu.vector_load_idx %arg12[%add3A_946, %add3A_421] : memref<160x64xf32, #tpu.memory_space<vmem>>[vector<16xi32>, vector<16xi32>], vector<16xf32>,
          %mul3A_1197 = arith.mulf %gather3A_1195, %gather3A_1196 : vector<16xf32>
          %add3A_1198 = arith.addf %add3A_1194, %mul3A_1197 : vector<16xf32>
          %gather3A_1199 = tpu.vector_load_idx %arg11[%add3A_946, %add3A_430] : memref<160x64xf32, #tpu.memory_space<vmem>>[vector<16xi32>, vector<16xi32>], vector<16xf32>,
          %gather3A_1200 = tpu.vector_load_idx %arg12[%add3A_946, %add3A_430] : memref<160x64xf32, #tpu.memory_space<vmem>>[vector<16xi32>, vector<16xi32>], vector<16xf32>,
          %mul3A_1201 = arith.mulf %gather3A_1199, %gather3A_1200 : vector<16xf32>
          %add3A_1202 = arith.addf %add3A_1198, %mul3A_1201 : vector<16xf32>
          %exp3A_1203 = math.exp %add3A_1202 : vector<16xf32>
          tpu.vector_store_idx %arg15[%add3A_946, %broadcast_in_dim3A_580], %exp3A_1203 : memref<160x16xf32, #tpu.memory_space<vmem>>[vector<16xi32>, vector<16xi32>], vector<16xf32>,
          %gather3A_1204 = tpu.vector_load_idx %arg13[%add3A_946, %add3A_295] : memref<160x64xf32, #tpu.memory_space<vmem>>[vector<16xi32>, vector<16xi32>], vector<16xf32>,
          %mul3A_1205 = arith.mulf %exp3A_1203, %gather3A_1204 : vector<16xf32>
          tpu.vector_store_idx %arg14[%add3A_946, %add3A_295], %mul3A_1205 : memref<160x64xf32, #tpu.memory_space<vmem>>[vector<16xi32>, vector<16xi32>], vector<16xf32>,
          %gather3A_1206 = tpu.vector_load_idx %arg13[%add3A_946, %add3A_304] : memref<160x64xf32, #tpu.memory_space<vmem>>[vector<16xi32>, vector<16xi32>], vector<16xf32>,
          %mul3A_1207 = arith.mulf %exp3A_1203, %gather3A_1206 : vector<16xf32>
          tpu.vector_store_idx %arg14[%add3A_946, %add3A_304], %mul3A_1207 : memref<160x64xf32, #tpu.memory_space<vmem>>[vector<16xi32>, vector<16xi32>], vector<16xf32>,
          %gather3A_1208 = tpu.vector_load_idx %arg13[%add3A_946, %add3A_313] : memref<160x64xf32, #tpu.memory_space<vmem>>[vector<16xi32>, vector<16xi32>], vector<16xf32>,
          %mul3A_1209 = arith.mulf %exp3A_1203, %gather3A_1208 : vector<16xf32>
          tpu.vector_store_idx %arg14[%add3A_946, %add3A_313], %mul3A_1209 : memref<160x64xf32, #tpu.memory_space<vmem>>[vector<16xi32>, vector<16xi32>], vector<16xf32>,
          %gather3A_1210 = tpu.vector_load_idx %arg13[%add3A_946, %add3A_322] : memref<160x64xf32, #tpu.memory_space<vmem>>[vector<16xi32>, vector<16xi32>], vector<16xf32>,
          %mul3A_1211 = arith.mulf %exp3A_1203, %gather3A_1210 : vector<16xf32>
          tpu.vector_store_idx %arg14[%add3A_946, %add3A_322], %mul3A_1211 : memref<160x64xf32, #tpu.memory_space<vmem>>[vector<16xi32>, vector<16xi32>], vector<16xf32>,
          %gather3A_1212 = tpu.vector_load_idx %arg13[%add3A_946, %add3A_331] : memref<160x64xf32, #tpu.memory_space<vmem>>[vector<16xi32>, vector<16xi32>], vector<16xf32>,
          %mul3A_1213 = arith.mulf %exp3A_1203, %gather3A_1212 : vector<16xf32>
          tpu.vector_store_idx %arg14[%add3A_946, %add3A_331], %mul3A_1213 : memref<160x64xf32, #tpu.memory_space<vmem>>[vector<16xi32>, vector<16xi32>], vector<16xf32>,
          %gather3A_1214 = tpu.vector_load_idx %arg13[%add3A_946, %add3A_340] : memref<160x64xf32, #tpu.memory_space<vmem>>[vector<16xi32>, vector<16xi32>], vector<16xf32>,
          %mul3A_1215 = arith.mulf %exp3A_1203, %gather3A_1214 : vector<16xf32>
          tpu.vector_store_idx %arg14[%add3A_946, %add3A_340], %mul3A_1215 : memref<160x64xf32, #tpu.memory_space<vmem>>[vector<16xi32>, vector<16xi32>], vector<16xf32>,
          %gather3A_1216 = tpu.vector_load_idx %arg13[%add3A_946, %add3A_349] : memref<160x64xf32, #tpu.memory_space<vmem>>[vector<16xi32>, vector<16xi32>], vector<16xf32>,
          %mul3A_1217 = arith.mulf %exp3A_1203, %gather3A_1216 : vector<16xf32>
          tpu.vector_store_idx %arg14[%add3A_946, %add3A_349], %mul3A_1217 : memref<160x64xf32, #tpu.memory_space<vmem>>[vector<16xi32>, vector<16xi32>], vector<16xf32>,
          %gather3A_1218 = tpu.vector_load_idx %arg13[%add3A_946, %add3A_358] : memref<160x64xf32, #tpu.memory_space<vmem>>[vector<16xi32>, vector<16xi32>], vector<16xf32>,
          %mul3A_1219 = arith.mulf %exp3A_1203, %gather3A_1218 : vector<16xf32>
          tpu.vector_store_idx %arg14[%add3A_946, %add3A_358], %mul3A_1219 : memref<160x64xf32, #tpu.memory_space<vmem>>[vector<16xi32>, vector<16xi32>], vector<16xf32>,
          %gather3A_1220 = tpu.vector_load_idx %arg13[%add3A_946, %add3A_367] : memref<160x64xf32, #tpu.memory_space<vmem>>[vector<16xi32>, vector<16xi32>], vector<16xf32>,
          %mul3A_1221 = arith.mulf %exp3A_1203, %gather3A_1220 : vector<16xf32>
          tpu.vector_store_idx %arg14[%add3A_946, %add3A_367], %mul3A_1221 : memref<160x64xf32, #tpu.memory_space<vmem>>[vector<16xi32>, vector<16xi32>], vector<16xf32>,
          %gather3A_1222 = tpu.vector_load_idx %arg13[%add3A_946, %add3A_376] : memref<160x64xf32, #tpu.memory_space<vmem>>[vector<16xi32>, vector<16xi32>], vector<16xf32>,
          %mul3A_1223 = arith.mulf %exp3A_1203, %gather3A_1222 : vector<16xf32>
          tpu.vector_store_idx %arg14[%add3A_946, %add3A_376], %mul3A_1223 : memref<160x64xf32, #tpu.memory_space<vmem>>[vector<16xi32>, vector<16xi32>], vector<16xf32>,
          %gather3A_1224 = tpu.vector_load_idx %arg13[%add3A_946, %add3A_385] : memref<160x64xf32, #tpu.memory_space<vmem>>[vector<16xi32>, vector<16xi32>], vector<16xf32>,
          %mul3A_1225 = arith.mulf %exp3A_1203, %gather3A_1224 : vector<16xf32>
          tpu.vector_store_idx %arg14[%add3A_946, %add3A_385], %mul3A_1225 : memref<160x64xf32, #tpu.memory_space<vmem>>[vector<16xi32>, vector<16xi32>], vector<16xf32>,
          %gather3A_1226 = tpu.vector_load_idx %arg13[%add3A_946, %add3A_394] : memref<160x64xf32, #tpu.memory_space<vmem>>[vector<16xi32>, vector<16xi32>], vector<16xf32>,
          %mul3A_1227 = arith.mulf %exp3A_1203, %gather3A_1226 : vector<16xf32>
          tpu.vector_store_idx %arg14[%add3A_946, %add3A_394], %mul3A_1227 : memref<160x64xf32, #tpu.memory_space<vmem>>[vector<16xi32>, vector<16xi32>], vector<16xf32>,
          %gather3A_1228 = tpu.vector_load_idx %arg13[%add3A_946, %add3A_403] : memref<160x64xf32, #tpu.memory_space<vmem>>[vector<16xi32>, vector<16xi32>], vector<16xf32>,
          %mul3A_1229 = arith.mulf %exp3A_1203, %gather3A_1228 : vector<16xf32>
          tpu.vector_store_idx %arg14[%add3A_946, %add3A_403], %mul3A_1229 : memref<160x64xf32, #tpu.memory_space<vmem>>[vector<16xi32>, vector<16xi32>], vector<16xf32>,
          %gather3A_1230 = tpu.vector_load_idx %arg13[%add3A_946, %add3A_412] : memref<160x64xf32, #tpu.memory_space<vmem>>[vector<16xi32>, vector<16xi32>], vector<16xf32>,
          %mul3A_1231 = arith.mulf %exp3A_1203, %gather3A_1230 : vector<16xf32>
          tpu.vector_store_idx %arg14[%add3A_946, %add3A_412], %mul3A_1231 : memref<160x64xf32, #tpu.memory_space<vmem>>[vector<16xi32>, vector<16xi32>], vector<16xf32>,
          %gather3A_1232 = tpu.vector_load_idx %arg13[%add3A_946, %add3A_421] : memref<160x64xf32, #tpu.memory_space<vmem>>[vector<16xi32>, vector<16xi32>], vector<16xf32>,
          %mul3A_1233 = arith.mulf %exp3A_1203, %gather3A_1232 : vector<16xf32>
          tpu.vector_store_idx %arg14[%add3A_946, %add3A_421], %mul3A_1233 : memref<160x64xf32, #tpu.memory_space<vmem>>[vector<16xi32>, vector<16xi32>], vector<16xf32>,
          %gather3A_1234 = tpu.vector_load_idx %arg13[%add3A_946, %add3A_430] : memref<160x64xf32, #tpu.memory_space<vmem>>[vector<16xi32>, vector<16xi32>], vector<16xf32>,
          %mul3A_1235 = arith.mulf %exp3A_1203, %gather3A_1234 : vector<16xf32>
          tpu.vector_store_idx %arg14[%add3A_946, %add3A_430], %mul3A_1235 : memref<160x64xf32, #tpu.memory_space<vmem>>[vector<16xi32>, vector<16xi32>], vector<16xf32>,
          %gather3A_1236 = tpu.vector_load_idx %arg11[%add3A_946, %add3A_439] : memref<160x64xf32, #tpu.memory_space<vmem>>[vector<16xi32>, vector<16xi32>], vector<16xf32>,
          %gather3A_1237 = tpu.vector_load_idx %arg12[%add3A_946, %add3A_439] : memref<160x64xf32, #tpu.memory_space<vmem>>[vector<16xi32>, vector<16xi32>], vector<16xf32>,
          %mul3A_1238 = arith.mulf %gather3A_1236, %gather3A_1237 : vector<16xf32>
          %add3A_1239 = arith.addf %broadcast_in_dim3A_0, %mul3A_1238 : vector<16xf32>
          %gather3A_1240 = tpu.vector_load_idx %arg11[%add3A_946, %add3A_448] : memref<160x64xf32, #tpu.memory_space<vmem>>[vector<16xi32>, vector<16xi32>], vector<16xf32>,
          %gather3A_1241 = tpu.vector_load_idx %arg12[%add3A_946, %add3A_448] : memref<160x64xf32, #tpu.memory_space<vmem>>[vector<16xi32>, vector<16xi32>], vector<16xf32>,
          %mul3A_1242 = arith.mulf %gather3A_1240, %gather3A_1241 : vector<16xf32>
          %add3A_1243 = arith.addf %add3A_1239, %mul3A_1242 : vector<16xf32>
          %gather3A_1244 = tpu.vector_load_idx %arg11[%add3A_946, %add3A_457] : memref<160x64xf32, #tpu.memory_space<vmem>>[vector<16xi32>, vector<16xi32>], vector<16xf32>,
          %gather3A_1245 = tpu.vector_load_idx %arg12[%add3A_946, %add3A_457] : memref<160x64xf32, #tpu.memory_space<vmem>>[vector<16xi32>, vector<16xi32>], vector<16xf32>,
          %mul3A_1246 = arith.mulf %gather3A_1244, %gather3A_1245 : vector<16xf32>
          %add3A_1247 = arith.addf %add3A_1243, %mul3A_1246 : vector<16xf32>
          %gather3A_1248 = tpu.vector_load_idx %arg11[%add3A_946, %add3A_466] : memref<160x64xf32, #tpu.memory_space<vmem>>[vector<16xi32>, vector<16xi32>], vector<16xf32>,
          %gather3A_1249 = tpu.vector_load_idx %arg12[%add3A_946, %add3A_466] : memref<160x64xf32, #tpu.memory_space<vmem>>[vector<16xi32>, vector<16xi32>], vector<16xf32>,
          %mul3A_1250 = arith.mulf %gather3A_1248, %gather3A_1249 : vector<16xf32>
          %add3A_1251 = arith.addf %add3A_1247, %mul3A_1250 : vector<16xf32>
          %gather3A_1252 = tpu.vector_load_idx %arg11[%add3A_946, %add3A_475] : memref<160x64xf32, #tpu.memory_space<vmem>>[vector<16xi32>, vector<16xi32>], vector<16xf32>,
          %gather3A_1253 = tpu.vector_load_idx %arg12[%add3A_946, %add3A_475] : memref<160x64xf32, #tpu.memory_space<vmem>>[vector<16xi32>, vector<16xi32>], vector<16xf32>,
          %mul3A_1254 = arith.mulf %gather3A_1252, %gather3A_1253 : vector<16xf32>
          %add3A_1255 = arith.addf %add3A_1251, %mul3A_1254 : vector<16xf32>
          %gather3A_1256 = tpu.vector_load_idx %arg11[%add3A_946, %add3A_484] : memref<160x64xf32, #tpu.memory_space<vmem>>[vector<16xi32>, vector<16xi32>], vector<16xf32>,
          %gather3A_1257 = tpu.vector_load_idx %arg12[%add3A_946, %add3A_484] : memref<160x64xf32, #tpu.memory_space<vmem>>[vector<16xi32>, vector<16xi32>], vector<16xf32>,
          %mul3A_1258 = arith.mulf %gather3A_1256, %gather3A_1257 : vector<16xf32>
          %add3A_1259 = arith.addf %add3A_1255, %mul3A_1258 : vector<16xf32>
          %gather3A_1260 = tpu.vector_load_idx %arg11[%add3A_946, %add3A_493] : memref<160x64xf32, #tpu.memory_space<vmem>>[vector<16xi32>, vector<16xi32>], vector<16xf32>,
          %gather3A_1261 = tpu.vector_load_idx %arg12[%add3A_946, %add3A_493] : memref<160x64xf32, #tpu.memory_space<vmem>>[vector<16xi32>, vector<16xi32>], vector<16xf32>,
          %mul3A_1262 = arith.mulf %gather3A_1260, %gather3A_1261 : vector<16xf32>
          %add3A_1263 = arith.addf %add3A_1259, %mul3A_1262 : vector<16xf32>
          %gather3A_1264 = tpu.vector_load_idx %arg11[%add3A_946, %add3A_502] : memref<160x64xf32, #tpu.memory_space<vmem>>[vector<16xi32>, vector<16xi32>], vector<16xf32>,
          %gather3A_1265 = tpu.vector_load_idx %arg12[%add3A_946, %add3A_502] : memref<160x64xf32, #tpu.memory_space<vmem>>[vector<16xi32>, vector<16xi32>], vector<16xf32>,
          %mul3A_1266 = arith.mulf %gather3A_1264, %gather3A_1265 : vector<16xf32>
          %add3A_1267 = arith.addf %add3A_1263, %mul3A_1266 : vector<16xf32>
          %gather3A_1268 = tpu.vector_load_idx %arg11[%add3A_946, %add3A_511] : memref<160x64xf32, #tpu.memory_space<vmem>>[vector<16xi32>, vector<16xi32>], vector<16xf32>,
          %gather3A_1269 = tpu.vector_load_idx %arg12[%add3A_946, %add3A_511] : memref<160x64xf32, #tpu.memory_space<vmem>>[vector<16xi32>, vector<16xi32>], vector<16xf32>,
          %mul3A_1270 = arith.mulf %gather3A_1268, %gather3A_1269 : vector<16xf32>
          %add3A_1271 = arith.addf %add3A_1267, %mul3A_1270 : vector<16xf32>
          %gather3A_1272 = tpu.vector_load_idx %arg11[%add3A_946, %add3A_520] : memref<160x64xf32, #tpu.memory_space<vmem>>[vector<16xi32>, vector<16xi32>], vector<16xf32>,
          %gather3A_1273 = tpu.vector_load_idx %arg12[%add3A_946, %add3A_520] : memref<160x64xf32, #tpu.memory_space<vmem>>[vector<16xi32>, vector<16xi32>], vector<16xf32>,
          %mul3A_1274 = arith.mulf %gather3A_1272, %gather3A_1273 : vector<16xf32>
          %add3A_1275 = arith.addf %add3A_1271, %mul3A_1274 : vector<16xf32>
          %gather3A_1276 = tpu.vector_load_idx %arg11[%add3A_946, %add3A_529] : memref<160x64xf32, #tpu.memory_space<vmem>>[vector<16xi32>, vector<16xi32>], vector<16xf32>,
          %gather3A_1277 = tpu.vector_load_idx %arg12[%add3A_946, %add3A_529] : memref<160x64xf32, #tpu.memory_space<vmem>>[vector<16xi32>, vector<16xi32>], vector<16xf32>,
          %mul3A_1278 = arith.mulf %gather3A_1276, %gather3A_1277 : vector<16xf32>
          %add3A_1279 = arith.addf %add3A_1275, %mul3A_1278 : vector<16xf32>
          %gather3A_1280 = tpu.vector_load_idx %arg11[%add3A_946, %add3A_538] : memref<160x64xf32, #tpu.memory_space<vmem>>[vector<16xi32>, vector<16xi32>], vector<16xf32>,
          %gather3A_1281 = tpu.vector_load_idx %arg12[%add3A_946, %add3A_538] : memref<160x64xf32, #tpu.memory_space<vmem>>[vector<16xi32>, vector<16xi32>], vector<16xf32>,
          %mul3A_1282 = arith.mulf %gather3A_1280, %gather3A_1281 : vector<16xf32>
          %add3A_1283 = arith.addf %add3A_1279, %mul3A_1282 : vector<16xf32>
          %gather3A_1284 = tpu.vector_load_idx %arg11[%add3A_946, %add3A_547] : memref<160x64xf32, #tpu.memory_space<vmem>>[vector<16xi32>, vector<16xi32>], vector<16xf32>,
          %gather3A_1285 = tpu.vector_load_idx %arg12[%add3A_946, %add3A_547] : memref<160x64xf32, #tpu.memory_space<vmem>>[vector<16xi32>, vector<16xi32>], vector<16xf32>,
          %mul3A_1286 = arith.mulf %gather3A_1284, %gather3A_1285 : vector<16xf32>
          %add3A_1287 = arith.addf %add3A_1283, %mul3A_1286 : vector<16xf32>
          %gather3A_1288 = tpu.vector_load_idx %arg11[%add3A_946, %add3A_556] : memref<160x64xf32, #tpu.memory_space<vmem>>[vector<16xi32>, vector<16xi32>], vector<16xf32>,
          %gather3A_1289 = tpu.vector_load_idx %arg12[%add3A_946, %add3A_556] : memref<160x64xf32, #tpu.memory_space<vmem>>[vector<16xi32>, vector<16xi32>], vector<16xf32>,
          %mul3A_1290 = arith.mulf %gather3A_1288, %gather3A_1289 : vector<16xf32>
          %add3A_1291 = arith.addf %add3A_1287, %mul3A_1290 : vector<16xf32>
          %gather3A_1292 = tpu.vector_load_idx %arg11[%add3A_946, %add3A_565] : memref<160x64xf32, #tpu.memory_space<vmem>>[vector<16xi32>, vector<16xi32>], vector<16xf32>,
          %gather3A_1293 = tpu.vector_load_idx %arg12[%add3A_946, %add3A_565] : memref<160x64xf32, #tpu.memory_space<vmem>>[vector<16xi32>, vector<16xi32>], vector<16xf32>,
          %mul3A_1294 = arith.mulf %gather3A_1292, %gather3A_1293 : vector<16xf32>
          %add3A_1295 = arith.addf %add3A_1291, %mul3A_1294 : vector<16xf32>
          %gather3A_1296 = tpu.vector_load_idx %arg11[%add3A_946, %add3A_574] : memref<160x64xf32, #tpu.memory_space<vmem>>[vector<16xi32>, vector<16xi32>], vector<16xf32>,
          %gather3A_1297 = tpu.vector_load_idx %arg12[%add3A_946, %add3A_574] : memref<160x64xf32, #tpu.memory_space<vmem>>[vector<16xi32>, vector<16xi32>], vector<16xf32>,
          %mul3A_1298 = arith.mulf %gather3A_1296, %gather3A_1297 : vector<16xf32>
          %add3A_1299 = arith.addf %add3A_1295, %mul3A_1298 : vector<16xf32>
          %exp3A_1300 = math.exp %add3A_1299 : vector<16xf32>
          tpu.vector_store_idx %arg15[%add3A_946, %broadcast_in_dim3A_582], %exp3A_1300 : memref<160x16xf32, #tpu.memory_space<vmem>>[vector<16xi32>, vector<16xi32>], vector<16xf32>,
          %gather3A_1301 = tpu.vector_load_idx %arg13[%add3A_946, %add3A_439] : memref<160x64xf32, #tpu.memory_space<vmem>>[vector<16xi32>, vector<16xi32>], vector<16xf32>,
          %mul3A_1302 = arith.mulf %exp3A_1300, %gather3A_1301 : vector<16xf32>
          tpu.vector_store_idx %arg14[%add3A_946, %add3A_439], %mul3A_1302 : memref<160x64xf32, #tpu.memory_space<vmem>>[vector<16xi32>, vector<16xi32>], vector<16xf32>,
          %gather3A_1303 = tpu.vector_load_idx %arg13[%add3A_946, %add3A_448] : memref<160x64xf32, #tpu.memory_space<vmem>>[vector<16xi32>, vector<16xi32>], vector<16xf32>,
          %mul3A_1304 = arith.mulf %exp3A_1300, %gather3A_1303 : vector<16xf32>
          tpu.vector_store_idx %arg14[%add3A_946, %add3A_448], %mul3A_1304 : memref<160x64xf32, #tpu.memory_space<vmem>>[vector<16xi32>, vector<16xi32>], vector<16xf32>,
          %gather3A_1305 = tpu.vector_load_idx %arg13[%add3A_946, %add3A_457] : memref<160x64xf32, #tpu.memory_space<vmem>>[vector<16xi32>, vector<16xi32>], vector<16xf32>,
          %mul3A_1306 = arith.mulf %exp3A_1300, %gather3A_1305 : vector<16xf32>
          tpu.vector_store_idx %arg14[%add3A_946, %add3A_457], %mul3A_1306 : memref<160x64xf32, #tpu.memory_space<vmem>>[vector<16xi32>, vector<16xi32>], vector<16xf32>,
          %gather3A_1307 = tpu.vector_load_idx %arg13[%add3A_946, %add3A_466] : memref<160x64xf32, #tpu.memory_space<vmem>>[vector<16xi32>, vector<16xi32>], vector<16xf32>,
          %mul3A_1308 = arith.mulf %exp3A_1300, %gather3A_1307 : vector<16xf32>
          tpu.vector_store_idx %arg14[%add3A_946, %add3A_466], %mul3A_1308 : memref<160x64xf32, #tpu.memory_space<vmem>>[vector<16xi32>, vector<16xi32>], vector<16xf32>,
          %gather3A_1309 = tpu.vector_load_idx %arg13[%add3A_946, %add3A_475] : memref<160x64xf32, #tpu.memory_space<vmem>>[vector<16xi32>, vector<16xi32>], vector<16xf32>,
          %mul3A_1310 = arith.mulf %exp3A_1300, %gather3A_1309 : vector<16xf32>
          tpu.vector_store_idx %arg14[%add3A_946, %add3A_475], %mul3A_1310 : memref<160x64xf32, #tpu.memory_space<vmem>>[vector<16xi32>, vector<16xi32>], vector<16xf32>,
          %gather3A_1311 = tpu.vector_load_idx %arg13[%add3A_946, %add3A_484] : memref<160x64xf32, #tpu.memory_space<vmem>>[vector<16xi32>, vector<16xi32>], vector<16xf32>,
          %mul3A_1312 = arith.mulf %exp3A_1300, %gather3A_1311 : vector<16xf32>
          tpu.vector_store_idx %arg14[%add3A_946, %add3A_484], %mul3A_1312 : memref<160x64xf32, #tpu.memory_space<vmem>>[vector<16xi32>, vector<16xi32>], vector<16xf32>,
          %gather3A_1313 = tpu.vector_load_idx %arg13[%add3A_946, %add3A_493] : memref<160x64xf32, #tpu.memory_space<vmem>>[vector<16xi32>, vector<16xi32>], vector<16xf32>,
          %mul3A_1314 = arith.mulf %exp3A_1300, %gather3A_1313 : vector<16xf32>
          tpu.vector_store_idx %arg14[%add3A_946, %add3A_493], %mul3A_1314 : memref<160x64xf32, #tpu.memory_space<vmem>>[vector<16xi32>, vector<16xi32>], vector<16xf32>,
          %gather3A_1315 = tpu.vector_load_idx %arg13[%add3A_946, %add3A_502] : memref<160x64xf32, #tpu.memory_space<vmem>>[vector<16xi32>, vector<16xi32>], vector<16xf32>,
          %mul3A_1316 = arith.mulf %exp3A_1300, %gather3A_1315 : vector<16xf32>
          tpu.vector_store_idx %arg14[%add3A_946, %add3A_502], %mul3A_1316 : memref<160x64xf32, #tpu.memory_space<vmem>>[vector<16xi32>, vector<16xi32>], vector<16xf32>,
          %gather3A_1317 = tpu.vector_load_idx %arg13[%add3A_946, %add3A_511] : memref<160x64xf32, #tpu.memory_space<vmem>>[vector<16xi32>, vector<16xi32>], vector<16xf32>,
          %mul3A_1318 = arith.mulf %exp3A_1300, %gather3A_1317 : vector<16xf32>
          tpu.vector_store_idx %arg14[%add3A_946, %add3A_511], %mul3A_1318 : memref<160x64xf32, #tpu.memory_space<vmem>>[vector<16xi32>, vector<16xi32>], vector<16xf32>,
          %gather3A_1319 = tpu.vector_load_idx %arg13[%add3A_946, %add3A_520] : memref<160x64xf32, #tpu.memory_space<vmem>>[vector<16xi32>, vector<16xi32>], vector<16xf32>,
          %mul3A_1320 = arith.mulf %exp3A_1300, %gather3A_1319 : vector<16xf32>
          tpu.vector_store_idx %arg14[%add3A_946, %add3A_520], %mul3A_1320 : memref<160x64xf32, #tpu.memory_space<vmem>>[vector<16xi32>, vector<16xi32>], vector<16xf32>,
          %gather3A_1321 = tpu.vector_load_idx %arg13[%add3A_946, %add3A_529] : memref<160x64xf32, #tpu.memory_space<vmem>>[vector<16xi32>, vector<16xi32>], vector<16xf32>,
          %mul3A_1322 = arith.mulf %exp3A_1300, %gather3A_1321 : vector<16xf32>
          tpu.vector_store_idx %arg14[%add3A_946, %add3A_529], %mul3A_1322 : memref<160x64xf32, #tpu.memory_space<vmem>>[vector<16xi32>, vector<16xi32>], vector<16xf32>,
          %gather3A_1323 = tpu.vector_load_idx %arg13[%add3A_946, %add3A_538] : memref<160x64xf32, #tpu.memory_space<vmem>>[vector<16xi32>, vector<16xi32>], vector<16xf32>,
          %mul3A_1324 = arith.mulf %exp3A_1300, %gather3A_1323 : vector<16xf32>
          tpu.vector_store_idx %arg14[%add3A_946, %add3A_538], %mul3A_1324 : memref<160x64xf32, #tpu.memory_space<vmem>>[vector<16xi32>, vector<16xi32>], vector<16xf32>,
          %gather3A_1325 = tpu.vector_load_idx %arg13[%add3A_946, %add3A_547] : memref<160x64xf32, #tpu.memory_space<vmem>>[vector<16xi32>, vector<16xi32>], vector<16xf32>,
          %mul3A_1326 = arith.mulf %exp3A_1300, %gather3A_1325 : vector<16xf32>
          tpu.vector_store_idx %arg14[%add3A_946, %add3A_547], %mul3A_1326 : memref<160x64xf32, #tpu.memory_space<vmem>>[vector<16xi32>, vector<16xi32>], vector<16xf32>,
          %gather3A_1327 = tpu.vector_load_idx %arg13[%add3A_946, %add3A_556] : memref<160x64xf32, #tpu.memory_space<vmem>>[vector<16xi32>, vector<16xi32>], vector<16xf32>,
          %mul3A_1328 = arith.mulf %exp3A_1300, %gather3A_1327 : vector<16xf32>
          tpu.vector_store_idx %arg14[%add3A_946, %add3A_556], %mul3A_1328 : memref<160x64xf32, #tpu.memory_space<vmem>>[vector<16xi32>, vector<16xi32>], vector<16xf32>,
          %gather3A_1329 = tpu.vector_load_idx %arg13[%add3A_946, %add3A_565] : memref<160x64xf32, #tpu.memory_space<vmem>>[vector<16xi32>, vector<16xi32>], vector<16xf32>,
          %mul3A_1330 = arith.mulf %exp3A_1300, %gather3A_1329 : vector<16xf32>
          tpu.vector_store_idx %arg14[%add3A_946, %add3A_565], %mul3A_1330 : memref<160x64xf32, #tpu.memory_space<vmem>>[vector<16xi32>, vector<16xi32>], vector<16xf32>,
          %gather3A_1331 = tpu.vector_load_idx %arg13[%add3A_946, %add3A_574] : memref<160x64xf32, #tpu.memory_space<vmem>>[vector<16xi32>, vector<16xi32>], vector<16xf32>,
          %mul3A_1332 = arith.mulf %exp3A_1300, %gather3A_1331 : vector<16xf32>
          tpu.vector_store_idx %arg14[%add3A_946, %add3A_574], %mul3A_1332 : memref<160x64xf32, #tpu.memory_space<vmem>>[vector<16xi32>, vector<16xi32>], vector<16xf32>,
        }
        %scan3A_919 = arith.constant 5 : i32
        %add3A_920 = arith.constant 1 : i32
        %add3A_921 = arith.addi %mul3A_769, %add3A_920 : i32
        %mul3A_922 = arith.constant 80 : i32
        %mul3A_923 = arith.muli %add3A_921, %mul3A_922 : i32
        %dma_start3A_924 = arith.constant 80 : i32
        %dma_start3A_925 = arith.constant 0 : i32
        %dma_start3A_926 = tpu.memref_slice %arg14[%dma_start3A_924, %dma_start3A_925] : memref<160x64xf32, #tpu.memory_space<vmem>> -> memref<80x64xf32, #tpu.memory_space<vmem>>
        %dma_start3A_927 = tpu.memref_slice %arg10[%select_n3A_667, %mul3A_923] : memref<2x4000xi32, #tpu.memory_space<vmem>> -> memref<1x80xi32, #tpu.memory_space<vmem>>
        %dma_start3A_928 = tpu.memref_squeeze %dma_start3A_927 : memref<1x80xi32, #tpu.memory_space<vmem>> -> memref<80xi32, #tpu.memory_space<vmem>>
        %dma_start3A_929 = arith.constant 0 : i32
        %dma_start3A_930 = arith.constant 0 : i32
        %dma_start3A_931 = tpu.memref_slice %arg16[%dma_start3A_929, %dma_start3A_930] : memref<10240x64xf32, #tpu.memory_space<vmem_shared>> -> memref<10240x64xf32, #tpu.memory_space<vmem_shared>>
        tpu.enqueue_indirect_dma source(%dma_start3A_926 : memref<80x64xf32, #tpu.memory_space<vmem>>) target(%dma_start3A_931 : memref<10240x64xf32, #tpu.memory_space<vmem_shared>>) offsets(%dma_start3A_928 : memref<80xi32, #tpu.memory_space<vmem>>) semaphore(%arg21 : memref<!tpu.dma_semaphore, #tpu.memory_space<semaphore_mem>>) {add = true}
        %dma_start3A_932 = arith.constant 80 : i32
        %dma_start3A_933 = arith.constant 0 : i32
        %dma_start3A_934 = tpu.memref_slice %arg15[%dma_start3A_932, %dma_start3A_933] : memref<160x16xf32, #tpu.memory_space<vmem>> -> memref<80x16xf32, #tpu.memory_space<vmem>>
        %dma_start3A_935 = tpu.memref_slice %arg10[%select_n3A_667, %mul3A_923] : memref<2x4000xi32, #tpu.memory_space<vmem>> -> memref<1x80xi32, #tpu.memory_space<vmem>>
        %dma_start3A_936 = tpu.memref_squeeze %dma_start3A_935 : memref<1x80xi32, #tpu.memory_space<vmem>> -> memref<80xi32, #tpu.memory_space<vmem>>
        %dma_start3A_937 = arith.constant 0 : i32
        %dma_start3A_938 = arith.constant 0 : i32
        %dma_start3A_939 = tpu.memref_slice %arg17[%dma_start3A_937, %dma_start3A_938] : memref<10240x16xf32, #tpu.memory_space<vmem_shared>> -> memref<10240x16xf32, #tpu.memory_space<vmem_shared>>
        tpu.enqueue_indirect_dma source(%dma_start3A_934 : memref<80x16xf32, #tpu.memory_space<vmem>>) target(%dma_start3A_939 : memref<10240x16xf32, #tpu.memory_space<vmem_shared>>) offsets(%dma_start3A_936 : memref<80xi32, #tpu.memory_space<vmem>>) semaphore(%arg21 : memref<!tpu.dma_semaphore, #tpu.memory_space<semaphore_mem>>) {add = true}
      }
      %scan3A_730 = arith.constant 25 : i32
      %dma_wait3A_731 = arith.constant 0 : i32
      %dma_wait3A_732 = arith.constant 0 : i32
      %dma_wait3A_733 = tpu.memref_slice %arg14[%dma_wait3A_731, %dma_wait3A_732] : memref<160x64xf32, #tpu.memory_space<vmem>> -> memref<80x64xf32, #tpu.memory_space<vmem>>
      %dma_wait3A_734 = arith.constant 3840 : i32
      %dma_wait3A_735 = tpu.memref_slice %arg10[%select_n3A_667, %dma_wait3A_734] : memref<2x4000xi32, #tpu.memory_space<vmem>> -> memref<1x80xi32, #tpu.memory_space<vmem>>
      %dma_wait3A_736 = tpu.memref_squeeze %dma_wait3A_735 : memref<1x80xi32, #tpu.memory_space<vmem>> -> memref<80xi32, #tpu.memory_space<vmem>>
      %dma_wait3A_737 = arith.constant 0 : i32
      %dma_wait3A_738 = arith.constant 0 : i32
      %dma_wait3A_739 = tpu.memref_slice %arg16[%dma_wait3A_737, %dma_wait3A_738] : memref<10240x64xf32, #tpu.memory_space<vmem_shared>> -> memref<10240x64xf32, #tpu.memory_space<vmem_shared>>
      tpu.wait_indirect_dma semaphore(%arg20 : memref<!tpu.dma_semaphore, #tpu.memory_space<semaphore_mem>>) src(%dma_wait3A_733 : memref<80x64xf32, #tpu.memory_space<vmem>>) dst(%dma_wait3A_739 : memref<10240x64xf32, #tpu.memory_space<vmem_shared>>)
      %dma_wait3A_740 = arith.constant 0 : i32
      %dma_wait3A_741 = arith.constant 0 : i32
      %dma_wait3A_742 = tpu.memref_slice %arg15[%dma_wait3A_740, %dma_wait3A_741] : memref<160x16xf32, #tpu.memory_space<vmem>> -> memref<80x16xf32, #tpu.memory_space<vmem>>
      %dma_wait3A_743 = arith.constant 3840 : i32
      %dma_wait3A_744 = tpu.memref_slice %arg10[%select_n3A_667, %dma_wait3A_743] : memref<2x4000xi32, #tpu.memory_space<vmem>> -> memref<1x80xi32, #tpu.memory_space<vmem>>
      %dma_wait3A_745 = tpu.memref_squeeze %dma_wait3A_744 : memref<1x80xi32, #tpu.memory_space<vmem>> -> memref<80xi32, #tpu.memory_space<vmem>>
      %dma_wait3A_746 = arith.constant 0 : i32
      %dma_wait3A_747 = arith.constant 0 : i32
      %dma_wait3A_748 = tpu.memref_slice %arg17[%dma_wait3A_746, %dma_wait3A_747] : memref<10240x16xf32, #tpu.memory_space<vmem_shared>> -> memref<10240x16xf32, #tpu.memory_space<vmem_shared>>
      tpu.wait_indirect_dma semaphore(%arg20 : memref<!tpu.dma_semaphore, #tpu.memory_space<semaphore_mem>>) src(%dma_wait3A_742 : memref<80x16xf32, #tpu.memory_space<vmem>>) dst(%dma_wait3A_748 : memref<10240x16xf32, #tpu.memory_space<vmem_shared>>)
      %dma_wait3A_749 = arith.constant 80 : i32
      %dma_wait3A_750 = arith.constant 0 : i32
      %dma_wait3A_751 = tpu.memref_slice %arg14[%dma_wait3A_749, %dma_wait3A_750] : memref<160x64xf32, #tpu.memory_space<vmem>> -> memref<80x64xf32, #tpu.memory_space<vmem>>
      %dma_wait3A_752 = arith.constant 3920 : i32
      %dma_wait3A_753 = tpu.memref_slice %arg10[%select_n3A_667, %dma_wait3A_752] : memref<2x4000xi32, #tpu.memory_space<vmem>> -> memref<1x80xi32, #tpu.memory_space<vmem>>
      %dma_wait3A_754 = tpu.memref_squeeze %dma_wait3A_753 : memref<1x80xi32, #tpu.memory_space<vmem>> -> memref<80xi32, #tpu.memory_space<vmem>>
      %dma_wait3A_755 = arith.constant 0 : i32
      %dma_wait3A_756 = arith.constant 0 : i32
      %dma_wait3A_757 = tpu.memref_slice %arg16[%dma_wait3A_755, %dma_wait3A_756] : memref<10240x64xf32, #tpu.memory_space<vmem_shared>> -> memref<10240x64xf32, #tpu.memory_space<vmem_shared>>
      tpu.wait_indirect_dma semaphore(%arg21 : memref<!tpu.dma_semaphore, #tpu.memory_space<semaphore_mem>>) src(%dma_wait3A_751 : memref<80x64xf32, #tpu.memory_space<vmem>>) dst(%dma_wait3A_757 : memref<10240x64xf32, #tpu.memory_space<vmem_shared>>)
      %dma_wait3A_758 = arith.constant 80 : i32
      %dma_wait3A_759 = arith.constant 0 : i32
      %dma_wait3A_760 = tpu.memref_slice %arg15[%dma_wait3A_758, %dma_wait3A_759] : memref<160x16xf32, #tpu.memory_space<vmem>> -> memref<80x16xf32, #tpu.memory_space<vmem>>
      %dma_wait3A_761 = arith.constant 3920 : i32
      %dma_wait3A_762 = tpu.memref_slice %arg10[%select_n3A_667, %dma_wait3A_761] : memref<2x4000xi32, #tpu.memory_space<vmem>> -> memref<1x80xi32, #tpu.memory_space<vmem>>
      %dma_wait3A_763 = tpu.memref_squeeze %dma_wait3A_762 : memref<1x80xi32, #tpu.memory_space<vmem>> -> memref<80xi32, #tpu.memory_space<vmem>>
      %dma_wait3A_764 = arith.constant 0 : i32
      %dma_wait3A_765 = arith.constant 0 : i32
      %dma_wait3A_766 = tpu.memref_slice %arg17[%dma_wait3A_764, %dma_wait3A_765] : memref<10240x16xf32, #tpu.memory_space<vmem_shared>> -> memref<10240x16xf32, #tpu.memory_space<vmem_shared>>
      tpu.wait_indirect_dma semaphore(%arg21 : memref<!tpu.dma_semaphore, #tpu.memory_space<semaphore_mem>>) src(%dma_wait3A_760 : memref<80x16xf32, #tpu.memory_space<vmem>>) dst(%dma_wait3A_766 : memref<10240x16xf32, #tpu.memory_space<vmem_shared>>)
    }
    %scan3A_655 = arith.constant 5 : i32
    %barrier3A_656 = arith.constant 0 : index
    tpu.barrier barrier_id(%barrier3A_656)
    "tpu.region"() ({
      %run_scoped3A = tpu.sem_alloc : memref<!tpu.dma_semaphore, #tpu.memory_space<semaphore_mem>>
      %dma_start3A_657 = arith.constant 0 : i32
      %dma_start3A_658 = tpu.memref_slice %arg7[%arg0, %mul3A_617, %dma_start3A_657] : memref<2x10240x64xf32, #tpu.memory_space<hbm>> -> memref<1x640x64xf32, #tpu.memory_space<hbm>>
      %dma_start3A_659 = tpu.memref_squeeze %dma_start3A_658 : memref<1x640x64xf32, #tpu.memory_space<hbm>> -> memref<640x64xf32, #tpu.memory_space<hbm>>
      %dma_start3A_660 = arith.constant 0 : i32
      %dma_start3A_661 = tpu.memref_slice %arg16[%mul3A_617, %dma_start3A_660] : memref<10240x64xf32, #tpu.memory_space<vmem_shared>> -> memref<640x64xf32, #tpu.memory_space<vmem_shared>>
      tpu.enqueue_dma source(%dma_start3A_661 : memref<640x64xf32, #tpu.memory_space<vmem_shared>>) target(%dma_start3A_659 : memref<640x64xf32, #tpu.memory_space<hbm>>) target_semaphore(%run_scoped3A : memref<!tpu.dma_semaphore, #tpu.memory_space<semaphore_mem>>)
      %dma_wait3A = arith.constant 0 : i32
      %dma_wait3A_662 = tpu.memref_slice %arg7[%arg0, %mul3A_617, %dma_wait3A] : memref<2x10240x64xf32, #tpu.memory_space<hbm>> -> memref<1x640x64xf32, #tpu.memory_space<hbm>>
      %dma_wait3A_663 = tpu.memref_squeeze %dma_wait3A_662 : memref<1x640x64xf32, #tpu.memory_space<hbm>> -> memref<640x64xf32, #tpu.memory_space<hbm>>
      %dma_wait3A_664 = arith.constant 0 : i32
      %dma_wait3A_665 = tpu.memref_slice %arg16[%mul3A_617, %dma_wait3A_664] : memref<10240x64xf32, #tpu.memory_space<vmem_shared>> -> memref<640x64xf32, #tpu.memory_space<vmem_shared>>
      tpu.wait_dma2 semaphore(%run_scoped3A : memref<!tpu.dma_semaphore, #tpu.memory_space<semaphore_mem>>) src(%dma_wait3A_665 : memref<640x64xf32, #tpu.memory_space<vmem_shared>>) dst(%dma_wait3A_663 : memref<640x64xf32, #tpu.memory_space<hbm>>)
      tpu.yield
    }) : () -> ()
    "tpu.region"() ({
      %run_scoped3A = tpu.sem_alloc : memref<!tpu.dma_semaphore, #tpu.memory_space<semaphore_mem>>
      %dma_start3A_657 = arith.constant 0 : i32
      %dma_start3A_658 = tpu.memref_slice %arg8[%arg0, %mul3A_617, %dma_start3A_657] : memref<2x10240x16xf32, #tpu.memory_space<hbm>> -> memref<1x640x16xf32, #tpu.memory_space<hbm>>
      %dma_start3A_659 = tpu.memref_squeeze %dma_start3A_658 : memref<1x640x16xf32, #tpu.memory_space<hbm>> -> memref<640x16xf32, #tpu.memory_space<hbm>>
      %dma_start3A_660 = arith.constant 0 : i32
      %dma_start3A_661 = tpu.memref_slice %arg17[%mul3A_617, %dma_start3A_660] : memref<10240x16xf32, #tpu.memory_space<vmem_shared>> -> memref<640x16xf32, #tpu.memory_space<vmem_shared>>
      tpu.enqueue_dma source(%dma_start3A_661 : memref<640x16xf32, #tpu.memory_space<vmem_shared>>) target(%dma_start3A_659 : memref<640x16xf32, #tpu.memory_space<hbm>>) target_semaphore(%run_scoped3A : memref<!tpu.dma_semaphore, #tpu.memory_space<semaphore_mem>>)
      %dma_wait3A = arith.constant 0 : i32
      %dma_wait3A_662 = tpu.memref_slice %arg8[%arg0, %mul3A_617, %dma_wait3A] : memref<2x10240x16xf32, #tpu.memory_space<hbm>> -> memref<1x640x16xf32, #tpu.memory_space<hbm>>
      %dma_wait3A_663 = tpu.memref_squeeze %dma_wait3A_662 : memref<1x640x16xf32, #tpu.memory_space<hbm>> -> memref<640x16xf32, #tpu.memory_space<hbm>>
      %dma_wait3A_664 = arith.constant 0 : i32
      %dma_wait3A_665 = tpu.memref_slice %arg17[%mul3A_617, %dma_wait3A_664] : memref<10240x16xf32, #tpu.memory_space<vmem_shared>> -> memref<640x16xf32, #tpu.memory_space<vmem_shared>>
      tpu.wait_dma2 semaphore(%run_scoped3A : memref<!tpu.dma_semaphore, #tpu.memory_space<semaphore_mem>>) src(%dma_wait3A_665 : memref<640x16xf32, #tpu.memory_space<vmem_shared>>) dst(%dma_wait3A_663 : memref<640x16xf32, #tpu.memory_space<hbm>>)
      tpu.yield
    }) : () -> ()
    return
  }
}

module attributes {stable_mosaic.version = 14 : i64} {
  func.func @_qkv_body(%arg0: i32, %arg1: memref<1000x128xf32, #tpu.memory_space<vmem>>, %arg2: memref<128x128xf32, #tpu.memory_space<vmem>>, %arg3: memref<128x128xf32, #tpu.memory_space<vmem>>, %arg4: memref<128x128xf32, #tpu.memory_space<vmem>>, %arg5: memref<1x128xf32, #tpu.memory_space<vmem>>, %arg6: memref<1x128xf32, #tpu.memory_space<vmem>>, %arg7: memref<1x128xf32, #tpu.memory_space<vmem>>, %arg8: memref<1000x128xf32, #tpu.memory_space<vmem>>, %arg9: memref<1000x128xf32, #tpu.memory_space<vmem>>, %arg10: memref<1000x128xf32, #tpu.memory_space<vmem>>) attributes {dimension_semantics = [#tpu.dimension_semantics<arbitrary>], iteration_bounds = array<i64: 10>, scalar_prefetch = 0 : i64, scratch_operands = 0 : i64, tpu.core_type = #tpu.core_type<tc>, window_params = [{transform_indices = @transform_0, window_bounds = array<i64: 1000, 128>}, {pipeline_mode = #tpu.pipeline_mode<synchronous>, transform_indices = @transform_1, window_bounds = array<i64: 128, 128>}, {pipeline_mode = #tpu.pipeline_mode<synchronous>, transform_indices = @transform_2, window_bounds = array<i64: 128, 128>}, {pipeline_mode = #tpu.pipeline_mode<synchronous>, transform_indices = @transform_3, window_bounds = array<i64: 128, 128>}, {pipeline_mode = #tpu.pipeline_mode<synchronous>, transform_indices = @transform_4, window_bounds = array<i64: 1, 128>}, {pipeline_mode = #tpu.pipeline_mode<synchronous>, transform_indices = @transform_5, window_bounds = array<i64: 1, 128>}, {pipeline_mode = #tpu.pipeline_mode<synchronous>, transform_indices = @transform_6, window_bounds = array<i64: 1, 128>}, {transform_indices = @transform_7, window_bounds = array<i64: 1000, 128>}, {transform_indices = @transform_8, window_bounds = array<i64: 1000, 128>}, {transform_indices = @transform_9, window_bounds = array<i64: 1000, 128>}]} {
    %get3A = arith.constant 0 : index
    %get3A_0 = arith.constant 0 : index
    %get3A_1 = vector.load %arg1[%get3A, %get3A_0] : memref<1000x128xf32, #tpu.memory_space<vmem>>, vector<1000x128xf32>
    %get3A_2 = arith.constant 0 : index
    %get3A_3 = arith.constant 0 : index
    %get3A_4 = vector.load %arg2[%get3A_2, %get3A_3] : memref<128x128xf32, #tpu.memory_space<vmem>>, vector<128x128xf32>
    %dot_general3A = arith.constant dense<0.000000e+00> : vector<1000x128xf32>
    %dot_general3A_5 = tpu.matmul %get3A_1, %get3A_4, %dot_general3A {dimension_numbers = #tpu.dot_dimension_numbers<[1], [0], [0], [1], [0, 0, 1, 1], [], []>, transpose_lhs_hint = false} : vector<1000x128xf32>, vector<128x128xf32>, vector<1000x128xf32> -> vector<1000x128xf32>
    %get3A_6 = arith.constant 0 : index
    %get3A_7 = arith.constant 0 : index
    %get3A_8 = vector.load %arg5[%get3A_6, %get3A_7] : memref<1x128xf32, #tpu.memory_space<vmem>>, vector<1x128xf32>
    %add3A = vector.broadcast %get3A_8 : vector<1x128xf32> to vector<1000x128xf32>
    %add3A_9 = arith.addf %dot_general3A_5, %add3A : vector<1000x128xf32>
    %mul3A = arith.constant 2.500000e-01 : f32
    %mul3A_10 = vector.broadcast %mul3A : f32 to vector<1000x128xf32>
    %mul3A_11 = arith.mulf %add3A_9, %mul3A_10 : vector<1000x128xf32>
    %swap3A = arith.constant 0 : index
    %swap3A_12 = arith.constant 0 : index
    %swap3A_13 = vector.load %arg8[%swap3A, %swap3A_12] : memref<1000x128xf32, #tpu.memory_space<vmem>>, vector<1000x128xf32>
    tpu.vector_store %arg8[%swap3A, %swap3A_12], %mul3A_11 {strides = array<i32>} : memref<1000x128xf32, #tpu.memory_space<vmem>>, vector<1000x128xf32>,
    %get3A_14 = arith.constant 0 : index
    %get3A_15 = arith.constant 0 : index
    %get3A_16 = vector.load %arg3[%get3A_14, %get3A_15] : memref<128x128xf32, #tpu.memory_space<vmem>>, vector<128x128xf32>
    %dot_general3A_17 = arith.constant dense<0.000000e+00> : vector<1000x128xf32>
    %dot_general3A_18 = tpu.matmul %get3A_1, %get3A_16, %dot_general3A_17 {dimension_numbers = #tpu.dot_dimension_numbers<[1], [0], [0], [1], [0, 0, 1, 1], [], []>, transpose_lhs_hint = false} : vector<1000x128xf32>, vector<128x128xf32>, vector<1000x128xf32> -> vector<1000x128xf32>
    %get3A_19 = arith.constant 0 : index
    %get3A_20 = arith.constant 0 : index
    %get3A_21 = vector.load %arg6[%get3A_19, %get3A_20] : memref<1x128xf32, #tpu.memory_space<vmem>>, vector<1x128xf32>
    %add3A_22 = vector.broadcast %get3A_21 : vector<1x128xf32> to vector<1000x128xf32>
    %add3A_23 = arith.addf %dot_general3A_18, %add3A_22 : vector<1000x128xf32>
    %swap3A_24 = arith.constant 0 : index
    %swap3A_25 = arith.constant 0 : index
    %swap3A_26 = vector.load %arg9[%swap3A_24, %swap3A_25] : memref<1000x128xf32, #tpu.memory_space<vmem>>, vector<1000x128xf32>
    tpu.vector_store %arg9[%swap3A_24, %swap3A_25], %add3A_23 {strides = array<i32>} : memref<1000x128xf32, #tpu.memory_space<vmem>>, vector<1000x128xf32>,
    %get3A_27 = arith.constant 0 : index
    %get3A_28 = arith.constant 0 : index
    %get3A_29 = vector.load %arg4[%get3A_27, %get3A_28] : memref<128x128xf32, #tpu.memory_space<vmem>>, vector<128x128xf32>
    %dot_general3A_30 = arith.constant dense<0.000000e+00> : vector<1000x128xf32>
    %dot_general3A_31 = tpu.matmul %get3A_1, %get3A_29, %dot_general3A_30 {dimension_numbers = #tpu.dot_dimension_numbers<[1], [0], [0], [1], [0, 0, 1, 1], [], []>, transpose_lhs_hint = false} : vector<1000x128xf32>, vector<128x128xf32>, vector<1000x128xf32> -> vector<1000x128xf32>
    %get3A_32 = arith.constant 0 : index
    %get3A_33 = arith.constant 0 : index
    %get3A_34 = vector.load %arg7[%get3A_32, %get3A_33] : memref<1x128xf32, #tpu.memory_space<vmem>>, vector<1x128xf32>
    %add3A_35 = vector.broadcast %get3A_34 : vector<1x128xf32> to vector<1000x128xf32>
    %add3A_36 = arith.addf %dot_general3A_31, %add3A_35 : vector<1000x128xf32>
    %swap3A_37 = arith.constant 0 : index
    %swap3A_38 = arith.constant 0 : index
    %swap3A_39 = vector.load %arg10[%swap3A_37, %swap3A_38] : memref<1000x128xf32, #tpu.memory_space<vmem>>, vector<1000x128xf32>
    tpu.vector_store %arg10[%swap3A_37, %swap3A_38], %add3A_36 {strides = array<i32>} : memref<1000x128xf32, #tpu.memory_space<vmem>>, vector<1000x128xf32>,
    return
  }
  func.func @transform_0(%arg0: i32) -> (i32, i32) {
    %c0_i32 = arith.constant 0 : i32
    %c0_i32_0 = arith.constant 0 : i32
    return %arg0, %c0_i32 : i32, i32
  }
  func.func @transform_1(%arg0: i32) -> (i32, i32) {
    %c0_i32 = arith.constant 0 : i32
    %c0_i32_0 = arith.constant 0 : i32
    %c0_i32_1 = arith.constant 0 : i32
    return %c0_i32, %c0_i32_0 : i32, i32
  }
  func.func @transform_2(%arg0: i32) -> (i32, i32) {
    %c0_i32 = arith.constant 0 : i32
    %c0_i32_0 = arith.constant 0 : i32
    %c0_i32_1 = arith.constant 0 : i32
    return %c0_i32, %c0_i32_0 : i32, i32
  }
  func.func @transform_3(%arg0: i32) -> (i32, i32) {
    %c0_i32 = arith.constant 0 : i32
    %c0_i32_0 = arith.constant 0 : i32
    %c0_i32_1 = arith.constant 0 : i32
    return %c0_i32, %c0_i32_0 : i32, i32
  }
  func.func @transform_4(%arg0: i32) -> (i32, i32) {
    %c0_i32 = arith.constant 0 : i32
    %c0_i32_0 = arith.constant 0 : i32
    %c0_i32_1 = arith.constant 0 : i32
    return %c0_i32, %c0_i32_0 : i32, i32
  }
  func.func @transform_5(%arg0: i32) -> (i32, i32) {
    %c0_i32 = arith.constant 0 : i32
    %c0_i32_0 = arith.constant 0 : i32
    %c0_i32_1 = arith.constant 0 : i32
    return %c0_i32, %c0_i32_0 : i32, i32
  }
  func.func @transform_6(%arg0: i32) -> (i32, i32) {
    %c0_i32 = arith.constant 0 : i32
    %c0_i32_0 = arith.constant 0 : i32
    %c0_i32_1 = arith.constant 0 : i32
    return %c0_i32, %c0_i32_0 : i32, i32
  }
  func.func @transform_7(%arg0: i32) -> (i32, i32) {
    %c0_i32 = arith.constant 0 : i32
    %c0_i32_0 = arith.constant 0 : i32
    return %arg0, %c0_i32 : i32, i32
  }
  func.func @transform_8(%arg0: i32) -> (i32, i32) {
    %c0_i32 = arith.constant 0 : i32
    %c0_i32_0 = arith.constant 0 : i32
    return %arg0, %c0_i32 : i32, i32
  }
  func.func @transform_9(%arg0: i32) -> (i32, i32) {
    %c0_i32 = arith.constant 0 : i32
    %c0_i32_0 = arith.constant 0 : i32
    return %arg0, %c0_i32 : i32, i32
  }
}

module attributes {stable_mosaic.version = 14 : i64} {
  func.func @_combine_body(%arg0: i32, %arg1: memref<2x1024x64xf32, #tpu.memory_space<vmem>>, %arg2: memref<2x1024x16xf32, #tpu.memory_space<vmem>>, %arg3: memref<1024x128xf32, #tpu.memory_space<vmem>>) attributes {dimension_semantics = [#tpu.dimension_semantics<arbitrary>], iteration_bounds = array<i64: 10>, scalar_prefetch = 0 : i64, scratch_operands = 0 : i64, tpu.core_type = #tpu.core_type<tc>, window_params = [{transform_indices = @transform_0, window_bounds = array<i64: 2, 1024, 64>}, {transform_indices = @transform_1, window_bounds = array<i64: 2, 1024, 16>}, {transform_indices = @transform_2, window_bounds = array<i64: 1024, 128>}]} {
    %iota3A = tpu.iota {dimensions = array<i32: 1>} : vector<16x64xi32>
    %iota3A_0 = tpu.iota {dimensions = array<i32: 0>} : vector<16x64xi32>
    %jit3A = arith.constant 16 : i32
    %div3A = vector.broadcast %jit3A : i32 to vector<16x64xi32>
    %div3A_1 = arith.divsi %iota3A, %div3A : vector<16x64xi32>
    %sign3A = arith.constant 0 : i32
    %sign3A_2 = vector.broadcast %sign3A : i32 to vector<16x64xi32>
    %sign3A_3 = arith.cmpi sgt, %iota3A, %sign3A_2 : vector<16x64xi32>
    %sign3A_4 = arith.extui %sign3A_3 : vector<16x64xi1> to vector<16x64xi32>
    %sign3A_5 = arith.constant 0 : i32
    %sign3A_6 = vector.broadcast %sign3A_5 : i32 to vector<16x64xi32>
    %sign3A_7 = arith.cmpi slt, %iota3A, %sign3A_6 : vector<16x64xi32>
    %sign3A_8 = arith.extui %sign3A_7 : vector<16x64xi1> to vector<16x64xi32>
    %sign3A_9 = arith.subi %sign3A_4, %sign3A_8 : vector<16x64xi32>
    %sign3A_10 = arith.constant 0 : i32
    %sign3A_11 = arith.cmpi sgt, %jit3A, %sign3A_10 : i32
    %sign3A_12 = arith.extui %sign3A_11 : i1 to i32
    %sign3A_13 = arith.constant 0 : i32
    %sign3A_14 = arith.cmpi slt, %jit3A, %sign3A_13 : i32
    %sign3A_15 = arith.extui %sign3A_14 : i1 to i32
    %sign3A_16 = arith.subi %sign3A_12, %sign3A_15 : i32
    %ne3A = vector.broadcast %sign3A_16 : i32 to vector<16x64xi32>
    %ne3A_17 = arith.cmpi ne, %sign3A_9, %ne3A : vector<16x64xi32>
    %rem3A = vector.broadcast %jit3A : i32 to vector<16x64xi32>
    %rem3A_18 = arith.remsi %iota3A, %rem3A : vector<16x64xi32>
    %ne3A_19 = arith.constant 0 : i32
    %ne3A_20 = vector.broadcast %ne3A_19 : i32 to vector<16x64xi32>
    %ne3A_21 = arith.cmpi ne, %rem3A_18, %ne3A_20 : vector<16x64xi32>
    %and3A = arith.andi %ne3A_17, %ne3A_21 : vector<16x64xi1>
    %sub3A = arith.constant 1 : i32
    %sub3A_22 = vector.broadcast %sub3A : i32 to vector<16x64xi32>
    %sub3A_23 = arith.subi %div3A_1, %sub3A_22 : vector<16x64xi32>
    %select_n3A = arith.select %and3A, %sub3A_23, %div3A_1 : vector<16x64xi1>, vector<16x64xi32>
    %eq3A = arith.cmpi eq, %select_n3A, %iota3A_0 : vector<16x64xi32>
    %jit3A_24 = arith.constant 1.000000e+00 : f32
    %jit3A_25 = arith.constant 0.000000e+00 : f32
    %broadcast_in_dim3A = vector.broadcast %jit3A_24 : f32 to vector<16x64xf32>
    %broadcast_in_dim3A_26 = vector.broadcast %jit3A_25 : f32 to vector<16x64xf32>
    %select_n3A_27 = arith.select %eq3A, %broadcast_in_dim3A, %broadcast_in_dim3A_26 : vector<16x64xi1>, vector<16x64xf32>
    %get3A = arith.constant 0 : index
    %get3A_28 = arith.constant 0 : index
    %get3A_29 = arith.constant 0 : index
    %get3A_30 = vector.load %arg2[%get3A, %get3A_28, %get3A_29] : memref<2x1024x16xf32, #tpu.memory_space<vmem>>, vector<1x1024x16xf32>
    %get3A_31 = vector.shape_cast %get3A_30 : vector<1x1024x16xf32> to vector<1024x16xf32>
    %gt3A = arith.constant 0.000000e+00 : f32
    %gt3A_32 = vector.broadcast %gt3A : f32 to vector<1024x16xf32>
    %gt3A_33 = arith.cmpf ogt, %get3A_31, %gt3A_32 : vector<1024x16xf32>
    %div3A_34 = arith.constant 1.000000e+00 : f32
    %div3A_35 = vector.broadcast %div3A_34 : f32 to vector<1024x16xf32>
    %div3A_36 = arith.divf %div3A_35, %get3A_31 : vector<1024x16xf32>
    %jit3A_37 = arith.constant 0.000000e+00 : f32
    %broadcast_in_dim3A_38 = vector.broadcast %jit3A_37 : f32 to vector<1024x16xf32>
    %select_n3A_39 = arith.select %gt3A_33, %div3A_36, %broadcast_in_dim3A_38 : vector<1024x16xi1>, vector<1024x16xf32>
    %dot_general3A = arith.constant dense<0.000000e+00> : vector<1024x64xf32>
    %dot_general3A_40 = tpu.matmul %select_n3A_39, %select_n3A_27, %dot_general3A {dimension_numbers = #tpu.dot_dimension_numbers<[1], [0], [0], [1], [0, 0, 1, 1], [], []>, transpose_lhs_hint = false} : vector<1024x16xf32>, vector<16x64xf32>, vector<1024x64xf32> -> vector<1024x64xf32>
    %get3A_41 = arith.constant 0 : index
    %get3A_42 = arith.constant 0 : index
    %get3A_43 = arith.constant 0 : index
    %get3A_44 = vector.load %arg1[%get3A_41, %get3A_42, %get3A_43] : memref<2x1024x64xf32, #tpu.memory_space<vmem>>, vector<1x1024x64xf32>
    %get3A_45 = vector.shape_cast %get3A_44 : vector<1x1024x64xf32> to vector<1024x64xf32>
    %mul3A = arith.mulf %get3A_45, %dot_general3A_40 : vector<1024x64xf32>
    %get3A_46 = arith.constant 1 : index
    %get3A_47 = arith.constant 0 : index
    %get3A_48 = arith.constant 0 : index
    %get3A_49 = vector.load %arg2[%get3A_46, %get3A_47, %get3A_48] : memref<2x1024x16xf32, #tpu.memory_space<vmem>>, vector<1x1024x16xf32>
    %get3A_50 = vector.shape_cast %get3A_49 : vector<1x1024x16xf32> to vector<1024x16xf32>
    %gt3A_51 = arith.constant 0.000000e+00 : f32
    %gt3A_52 = vector.broadcast %gt3A_51 : f32 to vector<1024x16xf32>
    %gt3A_53 = arith.cmpf ogt, %get3A_50, %gt3A_52 : vector<1024x16xf32>
    %div3A_54 = arith.constant 1.000000e+00 : f32
    %div3A_55 = vector.broadcast %div3A_54 : f32 to vector<1024x16xf32>
    %div3A_56 = arith.divf %div3A_55, %get3A_50 : vector<1024x16xf32>
    %jit3A_57 = arith.constant 0.000000e+00 : f32
    %broadcast_in_dim3A_58 = vector.broadcast %jit3A_57 : f32 to vector<1024x16xf32>
    %select_n3A_59 = arith.select %gt3A_53, %div3A_56, %broadcast_in_dim3A_58 : vector<1024x16xi1>, vector<1024x16xf32>
    %dot_general3A_60 = arith.constant dense<0.000000e+00> : vector<1024x64xf32>
    %dot_general3A_61 = tpu.matmul %select_n3A_59, %select_n3A_27, %dot_general3A_60 {dimension_numbers = #tpu.dot_dimension_numbers<[1], [0], [0], [1], [0, 0, 1, 1], [], []>, transpose_lhs_hint = false} : vector<1024x16xf32>, vector<16x64xf32>, vector<1024x64xf32> -> vector<1024x64xf32>
    %get3A_62 = arith.constant 1 : index
    %get3A_63 = arith.constant 0 : index
    %get3A_64 = arith.constant 0 : index
    %get3A_65 = vector.load %arg1[%get3A_62, %get3A_63, %get3A_64] : memref<2x1024x64xf32, #tpu.memory_space<vmem>>, vector<1x1024x64xf32>
    %get3A_66 = vector.shape_cast %get3A_65 : vector<1x1024x64xf32> to vector<1024x64xf32>
    %mul3A_67 = arith.mulf %get3A_66, %dot_general3A_61 : vector<1024x64xf32>
    %concatenate3A = tpu.concatenate %mul3A, %mul3A_67 in 1 : vector<1024x64xf32>, vector<1024x64xf32> -> vector<1024x128xf32>
    %swap3A = arith.constant 0 : index
    %swap3A_68 = arith.constant 0 : index
    %swap3A_69 = vector.load %arg3[%swap3A, %swap3A_68] : memref<1024x128xf32, #tpu.memory_space<vmem>>, vector<1024x128xf32>
    tpu.vector_store %arg3[%swap3A, %swap3A_68], %concatenate3A {strides = array<i32>} : memref<1024x128xf32, #tpu.memory_space<vmem>>, vector<1024x128xf32>,
    return
  }
  func.func @transform_0(%arg0: i32) -> (i32, i32, i32) {
    %c0_i32 = arith.constant 0 : i32
    %c0_i32_0 = arith.constant 0 : i32
    %c0_i32_1 = arith.constant 0 : i32
    return %c0_i32, %arg0, %c0_i32_0 : i32, i32, i32
  }
  func.func @transform_1(%arg0: i32) -> (i32, i32, i32) {
    %c0_i32 = arith.constant 0 : i32
    %c0_i32_0 = arith.constant 0 : i32
    %c0_i32_1 = arith.constant 0 : i32
    return %c0_i32, %arg0, %c0_i32_0 : i32, i32, i32
  }
  func.func @transform_2(%arg0: i32) -> (i32, i32) {
    %c0_i32 = arith.constant 0 : i32
    %c0_i32_0 = arith.constant 0 : i32
    return %arg0, %c0_i32 : i32, i32
  }
}

</mosaic_0001>

<sc_bundles>
// kernel: kernel.5.cloned.1.call-start
scs
__scs_entry_jumppad:
0x0: {  	(pc) =	sbr.rel $0x88, $3  }
0x1: {  	(tag) =	ssettag $0x0;
	lr =	simm.s32 $0x1  }
0x2: {  	[smem:$0x3F99] =	sst lr;
	_ =	strace $0xD0000000  }
0x3: {  	_ = 	snop  }
0x4: {  	_ = 	snop  }
0x5: {  	_ = 	snop  }
0x6: {  	_ = 	snop  }
0x7: {  	_ = 	snop  }
__scs_overlays_trampoline_lowered:
0x8: {  	[smem:$0x3FA8] =	sst s0  }
0x9: {  	[smem:$0x3FA9] =	sst s1  }
0xa: {  	[smem:$0x3FAA] =	sst s2  }
0xb: {  	[smem:$0x3FAB] =	sst s3  }
0xc: {  	[smem:$0x3FAC] =	sst s4  }
0xd: {  	[smem:$0x3FAD] =	sst s5  }
0xe: {  	[smem:$0x3FAE] =	sst s6  }
0xf: {  	[smem:$0x3FAF] =	sst s7  }
0x10: {  	[smem:$0x3FB0] =	sst s8  }
0x11: {  	[smem:$0x3FB1] =	sst s9;
	s0 =	simm.s32 @!p0 $0x0  }
0x12: {  	s1 =	sld [smem:$0x3F97];
	s0 =	simm.s32 @p0 $0x1  }
0x13: {  	[smem:$0x3FB2] =	sst s0;
	s0 =	simm.s32 @!p1 $0x0  }
0x14: {  	s2 =	sld [smem:$0x3F96];
	s0 =	simm.s32 @p1 $0x1  }
0x15: {  	[smem:$0x3FB3] =	sst s0;
	s0 =	simm.s32 @!p2 $0x0  }
0x16: {  	s3 =	sld [smem:$0x3FDB];
	s0 =	simm.s32 @p2 $0x1  }
0x17: {  	s4 =	simm.s32 $0x1BF5;
	[smem:$0x3FB5] =	sst s0  }
0x18: {  	s0 =	sld [smem:$0x3F98];
	_ =	swait.ge [sflag:s4], $0x0  }
0x19: {  	s7 =	sld [smem:$0x3F99]  }
0x1a: {  	s8 =	sadd.s32 $0xFFFFE003, lr  }
0x1b: {  	s9 =	sadd.s32 $0xFFFFFEF7, lr;
	s5 =	simm.s32 $0xFFFFFFFF;
	p2 =	slt.u32 s8, $0xFFFFF086  }
0x1c: {  	p1 =	slt.u32 s9, $0xF7A;
	s5 =	simm.s32 @!p2 $0x0  }
0x1d: {  	s5 =	simm.s32 @p1 $0x1;
	p0 =	seq.s32 s7, s2  }
0x1e: {  	s7 =	smul.u32 @!p0 $0xF7A, s2;
	p2 =	seq.s32 @!p0 s5, $0x0  }
0x1f: {  	s9 =	smul.u32 $0xF7A, s1;
	s8 =	simm.s32 @!p0 $0x1BF5;
	p2 =	por !p2, p0  }
0x20: {  	[sflag:s8] =	ssyncset.s32 @!p0 $0xFFFFF086;
	s6 =	sadd.s32 @!p0 s3, s7;
	s7 =	simm.s32 @!p0 $0x108  }
0x21: {  	s3 =	sadd.s32 s3, s9;
	s6 =	sadd.s32 @!p0 $0x88, s6;
	s7 =	simm.s32 @p2 $0x1082  }
0x22: {  	[simem:s7], [sflag:s8] =	dma.local @!p0 [hbm:s6], $0xF7A  }
0x23: {  	s9 =	sor.u32 $0xD0000000, s2;
	s6 =	simm.s32 $0x108;
	_ =	swait.ge @!p0 [sflag:s8], $0x0  }
0x24: {  	s3 =	sadd.s32 $0x88, s3;
	s6 =	simm.s32 @!p1 $0x1082;
	[sflag:s4] =	ssyncset.s32 $0xFFFFF086  }
0x25: {  	[simem:s6], [sflag:s4] =	dma.local [hbm:s3], $0xF7A  }
0x26: {  	[smem:$0x3F99] =	sst s1;
	(tag) =	ssettag s2;
	_ =	strace s9  }
0x27: {  	s1 =	sld [smem:$0x3FA9]  }
0x28: {  	s2 =	sld [smem:$0x3FAA]  }
0x29: {  	s4 =	sld [smem:$0x3FAC]  }
0x2a: {  	p0 =	seq.s32 s5, $0x0;
	s5 =	sld [smem:$0x3FAD]  }
0x2b: {  	s6 =	sld [smem:$0x3FAE]  }
0x2c: {  	s7 =	sld [smem:$0x3FAF]  }
0x2d: {  	s3 =	simm.s32 $0x108;
	s8 =	sld [smem:$0x3FB0]  }
0x2e: {  	s3 =	simm.s32 @!p0 $0x1082;
	s9 =	sld [smem:$0x3FB1]  }
0x2f: {  	lr =	sadd.s32 s0, s3;
	s0 =	sld [smem:$0x3FA8]  }
0x30: {  	s3 =	sld [smem:$0x3FAB]  }
0x31: {  	[smem:$0x3FB4] =	sst s10  }
0x32: {  	s10 =	sld [smem:$0x3FB2];
	_ =	sdelay $0x3  }
0x33: {  	p0 =	seq.s32 s10, $0x1;
	s10 =	sld [smem:$0x3FB4];
	_ =	sdelay $0x3  }
0x34: {  	[smem:$0x3FB4] =	sst s10  }
0x35: {  	s10 =	sld [smem:$0x3FB3];
	_ =	sdelay $0x3  }
0x36: {  	p1 =	seq.s32 s10, $0x1;
	s10 =	sld [smem:$0x3FB4];
	_ =	sdelay $0x3  }
0x37: {  	[smem:$0x3FB4] =	sst s10  }
0x38: {  	s10 =	sld [smem:$0x3FB5]  }
0x39: {  	_ = 	snop;
	(pc) =	sbr.ind lr, $3  }
0x3a: {  	_ = 	snop  }
0x3b: {  	_ = 	snop  }
0x3c: {  	p2 =	seq.s32 s10, $0x1;
	s10 =	sld [smem:$0x3FB4]  }
0x3d: {  	_ =	shalt  }
0x3e: {  	_ =	shalt  }
0x3f: {  	_ =	shalt  }
0x40: {  	_ =	shalt  }
0x41: {  	_ =	shalt  }
0x42: {  	_ =	shalt  }
0x43: {  	_ =	shalt  }
0x44: {  	_ =	shalt  }
0x45: {  	_ =	shalt  }
0x46: {  	_ =	shalt  }
0x47: {  	_ =	shalt  }
0x48: {  	_ =	shalt  }
0x49: {  	_ =	shalt  }
0x4a: {  	_ =	shalt  }
0x4b: {  	_ =	shalt  }
0x4c: {  	_ =	shalt  }
0x4d: {  	_ =	shalt  }
0x4e: {  	_ =	shalt  }
0x4f: {  	_ =	shalt  }
0x50: {  	_ =	shalt  }
0x51: {  	_ =	shalt  }
0x52: {  	_ =	shalt  }
0x53: {  	_ =	shalt  }
0x54: {  	_ =	shalt  }
0x55: {  	_ =	shalt  }
0x56: {  	_ =	shalt  }
0x57: {  	_ =	shalt  }
0x58: {  	_ =	shalt  }
0x59: {  	_ =	shalt  }
0x5a: {  	_ =	shalt  }
0x5b: {  	_ =	shalt  }
0x5c: {  	_ =	shalt  }
0x5d: {  	_ =	shalt  }
0x5e: {  	_ =	shalt  }
0x5f: {  	_ =	shalt  }
0x60: {  	_ =	shalt  }
0x61: {  	_ =	shalt  }
0x62: {  	_ =	shalt  }
0x63: {  	_ =	shalt  }
0x64: {  	_ =	shalt  }
0x65: {  	_ =	shalt  }
0x66: {  	_ =	shalt  }
0x67: {  	_ =	shalt  }
0x68: {  	_ =	shalt  }
0x69: {  	_ =	shalt  }
0x6a: {  	_ =	shalt  }
0x6b: {  	_ =	shalt  }
0x6c: {  	_ =	shalt  }
0x6d: {  	_ =	shalt  }
0x6e: {  	_ =	shalt  }
0x6f: {  	_ =	shalt  }
0x70: {  	_ =	shalt  }
0x71: {  	_ =	shalt  }
0x72: {  	_ =	shalt  }
0x73: {  	_ =	shalt  }
0x74: {  	_ =	shalt  }
0x75: {  	_ =	shalt  }
0x76: {  	_ =	shalt  }
0x77: {  	_ =	shalt  }
0x78: {  	_ =	shalt  }
0x79: {  	_ =	shalt  }
0x7a: {  	_ =	shalt  }
0x7b: {  	_ =	shalt  }
0x7c: {  	_ =	shalt  }
0x7d: {  	_ =	shalt  }
0x7e: {  	_ =	shalt  }
0x7f: {  	_ =	shalt  }
0x80: {  	_ =	shalt  }
0x81: {  	_ =	shalt  }
0x82: {  	_ =	shalt  }
0x83: {  	_ =	shalt  }
0x84: {  	_ =	shalt  }
0x85: {  	_ =	shalt  }
0x86: {  	_ =	shalt  }
0x87: {  	_ =	shalt  }
.Lfunc_end0:
.L_simem_size_0:
called_computation_lowered:
.L_overlay_start_0:
0x88: {  	s2 =	sld [smem:$0x3FD9]  }
0x89: {  	s3 =	sld [smem:$0x3FFE];
	_ =	sdelay $0x1  }
0x8a: {  	s1 =	srdreg.scid  }
0x8b: {  	s0 =	sand.u32 $0x1, s1  }
0x8c: {  	s17 =	sshll.u32 s0, $0xA;
	s2 =	sadd.s32 s3, s2  }
0x8d: {  	s2 =	sadd.s32 s2, s17  }
0x8e: {  	[smem:$0x3FC0] =	sst s2  }
0x8f: {  	_ = 	snop  }
0x90: {  	s2 =	sld [smem:$0x3FD0];
	(tm) =	ssettm $0x1  }
0x91: {  	s18 =	sld [smem:$0x3FFB];
	_ =	sdelay $0x3  }
0x92: {  	_ =	strace s18  }
0x93: {  	s3 =	sld [smem:$0x3FFC];
	_ =	sdelay $0x3  }
0x94: {  	_ =	strace s3  }
0x95: {  	s3 =	sld [smem:$0x3FFD];
	_ =	sdelay $0x3  }
0x96: {  	_ =	strace s3  }
0x97: {  	_ =	strace $0x8FFFFFFF  }
0x98: {  	s19 =	sld [smem:$0x3FDB];
	_ =	sdelay $0x1  }
0x99: {  	s4 =	simm.s32 $_scs_section_size  }
0x9a: {  	s5 =	simm.s32 $_size__tile_overlayer_lowered;
	s6 =	simm.s32 $_tile_overlayer_lowered  }
0x9b: {  	s22 =	simm.s32 $0x1BFF;
	s21 =	sshll.u32 s6, $0x1;
	s3 =	sadd.s32 s4, s19  }
0x9c: {  	s7 =	simm.s32 $0x0;
	s20 =	sshll.u32 s5, $0x1;
	s5 =	sadd.s32 s21, s3  }
0x9d: {  	[timem:s7], [sflag:s22] =	dma.local [hbm:s5], s20  }
0x9e: {  	_ =	swait.ge [sflag:s22], s20  }
0x9f: {  	s4 =	ssub.s32 $0x0, s20;
	[sflag:s22] =	ssyncset.done $0x0  }
0xa0: {  	[sflag:s22] =	ssyncadd.s32 s4;
	_ =	sdelay $0x1  }
0xa1: {  	s23 =	simm.s32 $0x1B8B  }
0xa2: {  	_ =	swait.ge [sflag:s23], $0x1  }
0xa3: {  	[sflag:s23] =	ssyncset.done $0x0  }
0xa4: {  	s25 =	simm.s32 $0x1B8E;
	s24 =	sld [smem:$0x3FFE];
	[sflag:s23] =	ssyncadd.s32 $0xFFFFFFFF  }
0xa5: {  	s26 =	simm.s32 $execute0_lowered;
	[smem:$0x3FD2] =	sst s25  }
0xa6: {  	s5 =	sshll.u32 s26, $0x1;
	_ =	strace $0x80000046;
	[dreg:$0x1] =	wrdreg $0xFFFFFFFF  }
0xa7: {  	s28 =	simm.s32 $_size_execute0_lowered;
	s3 =	sadd.s32 s3, s5;
	[dreg:$0x0] =	wrdreg $0x0  }
0xa8: {  	s5 =	sshll.u32 s28, $0x1;
	[dreg:$0x2] =	wrdreg s3  }
0xa9: {  	[dreg:$0x3] =	wrdreg s5  }
0xaa: {  	[dreg:$0x4] =	wrdreg $0xC0  }
0xab: {  	_ =	task [dreg:s7], $0x5FFFF  }
0xac: {  	[dreg:$0x1] =	wrdreg $0xFFFFFFFF  }
0xad: {  	[dreg:$0x0] =	wrdreg $0x60  }
0xae: {  	[dreg:$0x2] =	wrdreg s24  }
0xaf: {  	[dreg:$0x3] =	wrdreg s2  }
0xb0: {  	[dreg:$0x4] =	wrdreg $0xE8800  }
0xb1: {  	[dreg:$0x5] =	wrdreg $0x188800  }
0xb2: {  	[dreg:$0x6] =	wrdreg $0x9  }
0xb3: {  	_ =	task.clear_ibuf [dreg:s7], $0x7FFFF;
	_ =	strace $0x90000046  }
0xb4: {  	s29 =	simm.s32 $0x9;
	_ =	strace $0x80000048  }
0xb5: {  	_ =	swait.ge [sflag:s29], $0x1  }
0xb6: {  	[sflag:s29] =	ssyncadd.s32 $0xFFFFFFFF  }
0xb7: {  	_ =	strace $0x90000048  }
0xb8: {  	_ =	sfence  }
0xb9: {  	s30 =	sld [smem:$0x0];
	_ =	sdelay $0x2  }
0xba: {  	s31 =	sshll.u32 s1, $0xD;
	s1 =	sshrl.u32 s1, $0x2  }
0xbb: {  	s3 =	sand.u32 $0x4000, s31;
	s1 =	sadd.s32 s1, s30  }
0xbc: {  	s0 =	sor.u32 s3, s0;
	s1 =	sshll.u32 s1, $0x11  }
0xbd: {  	s0 =	sor.u32 s1, s0  }
0xbe: {  	s0 =	sadd.s32 $0x8F2B, s0  }
0xbf: {  	[sflag:s0] =	ssyncadd.remote.s32 $0x1  }
0xc0: {  	_ =	sfence.sel $0xFFFF  }
0xc1: {  	[dreg:$0x0] =	wrdreg $0xFFFFFFFF;
	(pc) =	sbr.abs _section_cstart, $3  }
0xc2: {  	[dreg:$0x1] =	wrdreg $0xFFFFFFFF  }
0xc3: {  	_ =	task.clear_ibuf [dreg:s7], $0x2FFFF;
	_ =	strace $0x9FFFFFFF  }
0xc4: {  	(tm) =	ssettm $0x7FFFFFFF  }
0xc5: {  	_ =	shalt  }
tec
execute0_lowered:
.L_overlay_start_1:
0x0: {  	(tag) =	ssettag $0x1  }
0x1: {  	v0 =	vimm.s32 $0xFEDCBA9;
	v1 =	vimm.s32 $0x87654321  }
0x2: {  	v3 =	vimm.s32 $0x10FEDCBA;
	v4 =	vimm.s32 $0x98765432;
	v5 =	vimm.s32 $0x210FEDCB  }
0x3: {  	v6 =	vimm.s32 $0xA9876543;
	v28 =	vimm.s32 $0x3210FEDC;
	v7 =	vimm.s32 $0xBA987654  }
0x4: {  	v8 =	vimm.s32 $0x43210FED;
	v9 =	vimm.s32 $0xCBA98765;
	v14 =	vimm.s32 $0x6543210F  }
0x5: {  	v16 =	vimm.s32 $0xEDCBA987;
	v34 =	vimm.s32 $0x1D1C1B1A;
	v36 =	vimm.s32 $0x11101F1E  }
0x6: {  	v37 =	vimm.s32 $0x15141312;
	v38 =	vimm.s32 $0x19181716;
	vm0 =	vcmask $0x1F10  }
0x7: {  	v0 =	vunpack.c.l.s4.s8 v0;
	v1 =	vunpack.c.l.s4.s8 v1;
	v3 =	vunpack.c.l.s4.s8 v3  }
0x8: {  	v4 =	vunpack.c.l.s4.s8 v4;
	v5 =	vunpack.c.l.s4.s8 v5;
	v7 =	vunpack.c.l.s4.s8 v7  }
0x9: {  	v8 =	vunpack.c.l.s4.s8 v8;
	v9 =	vunpack.c.l.s4.s8 v9;
	v14 =	vunpack.c.l.s4.s8 v14  }
0xa: {  	v16 =	vunpack.c.l.s4.s8 v16;
	v0 =	vunpack.c.0.s8.s32 v0;
	v1 =	vunpack.c.0.s8.s32 v1  }
0xb: {  	v35 =	vunpack.c.0.s8.s32 v34;
	v4 =	vunpack.c.0.s8.s32 v4;
	v5 =	vunpack.c.0.s8.s32 v5  }
0xc: {  	v8 =	vunpack.c.0.s8.s32 v8;
	v9 =	vunpack.c.0.s8.s32 v9;
	v2 =	vcombine.low v1, v0  }
0xd: {  	v14 =	vunpack.c.0.s8.s32 v14;
	v16 =	vunpack.c.0.s8.s32 v16;
	v0 =	vcombine.low v0, v1  }
0xe: {  	v62 =	vand.u32 $0xF, v2;
	v2 =	vunpack.c.0.s8.s32 v3;
	v3 =	vunpack.c.l.s4.s8 v6  }
0xf: {  	v7 =	vunpack.c.0.s8.s32 v7;
	v32 =	vcombine.low v16, v14;
	v6 =	vunpack.c.l.s4.s8 v28  }
0x10: {  	v55 =	vand.u32 $0xF, v0;
	v0 =	vcombine.low v8, v9;
	v3 =	vunpack.c.0.s8.s32 v3  }
0x11: {  	v10 =	vcombine.low v4, v2;
	v6 =	vunpack.c.0.s8.s32 v6;
	v1 =	vcombine.low v2, v4  }
0x12: {  	v59 =	vand.u32 $0xF, v0;
	v0 =	vimm.s32 $0x1C1B1A19;
	v4 =	vunpack.c.0.s8.s32 v36  }
0x13: {  	v0 =	vunpack.c.0.s8.s32 v0;
	v11 =	vcombine.low v3, v5;
	v2 =	vcombine.low v5, v3  }
0x14: {  	v3 =	vcombine.low v6, v7;
	v56 =	vand.u32 $0xF, v1;
	v1 =	vcombine.low v14, v16  }
0x15: {  	v29 =	vcombine.low v7, v6;
	v5 =	vunpack.c.0.s8.s32 v37;
	v57 =	vand.u32 $0xF, v2  }
0x16: {  	v16 =	vand.u32 $0xF, v3;
	v61 =	vand.u32 $0xF, v1;
	v1 =	vimm.s32 $0x101F1E1D  }
0x17: {  	s4 =	rddreg [dreg:$0x0];
	v2 =	vimm.s32 $0x14131211;
	v3 =	vimm.s32 $0x18171615;
	v1 =	vunpack.c.0.s8.s32 v1  }
0x18: {  	s3 =	rddreg [dreg:$0x1];
	v6 =	vunpack.c.0.s8.s32 v38;
	v2 =	vunpack.c.0.s8.s32 v2;
	v3 =	vunpack.c.0.s8.s32 v3  }
0x19: {  	s0 =	rddreg [dreg:$0x2];
	s5 =	simm.s32 $0x0;
	[tilespmem:$0x1FC20] =	vst v35;
	v39 =	vsel vm0, v1, v0  }
0x1a: {  	[smem:$0x7FF] =	sst s5;
	[tilespmem:$0x1FC30] =	vst v6;
	v40 =	vsel vm0, v3, v2;
	v3 =	vsel vm0, v0, v3;
	v0 =	vsel vm0, v5, v4  }
0x1b: {  	s1 =	rddreg [dreg:$0x3];
	_ =	strace $0x80000047;
	[tilespmem:$0x1FC40] =	vst v0;
	v0 =	vimm.s32 $0x2C2B2A29  }
0x1c: {  	v0 =	vunpack.c.0.s8.s32 v0;
	_ =	sdelay $0x1  }
0x1d: {  	[tilespmem:$0x1FC50] =	vst v0;
	v0 =	vimm.s32 $0x202F2E2D  }
0x1e: {  	v0 =	vunpack.c.0.s8.s32 v0  }
0x1f: {  	v22 =	vsel vm0, v2, v1;
	v1 =	vimm.s32 $0x24232221  }
0x20: {  	[tilespmem:$0x1FC60] =	vst v0;
	v0 =	vunpack.c.0.s8.s32 v1;
	_ =	sdelay $0x1  }
0x21: {  	[tilespmem:$0x1FC70] =	vst v0;
	v0 =	vimm.s32 $0x28272625  }
0x22: {  	v0 =	vunpack.c.0.s8.s32 v0;
	_ =	sdelay $0x1  }
0x23: {  	[tilespmem:$0x1FC80] =	vst v0;
	v0 =	vimm.s32 $0x2D2C2B2A  }
0x24: {  	v0 =	vunpack.c.0.s8.s32 v0  }
0x25: {  	v1 =	vimm.s32 $0x21202F2E  }
0x26: {  	[tilespmem:$0x1FC90] =	vst v0;
	v0 =	vunpack.c.0.s8.s32 v1;
	_ =	sdelay $0x1  }
0x27: {  	[tilespmem:$0x1FCA0] =	vst v0;
	v0 =	vimm.s32 $0x25242322  }
0x28: {  	v0 =	vunpack.c.0.s8.s32 v0;
	_ =	sdelay $0x1  }
0x29: {  	[tilespmem:$0x1FCB0] =	vst v0;
	v0 =	vimm.s32 $0x29282726  }
0x2a: {  	v0 =	vunpack.c.0.s8.s32 v0  }
0x2b: {  	v1 =	vimm.s32 $0x2E2D2C2B  }
0x2c: {  	[tilespmem:$0x1FCC0] =	vst v0;
	v0 =	vunpack.c.0.s8.s32 v1;
	_ =	sdelay $0x1  }
0x2d: {  	[tilespmem:$0x1FCD0] =	vst v0;
	v0 =	vimm.s32 $0x2221202F  }
0x2e: {  	v0 =	vunpack.c.0.s8.s32 v0;
	_ =	sdelay $0x1  }
0x2f: {  	[tilespmem:$0x1FCE0] =	vst v0;
	v0 =	vimm.s32 $0x26252423  }
0x30: {  	v0 =	vunpack.c.0.s8.s32 v0  }
0x31: {  	v1 =	vimm.s32 $0x2A292827  }
0x32: {  	[tilespmem:$0x1FCF0] =	vst v0;
	v0 =	vunpack.c.0.s8.s32 v1;
	_ =	sdelay $0x1  }
0x33: {  	[tilespmem:$0x1FD00] =	vst v0;
	v0 =	vimm.s32 $0x2F2E2D2C  }
0x34: {  	v0 =	vunpack.c.0.s8.s32 v0;
	_ =	sdelay $0x1  }
0x35: {  	[tilespmem:$0x1FD10] =	vst v0;
	v0 =	vimm.s32 $0x23222120  }
0x36: {  	v0 =	vunpack.c.0.s8.s32 v0  }
0x37: {  	v1 =	vimm.s32 $0x27262524  }
0x38: {  	[tilespmem:$0x1FD20] =	vst v0;
	v0 =	vunpack.c.0.s8.s32 v1;
	_ =	sdelay $0x1  }
0x39: {  	[tilespmem:$0x1FD30] =	vst v0;
	v0 =	vimm.s32 $0x2B2A2928  }
0x3a: {  	v0 =	vunpack.c.0.s8.s32 v0;
	_ =	sdelay $0x1  }
0x3b: {  	[tilespmem:$0x1FD40] =	vst v0;
	v0 =	vimm.s32 $0x3C3B3A39  }
0x3c: {  	v0 =	vunpack.c.0.s8.s32 v0  }
0x3d: {  	v1 =	vimm.s32 $0x303F3E3D  }
0x3e: {  	[tilespmem:$0x1FD50] =	vst v0;
	v0 =	vunpack.c.0.s8.s32 v1  }
0x3f: {  	v15 =	vimm.s32 $0xFEDCBA98;
	v17 =	vimm.s32 $0x76543210  }
0x40: {  	v43 =	vimm.s32 $0x1E1D1C1B;
	v41 =	vsel vm0, v4, v35;
	[tilespmem:$0x1FD60] =	vst v0;
	v0 =	vimm.s32 $0x34333231  }
0x41: {  	v44 =	vimm.s32 $0x1211101F;
	v42 =	vsel vm0, v6, v5;
	[tilespmem:$0x1FE80] =	vst v41;
	v0 =	vunpack.c.0.s8.s32 v0  }
0x42: {  	v47 =	vimm.s32 $0x16151413;
	v15 =	vunpack.c.l.s4.s8 v15;
	v45 =	vunpack.c.0.s8.s32 v43;
	[tilespmem:$0x1FE90] =	vst v42  }
0x43: {  	s6 =	stileid.u32;
	v17 =	vunpack.c.l.s4.s8 v17;
	v46 =	vunpack.c.0.s8.s32 v44;
	[tilespmem:$0x1FD70] =	vst v0;
	v0 =	vimm.s32 $0x38373635  }
0x44: {  	v49 =	vimm.s32 $0x1A191817;
	s10 =	smul.u32 $0xA000, s6;
	v15 =	vunpack.c.0.s8.s32 v15;
	[tilespmem:$0x1FEB0] =	vst v45;
	v0 =	vunpack.c.0.s8.s32 v0  }
0x45: {  	s2 =	srdreg.scid;
	v48 =	vunpack.c.0.s8.s32 v47;
	s8 =	smul.u32 $0x280, s6;
	v17 =	vunpack.c.0.s8.s32 v17;
	[tilespmem:$0x1FEC0] =	vst v46;
	v1 =	vimm.s32 $0x3D3C3B3A  }
0x46: {  	v50 =	vimm.s32 $0x1F1E1D1C;
	s9 =	sand.u32 $0x1, s2;
	s13 =	smul.u32 $0x2800, s6;
	v15 =	vand.u32 $0xF, v15;
	[tilespmem:$0x1FD80] =	vst v0;
	v0 =	vunpack.c.0.s8.s32 v1  }
0x47: {  	v51 =	vimm.s32 $0x13121110;
	s14 =	sadd.s32 $0x82C00, s4;
	s2 =	smul.u32 $0x14000, s9;
	v17 =	vcombine.low v15, v17;
	v15 =	vunpack.c.0.s8.s32 v49;
	[tilespmem:$0x1FED0] =	vst v48  }
0x48: {  	v18 =	vunpack.c.0.s8.s32 v50;
	s15 =	sadd.s32 $0x78E00, s4;
	s16 =	smul.u32 $0xA0000, s9;
	s17 =	ssub.s32 $0x2, s9;
	[tilespmem:$0x1FD90] =	vst v0;
	v0 =	vimm.s32 $0x31303F3E  }
0x49: {  	v54 =	vimm.s32 $0x1B1A1918;
	s9 =	smul.u32 $0x28000, s9;
	s11 =	sshrl.u32 s17, $0x1;
	s24 =	sadd.s32 s13, s1;
	[tilespmem:$0x1FEE0] =	vst v15;
	v0 =	vunpack.c.0.s8.s32 v0  }
0x4a: {  	v20 =	vunpack.c.0.s8.s32 v51;
	s20 =	sor.u32 $0x50, s8;
	s22 =	sadd.s32 $0xA0, s8;
	s26 =	sadd.s32 $0xF0, s8;
	[tilespmem:$0x1FF20] =	vst v18  }
0x4b: {  	s2 =	sadd.s32 s2, s4;
	s5 =	sadd.s32 s10, s16;
	s21 =	sshll.u32 s20, $0x6;
	v7 =	vunpack.c.0.s8.s32 v54;
	[tilespmem:$0x1FDA0] =	vst v0;
	v0 =	vimm.s32 $0x35343332  }
0x4c: {  	s23 =	sshll.u32 s22, $0x6;
	s25 =	sshll.u32 s22, $0x4;
	s31 =	sshll.u32 s26, $0x6;
	[tilespmem:$0x1FF30] =	vst v20;
	v0 =	vunpack.c.0.s8.s32 v0  }
0x4d: {  	v23 =	vlaneseq.u32;
	s9 =	sadd.s32 s13, s9;
	s7 =	sshrl.u32 s5, $0x3;
	s5 =	smul.u32 $0x4E20, s6;
	[tilespmem:$0x1FF50] =	vst v7;
	v1 =	vimm.s32 $0x39383736  }
0x4e: {  	v58 =	vor.u32 $0x10, v23;
	s13 =	simm.s32 $0x8E80;
	s6 =	sadd.s32 s10, s0;
	s10 =	sshll.u32 s20, $0x4;
	[tilespmem:$0x1FDB0] =	vst v0;
	v0 =	vunpack.c.0.s8.s32 v1  }
0x4f: {  	s9 =	sshrl.u32 s9, $0x3;
	s28 =	sadd.s32 $0x28E00, s2;
	s12 =	sshrl.u32 s5, $0x3;
	[tilespmem:$0x1FF60] =	vst v58  }
0x50: {  	s29 =	sadd.s32 $0x50E00, s2;
	s18 =	sadd.s32 s14, s12;
	v19 =	vand.u32 $0xF, v10;
	[dreg:$0x5] =	wrdreg s14;
	[tilespmem:$0x1FDC0] =	vst v0;
	v0 =	vimm.s32 $0x3E3D3C3B  }
0x51: {  	v12 =	vcombine.low v9, v8;
	s30 =	sadd.s32 $0xE00, s2;
	s2 =	simm.s32 $0x3E80;
	v21 =	vand.u32 $0xF, v29;
	[dreg:$0x7] =	wrdreg s18;
	[tilespmem:$0x1FFD0] =	vst v19;
	v0 =	vunpack.c.0.s8.s32 v0  }
0x52: {  	v52 =	vimm.s32 $0x17161514;
	s4 =	sadd.s32 s7, s4;
	s19 =	sadd.s32 s15, s12;
	[dreg:$0x6] =	wrdreg s15;
	[tilespmem:$0x1FFE0] =	vst v21  }
0x53: {  	s7 =	ssub.s32 s17, s11;
	s11 =	sadd.s32 s21, s0;
	v24 =	vand.u32 $0xF, v12;
	v6 =	vunpack.c.0.s8.s32 v52;
	[dreg:$0x8] =	wrdreg s19;
	[tilespmem:$0x1FDD0] =	vst v0;
	v0 =	vimm.s32 $0x3231303F  }
0x54: {  	s10 =	sadd.s32 s10, s1;
	s3 =	sadd.s32 s3, s9;
	[dreg:$0xb] =	wrdreg s11;
	[tilespmem:$0x1FFF0] =	vst v24;
	v0 =	vunpack.c.0.s8.s32 v0  }
0x55: {  	s17 =	sadd.s32 $0x190, s8;
	s12 =	sshll.u32 s26, $0x4;
	[dreg:$0xc] =	wrdreg s10;
	[tilespmem:$0x1FF40] =	vst v6;
	v1 =	vimm.s32 $0x36353433  }
0x56: {  	s26 =	sadd.s32 $0x8CA00, s4;
	s4 =	simm.s32 $0x0;
	[dreg:$0x13] =	wrdreg s3;
	[tilespmem:$0x1FDE0] =	vst v0;
	v0 =	vunpack.c.0.s8.s32 v1  }
0x57: {  	s10 =	sadd.s32 s23, s0;
	s14 =	sadd.s32 $0x140, s8;
	[dreg:$0x1b] =	wrdreg s26;
	[tilespmem:$0x1FE50] =	vst v39;
	v1 =	vimm.s32 $0x33323130  }
0x58: {  	s18 =	sshll.u32 s17, $0x6;
	s3 =	sshll.u32 s17, $0x4;
	[dreg:$0x9] =	wrdreg s6;
	v1 =	vunpack.c.0.s8.s32 v1;
	[tilespmem:$0x1FDF0] =	vst v0;
	v0 =	vimm.s32 $0x3A393837  }
0x59: {  	s19 =	sadd.s32 $0x1E0, s8;
	s8 =	sadd.s32 $0x230, s8;
	[dreg:$0xa] =	wrdreg s24;
	[tilespmem:$0x1FE60] =	vst v40;
	v0 =	vunpack.c.0.s8.s32 v0  }
0x5a: {  	s11 =	simm.s32 $0x50;
	s17 =	simm.s32 $0x1;
	[dreg:$0xd] =	wrdreg s10;
	[tilespmem:$0x1FE20] =	vst v1  }
0x5b: {  	s10 =	sadd.s32 s25, s1;
	s15 =	sshll.u32 s14, $0x6;
	s16 =	sshll.u32 s14, $0x4;
	v1 =	vcombine.low v40, v39;
	[tilespmem:$0x1FE00] =	vst v0;
	v0 =	vimm.s32 $0x3F3E3D3C  }
0x5c: {  	s9 =	sadd.s32 s18, s0;
	s3 =	sadd.s32 s3, s1;
	s20 =	sshll.u32 s19, $0x6;
	[tilespmem:$0x1FFA0] =	vst v22;
	v0 =	vunpack.c.0.s8.s32 v0  }
0x5d: {  	s21 =	sshll.u32 s19, $0x4;
	s22 =	sshll.u32 s8, $0x6;
	[dreg:$0xe] =	wrdreg s10;
	[tilespmem:$0x1FE70] =	vst v1  }
0x5e: {  	s8 =	sshll.u32 s8, $0x4;
	s25 =	sadd.s32 $0xFA0, s5;
	[dreg:$0x14] =	wrdreg s9;
	v1 =	vcombine.low v42, v41;
	[tilespmem:$0x1FE10] =	vst v0;
	v0 =	vimm.s32 $0x37363534  }
0x5f: {  	v13 =	vimm.s32 $0xDCBA9876;
	s14 =	simm.s32 $0x5280;
	s18 =	simm.s32 $0xB680;
	[dreg:$0x15] =	wrdreg s3;
	[tilespmem:$0x1FFB0] =	vst v3;
	v0 =	vunpack.c.0.s8.s32 v0  }
0x60: {  	v30 =	vimm.s32 $0x543210FE;
	v13 =	vunpack.c.l.s4.s8 v13;
	s19 =	simm.s32 $0x2;
	s10 =	sadd.s32 s31, s0;
	[dreg:$0x1a] =	wrdreg s25;
	v2 =	vimm.s32 $0x3B3A3938;
	[tilespmem:$0x1FEA0] =	vst v1  }
0x61: {  	s3 =	sadd.s32 s20, s0;
	s23 =	sadd.s32 s8, s1;
	[dreg:$0xf] =	wrdreg s10;
	v1 =	vsel vm0, v46, v45;
	[tilespmem:$0x1FE30] =	vst v0;
	v0 =	vunpack.c.0.s8.s32 v2;
	v2 =	vsel vm0, v15, v48  }
0x62: {  	v63 =	vand.u32 $0xF, v11;
	v11 =	vunpack.c.l.s4.s8 v30;
	s31 =	smax.u32 s7, $0x1;
	s9 =	simm.s32 $0x6;
	[dreg:$0x16] =	wrdreg s3;
	[tilespmem:$0x1FEF0] =	vst v1;
	v1 =	vcombine.low v2, v1  }
0x63: {  	v13 =	vunpack.c.0.s8.s32 v13;
	s7 =	simm.s32 $0xDE80;
	s8 =	simm.s32 $0x5;
	[dreg:$0x19] =	wrdreg s23;
	[tilespmem:$0x1FF00] =	vst v2  }
0x64: {  	v11 =	vunpack.c.0.s8.s32 v11;
	s20 =	simm.s32 $0xCA80;
	s10 =	sadd.s32 s12, s1;
	[dreg:$0x1c] =	wrdreg s31;
	v2 =	vsel vm0, v7, v6;
	[tilespmem:$0x1FF10] =	vst v1;
	v1 =	vsel vm0, v20, v18  }
0x65: {  	s3 =	sadd.s32 s21, s1;
	s12 =	simm.s32 $0x6680;
	[dreg:$0x10] =	wrdreg s10;
	[tilespmem:$0x1FF70] =	vst v1;
	v1 =	vcombine.low v2, v1  }
0x66: {  	v31 =	vcombine.low v13, v11;
	s21 =	simm.s32 $0xE380;
	s10 =	sadd.s32 s15, s0;
	[dreg:$0x17] =	wrdreg s3;
	[tilespmem:$0x1FE40] =	vst v0  }
0x67: {  	v33 =	vcombine.low v11, v13;
	s23 =	simm.s32 $0x4;
	s3 =	sadd.s32 s22, s0;
	[dreg:$0x11] =	wrdreg s10;
	[tilespmem:$0x1FF90] =	vst v1;
	v1 =	vcombine.low v3, v22  }
0x68: {  	v53 =	vand.u32 $0xF, v32;
	s15 =	simm.s32 $0x7A80;
	s10 =	sadd.s32 s16, s1;
	[dreg:$0x18] =	wrdreg s3;
	[tilespmem:$0x1FF80] =	vst v2  }
0x69: {  	s22 =	simm.s32 $0x3;
	v25 =	vand.u32 $0xF, v31;
	v60 =	vand.u32 $0xF, v33;
	s16 =	simm.s32 $0xA280;
	[dreg:$0x12] =	wrdreg s10;
	v0 =	vimm.f32 $0.0e+00;
	[tilespmem:$0x1FFC0] =	vst v1  }
.LBB2_1:
0x6a: {  	s3 =	simm.s32 $0x0;
	s26 =	rddreg [dreg:$0x7]  }
0x6b: {  	[tilespmem:s3], [sflag:$0x5] =	stream.linear.gather [hbm4b:s26+s3], $0xFA0, $0x38;
	[tilespmem:$0x1B080] =	vst v63  }
0x6c: {  	s31 =	rddreg [dreg:$0x8];
	s5 =	simm.s32 $0x1F40  }
0x6d: {  	[tilespmem:s5], [sflag:$0x5] =	stream.linear.gather [hbm4b:s31+s3], $0xFA0, $0x38;
	[tilespmem:$0x1B080] =	vst v63  }
0x6e: {  	s3 =	simm.s32 $0x3EA0  }
0x6f: {  	[tilespmem:s3+$0x0] =	vst v0  }
0x70: {  	[tilespmem:s3+$0xFFFFFFE0] =	vst v0  }
0x71: {  	[tilespmem:s3+$0x10] =	vst v0  }
0x72: {  	[dreg:$0x1d] =	wrdreg s4;
	s4 =	simm.s32 $0x40;
	s5 =	simm.s32 $0x0;
	[tilespmem:s3+$0xFFFFFFF0] =	vst v0  }
.LBB2_2:
0x73: {  	p0 =	sne.s32 s4, $0x27C0  }
0x74: {  	[tilespmem:s5+$0xDE80] =	vst v0;
	s3 =	sadd.s32 $0x40, s3;
	s5 =	smov.u32 s4;
	s4 =	sadd.s32 $0x40, s4  }
.Ltmp0:
0x75: {  	[tilespmem:s3+$0x0] =	vst v0;
	(pc) =	sbr.rel @p0 .LBB2_2-.Ltmp0, $4  }
0x76: {  	_ = 	snop  }
0x77: {  	[tilespmem:s3+$0xFFFFFFE0] =	vst v0  }
0x78: {  	[tilespmem:s3+$0x10] =	vst v0  }
0x79: {  	s5 =	sshra.s32 s5, $0x2;
	[tilespmem:s3+$0xFFFFFFF0] =	vst v0  }
0x7a: {  	[tilespmem:s5+$0xDE80] =	vst v0  }
0x7b: {  	[spmem:s6] =	stream.linear.scatter [tilespmem:s2], [sflag:$0x6], $0x1400, $0x38;
	[tilespmem:$0x1B080] =	vst v63  }
0x7c: {  	_ =	swait.ge [sflag:s9], $0x1400  }
0x7d: {  	[sflag:s9] =	ssyncset.done $0x0  }
0x7e: {  	[sflag:s9] =	ssyncadd.s32 $0xFFFFEC00  }
0x7f: {  	[spmem:s24] =	stream.linear.scatter [tilespmem:s7], [sflag:$0x6], $0x500, $0x38;
	[tilespmem:$0x1B080] =	vst v63  }
0x80: {  	_ =	swait.ge [sflag:s9], $0x500  }
0x81: {  	[sflag:s9] =	ssyncset.done $0x0  }
0x82: {  	s3 =	rddreg [dreg:$0xb];
	[sflag:s9] =	ssyncadd.s32 $0xFFFFFB00  }
0x83: {  	[spmem:s3] =	stream.linear.scatter [tilespmem:s2], [sflag:$0x6], $0x1400, $0x38;
	[tilespmem:$0x1B080] =	vst v63  }
0x84: {  	_ =	swait.ge [sflag:s9], $0x1400  }
0x85: {  	[sflag:s9] =	ssyncset.done $0x0  }
0x86: {  	s10 =	rddreg [dreg:$0xc];
	[sflag:s9] =	ssyncadd.s32 $0xFFFFEC00  }
0x87: {  	[spmem:s10] =	stream.linear.scatter [tilespmem:s7], [sflag:$0x6], $0x500, $0x38;
	[tilespmem:$0x1B080] =	vst v63  }
0x88: {  	_ =	swait.ge [sflag:s9], $0x500  }
0x89: {  	[sflag:s9] =	ssyncset.done $0x0  }
0x8a: {  	s24 =	rddreg [dreg:$0xd];
	[sflag:s9] =	ssyncadd.s32 $0xFFFFFB00  }
0x8b: {  	[spmem:s24] =	stream.linear.scatter [tilespmem:s2], [sflag:$0x6], $0x1400, $0x38;
	[tilespmem:$0x1B080] =	vst v63  }
0x8c: {  	_ =	swait.ge [sflag:s9], $0x1400  }
0x8d: {  	[sflag:s9] =	ssyncset.done $0x0  }
0x8e: {  	s25 =	rddreg [dreg:$0xe];
	[sflag:s9] =	ssyncadd.s32 $0xFFFFEC00  }
0x8f: {  	[spmem:s25] =	stream.linear.scatter [tilespmem:s7], [sflag:$0x6], $0x500, $0x38;
	[tilespmem:$0x1B080] =	vst v63  }
0x90: {  	_ =	swait.ge [sflag:s9], $0x500  }
0x91: {  	[sflag:s9] =	ssyncset.done $0x0  }
0x92: {  	s26 =	rddreg [dreg:$0xf];
	[sflag:s9] =	ssyncadd.s32 $0xFFFFFB00  }
0x93: {  	[spmem:s26] =	stream.linear.scatter [tilespmem:s2], [sflag:$0x6], $0x1400, $0x38;
	[tilespmem:$0x1B080] =	vst v63  }
0x94: {  	_ =	swait.ge [sflag:s9], $0x1400  }
0x95: {  	[sflag:s9] =	ssyncset.done $0x0  }
0x96: {  	s31 =	rddreg [dreg:$0x10];
	[sflag:s9] =	ssyncadd.s32 $0xFFFFEC00  }
0x97: {  	[spmem:s31] =	stream.linear.scatter [tilespmem:s7], [sflag:$0x6], $0x500, $0x38;
	[tilespmem:$0x1B080] =	vst v63  }
0x98: {  	_ =	swait.ge [sflag:s9], $0x500  }
0x99: {  	[sflag:s9] =	ssyncset.done $0x0  }
0x9a: {  	s4 =	rddreg [dreg:$0x11];
	[sflag:s9] =	ssyncadd.s32 $0xFFFFFB00  }
0x9b: {  	[spmem:s4] =	stream.linear.scatter [tilespmem:s2], [sflag:$0x6], $0x1400, $0x38;
	[tilespmem:$0x1B080] =	vst v63  }
0x9c: {  	_ =	swait.ge [sflag:s9], $0x1400  }
0x9d: {  	[sflag:s9] =	ssyncset.done $0x0  }
0x9e: {  	s5 =	rddreg [dreg:$0x12];
	[sflag:s9] =	ssyncadd.s32 $0xFFFFEC00  }
0x9f: {  	[spmem:s5] =	stream.linear.scatter [tilespmem:s7], [sflag:$0x6], $0x500, $0x38;
	[tilespmem:$0x1B080] =	vst v63  }
0xa0: {  	_ =	swait.ge [sflag:s9], $0x500  }
0xa1: {  	[sflag:s9] =	ssyncset.done $0x0  }
0xa2: {  	s6 =	rddreg [dreg:$0x14];
	[sflag:s9] =	ssyncadd.s32 $0xFFFFFB00  }
0xa3: {  	[spmem:s6] =	stream.linear.scatter [tilespmem:s2], [sflag:$0x6], $0x1400, $0x38;
	[tilespmem:$0x1B080] =	vst v63  }
0xa4: {  	_ =	swait.ge [sflag:s9], $0x1400  }
0xa5: {  	[sflag:s9] =	ssyncset.done $0x0  }
0xa6: {  	s10 =	rddreg [dreg:$0x15];
	[sflag:s9] =	ssyncadd.s32 $0xFFFFEC00  }
0xa7: {  	[spmem:s10] =	stream.linear.scatter [tilespmem:s7], [sflag:$0x6], $0x500, $0x38;
	[tilespmem:$0x1B080] =	vst v63  }
0xa8: {  	_ =	swait.ge [sflag:s9], $0x500  }
0xa9: {  	[sflag:s9] =	ssyncset.done $0x0  }
0xaa: {  	s24 =	rddreg [dreg:$0x16];
	[sflag:s9] =	ssyncadd.s32 $0xFFFFFB00  }
0xab: {  	[spmem:s24] =	stream.linear.scatter [tilespmem:s2], [sflag:$0x6], $0x1400, $0x38;
	[tilespmem:$0x1B080] =	vst v63  }
0xac: {  	_ =	swait.ge [sflag:s9], $0x1400  }
0xad: {  	[sflag:s9] =	ssyncset.done $0x0  }
0xae: {  	s25 =	rddreg [dreg:$0x17];
	[sflag:s9] =	ssyncadd.s32 $0xFFFFEC00  }
0xaf: {  	[spmem:s25] =	stream.linear.scatter [tilespmem:s7], [sflag:$0x6], $0x500, $0x38;
	[tilespmem:$0x1B080] =	vst v63  }
0xb0: {  	_ =	swait.ge [sflag:s9], $0x500  }
0xb1: {  	[sflag:s9] =	ssyncset.done $0x0  }
0xb2: {  	s26 =	rddreg [dreg:$0x18];
	[sflag:s9] =	ssyncadd.s32 $0xFFFFFB00  }
0xb3: {  	[spmem:s26] =	stream.linear.scatter [tilespmem:s2], [sflag:$0x6], $0x1400, $0x38;
	[tilespmem:$0x1B080] =	vst v63  }
0xb4: {  	_ =	swait.ge [sflag:s9], $0x1400  }
0xb5: {  	[sflag:s9] =	ssyncset.done $0x0  }
0xb6: {  	s31 =	rddreg [dreg:$0x19];
	[sflag:s9] =	ssyncadd.s32 $0xFFFFEC00  }
0xb7: {  	[spmem:s31] =	stream.linear.scatter [tilespmem:s7], [sflag:$0x6], $0x500, $0x38;
	[tilespmem:$0x1B080] =	vst v63  }
0xb8: {  	_ =	swait.ge [sflag:s9], $0x500  }
0xb9: {  	[sflag:s9] =	ssyncset.done $0x0  }
0xba: {  	[sflag:s9] =	ssyncadd.s32 $0xFFFFFB00  }
0xbb: {  	s25 =	simm.s32 $0x0;
	[bflag:$0x0] =	sbarrier.arrive $0xFFFF  }
.LBB2_4:
0xbc: {  	_ =	swait.ge [sflag:s8], $0xFA0  }
0xbd: {  	[sflag:s8] =	ssyncset.done $0x0  }
0xbe: {  	p0 =	seq.s32 s25, $0x4;
	[sflag:s8] =	ssyncadd.s32 $0xFFFFF060  }
0xbf: {  	s4 =	sand.u32 $0x1, s25;
	s3 =	smul.u32 @!p0 $0xFA0, s25;
	_ =	swait.ge [sflag:s8], $0xFA0  }
0xc0: {  	s5 =	sxor.u32 @!p0 $0x1, s4;
	s6 =	rddreg [dreg:$0x1a]  }
0xc1: {  	s10 =	simm.s32 @!p0 $0x0;
	s5 =	smul.u32 @!p0 $0xFA0, s5;
	s3 =	sadd.s32 @!p0 s3, s6  }
0xc2: {  	[sflag:s8] =	ssyncset.done $0x0;
	s6 =	rddreg [dreg:$0x5];
	s3 =	sshrl.u32 @!p0 s3, $0x3  }
0xc3: {  	[sflag:s8] =	ssyncadd.s32 $0xFFFFF060;
	s9 =	sadd.s32 @!p0 s6, s3;
	s6 =	rddreg [dreg:$0x6]  }
0xc4: {  	[tilespmem:s5], [sflag:$0x5] =	stream.linear.gather @!p0 [hbm4b:s9+s10], $0xFA0, $0x38;
	[tilespmem:$0x1B080] =	vst v63  }
0xc5: {  	s4 =	smul.u32 $0xFA0, s4;
	s5 =	sadd.s32 @!p0 $0x1F40, s5;
	s3 =	sadd.s32 @!p0 s6, s3  }
0xc6: {  	[tilespmem:s5], [sflag:$0x5] =	stream.linear.gather @!p0 [hbm4b:s3+s10], $0xFA0, $0x38;
	[tilespmem:$0x1B080] =	vst v63  }
0xc7: {  	_ = 	snop  }
0xc8: {  	[tilespmem:s2], [sflag:$0x1] =	stream.indirect.gather [hbm4b:s28+s11], $0x40, s4, s11, $0xb8;
	[tilespmem:$0x1B080] =	vst v63  }
0xc9: {  	s31 =	sadd.s32 $0x1F40, s4  }
0xca: {  	[tilespmem:s12], [sflag:$0x1] =	stream.indirect.gather [hbm4b:s29+s11], $0x40, s31, s11, $0xb8;
	[tilespmem:$0x1B080] =	vst v63  }
0xcb: {  	s9 =	sadd.s32 $0xA0, s4;
	s3 =	sadd.s32 $0x50, s4;
	s10 =	simm.s32 $0x0  }
0xcc: {  	[tilespmem:s13], [sflag:$0x1] =	stream.indirect.gather [hbm4b:s30+s11], $0x40, s4, s11, $0xb8;
	[tilespmem:$0x1B080] =	vst v63  }
.LBB2_5:
0xcd: {  	s4 =	smul.u32 $0xA0, s10;
	_ =	sdelay $0x1  }
0xce: {  	s5 =	sadd.s32 s4, s3  }
0xcf: {  	[tilespmem:s14], [sflag:$0x2] =	stream.indirect.gather [hbm4b:s28+s11], $0x40, s5, s11, $0xb8;
	[tilespmem:$0x1B080] =	vst v63  }
0xd0: {  	s24 =	sadd.s32 $0x1F40, s5  }
0xd1: {  	[tilespmem:s15], [sflag:$0x2] =	stream.indirect.gather [hbm4b:s29+s11], $0x40, s24, s11, $0xb8;
	[tilespmem:$0x1B080] =	vst v63  }
0xd2: {  	_ = 	snop  }
0xd3: {  	[tilespmem:s16], [sflag:$0x2] =	stream.indirect.gather [hbm4b:s30+s11], $0x40, s5, s11, $0xb8;
	[tilespmem:$0x1B080] =	vst v63  }
0xd4: {  	_ =	swait.ge [sflag:s17], $0x1400  }
0xd5: {  	[sflag:s17] =	ssyncset.done $0x0  }
0xd6: {  	[sflag:s17] =	ssyncadd.s32 $0xFFFFEC00  }
0xd7: {  	_ =	swait.ge [sflag:s17], $0x1400  }
0xd8: {  	[sflag:s17] =	ssyncset.done $0x0  }
0xd9: {  	[sflag:s17] =	ssyncadd.s32 $0xFFFFEC00  }
0xda: {  	_ =	swait.ge [sflag:s17], $0x1400  }
0xdb: {  	p0 =	seq.s32 s10, $0x0;
	[sflag:s17] =	ssyncset.done $0x0  }
0xdc: {  	s5 =	simm.s32 @!p0 $0x3;
	[sflag:s17] =	ssyncadd.s32 $0xFFFFEC00  }
0xdd: {  	_ =	swait.ge @!p0 [sflag:s5], $0x1400  }
0xde: {  	[sflag:s5] =	ssyncset.done @!p0 $0x0  }
0xdf: {  	[sflag:s5] =	ssyncadd.s32 @!p0 $0xFFFFEC00  }
0xe0: {  	_ =	swait.ge @!p0 [sflag:s5], $0x500  }
0xe1: {  	[sflag:s5] =	ssyncset.done @!p0 $0x0  }
0xe2: {  	[sflag:s5] =	ssyncadd.s32 @!p0 $0xFFFFFB00;
	s5 =	simm.s32 $0x0  }
.LBB2_6:
0xe3: {  	v0 =	vor.u32 s5, v23  }
0xe4: {  	v49 =	vshll.u32 v0, $0x6  }
0xe5: {  	v1 =	vor.u32 v23, v49;
	_ =	sdelay $0x1  }
0xe6: {  	v2 =	vor.u32 v62, v49;
	_ =	sdelay $0x1  }
0xe7: {  	v3 =	vor.u32 v19, v49  }
0xe8: {  	v4 =	vld.idx.msk [tilespmem:v1+s2+$0x0], $0xffff  }
0xe9: {  	v6 =	vor.u32 v63, v49;
	v5 =	vld.idx.msk [tilespmem:v1+s12+$0x0], $0xffff  }
0xea: {  	v7 =	vld.idx.msk [tilespmem:v2+s2+$0x0], $0xffff  }
0xeb: {  	v9 =	vor.u32 v21, v49;
	v8 =	vld.idx.msk [tilespmem:v2+s12+$0x0], $0xffff  }
0xec: {  	v10 =	vld.idx.msk [tilespmem:v3+s2+$0x0], $0xffff  }
0xed: {  	v12 =	vor.u32 v24, v49;
	v11 =	vld.idx.msk [tilespmem:v3+s12+$0x0], $0xffff  }
0xee: {  	v13 =	vld.idx.msk [tilespmem:v6+s12+$0x0], $0xffff;
	v4 =	vmul.f32 v5, v4  }
0xef: {  	v14 =	vor.u32 v25, v49;
	v5 =	vld.idx.msk [tilespmem:v6+s2+$0x0], $0xffff  }
0xf0: {  	v18 =	vld.idx.msk [tilespmem:v9+s12+$0x0], $0xffff;
	v7 =	vmul.f32 v8, v7;
	v4 =	vadd.f32 $0.0e+00, v4  }
0xf1: {  	v19 =	vor.u32 v53, v49;
	v8 =	vld.idx.msk [tilespmem:v9+s2+$0x0], $0xffff  }
0xf2: {  	v4 =	vadd.f32 v7, v4;
	v7 =	vmul.f32 v11, v10;
	v10 =	vld.idx.msk [tilespmem:v12+s2+$0x0], $0xffff  }
0xf3: {  	v21 =	vor.u32 v17, v49;
	v11 =	vld.idx.msk [tilespmem:v12+s12+$0x0], $0xffff  }
0xf4: {  	v5 =	vmul.f32 v13, v5;
	v13 =	vld.idx.msk [tilespmem:v14+s12+$0x0], $0xffff;
	v4 =	vadd.f32 v7, v4  }
0xf5: {  	v22 =	vor.u32 v55, v49;
	v7 =	vld.idx.msk [tilespmem:v14+s2+$0x0], $0xffff  }
0xf6: {  	v4 =	vadd.f32 v5, v4;
	v5 =	vmul.f32 v18, v8;
	v8 =	vld.idx.msk [tilespmem:v19+s2+$0x0], $0xffff  }
0xf7: {  	v26 =	vor.u32 v56, v49;
	v18 =	vld.idx.msk [tilespmem:v19+s12+$0x0], $0xffff  }
0xf8: {  	v4 =	vadd.f32 v5, v4;
	v5 =	vmul.f32 v11, v10;
	v10 =	vld.idx.msk [tilespmem:v21+s2+$0x0], $0xffff  }
0xf9: {  	v27 =	vor.u32 v57, v49;
	v11 =	vld.idx.msk [tilespmem:v21+s12+$0x0], $0xffff  }
0xfa: {  	v4 =	vadd.f32 v5, v4;
	v5 =	vmul.f32 v13, v7;
	v7 =	vld.idx.msk [tilespmem:v22+s2+$0x0], $0xffff  }
0xfb: {  	v28 =	vor.u32 v16, v49;
	v13 =	vld.idx.msk [tilespmem:v22+s12+$0x0], $0xffff  }
0xfc: {  	v4 =	vadd.f32 v5, v4;
	v5 =	vmul.f32 v18, v8;
	v8 =	vld.idx.msk [tilespmem:v26+s2+$0x0], $0xffff  }
0xfd: {  	v29 =	vor.u32 v59, v49;
	v18 =	vld.idx.msk [tilespmem:v26+s12+$0x0], $0xffff  }
0xfe: {  	v4 =	vadd.f32 v5, v4;
	v5 =	vmul.f32 v11, v10;
	v10 =	vld.idx.msk [tilespmem:v27+s2+$0x0], $0xffff  }
0xff: {  	v30 =	vor.u32 v60, v49;
	v11 =	vld.idx.msk [tilespmem:v27+s12+$0x0], $0xffff  }
0x100: {  	v4 =	vadd.f32 v5, v4;
	v5 =	vmul.f32 v13, v7;
	v7 =	vld.idx.msk [tilespmem:v28+s2+$0x0], $0xffff  }
0x101: {  	v31 =	vor.u32 v61, v49;
	v13 =	vld.idx.msk [tilespmem:v28+s12+$0x0], $0xffff  }
0x102: {  	v4 =	vadd.f32 v5, v4;
	v5 =	vmul.f32 v18, v8;
	v8 =	vld.idx.msk [tilespmem:v29+s2+$0x0], $0xffff  }
0x103: {  	v18 =	vld.idx.msk [tilespmem:v29+s12+$0x0], $0xffff  }
0x104: {  	v4 =	vadd.f32 v5, v4;
	v5 =	vmul.f32 v11, v10;
	v10 =	vld.idx.msk [tilespmem:v30+s2+$0x0], $0xffff  }
0x105: {  	v11 =	vld.idx.msk [tilespmem:v30+s12+$0x0], $0xffff  }
0x106: {  	v4 =	vadd.f32 v5, v4;
	v5 =	vmul.f32 v13, v7;
	v7 =	vld.idx.msk [tilespmem:v31+s2+$0x0], $0xffff  }
0x107: {  	v13 =	vld.idx.msk [tilespmem:v31+s12+$0x0], $0xffff  }
0x108: {  	v4 =	vadd.f32 v5, v4;
	v5 =	vmul.f32 v18, v8;
	_ =	sdelay $0x1  }
0x109: {  	v4 =	vadd.f32 v5, v4;
	v5 =	vmul.f32 v11, v10;
	_ =	sdelay $0x1  }
0x10a: {  	v4 =	vadd.f32 v5, v4;
	v5 =	vmul.f32 v13, v7;
	_ =	sdelay $0x1  }
0x10b: {  	v4 =	vadd.f32 v5, v4;
	_ =	sdelay $0x1  }
0x10c: {  	v4 =	vmul.f32 $1.442695020e+00, v4;
	_ =	sdelay $0x1  }
0x10d: {  	(erf) = vpow2.f32 v4;
	_ =	sdelay $0x4  }
0x10e: {  	v50 =	vshll.u32 v0, $0x4;
	_ =	sdelay $0x3  }
0x10f: {  	v0 =	vpop (erf)  }
0x110: {  	[tilespmem:v50+s7+$0x0] =	vst.idx.msk $0xffff, v0  }
0x111: {  	v4 =	vld.idx.msk [tilespmem:v1+s13+$0x0], $0xffff;
	_ =	sdelay $0x4  }
0x112: {  	v4 =	vmul.f32 v0, v4;
	_ =	sdelay $0x1  }
0x113: {  	[tilespmem:v1+s18+$0x0] =	vst.idx.msk $0xffff, v4  }
0x114: {  	v1 =	vld.idx.msk [tilespmem:v2+s13+$0x0], $0xffff;
	_ =	sdelay $0x4  }
0x115: {  	v1 =	vmul.f32 v1, v0;
	_ =	sdelay $0x1  }
0x116: {  	[tilespmem:v2+s18+$0x0] =	vst.idx.msk $0xffff, v1  }
0x117: {  	v1 =	vld.idx.msk [tilespmem:v3+s13+$0x0], $0xffff;
	_ =	sdelay $0x4  }
0x118: {  	v1 =	vmul.f32 v1, v0;
	_ =	sdelay $0x1  }
0x119: {  	[tilespmem:v3+s18+$0x0] =	vst.idx.msk $0xffff, v1  }
0x11a: {  	v1 =	vld.idx.msk [tilespmem:v6+s13+$0x0], $0xffff;
	_ =	sdelay $0x4  }
0x11b: {  	v1 =	vmul.f32 v1, v0;
	_ =	sdelay $0x1  }
0x11c: {  	[tilespmem:v6+s18+$0x0] =	vst.idx.msk $0xffff, v1  }
0x11d: {  	v1 =	vld.idx.msk [tilespmem:v9+s13+$0x0], $0xffff;
	_ =	sdelay $0x4  }
0x11e: {  	v1 =	vmul.f32 v1, v0;
	_ =	sdelay $0x1  }
0x11f: {  	[tilespmem:v9+s18+$0x0] =	vst.idx.msk $0xffff, v1  }
0x120: {  	v1 =	vld.idx.msk [tilespmem:v12+s13+$0x0], $0xffff;
	_ =	sdelay $0x4  }
0x121: {  	v1 =	vmul.f32 v1, v0;
	_ =	sdelay $0x1  }
0x122: {  	[tilespmem:v12+s18+$0x0] =	vst.idx.msk $0xffff, v1  }
0x123: {  	v1 =	vld.idx.msk [tilespmem:v14+s13+$0x0], $0xffff;
	_ =	sdelay $0x4  }
0x124: {  	v1 =	vmul.f32 v1, v0;
	_ =	sdelay $0x1  }
0x125: {  	[tilespmem:v14+s18+$0x0] =	vst.idx.msk $0xffff, v1  }
0x126: {  	v1 =	vld.idx.msk [tilespmem:v19+s13+$0x0], $0xffff;
	_ =	sdelay $0x4  }
0x127: {  	v1 =	vmul.f32 v1, v0;
	_ =	sdelay $0x1  }
0x128: {  	[tilespmem:v19+s18+$0x0] =	vst.idx.msk $0xffff, v1  }
0x129: {  	v1 =	vld.idx.msk [tilespmem:v21+s13+$0x0], $0xffff;
	_ =	sdelay $0x4  }
0x12a: {  	v1 =	vmul.f32 v1, v0;
	_ =	sdelay $0x1  }
0x12b: {  	[tilespmem:v21+s18+$0x0] =	vst.idx.msk $0xffff, v1  }
0x12c: {  	v1 =	vld.idx.msk [tilespmem:v22+s13+$0x0], $0xffff;
	_ =	sdelay $0x4  }
0x12d: {  	v1 =	vmul.f32 v1, v0;
	_ =	sdelay $0x1  }
0x12e: {  	[tilespmem:v22+s18+$0x0] =	vst.idx.msk $0xffff, v1  }
0x12f: {  	v1 =	vld.idx.msk [tilespmem:v26+s13+$0x0], $0xffff;
	_ =	sdelay $0x4  }
0x130: {  	v1 =	vmul.f32 v1, v0;
	_ =	sdelay $0x1  }
0x131: {  	[tilespmem:v26+s18+$0x0] =	vst.idx.msk $0xffff, v1  }
0x132: {  	v1 =	vld.idx.msk [tilespmem:v27+s13+$0x0], $0xffff;
	_ =	sdelay $0x4  }
0x133: {  	v1 =	vmul.f32 v1, v0;
	_ =	sdelay $0x1  }
0x134: {  	[tilespmem:v27+s18+$0x0] =	vst.idx.msk $0xffff, v1  }
0x135: {  	v1 =	vld.idx.msk [tilespmem:v28+s13+$0x0], $0xffff;
	_ =	sdelay $0x4  }
0x136: {  	v1 =	vmul.f32 v1, v0;
	_ =	sdelay $0x1  }
0x137: {  	[tilespmem:v28+s18+$0x0] =	vst.idx.msk $0xffff, v1  }
0x138: {  	v1 =	vld.idx.msk [tilespmem:v29+s13+$0x0], $0xffff;
	_ =	sdelay $0x4  }
0x139: {  	v1 =	vmul.f32 v1, v0;
	_ =	sdelay $0x1  }
0x13a: {  	[tilespmem:v29+s18+$0x0] =	vst.idx.msk $0xffff, v1  }
0x13b: {  	v1 =	vld.idx.msk [tilespmem:v30+s13+$0x0], $0xffff;
	_ =	sdelay $0x1  }
0x13c: {  	v20 =	vld [tilespmem:$0x1FF40]  }
0x13d: {  	v24 =	vld [tilespmem:$0x1FC40]  }
0x13e: {  	v18 =	vld [tilespmem:$0x1FEE0]  }
0x13f: {  	v10 =	vld [tilespmem:$0x1FC20];
	v1 =	vmul.f32 v1, v0  }
0x140: {  	v13 =	vld [tilespmem:$0x1FEC0]  }
0x141: {  	v2 =	vld [tilespmem:$0x1FF60];
	[tilespmem:v30+s18+$0x0] =	vst.idx.msk $0xffff, v1  }
0x142: {  	v1 =	vld.idx.msk [tilespmem:v31+s13+$0x0], $0xffff  }
0x143: {  	v14 =	vld [tilespmem:$0x1FED0]  }
0x144: {  	v19 =	vld [tilespmem:$0x1FF30]  }
0x145: {  	v3 =	vld [tilespmem:$0x1FEA0]  }
0x146: {  	v11 =	vld [tilespmem:$0x1FC30]  }
0x147: {  	v0 =	vmul.f32 v1, v0;
	v1 =	vld [tilespmem:$0x1FE70]  }
0x148: {  	v2 =	vor.u32 v2, v49;
	v13 =	vsel vm0, v14, v13;
	v14 =	vld [tilespmem:$0x1FEB0]  }
0x149: {  	v19 =	vsel vm0, v20, v19;
	v20 =	vld [tilespmem:$0x1FF20]  }
0x14a: {  	v3 =	vor.u32 v3, v49;
	v21 =	vld [tilespmem:$0x1FF50]  }
0x14b: {  	v5 =	vld [tilespmem:$0x1FF10];
	v10 =	vsel vm0, v10, v11  }
0x14c: {  	v15 =	vcombine.low v10, v24;
	[tilespmem:v31+s18+$0x0] =	vst.idx.msk $0xffff, v0;
	v1 =	vor.u32 v1, v49  }
0x14d: {  	v14 =	vsel vm0, v14, v18;
	v0 =	vld.idx.msk [tilespmem:v2+s2+$0x0], $0xffff  }
0x14e: {  	[tilespmem:$0x1FB00] =	vst v15;
	v31 =	vor.u32 v15, v49;
	v15 =	vcombine.low v14, v13;
	v4 =	vld.idx.msk [tilespmem:v2+s12+$0x0], $0xffff  }
0x14f: {  	v21 =	vsel vm0, v20, v21;
	v9 =	vld.idx.msk [tilespmem:v3+s2+$0x0], $0xffff  }
0x150: {  	v5 =	vor.u32 v5, v49;
	[tilespmem:$0x1FB10] =	vst v15;
	v32 =	vor.u32 v15, v49;
	v15 =	vcombine.low v21, v19;
	v19 =	vld [tilespmem:$0x1FE60]  }
0x151: {  	v6 =	vld.idx.msk [tilespmem:v1+s2+$0x0], $0xffff  }
0x152: {  	v7 =	vld.idx.msk [tilespmem:v1+s12+$0x0], $0xffff  }
0x153: {  	[tilespmem:$0x1FB20] =	vst v15;
	v33 =	vor.u32 v15, v49;
	v15 =	vld [tilespmem:$0x1FE50]  }
0x154: {  	v0 =	vmul.f32 v4, v0;
	v4 =	vld.idx.msk [tilespmem:v3+s12+$0x0], $0xffff  }
0x155: {  	v12 =	vld.idx.msk [tilespmem:v5+s2+$0x0], $0xffff  }
0x156: {  	v18 =	vld.idx.msk [tilespmem:v5+s12+$0x0], $0xffff  }
0x157: {  	v0 =	vadd.f32 $0.0e+00, v0;
	v6 =	vmul.f32 v7, v6  }
0x158: {  	v15 =	vcombine.low v15, v19  }
0x159: {  	v4 =	vmul.f32 v4, v9;
	v0 =	vadd.f32 v6, v0  }
0x15a: {  	[tilespmem:$0x1FB30] =	vst v15;
	v34 =	vor.u32 v15, v49;
	v15 =	vld [tilespmem:$0x1FE80]  }
0x15b: {  	v0 =	vadd.f32 v4, v0;
	v4 =	vmul.f32 v18, v12;
	v18 =	vld [tilespmem:$0x1FE90]  }
0x15c: {  	v8 =	vld [tilespmem:$0x1FF90];
	_ =	sdelay $0x3  }
0x15d: {  	v11 =	vld [tilespmem:$0x1FFC0];
	v15 =	vcombine.low v15, v18  }
0x15e: {  	v8 =	vor.u32 v8, v49;
	v18 =	vld [tilespmem:$0x1FF00]  }
0x15f: {  	[tilespmem:$0x1FB40] =	vst v15;
	v35 =	vor.u32 v15, v49;
	v15 =	vld [tilespmem:$0x1FEF0];
	_ =	sdelay $0x3  }
0x160: {  	v11 =	vor.u32 v11, v49;
	v22 =	vld.idx.msk [tilespmem:v8+s12+$0x0], $0xffff  }
0x161: {  	v7 =	vld.idx.msk [tilespmem:v8+s2+$0x0], $0xffff;
	v15 =	vcombine.low v15, v18  }
0x162: {  	v18 =	vld [tilespmem:$0x1FF80]  }
0x163: {  	[tilespmem:$0x1FB50] =	vst v15;
	v36 =	vor.u32 v15, v49;
	v15 =	vld [tilespmem:$0x1FF70]  }
0x164: {  	v21 =	vld.idx.msk [tilespmem:v31+s12+$0x0], $0xffff  }
0x165: {  	v9 =	vld.idx.msk [tilespmem:v11+s12+$0x0], $0xffff  }
0x166: {  	v6 =	vld.idx.msk [tilespmem:v11+s2+$0x0], $0xffff  }
0x167: {  	v12 =	vld.idx.msk [tilespmem:v31+s2+$0x0], $0xffff  }
0x168: {  	v0 =	vadd.f32 v4, v0;
	v4 =	vmul.f32 v22, v7;
	v7 =	vld.idx.msk [tilespmem:v32+s2+$0x0], $0xffff;
	v15 =	vcombine.low v15, v18  }
0x169: {  	v18 =	vld [tilespmem:$0x1FFB0]  }
0x16a: {  	[tilespmem:$0x1FB60] =	vst v15;
	v38 =	vor.u32 v15, v49;
	v15 =	vld [tilespmem:$0x1FFA0]  }
0x16b: {  	v22 =	vld.idx.msk [tilespmem:v32+s12+$0x0], $0xffff  }
0x16c: {  	v0 =	vadd.f32 v4, v0;
	v4 =	vmul.f32 v9, v6;
	v6 =	vld.idx.msk [tilespmem:v33+s2+$0x0], $0xffff  }
0x16d: {  	v9 =	vld.idx.msk [tilespmem:v33+s12+$0x0], $0xffff  }
0x16e: {  	v37 =	vld.idx.msk [tilespmem:v34+s12+$0x0], $0xffff;
	v0 =	vadd.f32 v4, v0;
	v4 =	vmul.f32 v21, v12  }
0x16f: {  	v12 =	vld.idx.msk [tilespmem:v34+s2+$0x0], $0xffff;
	v15 =	vcombine.low v15, v18  }
0x170: {  	v0 =	vadd.f32 v4, v0;
	v4 =	vmul.f32 v22, v7;
	v7 =	vld.idx.msk [tilespmem:v35+s2+$0x0], $0xffff  }
0x171: {  	v39 =	vld.idx.msk [tilespmem:v35+s12+$0x0], $0xffff;
	[tilespmem:$0x1FB70] =	vst v15;
	v40 =	vor.u32 v15, v49;
	v15 =	vcombine.low v24, v10  }
0x172: {  	v6 =	vmul.f32 v9, v6;
	v4 =	vadd.f32 v4, v0;
	v9 =	vld.idx.msk [tilespmem:v36+s2+$0x0], $0xffff  }
0x173: {  	v0 =	vcombine.low v13, v14;
	v10 =	vld.idx.msk [tilespmem:v36+s12+$0x0], $0xffff;
	v41 =	vor.u32 v15, v49  }
0x174: {  	v4 =	vadd.f32 v6, v4;
	v6 =	vmul.f32 v37, v12;
	v12 =	vld.idx.msk [tilespmem:v38+s2+$0x0], $0xffff  }
0x175: {  	v14 =	vor.u32 v0, v49;
	v13 =	vld.idx.msk [tilespmem:v38+s12+$0x0], $0xffff  }
0x176: {  	v4 =	vadd.f32 v6, v4;
	v6 =	vmul.f32 v39, v7;
	v7 =	vld.idx.msk [tilespmem:v40+s2+$0x0], $0xffff  }
0x177: {  	v48 =	vld.idx.msk [tilespmem:v40+s12+$0x0], $0xffff  }
0x178: {  	v4 =	vadd.f32 v6, v4;
	v6 =	vmul.f32 v10, v9;
	v9 =	vld.idx.msk [tilespmem:v41+s2+$0x0], $0xffff  }
0x179: {  	v10 =	vld.idx.msk [tilespmem:v41+s12+$0x0], $0xffff  }
0x17a: {  	v4 =	vadd.f32 v6, v4;
	v6 =	vmul.f32 v13, v12;
	v12 =	vld.idx.msk [tilespmem:v14+s2+$0x0], $0xffff  }
0x17b: {  	v13 =	vld.idx.msk [tilespmem:v14+s12+$0x0], $0xffff  }
0x17c: {  	v4 =	vadd.f32 v6, v4;
	v6 =	vmul.f32 v48, v7;
	_ =	sdelay $0x1  }
0x17d: {  	v4 =	vadd.f32 v6, v4;
	v6 =	vmul.f32 v10, v9;
	_ =	sdelay $0x1  }
0x17e: {  	v4 =	vadd.f32 v6, v4;
	v6 =	vmul.f32 v13, v12;
	_ =	sdelay $0x1  }
0x17f: {  	v4 =	vadd.f32 v6, v4;
	_ =	sdelay $0x1  }
0x180: {  	v4 =	vmul.f32 $1.442695020e+00, v4;
	_ =	sdelay $0x1  }
0x181: {  	(erf) = vpow2.f32 v4;
	_ =	sdelay $0x4  }
0x182: {  	v4 =	vor.u32 $0x1, v50;
	_ =	sdelay $0x3  }
0x183: {  	v6 =	vpop (erf)  }
0x184: {  	[tilespmem:v4+s7+$0x0] =	vst.idx.msk $0xffff, v6  }
0x185: {  	v4 =	vld.idx.msk [tilespmem:v2+s13+$0x0], $0xffff;
	_ =	sdelay $0x4  }
0x186: {  	v4 =	vmul.f32 v6, v4;
	_ =	sdelay $0x1  }
0x187: {  	[tilespmem:v2+s18+$0x0] =	vst.idx.msk $0xffff, v4  }
0x188: {  	v2 =	vld.idx.msk [tilespmem:v1+s13+$0x0], $0xffff;
	_ =	sdelay $0x4  }
0x189: {  	v2 =	vmul.f32 v2, v6;
	_ =	sdelay $0x1  }
0x18a: {  	[tilespmem:v1+s18+$0x0] =	vst.idx.msk $0xffff, v2  }
0x18b: {  	v1 =	vld.idx.msk [tilespmem:v3+s13+$0x0], $0xffff;
	_ =	sdelay $0x4  }
0x18c: {  	v1 =	vmul.f32 v1, v6;
	_ =	sdelay $0x1  }
0x18d: {  	[tilespmem:v3+s18+$0x0] =	vst.idx.msk $0xffff, v1  }
0x18e: {  	v1 =	vld.idx.msk [tilespmem:v5+s13+$0x0], $0xffff;
	_ =	sdelay $0x4  }
0x18f: {  	v1 =	vmul.f32 v1, v6;
	_ =	sdelay $0x1  }
0x190: {  	[tilespmem:v5+s18+$0x0] =	vst.idx.msk $0xffff, v1  }
0x191: {  	v1 =	vld.idx.msk [tilespmem:v8+s13+$0x0], $0xffff;
	_ =	sdelay $0x4  }
0x192: {  	v1 =	vmul.f32 v1, v6;
	_ =	sdelay $0x1  }
0x193: {  	[tilespmem:v8+s18+$0x0] =	vst.idx.msk $0xffff, v1  }
0x194: {  	v1 =	vld.idx.msk [tilespmem:v11+s13+$0x0], $0xffff;
	_ =	sdelay $0x4  }
0x195: {  	v1 =	vmul.f32 v1, v6;
	_ =	sdelay $0x1  }
0x196: {  	[tilespmem:v11+s18+$0x0] =	vst.idx.msk $0xffff, v1  }
0x197: {  	v1 =	vld.idx.msk [tilespmem:v31+s13+$0x0], $0xffff;
	_ =	sdelay $0x4  }
0x198: {  	v1 =	vmul.f32 v1, v6;
	_ =	sdelay $0x1  }
0x199: {  	[tilespmem:v31+s18+$0x0] =	vst.idx.msk $0xffff, v1  }
0x19a: {  	v1 =	vld.idx.msk [tilespmem:v32+s13+$0x0], $0xffff;
	_ =	sdelay $0x4  }
0x19b: {  	v1 =	vmul.f32 v1, v6;
	_ =	sdelay $0x1  }
0x19c: {  	[tilespmem:v32+s18+$0x0] =	vst.idx.msk $0xffff, v1  }
0x19d: {  	v1 =	vld.idx.msk [tilespmem:v33+s13+$0x0], $0xffff;
	_ =	sdelay $0x4  }
0x19e: {  	v1 =	vmul.f32 v1, v6;
	_ =	sdelay $0x1  }
0x19f: {  	[tilespmem:v33+s18+$0x0] =	vst.idx.msk $0xffff, v1  }
0x1a0: {  	v1 =	vld.idx.msk [tilespmem:v34+s13+$0x0], $0xffff;
	_ =	sdelay $0x4  }
0x1a1: {  	v1 =	vmul.f32 v1, v6;
	_ =	sdelay $0x1  }
0x1a2: {  	[tilespmem:v34+s18+$0x0] =	vst.idx.msk $0xffff, v1  }
0x1a3: {  	v1 =	vld.idx.msk [tilespmem:v35+s13+$0x0], $0xffff;
	_ =	sdelay $0x4  }
0x1a4: {  	v1 =	vmul.f32 v1, v6;
	_ =	sdelay $0x1  }
0x1a5: {  	[tilespmem:v35+s18+$0x0] =	vst.idx.msk $0xffff, v1  }
0x1a6: {  	v1 =	vld.idx.msk [tilespmem:v36+s13+$0x0], $0xffff;
	_ =	sdelay $0x4  }
0x1a7: {  	v1 =	vmul.f32 v1, v6;
	_ =	sdelay $0x1  }
0x1a8: {  	[tilespmem:v36+s18+$0x0] =	vst.idx.msk $0xffff, v1  }
0x1a9: {  	v1 =	vld.idx.msk [tilespmem:v38+s13+$0x0], $0xffff;
	_ =	sdelay $0x4  }
0x1aa: {  	v1 =	vmul.f32 v1, v6;
	_ =	sdelay $0x1  }
0x1ab: {  	[tilespmem:v38+s18+$0x0] =	vst.idx.msk $0xffff, v1  }
0x1ac: {  	v1 =	vld.idx.msk [tilespmem:v40+s13+$0x0], $0xffff;
	_ =	sdelay $0x4  }
0x1ad: {  	v1 =	vmul.f32 v1, v6;
	_ =	sdelay $0x1  }
0x1ae: {  	[tilespmem:v40+s18+$0x0] =	vst.idx.msk $0xffff, v1  }
0x1af: {  	v1 =	vld.idx.msk [tilespmem:v41+s13+$0x0], $0xffff;
	_ =	sdelay $0x1  }
0x1b0: {  	v20 =	vld [tilespmem:$0x1FCE0]  }
0x1b1: {  	v26 =	vld [tilespmem:$0x1FD20]  }
0x1b2: {  	v27 =	vld [tilespmem:$0x1FD30]  }
0x1b3: {  	v19 =	vld [tilespmem:$0x1FCC0];
	v1 =	vmul.f32 v1, v6  }
0x1b4: {  	v21 =	vld [tilespmem:$0x1FCF0]  }
0x1b5: {  	v18 =	vld [tilespmem:$0x1FCB0];
	[tilespmem:v41+s18+$0x0] =	vst.idx.msk $0xffff, v1  }
0x1b6: {  	v3 =	vld.idx.msk [tilespmem:v14+s13+$0x0], $0xffff  }
0x1b7: {  	[tilespmem:$0x1FB80] =	vst v15;
	v15 =	vld [tilespmem:$0x1FC80]  }
0x1b8: {  	v2 =	vld [tilespmem:$0x1FC60]  }
0x1b9: {  	v5 =	vld [tilespmem:$0x1FC70]  }
0x1ba: {  	v1 =	vld [tilespmem:$0x1FC50]  }
0x1bb: {  	v4 =	vmul.f32 v3, v6;
	v3 =	vld [tilespmem:$0x1FC90]  }
0x1bc: {  	v6 =	vld [tilespmem:$0x1FCA0]  }
0x1bd: {  	v22 =	vld [tilespmem:$0x1FD00]  }
0x1be: {  	[tilespmem:v14+s18+$0x0] =	vst.idx.msk $0xffff, v4;
	v4 =	vld [tilespmem:$0x1FCD0]  }
0x1bf: {  	v28 =	vld [tilespmem:$0x1FD40];
	[tilespmem:$0x1FB90] =	vst v0;
	v0 =	vor.u32 $0x20, v23;
	v11 =	vsel vm0, v15, v5;
	v10 =	vsel vm0, v2, v1  }
0x1c0: {  	[tilespmem:$0x1FBA0] =	vst v0;
	v24 =	vld [tilespmem:$0x1FD10];
	v33 =	vor.u32 v0, v49;
	v0 =	vcombine.low v11, v10  }
0x1c1: {  	v13 =	vsel vm0, v19, v18;
	v12 =	vsel vm0, v6, v3  }
0x1c2: {  	[tilespmem:$0x1FBB0] =	vst v0;
	v34 =	vor.u32 v0, v49;
	v0 =	vcombine.low v13, v12  }
0x1c3: {  	v31 =	vsel vm0, v22, v21;
	v14 =	vsel vm0, v20, v4  }
0x1c4: {  	[tilespmem:$0x1FBC0] =	vst v0;
	v35 =	vor.u32 v0, v49;
	v0 =	vcombine.low v31, v14  }
0x1c5: {  	v32 =	vsel vm0, v26, v24;
	v36 =	vsel vm0, v28, v27;
	v38 =	vsel vm0, v5, v2;
	v7 =	vld.idx.msk [tilespmem:v33+s2+$0x0], $0xffff  }
0x1c6: {  	v8 =	vld.idx.msk [tilespmem:v33+s12+$0x0], $0xffff;
	[tilespmem:$0x1FBD0] =	vst v0;
	v37 =	vor.u32 v0, v49;
	v0 =	vcombine.low v36, v32  }
0x1c7: {  	v39 =	vsel vm0, v1, v15;
	v43 =	vsel vm0, v18, v6;
	v44 =	vsel vm0, v3, v19;
	v9 =	vld.idx.msk [tilespmem:v34+s2+$0x0], $0xffff  }
0x1c8: {  	v40 =	vld.idx.msk [tilespmem:v34+s12+$0x0], $0xffff;
	[tilespmem:$0x1FBE0] =	vst v0;
	v41 =	vor.u32 v0, v49;
	v0 =	vcombine.low v39, v38  }
0x1c9: {  	v2 =	vcombine.low v44, v43;
	v42 =	vld.idx.msk [tilespmem:v35+s2+$0x0], $0xffff  }
0x1ca: {  	v48 =	vsel vm0, v21, v20;
	v3 =	vmov v56;
	v45 =	vld.idx.msk [tilespmem:v35+s12+$0x0], $0xffff;
	v46 =	vor.u32 v0, v49  }
0x1cb: {  	v56 =	vsel vm0, v24, v28;
	v51 =	vsel vm0, v4, v22;
	v8 =	vmul.f32 v8, v7;
	v47 =	vld.idx.msk [tilespmem:v37+s2+$0x0], $0xffff  }
0x1cc: {  	v1 =	vmov v53;
	[tilespmem:$0x1FC00] =	vst v2;
	v54 =	vor.u32 v2, v49;
	v6 =	vcombine.low v51, v48;
	v53 =	vld.idx.msk [tilespmem:v37+s12+$0x0], $0xffff  }
0x1cd: {  	v52 =	vadd.f32 $0.0e+00, v8;
	v2 =	vmovc v55;
	v40 =	vmul.f32 v40, v9;
	v9 =	vsel vm0, v27, v26;
	v55 =	vld.idx.msk [tilespmem:v41+s2+$0x0], $0xffff  }
0x1ce: {  	v4 =	vmov v57;
	v58 =	vor.u32 v6, v49;
	v9 =	vcombine.low v56, v9;
	v57 =	vld.idx.msk [tilespmem:v41+s12+$0x0], $0xffff  }
0x1cf: {  	v40 =	vadd.f32 v40, v52;
	v42 =	vmul.f32 v45, v42;
	v45 =	vld.idx.msk [tilespmem:v46+s2+$0x0], $0xffff  }
0x1d0: {  	v10 =	vcombine.low v10, v11;
	v56 =	vor.u32 v9, v49;
	v52 =	vld.idx.msk [tilespmem:v46+s12+$0x0], $0xffff  }
0x1d1: {  	v40 =	vadd.f32 v42, v40;
	v42 =	vmul.f32 v53, v47;
	v47 =	vld.idx.msk [tilespmem:v54+s2+$0x0], $0xffff  }
0x1d2: {  	v11 =	vcombine.low v12, v13;
	[tilespmem:$0x1FC10] =	vst v6;
	v6 =	vmov v59;
	v59 =	vor.u32 v10, v49;
	v53 =	vld.idx.msk [tilespmem:v54+s12+$0x0], $0xffff  }
0x1d3: {  	v13 =	vadd.f32 v42, v40;
	v40 =	vmul.f32 v57, v55;
	v42 =	vld.idx.msk [tilespmem:v58+s2+$0x0], $0xffff  }
0x1d4: {  	v12 =	vcombine.low v14, v31;
	v55 =	vld.idx.msk [tilespmem:v58+s12+$0x0], $0xffff;
	v57 =	vor.u32 v11, v49  }
0x1d5: {  	v14 =	vadd.f32 v40, v13;
	v31 =	vmul.f32 v52, v45;
	v40 =	vld.idx.msk [tilespmem:v56+s2+$0x0], $0xffff  }
0x1d6: {  	v45 =	vld.idx.msk [tilespmem:v56+s12+$0x0], $0xffff;
	v52 =	vor.u32 v12, v49;
	v13 =	vcombine.low v32, v36  }
0x1d7: {  	v36 =	vld.idx.msk [tilespmem:v59+s2+$0x0], $0xffff;
	v32 =	vmul.f32 v53, v47;
	v31 =	vadd.f32 v31, v14  }
0x1d8: {  	v47 =	vld.idx.msk [tilespmem:v59+s12+$0x0], $0xffff;
	v53 =	vor.u32 v13, v49;
	v14 =	vcombine.low v38, v39  }
0x1d9: {  	v38 =	vmul.f32 v55, v42;
	v39 =	vld.idx.msk [tilespmem:v57+s2+$0x0], $0xffff;
	v32 =	vadd.f32 v32, v31  }
0x1da: {  	v42 =	vld.idx.msk [tilespmem:v57+s12+$0x0], $0xffff;
	v55 =	vor.u32 v14, v49;
	v31 =	vcombine.low v43, v44  }
0x1db: {  	v40 =	vmul.f32 v45, v40;
	v43 =	vld.idx.msk [tilespmem:v52+s2+$0x0], $0xffff;
	v38 =	vadd.f32 v38, v32  }
0x1dc: {  	v44 =	vld.idx.msk [tilespmem:v52+s12+$0x0], $0xffff;
	v45 =	vor.u32 v31, v49;
	v32 =	vcombine.low v48, v51  }
0x1dd: {  	v36 =	vmul.f32 v47, v36;
	v47 =	vld.idx.msk [tilespmem:v53+s12+$0x0], $0xffff;
	v38 =	vadd.f32 v40, v38  }
0x1de: {  	v40 =	vld.idx.msk [tilespmem:v53+s2+$0x0], $0xffff;
	v48 =	vor.u32 v32, v49  }
0x1df: {  	v51 =	vmul.f32 v42, v39;
	v39 =	vld.idx.msk [tilespmem:v55+s2+$0x0], $0xffff;
	v36 =	vadd.f32 v36, v38  }
0x1e0: {  	v42 =	vld.idx.msk [tilespmem:v55+s12+$0x0], $0xffff  }
0x1e1: {  	v36 =	vadd.f32 v51, v36;
	v51 =	vmul.f32 v44, v43;
	v43 =	vld.idx.msk [tilespmem:v45+s2+$0x0], $0xffff  }
0x1e2: {  	v44 =	vld.idx.msk [tilespmem:v45+s12+$0x0], $0xffff  }
0x1e3: {  	v36 =	vadd.f32 v51, v36;
	v51 =	vmul.f32 v47, v40;
	v40 =	vld.idx.msk [tilespmem:v48+s2+$0x0], $0xffff  }
0x1e4: {  	v47 =	vld.idx.msk [tilespmem:v48+s12+$0x0], $0xffff  }
0x1e5: {  	v36 =	vadd.f32 v51, v36;
	v51 =	vmul.f32 v42, v39;
	_ =	sdelay $0x1  }
0x1e6: {  	v42 =	vmul.f32 v44, v43;
	v36 =	vadd.f32 v51, v36;
	_ =	sdelay $0x1  }
0x1e7: {  	v43 =	vmul.f32 v47, v40;
	v36 =	vadd.f32 v42, v36;
	_ =	sdelay $0x1  }
0x1e8: {  	v36 =	vadd.f32 v43, v36;
	_ =	sdelay $0x1  }
0x1e9: {  	v36 =	vmul.f32 $1.442695020e+00, v36;
	_ =	sdelay $0x1  }
0x1ea: {  	(erf) = vpow2.f32 v36;
	_ =	sdelay $0x4  }
0x1eb: {  	v44 =	vor.u32 $0x2, v50;
	_ =	sdelay $0x3  }
0x1ec: {  	v47 =	vpop (erf)  }
0x1ed: {  	[tilespmem:v44+s7+$0x0] =	vst.idx.msk $0xffff, v47  }
0x1ee: {  	v36 =	vld.idx.msk [tilespmem:v33+s13+$0x0], $0xffff;
	_ =	sdelay $0x4  }
0x1ef: {  	v36 =	vmul.f32 v47, v36;
	_ =	sdelay $0x1  }
0x1f0: {  	[tilespmem:v33+s18+$0x0] =	vst.idx.msk $0xffff, v36  }
0x1f1: {  	v33 =	vld.idx.msk [tilespmem:v34+s13+$0x0], $0xffff;
	_ =	sdelay $0x4  }
0x1f2: {  	v33 =	vmul.f32 v33, v47;
	_ =	sdelay $0x1  }
0x1f3: {  	[tilespmem:v34+s18+$0x0] =	vst.idx.msk $0xffff, v33  }
0x1f4: {  	v33 =	vld.idx.msk [tilespmem:v35+s13+$0x0], $0xffff;
	_ =	sdelay $0x4  }
0x1f5: {  	v33 =	vmul.f32 v33, v47;
	_ =	sdelay $0x1  }
0x1f6: {  	[tilespmem:v35+s18+$0x0] =	vst.idx.msk $0xffff, v33  }
0x1f7: {  	v33 =	vld.idx.msk [tilespmem:v37+s13+$0x0], $0xffff;
	_ =	sdelay $0x4  }
0x1f8: {  	v33 =	vmul.f32 v33, v47;
	_ =	sdelay $0x1  }
0x1f9: {  	[tilespmem:v37+s18+$0x0] =	vst.idx.msk $0xffff, v33  }
0x1fa: {  	v33 =	vld.idx.msk [tilespmem:v41+s13+$0x0], $0xffff;
	_ =	sdelay $0x4  }
0x1fb: {  	v33 =	vmul.f32 v33, v47;
	_ =	sdelay $0x1  }
0x1fc: {  	[tilespmem:v41+s18+$0x0] =	vst.idx.msk $0xffff, v33  }
0x1fd: {  	v33 =	vld.idx.msk [tilespmem:v46+s13+$0x0], $0xffff;
	_ =	sdelay $0x4  }
0x1fe: {  	v33 =	vmul.f32 v33, v47;
	_ =	sdelay $0x1  }
0x1ff: {  	[tilespmem:v46+s18+$0x0] =	vst.idx.msk $0xffff, v33  }
0x200: {  	v33 =	vld.idx.msk [tilespmem:v54+s13+$0x0], $0xffff;
	_ =	sdelay $0x4  }
0x201: {  	v33 =	vmul.f32 v33, v47;
	_ =	sdelay $0x1  }
0x202: {  	[tilespmem:v54+s18+$0x0] =	vst.idx.msk $0xffff, v33  }
0x203: {  	v33 =	vld.idx.msk [tilespmem:v58+s13+$0x0], $0xffff;
	_ =	sdelay $0x4  }
0x204: {  	v33 =	vmul.f32 v33, v47;
	_ =	sdelay $0x1  }
0x205: {  	[tilespmem:v58+s18+$0x0] =	vst.idx.msk $0xffff, v33  }
0x206: {  	v33 =	vld.idx.msk [tilespmem:v56+s13+$0x0], $0xffff;
	_ =	sdelay $0x4  }
0x207: {  	v33 =	vmul.f32 v33, v47;
	_ =	sdelay $0x1  }
0x208: {  	[tilespmem:v56+s18+$0x0] =	vst.idx.msk $0xffff, v33  }
0x209: {  	v33 =	vld.idx.msk [tilespmem:v59+s13+$0x0], $0xffff;
	_ =	sdelay $0x4  }
0x20a: {  	v33 =	vmul.f32 v33, v47;
	_ =	sdelay $0x1  }
0x20b: {  	[tilespmem:v59+s18+$0x0] =	vst.idx.msk $0xffff, v33  }
0x20c: {  	v33 =	vld.idx.msk [tilespmem:v57+s13+$0x0], $0xffff;
	_ =	sdelay $0x4  }
0x20d: {  	v33 =	vmul.f32 v33, v47;
	_ =	sdelay $0x1  }
0x20e: {  	[tilespmem:v57+s18+$0x0] =	vst.idx.msk $0xffff, v33  }
0x20f: {  	v33 =	vld.idx.msk [tilespmem:v52+s13+$0x0], $0xffff;
	_ =	sdelay $0x4  }
0x210: {  	v33 =	vmul.f32 v33, v47;
	_ =	sdelay $0x1  }
0x211: {  	[tilespmem:v52+s18+$0x0] =	vst.idx.msk $0xffff, v33  }
0x212: {  	v33 =	vld.idx.msk [tilespmem:v53+s13+$0x0], $0xffff;
	_ =	sdelay $0x4  }
0x213: {  	v33 =	vmul.f32 v33, v47;
	_ =	sdelay $0x1  }
0x214: {  	[tilespmem:v53+s18+$0x0] =	vst.idx.msk $0xffff, v33  }
0x215: {  	v33 =	vld.idx.msk [tilespmem:v55+s13+$0x0], $0xffff;
	_ =	sdelay $0x2  }
0x216: {  	v29 =	vld [tilespmem:$0x1FE30]  }
0x217: {  	v30 =	vld [tilespmem:$0x1FE40]  }
0x218: {  	v5 =	vmov v16;
	v16 =	vld [tilespmem:$0x1FD80];
	v33 =	vmul.f32 v33, v47  }
0x219: {  	v15 =	vld [tilespmem:$0x1FD70]  }
0x21a: {  	v18 =	vld [tilespmem:$0x1FDA0];
	[tilespmem:v55+s18+$0x0] =	vst.idx.msk $0xffff, v33  }
0x21b: {  	v33 =	vld.idx.msk [tilespmem:v45+s13+$0x0], $0xffff  }
0x21c: {  	v19 =	vld [tilespmem:$0x1FDB0]  }
0x21d: {  	v24 =	vld [tilespmem:$0x1FDE0]  }
0x21e: {  	v22 =	vmov v17;
	v17 =	vld [tilespmem:$0x1FD90]  }
0x21f: {  	v20 =	vld [tilespmem:$0x1FDC0]  }
0x220: {  	v7 =	vld [tilespmem:$0x1FD50];
	v33 =	vmul.f32 v33, v47  }
0x221: {  	v8 =	vld [tilespmem:$0x1FD60]  }
0x222: {  	v26 =	vld [tilespmem:$0x1FE00];
	[tilespmem:v45+s18+$0x0] =	vst.idx.msk $0xffff, v33  }
0x223: {  	v35 =	vld.idx.msk [tilespmem:v48+s13+$0x0], $0xffff  }
0x224: {  	[tilespmem:$0x1FBF0] =	vst v0;
	v0 =	vmov v25;
	v25 =	vld [tilespmem:$0x1FDF0]  }
0x225: {  	v33 =	vor.u32 $0x30, v23;
	v23 =	vld [tilespmem:$0x1FDD0]  }
0x226: {  	v28 =	vld [tilespmem:$0x1FE20];
	v42 =	vsel vm0, v8, v7;
	v43 =	vsel vm0, v16, v15;
	v51 =	vor.u32 v33, v49  }
0x227: {  	v27 =	vld [tilespmem:$0x1FE10];
	v34 =	vcombine.low v43, v42  }
0x228: {  	v44 =	vsel vm0, v18, v17;
	v45 =	vsel vm0, v20, v19;
	v59 =	vmul.f32 v35, v47  }
0x229: {  	v52 =	vor.u32 v34, v49;
	v35 =	vcombine.low v45, v44  }
0x22a: {  	v46 =	vsel vm0, v24, v23;
	v47 =	vsel vm0, v26, v25;
	[tilespmem:v48+s18+$0x0] =	vst.idx.msk $0xffff, v59  }
0x22b: {  	v36 =	vcombine.low v47, v46;
	v53 =	vor.u32 v35, v49;
	v39 =	vld.idx.msk [tilespmem:v51+s2+$0x0], $0xffff  }
0x22c: {  	v54 =	vsel vm0, v30, v29;
	v48 =	vsel vm0, v28, v27;
	v40 =	vld.idx.msk [tilespmem:v51+s12+$0x0], $0xffff  }
0x22d: {  	v55 =	vor.u32 v36, v49;
	v37 =	vcombine.low v54, v48  }
0x22e: {  	v56 =	vsel vm0, v15, v8;
	v57 =	vsel vm0, v7, v16;
	v41 =	vld.idx.msk [tilespmem:v52+s2+$0x0], $0xffff  }
0x22f: {  	v21 =	vmovc v63;
	v8 =	vmov v61;
	v38 =	vcombine.low v57, v56;
	v58 =	vld.idx.msk [tilespmem:v52+s12+$0x0], $0xffff;
	v59 =	vor.u32 v37, v49  }
0x230: {  	v61 =	vsel vm0, v19, v18;
	v7 =	vmovc v60;
	v19 =	vmov v62;
	v62 =	vsel vm0, v17, v20;
	v60 =	vld.idx.msk [tilespmem:v53+s2+$0x0], $0xffff  }
0x231: {  	v16 =	vor.u32 v38, v49;
	v63 =	vld.idx.msk [tilespmem:v53+s12+$0x0], $0xffff;
	v40 =	vmul.f32 v40, v39;
	v39 =	vcombine.low v62, v61  }
0x232: {  	v20 =	vsel vm0, v25, v24;
	v23 =	vsel vm0, v23, v26;
	v17 =	vld.idx.msk [tilespmem:v55+s2+$0x0], $0xffff  }
0x233: {  	v25 =	vld.idx.msk [tilespmem:v55+s12+$0x0], $0xffff;
	v24 =	vadd.f32 $0.0e+00, v40;
	v15 =	vor.u32 v39, v49;
	v40 =	vcombine.low v23, v20  }
0x234: {  	v27 =	vsel vm0, v27, v30;
	v58 =	vmul.f32 v58, v41;
	v41 =	vsel vm0, v29, v28;
	v26 =	vld.idx.msk [tilespmem:v59+s2+$0x0], $0xffff  }
0x235: {  	v41 =	vcombine.low v27, v41;
	v27 =	vld.idx.msk [tilespmem:v59+s12+$0x0], $0xffff;
	v28 =	vor.u32 v40, v49  }
0x236: {  	v24 =	vadd.f32 v58, v24;
	v58 =	vmul.f32 v63, v60;
	v60 =	vld.idx.msk [tilespmem:v16+s2+$0x0], $0xffff  }
0x237: {  	v42 =	vcombine.low v42, v43;
	v29 =	vor.u32 v41, v49;
	v63 =	vld.idx.msk [tilespmem:v16+s12+$0x0], $0xffff  }
0x238: {  	v17 =	vmul.f32 v25, v17;
	v24 =	vadd.f32 v58, v24;
	v25 =	vld.idx.msk [tilespmem:v15+s2+$0x0], $0xffff  }
0x239: {  	v43 =	vcombine.low v44, v45;
	v30 =	vor.u32 v42, v49;
	v58 =	vld.idx.msk [tilespmem:v15+s12+$0x0], $0xffff  }
0x23a: {  	v17 =	vadd.f32 v17, v24;
	v24 =	vmul.f32 v27, v26;
	v26 =	vld.idx.msk [tilespmem:v28+s2+$0x0], $0xffff  }
0x23b: {  	v18 =	vor.u32 v43, v49;
	v44 =	vcombine.low v46, v47;
	v27 =	vld.idx.msk [tilespmem:v28+s12+$0x0], $0xffff  }
0x23c: {  	v45 =	vcombine.low v48, v54;
	v48 =	vld.idx.msk [tilespmem:v29+s12+$0x0], $0xffff;
	v17 =	vadd.f32 v24, v17;
	v24 =	vmul.f32 v63, v60  }
0x23d: {  	v54 =	vor.u32 v44, v49;
	v60 =	vld.idx.msk [tilespmem:v29+s2+$0x0], $0xffff  }
0x23e: {  	v46 =	vcombine.low v56, v57;
	v56 =	vld.idx.msk [tilespmem:v30+s12+$0x0], $0xffff;
	v17 =	vadd.f32 v24, v17;
	v24 =	vmul.f32 v58, v25  }
0x23f: {  	v57 =	vor.u32 v45, v49;
	v25 =	vld.idx.msk [tilespmem:v30+s2+$0x0], $0xffff  }
0x240: {  	v17 =	vadd.f32 v24, v17;
	v24 =	vmul.f32 v27, v26;
	v26 =	vld.idx.msk [tilespmem:v18+s2+$0x0], $0xffff  }
0x241: {  	v47 =	vcombine.low v61, v62;
	v58 =	vor.u32 v46, v49;
	v27 =	vld.idx.msk [tilespmem:v18+s12+$0x0], $0xffff  }
0x242: {  	v17 =	vadd.f32 v24, v17;
	v24 =	vmul.f32 v48, v60;
	v60 =	vld.idx.msk [tilespmem:v54+s2+$0x0], $0xffff  }
0x243: {  	v48 =	vcombine.low v20, v23;
	v20 =	vld.idx.msk [tilespmem:v54+s12+$0x0], $0xffff;
	v23 =	vor.u32 v47, v49  }
0x244: {  	v17 =	vadd.f32 v24, v17;
	v24 =	vmul.f32 v56, v25;
	v25 =	vld.idx.msk [tilespmem:v57+s2+$0x0], $0xffff  }
0x245: {  	v49 =	vor.u32 v48, v49;
	v56 =	vld.idx.msk [tilespmem:v57+s12+$0x0], $0xffff  }
0x246: {  	v17 =	vadd.f32 v24, v17;
	v24 =	vmul.f32 v27, v26;
	v26 =	vld.idx.msk [tilespmem:v58+s2+$0x0], $0xffff  }
0x247: {  	v27 =	vld.idx.msk [tilespmem:v58+s12+$0x0], $0xffff  }
0x248: {  	v20 =	vmul.f32 v20, v60;
	v60 =	vld.idx.msk [tilespmem:v23+s12+$0x0], $0xffff;
	v17 =	vadd.f32 v24, v17  }
0x249: {  	v24 =	vld.idx.msk [tilespmem:v23+s2+$0x0], $0xffff  }
0x24a: {  	v17 =	vadd.f32 v20, v17;
	v20 =	vmul.f32 v56, v25;
	v25 =	vld.idx.msk [tilespmem:v49+s2+$0x0], $0xffff  }
0x24b: {  	v56 =	vld.idx.msk [tilespmem:v49+s12+$0x0], $0xffff  }
0x24c: {  	v17 =	vadd.f32 v20, v17;
	v20 =	vmul.f32 v27, v26;
	_ =	sdelay $0x1  }
0x24d: {  	v17 =	vadd.f32 v20, v17;
	v20 =	vmul.f32 v60, v24;
	_ =	sdelay $0x1  }
0x24e: {  	v17 =	vadd.f32 v20, v17;
	v20 =	vmul.f32 v56, v25;
	_ =	sdelay $0x1  }
0x24f: {  	v17 =	vadd.f32 v20, v17;
	_ =	sdelay $0x1  }
0x250: {  	v17 =	vmul.f32 $1.442695020e+00, v17;
	_ =	sdelay $0x1  }
0x251: {  	(erf) = vpow2.f32 v17;
	_ =	sdelay $0x4  }
0x252: {  	v17 =	vor.u32 $0x3, v50;
	_ =	sdelay $0x3  }
0x253: {  	v20 =	vpop (erf)  }
0x254: {  	[tilespmem:v17+s7+$0x0] =	vst.idx.msk $0xffff, v20  }
0x255: {  	v17 =	vld.idx.msk [tilespmem:v51+s13+$0x0], $0xffff;
	_ =	sdelay $0x4  }
0x256: {  	v17 =	vmul.f32 v20, v17;
	_ =	sdelay $0x1  }
0x257: {  	[tilespmem:v51+s18+$0x0] =	vst.idx.msk $0xffff, v17  }
0x258: {  	v17 =	vld.idx.msk [tilespmem:v52+s13+$0x0], $0xffff;
	_ =	sdelay $0x4  }
0x259: {  	v17 =	vmul.f32 v17, v20;
	_ =	sdelay $0x1  }
0x25a: {  	[tilespmem:v52+s18+$0x0] =	vst.idx.msk $0xffff, v17  }
0x25b: {  	v17 =	vld.idx.msk [tilespmem:v53+s13+$0x0], $0xffff;
	_ =	sdelay $0x4  }
0x25c: {  	v17 =	vmul.f32 v17, v20;
	_ =	sdelay $0x1  }
0x25d: {  	[tilespmem:v53+s18+$0x0] =	vst.idx.msk $0xffff, v17  }
0x25e: {  	v17 =	vld.idx.msk [tilespmem:v55+s13+$0x0], $0xffff;
	_ =	sdelay $0x4  }
0x25f: {  	v17 =	vmul.f32 v17, v20;
	_ =	sdelay $0x1  }
0x260: {  	[tilespmem:v55+s18+$0x0] =	vst.idx.msk $0xffff, v17  }
0x261: {  	v17 =	vld.idx.msk [tilespmem:v59+s13+$0x0], $0xffff;
	_ =	sdelay $0x4  }
0x262: {  	v17 =	vmul.f32 v17, v20;
	_ =	sdelay $0x1  }
0x263: {  	[tilespmem:v59+s18+$0x0] =	vst.idx.msk $0xffff, v17  }
0x264: {  	v17 =	vld.idx.msk [tilespmem:v16+s13+$0x0], $0xffff;
	_ =	sdelay $0x4  }
0x265: {  	v17 =	vmul.f32 v17, v20;
	_ =	sdelay $0x1  }
0x266: {  	[tilespmem:v16+s18+$0x0] =	vst.idx.msk $0xffff, v17  }
0x267: {  	v16 =	vld.idx.msk [tilespmem:v15+s13+$0x0], $0xffff;
	_ =	sdelay $0x4  }
0x268: {  	v16 =	vmul.f32 v16, v20;
	_ =	sdelay $0x1  }
0x269: {  	[tilespmem:v15+s18+$0x0] =	vst.idx.msk $0xffff, v16  }
0x26a: {  	v15 =	vld.idx.msk [tilespmem:v28+s13+$0x0], $0xffff;
	_ =	sdelay $0x4  }
0x26b: {  	v15 =	vmul.f32 v15, v20;
	_ =	sdelay $0x1  }
0x26c: {  	[tilespmem:v28+s18+$0x0] =	vst.idx.msk $0xffff, v15  }
0x26d: {  	v15 =	vld.idx.msk [tilespmem:v29+s13+$0x0], $0xffff;
	_ =	sdelay $0x4  }
0x26e: {  	v15 =	vmul.f32 v15, v20;
	_ =	sdelay $0x1  }
0x26f: {  	[tilespmem:v29+s18+$0x0] =	vst.idx.msk $0xffff, v15  }
0x270: {  	v15 =	vld.idx.msk [tilespmem:v30+s13+$0x0], $0xffff;
	_ =	sdelay $0x4  }
0x271: {  	v15 =	vmul.f32 v15, v20;
	_ =	sdelay $0x1  }
0x272: {  	[tilespmem:v30+s18+$0x0] =	vst.idx.msk $0xffff, v15  }
0x273: {  	v15 =	vld.idx.msk [tilespmem:v18+s13+$0x0], $0xffff;
	_ =	sdelay $0x4  }
0x274: {  	v15 =	vmul.f32 v15, v20;
	_ =	sdelay $0x1  }
0x275: {  	[tilespmem:v18+s18+$0x0] =	vst.idx.msk $0xffff, v15  }
0x276: {  	v15 =	vld.idx.msk [tilespmem:v54+s13+$0x0], $0xffff;
	_ =	sdelay $0x4  }
0x277: {  	v15 =	vmul.f32 v15, v20;
	_ =	sdelay $0x1  }
0x278: {  	[tilespmem:v54+s18+$0x0] =	vst.idx.msk $0xffff, v15  }
0x279: {  	v15 =	vld.idx.msk [tilespmem:v57+s13+$0x0], $0xffff;
	_ =	sdelay $0x4  }
0x27a: {  	v15 =	vmul.f32 v15, v20;
	_ =	sdelay $0x1  }
0x27b: {  	[tilespmem:v57+s18+$0x0] =	vst.idx.msk $0xffff, v15  }
0x27c: {  	v15 =	vld.idx.msk [tilespmem:v58+s13+$0x0], $0xffff;
	_ =	sdelay $0x4  }
0x27d: {  	v15 =	vmul.f32 v15, v20;
	_ =	sdelay $0x1  }
0x27e: {  	[tilespmem:v58+s18+$0x0] =	vst.idx.msk $0xffff, v15  }
0x27f: {  	v15 =	vld.idx.msk [tilespmem:v23+s13+$0x0], $0xffff;
	_ =	sdelay $0x4  }
0x280: {  	v15 =	vmul.f32 v15, v20;
	_ =	sdelay $0x1  }
0x281: {  	[tilespmem:v23+s18+$0x0] =	vst.idx.msk $0xffff, v15  }
0x282: {  	v15 =	vld.idx.msk [tilespmem:v49+s13+$0x0], $0xffff;
	_ =	sdelay $0x1  }
0x283: {  	p1 =	sne.s32 s5, $0x40  }
.Ltmp1:
0x284: {  	_ = 	snop;
	(pc) =	sbr.rel @p1 .LBB2_6-.Ltmp1, $4  }
0x285: {  	_ = 	snop  }
0x286: {  	v61 =	vmovc v8;
	v62 =	vmov v19;
	v19 =	vld [tilespmem:$0x1FFD0];
	v63 =	vmov v21;
	v15 =	vmul.f32 v15, v20  }
0x287: {  	v21 =	vld [tilespmem:$0x1FFE0];
	v60 =	vmovc v7;
	v56 =	vmovc v3;
	v25 =	vmov v0;
	v53 =	vmov v1;
	v55 =	vmov v2  }
0x288: {  	s5 =	sadd.s32 $0x10, s5;
	v24 =	vld [tilespmem:$0x1FFF0];
	v59 =	vmovc v6;
	v17 =	vmovc v22;
	v16 =	vmov v5;
	v57 =	vmov v4;
	v23 =	vlaneseq.u32;
	[tilespmem:v49+s18+$0x0] =	vst.idx.msk $0xffff, v15  }
0x289: {  	s5 =	smul.u32 $0x280, s10;
	_ =	sdelay $0x1  }
0x28a: {  	s5 =	sshra.s32 s5, $0x2  }
0x28b: {  	s5 =	sadd.s32 s5, s31  }
0x28c: {  	[spmem:s0] =	stream.indirect.scatter.add.f32 [tilespmem:s18], [sflag:$0x3], $0x40, s5, s11, $0xb8;
	[tilespmem:$0x1B080] =	vst v63  }
0x28d: {  	p1 =	seq.s32 s10, $0x18  }
0x28e: {  	[spmem:s1] =	stream.indirect.scatter.add.f32 [tilespmem:s7], [sflag:$0x3], $0x10, s5, s11, $0xb8;
	[tilespmem:$0x1B080] =	vst v63  }
0x28f: {  	s4 =	sadd.s32 @!p1 s4, s9;
	s6 =	simm.s32 @!p1 $0x3E80;
	s5 =	simm.s32 @!p1 $0x50  }
0x290: {  	[tilespmem:s6], [sflag:$0x1] =	stream.indirect.gather @!p1 [hbm4b:s28+s5], $0x40, s4, s5, $0xb8;
	[tilespmem:$0x1B080] =	vst v63  }
0x291: {  	s26 =	simm.s32 @!p1 $0x6680;
	s6 =	sadd.s32 @!p1 $0x1F40, s4  }
0x292: {  	[tilespmem:s26], [sflag:$0x1] =	stream.indirect.gather @!p1 [hbm4b:s29+s5], $0x40, s6, s5, $0xb8;
	[tilespmem:$0x1B080] =	vst v63  }
0x293: {  	s6 =	simm.s32 @!p1 $0x8E80  }
0x294: {  	[tilespmem:s6], [sflag:$0x1] =	stream.indirect.gather @!p1 [hbm4b:s30+s5], $0x40, s4, s5, $0xb8;
	[tilespmem:$0x1B080] =	vst v63  }
0x295: {  	_ =	swait.ge [sflag:s19], $0x1400  }
0x296: {  	[sflag:s19] =	ssyncset.done $0x0  }
0x297: {  	[sflag:s19] =	ssyncadd.s32 $0xFFFFEC00  }
0x298: {  	_ =	swait.ge [sflag:s19], $0x1400  }
0x299: {  	[sflag:s19] =	ssyncset.done $0x0  }
0x29a: {  	[sflag:s19] =	ssyncadd.s32 $0xFFFFEC00  }
0x29b: {  	_ =	swait.ge [sflag:s19], $0x1400  }
0x29c: {  	[sflag:s19] =	ssyncset.done $0x0  }
0x29d: {  	s4 =	simm.s32 @!p0 $0x4;
	[sflag:s19] =	ssyncadd.s32 $0xFFFFEC00  }
0x29e: {  	_ =	swait.ge @!p0 [sflag:s4], $0x1400  }
0x29f: {  	[sflag:s4] =	ssyncset.done @!p0 $0x0  }
0x2a0: {  	[sflag:s4] =	ssyncadd.s32 @!p0 $0xFFFFEC00  }
0x2a1: {  	_ =	swait.ge @!p0 [sflag:s4], $0x500  }
0x2a2: {  	[sflag:s4] =	ssyncset.done @!p0 $0x0  }
0x2a3: {  	[sflag:s4] =	ssyncadd.s32 @!p0 $0xFFFFFB00;
	s4 =	simm.s32 $0x50  }
.LBB2_8:
0x2a4: {  	v15 =	vor.u32 s4, v23  }
0x2a5: {  	v49 =	vshll.u32 v15, $0x6  }
0x2a6: {  	v16 =	vor.u32 v23, v49;
	_ =	sdelay $0x1  }
0x2a7: {  	v17 =	vor.u32 v62, v49;
	_ =	sdelay $0x1  }
0x2a8: {  	v30 =	vld [tilespmem:$0x1FFF0];
	v18 =	vor.u32 v19, v49  }
0x2a9: {  	v20 =	vld.idx.msk [tilespmem:v16+s2+$0x0], $0xffff  }
0x2aa: {  	v24 =	vor.u32 v63, v49;
	v23 =	vld.idx.msk [tilespmem:v16+s12+$0x0], $0xffff  }
0x2ab: {  	v25 =	vld.idx.msk [tilespmem:v17+s2+$0x0], $0xffff  }
0x2ac: {  	v27 =	vor.u32 v21, v49;
	v26 =	vld.idx.msk [tilespmem:v17+s12+$0x0], $0xffff  }
0x2ad: {  	v28 =	vld.idx.msk [tilespmem:v18+s2+$0x0], $0xffff  }
0x2ae: {  	v30 =	vor.u32 v30, v49;
	v29 =	vld.idx.msk [tilespmem:v18+s12+$0x0], $0xffff  }
0x2af: {  	v50 =	vld.idx.msk [tilespmem:v24+s12+$0x0], $0xffff;
	v20 =	vmul.f32 v23, v20  }
0x2b0: {  	v51 =	vor.u32 v0, v49;
	v23 =	vld.idx.msk [tilespmem:v24+s2+$0x0], $0xffff  }
0x2b1: {  	v52 =	vld.idx.msk [tilespmem:v27+s12+$0x0], $0xffff;
	v25 =	vmul.f32 v26, v25;
	v20 =	vadd.f32 $0.0e+00, v20  }
0x2b2: {  	v53 =	vor.u32 v1, v49;
	v26 =	vld.idx.msk [tilespmem:v27+s2+$0x0], $0xffff  }
0x2b3: {  	v20 =	vadd.f32 v25, v20;
	v25 =	vmul.f32 v29, v28;
	v28 =	vld.idx.msk [tilespmem:v30+s2+$0x0], $0xffff  }
0x2b4: {  	v54 =	vor.u32 v22, v49;
	v29 =	vld.idx.msk [tilespmem:v30+s12+$0x0], $0xffff  }
0x2b5: {  	v60 =	vld.idx.msk [tilespmem:v51+s12+$0x0], $0xffff;
	v23 =	vmul.f32 v50, v23;
	v20 =	vadd.f32 v25, v20  }
0x2b6: {  	v55 =	vor.u32 v2, v49;
	v25 =	vld.idx.msk [tilespmem:v51+s2+$0x0], $0xffff  }
0x2b7: {  	v61 =	vld.idx.msk [tilespmem:v53+s12+$0x0], $0xffff;
	v20 =	vadd.f32 v23, v20;
	v23 =	vmul.f32 v52, v26  }
0x2b8: {  	v56 =	vor.u32 v3, v49;
	v26 =	vld.idx.msk [tilespmem:v53+s2+$0x0], $0xffff  }
0x2b9: {  	v20 =	vadd.f32 v23, v20;
	v23 =	vmul.f32 v29, v28;
	v28 =	vld.idx.msk [tilespmem:v54+s2+$0x0], $0xffff  }
0x2ba: {  	v57 =	vor.u32 v4, v49;
	v29 =	vld.idx.msk [tilespmem:v54+s12+$0x0], $0xffff  }
0x2bb: {  	v50 =	vld.idx.msk [tilespmem:v55+s12+$0x0], $0xffff;
	v20 =	vadd.f32 v23, v20;
	v23 =	vmul.f32 v60, v25  }
0x2bc: {  	v58 =	vor.u32 v5, v49;
	v25 =	vld.idx.msk [tilespmem:v55+s2+$0x0], $0xffff  }
0x2bd: {  	v52 =	vld.idx.msk [tilespmem:v56+s12+$0x0], $0xffff;
	v20 =	vadd.f32 v23, v20;
	v23 =	vmul.f32 v61, v26  }
0x2be: {  	v59 =	vor.u32 v6, v49;
	v26 =	vld.idx.msk [tilespmem:v56+s2+$0x0], $0xffff  }
0x2bf: {  	v20 =	vadd.f32 v23, v20;
	v23 =	vmul.f32 v29, v28;
	v28 =	vld.idx.msk [tilespmem:v57+s2+$0x0], $0xffff  }
0x2c0: {  	v60 =	vor.u32 v7, v49;
	v29 =	vld.idx.msk [tilespmem:v57+s12+$0x0], $0xffff  }
0x2c1: {  	v20 =	vadd.f32 v23, v20;
	v23 =	vmul.f32 v50, v25;
	v25 =	vld.idx.msk [tilespmem:v58+s2+$0x0], $0xffff  }
0x2c2: {  	v61 =	vor.u32 v8, v49;
	v50 =	vld.idx.msk [tilespmem:v58+s12+$0x0], $0xffff  }
0x2c3: {  	v20 =	vadd.f32 v23, v20;
	v23 =	vmul.f32 v52, v26;
	v26 =	vld.idx.msk [tilespmem:v59+s2+$0x0], $0xffff  }
0x2c4: {  	v52 =	vld.idx.msk [tilespmem:v59+s12+$0x0], $0xffff  }
0x2c5: {  	v20 =	vadd.f32 v23, v20;
	v23 =	vmul.f32 v29, v28;
	v28 =	vld.idx.msk [tilespmem:v60+s2+$0x0], $0xffff  }
0x2c6: {  	v29 =	vld.idx.msk [tilespmem:v60+s12+$0x0], $0xffff  }
0x2c7: {  	v20 =	vadd.f32 v23, v20;
	v23 =	vmul.f32 v50, v25;
	v25 =	vld.idx.msk [tilespmem:v61+s2+$0x0], $0xffff  }
0x2c8: {  	v50 =	vld.idx.msk [tilespmem:v61+s12+$0x0], $0xffff  }
0x2c9: {  	v20 =	vadd.f32 v23, v20;
	v23 =	vmul.f32 v52, v26;
	_ =	sdelay $0x1  }
0x2ca: {  	v20 =	vadd.f32 v23, v20;
	v23 =	vmul.f32 v29, v28;
	_ =	sdelay $0x1  }
0x2cb: {  	v20 =	vadd.f32 v23, v20;
	v23 =	vmul.f32 v50, v25;
	_ =	sdelay $0x1  }
0x2cc: {  	v20 =	vadd.f32 v23, v20;
	_ =	sdelay $0x1  }
0x2cd: {  	v20 =	vmul.f32 $1.442695020e+00, v20;
	_ =	sdelay $0x1  }
0x2ce: {  	(erf) = vpow2.f32 v20;
	_ =	sdelay $0x4  }
0x2cf: {  	v50 =	vshll.u32 v15, $0x4;
	_ =	sdelay $0x3  }
0x2d0: {  	v15 =	vpop (erf)  }
0x2d1: {  	[tilespmem:v50+s7+$0x0] =	vst.idx.msk $0xffff, v15  }
0x2d2: {  	v20 =	vld.idx.msk [tilespmem:v16+s13+$0x0], $0xffff;
	_ =	sdelay $0x4  }
0x2d3: {  	v20 =	vmul.f32 v15, v20;
	_ =	sdelay $0x1  }
0x2d4: {  	[tilespmem:v16+s18+$0x0] =	vst.idx.msk $0xffff, v20  }
0x2d5: {  	v16 =	vld.idx.msk [tilespmem:v17+s13+$0x0], $0xffff;
	_ =	sdelay $0x4  }
0x2d6: {  	v16 =	vmul.f32 v16, v15;
	_ =	sdelay $0x1  }
0x2d7: {  	[tilespmem:v17+s18+$0x0] =	vst.idx.msk $0xffff, v16  }
0x2d8: {  	v16 =	vld.idx.msk [tilespmem:v18+s13+$0x0], $0xffff;
	_ =	sdelay $0x4  }
0x2d9: {  	v16 =	vmul.f32 v16, v15;
	_ =	sdelay $0x1  }
0x2da: {  	[tilespmem:v18+s18+$0x0] =	vst.idx.msk $0xffff, v16  }
0x2db: {  	v16 =	vld.idx.msk [tilespmem:v24+s13+$0x0], $0xffff;
	_ =	sdelay $0x4  }
0x2dc: {  	v16 =	vmul.f32 v16, v15;
	_ =	sdelay $0x1  }
0x2dd: {  	[tilespmem:v24+s18+$0x0] =	vst.idx.msk $0xffff, v16  }
0x2de: {  	v16 =	vld.idx.msk [tilespmem:v27+s13+$0x0], $0xffff;
	_ =	sdelay $0x4  }
0x2df: {  	v16 =	vmul.f32 v16, v15;
	_ =	sdelay $0x1  }
0x2e0: {  	[tilespmem:v27+s18+$0x0] =	vst.idx.msk $0xffff, v16  }
0x2e1: {  	v16 =	vld.idx.msk [tilespmem:v30+s13+$0x0], $0xffff;
	_ =	sdelay $0x4  }
0x2e2: {  	v16 =	vmul.f32 v16, v15;
	_ =	sdelay $0x1  }
0x2e3: {  	[tilespmem:v30+s18+$0x0] =	vst.idx.msk $0xffff, v16  }
0x2e4: {  	v16 =	vld.idx.msk [tilespmem:v51+s13+$0x0], $0xffff;
	_ =	sdelay $0x4  }
0x2e5: {  	v16 =	vmul.f32 v16, v15;
	_ =	sdelay $0x1  }
0x2e6: {  	[tilespmem:v51+s18+$0x0] =	vst.idx.msk $0xffff, v16  }
0x2e7: {  	v16 =	vld.idx.msk [tilespmem:v53+s13+$0x0], $0xffff;
	_ =	sdelay $0x4  }
0x2e8: {  	v16 =	vmul.f32 v16, v15;
	_ =	sdelay $0x1  }
0x2e9: {  	[tilespmem:v53+s18+$0x0] =	vst.idx.msk $0xffff, v16  }
0x2ea: {  	v16 =	vld.idx.msk [tilespmem:v54+s13+$0x0], $0xffff;
	_ =	sdelay $0x4  }
0x2eb: {  	v16 =	vmul.f32 v16, v15;
	_ =	sdelay $0x1  }
0x2ec: {  	[tilespmem:v54+s18+$0x0] =	vst.idx.msk $0xffff, v16  }
0x2ed: {  	v16 =	vld.idx.msk [tilespmem:v55+s13+$0x0], $0xffff;
	_ =	sdelay $0x4  }
0x2ee: {  	v16 =	vmul.f32 v16, v15;
	_ =	sdelay $0x1  }
0x2ef: {  	[tilespmem:v55+s18+$0x0] =	vst.idx.msk $0xffff, v16  }
0x2f0: {  	v16 =	vld.idx.msk [tilespmem:v56+s13+$0x0], $0xffff;
	_ =	sdelay $0x4  }
0x2f1: {  	v16 =	vmul.f32 v16, v15;
	_ =	sdelay $0x1  }
0x2f2: {  	[tilespmem:v56+s18+$0x0] =	vst.idx.msk $0xffff, v16  }
0x2f3: {  	v16 =	vld.idx.msk [tilespmem:v57+s13+$0x0], $0xffff;
	_ =	sdelay $0x4  }
0x2f4: {  	v16 =	vmul.f32 v16, v15;
	_ =	sdelay $0x1  }
0x2f5: {  	[tilespmem:v57+s18+$0x0] =	vst.idx.msk $0xffff, v16  }
0x2f6: {  	v16 =	vld.idx.msk [tilespmem:v58+s13+$0x0], $0xffff;
	_ =	sdelay $0x4  }
0x2f7: {  	v16 =	vmul.f32 v16, v15;
	_ =	sdelay $0x1  }
0x2f8: {  	[tilespmem:v58+s18+$0x0] =	vst.idx.msk $0xffff, v16  }
0x2f9: {  	v16 =	vld.idx.msk [tilespmem:v59+s13+$0x0], $0xffff;
	_ =	sdelay $0x4  }
0x2fa: {  	v16 =	vmul.f32 v16, v15;
	_ =	sdelay $0x1  }
0x2fb: {  	[tilespmem:v59+s18+$0x0] =	vst.idx.msk $0xffff, v16  }
0x2fc: {  	v16 =	vld.idx.msk [tilespmem:v60+s13+$0x0], $0xffff;
	_ =	sdelay $0x4  }
0x2fd: {  	v16 =	vmul.f32 v16, v15;
	_ =	sdelay $0x1  }
0x2fe: {  	[tilespmem:v60+s18+$0x0] =	vst.idx.msk $0xffff, v16  }
0x2ff: {  	v16 =	vld.idx.msk [tilespmem:v61+s13+$0x0], $0xffff  }
0x300: {  	v26 =	vld [tilespmem:$0x1FF90]  }
0x301: {  	v17 =	vld [tilespmem:$0x1FF60]  }
0x302: {  	v29 =	vld [tilespmem:$0x1FFC0]  }
0x303: {  	v23 =	vld [tilespmem:$0x1FF10]  }
0x304: {  	v15 =	vmul.f32 v16, v15;
	v16 =	vld [tilespmem:$0x1FE70]  }
0x305: {  	v60 =	vld [tilespmem:$0x1FB00]  }
0x306: {  	v17 =	vor.u32 v17, v49;
	[tilespmem:v61+s18+$0x0] =	vst.idx.msk $0xffff, v15;
	v15 =	vld [tilespmem:$0x1FEA0]  }
0x307: {  	v57 =	vld [tilespmem:$0x1FB10]  }
0x308: {  	v23 =	vor.u32 v23, v49;
	v58 =	vld [tilespmem:$0x1FB20]  }
0x309: {  	v59 =	vld [tilespmem:$0x1FB30];
	v16 =	vor.u32 v16, v49  }
0x30a: {  	v51 =	vor.u32 v60, v49;
	v60 =	vld [tilespmem:$0x1FB40]  }
0x30b: {  	v18 =	vld.idx.msk [tilespmem:v17+s2+$0x0], $0xffff;
	v15 =	vor.u32 v15, v49  }
0x30c: {  	v20 =	vld.idx.msk [tilespmem:v17+s12+$0x0], $0xffff  }
0x30d: {  	v30 =	vld.idx.msk [tilespmem:v23+s12+$0x0], $0xffff  }
0x30e: {  	v24 =	vld.idx.msk [tilespmem:v16+s2+$0x0], $0xffff  }
0x30f: {  	v26 =	vor.u32 v26, v49;
	v25 =	vld.idx.msk [tilespmem:v16+s12+$0x0], $0xffff  }
0x310: {  	v27 =	vld.idx.msk [tilespmem:v15+s2+$0x0], $0xffff  }
0x311: {  	v53 =	vor.u32 v57, v49;
	v28 =	vld.idx.msk [tilespmem:v15+s12+$0x0], $0xffff  }
0x312: {  	v56 =	vor.u32 v60, v49;
	v60 =	vld [tilespmem:$0x1FB60];
	v18 =	vmul.f32 v20, v18  }
0x313: {  	v29 =	vor.u32 v29, v49;
	v20 =	vld.idx.msk [tilespmem:v23+s2+$0x0], $0xffff  }
0x314: {  	v61 =	vld.idx.msk [tilespmem:v26+s12+$0x0], $0xffff;
	v18 =	vadd.f32 $0.0e+00, v18;
	v24 =	vmul.f32 v25, v24  }
0x315: {  	v25 =	vld.idx.msk [tilespmem:v26+s2+$0x0], $0xffff  }
0x316: {  	v52 =	vld.idx.msk [tilespmem:v53+s12+$0x0], $0xffff;
	v18 =	vadd.f32 v24, v18;
	v24 =	vmul.f32 v28, v27  }
0x317: {  	v54 =	vor.u32 v58, v49;
	v58 =	vor.u32 v60, v49;
	v60 =	vld [tilespmem:$0x1FB80]  }
0x318: {  	v20 =	vmul.f32 v30, v20;
	v27 =	vld.idx.msk [tilespmem:v29+s2+$0x0], $0xffff;
	v18 =	vadd.f32 v24, v18  }
0x319: {  	v28 =	vld.idx.msk [tilespmem:v29+s12+$0x0], $0xffff  }
0x31a: {  	v18 =	vadd.f32 v20, v18;
	v20 =	vmul.f32 v61, v25;
	v61 =	vld [tilespmem:$0x1FB50]  }
0x31b: {  	v30 =	vld.idx.msk [tilespmem:v51+s12+$0x0], $0xffff  }
0x31c: {  	v55 =	vor.u32 v59, v49;
	v24 =	vld.idx.msk [tilespmem:v51+s2+$0x0], $0xffff  }
0x31d: {  	v25 =	vld.idx.msk [tilespmem:v53+s2+$0x0], $0xffff  }
0x31e: {  	v18 =	vadd.f32 v20, v18;
	v20 =	vmul.f32 v28, v27;
	v27 =	vld.idx.msk [tilespmem:v54+s2+$0x0], $0xffff  }
0x31f: {  	v57 =	vor.u32 v61, v49;
	v61 =	vld [tilespmem:$0x1FB70]  }
0x320: {  	v28 =	vld.idx.msk [tilespmem:v54+s12+$0x0], $0xffff  }
0x321: {  	v18 =	vadd.f32 v20, v18;
	v20 =	vmul.f32 v30, v24;
	v24 =	vld.idx.msk [tilespmem:v55+s2+$0x0], $0xffff  }
0x322: {  	v30 =	vld.idx.msk [tilespmem:v55+s12+$0x0], $0xffff  }
0x323: {  	v18 =	vadd.f32 v20, v18;
	v20 =	vmul.f32 v52, v25;
	v25 =	vld.idx.msk [tilespmem:v56+s2+$0x0], $0xffff  }
0x324: {  	v59 =	vor.u32 v61, v49;
	v61 =	vld [tilespmem:$0x1FB90]  }
0x325: {  	v52 =	vld.idx.msk [tilespmem:v56+s12+$0x0], $0xffff  }
0x326: {  	v18 =	vadd.f32 v20, v18;
	v20 =	vmul.f32 v28, v27;
	v27 =	vld.idx.msk [tilespmem:v57+s2+$0x0], $0xffff  }
0x327: {  	v60 =	vor.u32 v60, v49;
	v28 =	vld.idx.msk [tilespmem:v57+s12+$0x0], $0xffff  }
0x328: {  	v18 =	vadd.f32 v20, v18;
	v20 =	vmul.f32 v30, v24;
	v24 =	vld.idx.msk [tilespmem:v58+s2+$0x0], $0xffff  }
0x329: {  	v30 =	vld.idx.msk [tilespmem:v58+s12+$0x0], $0xffff;
	v61 =	vor.u32 v61, v49  }
0x32a: {  	v18 =	vadd.f32 v20, v18;
	v20 =	vmul.f32 v52, v25;
	v25 =	vld.idx.msk [tilespmem:v59+s2+$0x0], $0xffff  }
0x32b: {  	v52 =	vld.idx.msk [tilespmem:v59+s12+$0x0], $0xffff  }
0x32c: {  	v18 =	vadd.f32 v20, v18;
	v20 =	vmul.f32 v28, v27;
	v27 =	vld.idx.msk [tilespmem:v60+s2+$0x0], $0xffff  }
0x32d: {  	v28 =	vld.idx.msk [tilespmem:v60+s12+$0x0], $0xffff  }
0x32e: {  	v18 =	vadd.f32 v20, v18;
	v20 =	vmul.f32 v30, v24;
	v24 =	vld.idx.msk [tilespmem:v61+s2+$0x0], $0xffff  }
0x32f: {  	v30 =	vld.idx.msk [tilespmem:v61+s12+$0x0], $0xffff  }
0x330: {  	v18 =	vadd.f32 v20, v18;
	v20 =	vmul.f32 v52, v25;
	_ =	sdelay $0x1  }
0x331: {  	v18 =	vadd.f32 v20, v18;
	v20 =	vmul.f32 v28, v27;
	_ =	sdelay $0x1  }
0x332: {  	v18 =	vadd.f32 v20, v18;
	v20 =	vmul.f32 v30, v24;
	_ =	sdelay $0x1  }
0x333: {  	v18 =	vadd.f32 v20, v18;
	_ =	sdelay $0x1  }
0x334: {  	v18 =	vmul.f32 $1.442695020e+00, v18;
	_ =	sdelay $0x1  }
0x335: {  	(erf) = vpow2.f32 v18;
	_ =	sdelay $0x4  }
0x336: {  	v18 =	vor.u32 $0x1, v50;
	_ =	sdelay $0x3  }
0x337: {  	v20 =	vpop (erf)  }
0x338: {  	[tilespmem:v18+s7+$0x0] =	vst.idx.msk $0xffff, v20  }
0x339: {  	v18 =	vld.idx.msk [tilespmem:v17+s13+$0x0], $0xffff;
	_ =	sdelay $0x4  }
0x33a: {  	v18 =	vmul.f32 v20, v18;
	_ =	sdelay $0x1  }
0x33b: {  	[tilespmem:v17+s18+$0x0] =	vst.idx.msk $0xffff, v18  }
0x33c: {  	v17 =	vld.idx.msk [tilespmem:v16+s13+$0x0], $0xffff;
	_ =	sdelay $0x4  }
0x33d: {  	v17 =	vmul.f32 v17, v20;
	_ =	sdelay $0x1  }
0x33e: {  	[tilespmem:v16+s18+$0x0] =	vst.idx.msk $0xffff, v17  }
0x33f: {  	v16 =	vld.idx.msk [tilespmem:v15+s13+$0x0], $0xffff;
	_ =	sdelay $0x4  }
0x340: {  	v16 =	vmul.f32 v16, v20;
	_ =	sdelay $0x1  }
0x341: {  	[tilespmem:v15+s18+$0x0] =	vst.idx.msk $0xffff, v16  }
0x342: {  	v15 =	vld.idx.msk [tilespmem:v23+s13+$0x0], $0xffff;
	_ =	sdelay $0x4  }
0x343: {  	v15 =	vmul.f32 v15, v20;
	_ =	sdelay $0x1  }
0x344: {  	[tilespmem:v23+s18+$0x0] =	vst.idx.msk $0xffff, v15  }
0x345: {  	v15 =	vld.idx.msk [tilespmem:v26+s13+$0x0], $0xffff;
	_ =	sdelay $0x4  }
0x346: {  	v15 =	vmul.f32 v15, v20;
	_ =	sdelay $0x1  }
0x347: {  	[tilespmem:v26+s18+$0x0] =	vst.idx.msk $0xffff, v15  }
0x348: {  	v15 =	vld.idx.msk [tilespmem:v29+s13+$0x0], $0xffff;
	_ =	sdelay $0x4  }
0x349: {  	v15 =	vmul.f32 v15, v20;
	_ =	sdelay $0x1  }
0x34a: {  	[tilespmem:v29+s18+$0x0] =	vst.idx.msk $0xffff, v15  }
0x34b: {  	v15 =	vld.idx.msk [tilespmem:v51+s13+$0x0], $0xffff;
	_ =	sdelay $0x4  }
0x34c: {  	v15 =	vmul.f32 v15, v20;
	_ =	sdelay $0x1  }
0x34d: {  	[tilespmem:v51+s18+$0x0] =	vst.idx.msk $0xffff, v15  }
0x34e: {  	v15 =	vld.idx.msk [tilespmem:v53+s13+$0x0], $0xffff;
	_ =	sdelay $0x4  }
0x34f: {  	v15 =	vmul.f32 v15, v20;
	_ =	sdelay $0x1  }
0x350: {  	[tilespmem:v53+s18+$0x0] =	vst.idx.msk $0xffff, v15  }
0x351: {  	v15 =	vld.idx.msk [tilespmem:v54+s13+$0x0], $0xffff;
	_ =	sdelay $0x4  }
0x352: {  	v15 =	vmul.f32 v15, v20;
	_ =	sdelay $0x1  }
0x353: {  	[tilespmem:v54+s18+$0x0] =	vst.idx.msk $0xffff, v15  }
0x354: {  	v15 =	vld.idx.msk [tilespmem:v55+s13+$0x0], $0xffff;
	_ =	sdelay $0x4  }
0x355: {  	v15 =	vmul.f32 v15, v20;
	_ =	sdelay $0x1  }
0x356: {  	[tilespmem:v55+s18+$0x0] =	vst.idx.msk $0xffff, v15  }
0x357: {  	v15 =	vld.idx.msk [tilespmem:v56+s13+$0x0], $0xffff;
	_ =	sdelay $0x4  }
0x358: {  	v15 =	vmul.f32 v15, v20;
	_ =	sdelay $0x1  }
0x359: {  	[tilespmem:v56+s18+$0x0] =	vst.idx.msk $0xffff, v15  }
0x35a: {  	v15 =	vld.idx.msk [tilespmem:v57+s13+$0x0], $0xffff;
	_ =	sdelay $0x4  }
0x35b: {  	v15 =	vmul.f32 v15, v20;
	_ =	sdelay $0x1  }
0x35c: {  	[tilespmem:v57+s18+$0x0] =	vst.idx.msk $0xffff, v15  }
0x35d: {  	v15 =	vld.idx.msk [tilespmem:v58+s13+$0x0], $0xffff;
	_ =	sdelay $0x4  }
0x35e: {  	v15 =	vmul.f32 v15, v20;
	_ =	sdelay $0x1  }
0x35f: {  	[tilespmem:v58+s18+$0x0] =	vst.idx.msk $0xffff, v15  }
0x360: {  	v15 =	vld.idx.msk [tilespmem:v59+s13+$0x0], $0xffff;
	_ =	sdelay $0x4  }
0x361: {  	v15 =	vmul.f32 v15, v20;
	_ =	sdelay $0x1  }
0x362: {  	[tilespmem:v59+s18+$0x0] =	vst.idx.msk $0xffff, v15  }
0x363: {  	v15 =	vld.idx.msk [tilespmem:v60+s13+$0x0], $0xffff;
	_ =	sdelay $0x4  }
0x364: {  	v15 =	vmul.f32 v15, v20;
	_ =	sdelay $0x1  }
0x365: {  	[tilespmem:v60+s18+$0x0] =	vst.idx.msk $0xffff, v15  }
0x366: {  	v15 =	vld.idx.msk [tilespmem:v61+s13+$0x0], $0xffff;
	_ =	sdelay $0x2  }
0x367: {  	v16 =	vld [tilespmem:$0x1FBA0];
	_ =	sdelay $0x1  }
0x368: {  	v17 =	vld [tilespmem:$0x1FBB0];
	v15 =	vmul.f32 v15, v20;
	_ =	sdelay $0x1  }
0x369: {  	[tilespmem:v61+s18+$0x0] =	vst.idx.msk $0xffff, v15;
	v15 =	vld [tilespmem:$0x1FBC0]  }
0x36a: {  	v16 =	vor.u32 v16, v49;
	v23 =	vld [tilespmem:$0x1FBD0]  }
0x36b: {  	v26 =	vld [tilespmem:$0x1FBE0]  }
0x36c: {  	v17 =	vor.u32 v17, v49;
	v29 =	vld [tilespmem:$0x1FBF0]  }
0x36d: {  	v58 =	vld [tilespmem:$0x1FC00]  }
0x36e: {  	v60 =	vld [tilespmem:$0x1FC10];
	v15 =	vor.u32 v15, v49  }
0x36f: {  	v18 =	vld.idx.msk [tilespmem:v16+s2+$0x0], $0xffff  }
0x370: {  	v23 =	vor.u32 v23, v49;
	v20 =	vld.idx.msk [tilespmem:v16+s12+$0x0], $0xffff  }
0x371: {  	v24 =	vld.idx.msk [tilespmem:v17+s2+$0x0], $0xffff  }
0x372: {  	v26 =	vor.u32 v26, v49;
	v25 =	vld.idx.msk [tilespmem:v17+s12+$0x0], $0xffff  }
0x373: {  	v27 =	vld.idx.msk [tilespmem:v15+s2+$0x0], $0xffff  }
0x374: {  	v29 =	vor.u32 v29, v49;
	v28 =	vld.idx.msk [tilespmem:v15+s12+$0x0], $0xffff  }
0x375: {  	v30 =	vld.idx.msk [tilespmem:v23+s12+$0x0], $0xffff;
	v18 =	vmul.f32 v20, v18  }
0x376: {  	v51 =	vor.u32 v58, v49;
	v20 =	vld.idx.msk [tilespmem:v23+s2+$0x0], $0xffff  }
0x377: {  	v59 =	vld.idx.msk [tilespmem:v26+s12+$0x0], $0xffff;
	v24 =	vmul.f32 v25, v24;
	v18 =	vadd.f32 $0.0e+00, v18  }
0x378: {  	v53 =	vor.u32 v60, v49;
	v25 =	vld.idx.msk [tilespmem:v26+s2+$0x0], $0xffff  }
0x379: {  	v18 =	vadd.f32 v24, v18;
	v24 =	vmul.f32 v28, v27;
	v27 =	vld.idx.msk [tilespmem:v29+s2+$0x0], $0xffff  }
0x37a: {  	v54 =	vor.u32 v9, v49;
	v28 =	vld.idx.msk [tilespmem:v29+s12+$0x0], $0xffff  }
0x37b: {  	v20 =	vmul.f32 v30, v20;
	v30 =	vld.idx.msk [tilespmem:v51+s12+$0x0], $0xffff;
	v18 =	vadd.f32 v24, v18  }
0x37c: {  	v55 =	vor.u32 v10, v49;
	v24 =	vld.idx.msk [tilespmem:v51+s2+$0x0], $0xffff  }
0x37d: {  	v61 =	vld.idx.msk [tilespmem:v53+s12+$0x0], $0xffff;
	v18 =	vadd.f32 v20, v18;
	v20 =	vmul.f32 v59, v25  }
0x37e: {  	v56 =	vor.u32 v11, v49;
	v25 =	vld.idx.msk [tilespmem:v53+s2+$0x0], $0xffff  }
0x37f: {  	v18 =	vadd.f32 v20, v18;
	v20 =	vmul.f32 v28, v27;
	v27 =	vld.idx.msk [tilespmem:v54+s2+$0x0], $0xffff  }
0x380: {  	v57 =	vor.u32 v12, v49;
	v28 =	vld.idx.msk [tilespmem:v54+s12+$0x0], $0xffff  }
0x381: {  	v18 =	vadd.f32 v20, v18;
	v20 =	vmul.f32 v30, v24;
	v24 =	vld.idx.msk [tilespmem:v55+s2+$0x0], $0xffff  }
0x382: {  	v58 =	vor.u32 v13, v49;
	v30 =	vld.idx.msk [tilespmem:v55+s12+$0x0], $0xffff  }
0x383: {  	v52 =	vld.idx.msk [tilespmem:v56+s12+$0x0], $0xffff;
	v18 =	vadd.f32 v20, v18;
	v20 =	vmul.f32 v61, v25  }
0x384: {  	v59 =	vor.u32 v14, v49;
	v25 =	vld.idx.msk [tilespmem:v56+s2+$0x0], $0xffff  }
0x385: {  	v18 =	vadd.f32 v20, v18;
	v20 =	vmul.f32 v28, v27;
	v27 =	vld.idx.msk [tilespmem:v57+s2+$0x0], $0xffff  }
0x386: {  	v60 =	vor.u32 v31, v49;
	v28 =	vld.idx.msk [tilespmem:v57+s12+$0x0], $0xffff  }
0x387: {  	v18 =	vadd.f32 v20, v18;
	v20 =	vmul.f32 v30, v24;
	v24 =	vld.idx.msk [tilespmem:v58+s2+$0x0], $0xffff  }
0x388: {  	v61 =	vor.u32 v32, v49;
	v30 =	vld.idx.msk [tilespmem:v58+s12+$0x0], $0xffff  }
0x389: {  	v18 =	vadd.f32 v20, v18;
	v20 =	vmul.f32 v52, v25;
	v25 =	vld.idx.msk [tilespmem:v59+s2+$0x0], $0xffff  }
0x38a: {  	v52 =	vld.idx.msk [tilespmem:v59+s12+$0x0], $0xffff  }
0x38b: {  	v18 =	vadd.f32 v20, v18;
	v20 =	vmul.f32 v28, v27;
	v27 =	vld.idx.msk [tilespmem:v60+s2+$0x0], $0xffff  }
0x38c: {  	v28 =	vld.idx.msk [tilespmem:v60+s12+$0x0], $0xffff  }
0x38d: {  	v18 =	vadd.f32 v20, v18;
	v20 =	vmul.f32 v30, v24;
	v24 =	vld.idx.msk [tilespmem:v61+s2+$0x0], $0xffff  }
0x38e: {  	v30 =	vld.idx.msk [tilespmem:v61+s12+$0x0], $0xffff  }
0x38f: {  	v18 =	vadd.f32 v20, v18;
	v20 =	vmul.f32 v52, v25;
	_ =	sdelay $0x1  }
0x390: {  	v18 =	vadd.f32 v20, v18;
	v20 =	vmul.f32 v28, v27;
	_ =	sdelay $0x1  }
0x391: {  	v18 =	vadd.f32 v20, v18;
	v20 =	vmul.f32 v30, v24;
	_ =	sdelay $0x1  }
0x392: {  	v18 =	vadd.f32 v20, v18;
	_ =	sdelay $0x1  }
0x393: {  	v18 =	vmul.f32 $1.442695020e+00, v18;
	_ =	sdelay $0x1  }
0x394: {  	(erf) = vpow2.f32 v18;
	_ =	sdelay $0x4  }
0x395: {  	v18 =	vor.u32 $0x2, v50;
	_ =	sdelay $0x3  }
0x396: {  	v20 =	vpop (erf)  }
0x397: {  	[tilespmem:v18+s7+$0x0] =	vst.idx.msk $0xffff, v20  }
0x398: {  	v18 =	vld.idx.msk [tilespmem:v16+s13+$0x0], $0xffff;
	_ =	sdelay $0x4  }
0x399: {  	v18 =	vmul.f32 v20, v18;
	_ =	sdelay $0x1  }
0x39a: {  	[tilespmem:v16+s18+$0x0] =	vst.idx.msk $0xffff, v18  }
0x39b: {  	v16 =	vld.idx.msk [tilespmem:v17+s13+$0x0], $0xffff;
	_ =	sdelay $0x4  }
0x39c: {  	v16 =	vmul.f32 v16, v20;
	_ =	sdelay $0x1  }
0x39d: {  	[tilespmem:v17+s18+$0x0] =	vst.idx.msk $0xffff, v16  }
0x39e: {  	v16 =	vld.idx.msk [tilespmem:v15+s13+$0x0], $0xffff;
	_ =	sdelay $0x4  }
0x39f: {  	v16 =	vmul.f32 v16, v20;
	_ =	sdelay $0x1  }
0x3a0: {  	[tilespmem:v15+s18+$0x0] =	vst.idx.msk $0xffff, v16  }
0x3a1: {  	v15 =	vld.idx.msk [tilespmem:v23+s13+$0x0], $0xffff;
	_ =	sdelay $0x4  }
0x3a2: {  	v15 =	vmul.f32 v15, v20;
	_ =	sdelay $0x1  }
0x3a3: {  	[tilespmem:v23+s18+$0x0] =	vst.idx.msk $0xffff, v15  }
0x3a4: {  	v15 =	vld.idx.msk [tilespmem:v26+s13+$0x0], $0xffff;
	_ =	sdelay $0x4  }
0x3a5: {  	v15 =	vmul.f32 v15, v20;
	_ =	sdelay $0x1  }
0x3a6: {  	[tilespmem:v26+s18+$0x0] =	vst.idx.msk $0xffff, v15  }
0x3a7: {  	v15 =	vld.idx.msk [tilespmem:v29+s13+$0x0], $0xffff;
	_ =	sdelay $0x4  }
0x3a8: {  	v15 =	vmul.f32 v15, v20;
	_ =	sdelay $0x1  }
0x3a9: {  	[tilespmem:v29+s18+$0x0] =	vst.idx.msk $0xffff, v15  }
0x3aa: {  	v15 =	vld.idx.msk [tilespmem:v51+s13+$0x0], $0xffff;
	_ =	sdelay $0x4  }
0x3ab: {  	v15 =	vmul.f32 v15, v20;
	_ =	sdelay $0x1  }
0x3ac: {  	[tilespmem:v51+s18+$0x0] =	vst.idx.msk $0xffff, v15  }
0x3ad: {  	v15 =	vld.idx.msk [tilespmem:v53+s13+$0x0], $0xffff;
	_ =	sdelay $0x4  }
0x3ae: {  	v15 =	vmul.f32 v15, v20;
	_ =	sdelay $0x1  }
0x3af: {  	[tilespmem:v53+s18+$0x0] =	vst.idx.msk $0xffff, v15  }
0x3b0: {  	v15 =	vld.idx.msk [tilespmem:v54+s13+$0x0], $0xffff;
	_ =	sdelay $0x4  }
0x3b1: {  	v15 =	vmul.f32 v15, v20;
	_ =	sdelay $0x1  }
0x3b2: {  	[tilespmem:v54+s18+$0x0] =	vst.idx.msk $0xffff, v15  }
0x3b3: {  	v15 =	vld.idx.msk [tilespmem:v55+s13+$0x0], $0xffff;
	_ =	sdelay $0x4  }
0x3b4: {  	v15 =	vmul.f32 v15, v20;
	_ =	sdelay $0x1  }
0x3b5: {  	[tilespmem:v55+s18+$0x0] =	vst.idx.msk $0xffff, v15  }
0x3b6: {  	v15 =	vld.idx.msk [tilespmem:v56+s13+$0x0], $0xffff;
	_ =	sdelay $0x4  }
0x3b7: {  	v15 =	vmul.f32 v15, v20;
	_ =	sdelay $0x1  }
0x3b8: {  	[tilespmem:v56+s18+$0x0] =	vst.idx.msk $0xffff, v15  }
0x3b9: {  	v15 =	vld.idx.msk [tilespmem:v57+s13+$0x0], $0xffff;
	_ =	sdelay $0x4  }
0x3ba: {  	v15 =	vmul.f32 v15, v20;
	_ =	sdelay $0x1  }
0x3bb: {  	[tilespmem:v57+s18+$0x0] =	vst.idx.msk $0xffff, v15  }
0x3bc: {  	v15 =	vld.idx.msk [tilespmem:v58+s13+$0x0], $0xffff;
	_ =	sdelay $0x4  }
0x3bd: {  	v15 =	vmul.f32 v15, v20;
	_ =	sdelay $0x1  }
0x3be: {  	[tilespmem:v58+s18+$0x0] =	vst.idx.msk $0xffff, v15  }
0x3bf: {  	v15 =	vld.idx.msk [tilespmem:v59+s13+$0x0], $0xffff;
	_ =	sdelay $0x4  }
0x3c0: {  	v15 =	vmul.f32 v15, v20;
	_ =	sdelay $0x1  }
0x3c1: {  	[tilespmem:v59+s18+$0x0] =	vst.idx.msk $0xffff, v15  }
0x3c2: {  	v15 =	vld.idx.msk [tilespmem:v60+s13+$0x0], $0xffff;
	_ =	sdelay $0x4  }
0x3c3: {  	v15 =	vmul.f32 v15, v20;
	_ =	sdelay $0x1  }
0x3c4: {  	[tilespmem:v60+s18+$0x0] =	vst.idx.msk $0xffff, v15  }
0x3c5: {  	v15 =	vld.idx.msk [tilespmem:v61+s13+$0x0], $0xffff;
	_ =	sdelay $0x2  }
0x3c6: {  	v16 =	vor.u32 v33, v49;
	_ =	sdelay $0x1  }
0x3c7: {  	v17 =	vor.u32 v34, v49;
	v15 =	vmul.f32 v15, v20;
	_ =	sdelay $0x1  }
0x3c8: {  	[tilespmem:v61+s18+$0x0] =	vst.idx.msk $0xffff, v15;
	v15 =	vor.u32 v35, v49  }
0x3c9: {  	v18 =	vld.idx.msk [tilespmem:v16+s2+$0x0], $0xffff  }
0x3ca: {  	v23 =	vor.u32 v36, v49;
	v20 =	vld.idx.msk [tilespmem:v16+s12+$0x0], $0xffff  }
0x3cb: {  	v24 =	vld.idx.msk [tilespmem:v17+s2+$0x0], $0xffff  }
0x3cc: {  	v26 =	vor.u32 v37, v49;
	v25 =	vld.idx.msk [tilespmem:v17+s12+$0x0], $0xffff  }
0x3cd: {  	v27 =	vld.idx.msk [tilespmem:v15+s2+$0x0], $0xffff  }
0x3ce: {  	v29 =	vor.u32 v38, v49;
	v28 =	vld.idx.msk [tilespmem:v15+s12+$0x0], $0xffff  }
0x3cf: {  	v30 =	vld.idx.msk [tilespmem:v23+s12+$0x0], $0xffff;
	v18 =	vmul.f32 v20, v18  }
0x3d0: {  	v51 =	vor.u32 v39, v49;
	v20 =	vld.idx.msk [tilespmem:v23+s2+$0x0], $0xffff  }
0x3d1: {  	v59 =	vld.idx.msk [tilespmem:v26+s12+$0x0], $0xffff;
	v24 =	vmul.f32 v25, v24;
	v18 =	vadd.f32 $0.0e+00, v18  }
0x3d2: {  	v53 =	vor.u32 v40, v49;
	v25 =	vld.idx.msk [tilespmem:v26+s2+$0x0], $0xffff  }
0x3d3: {  	v18 =	vadd.f32 v24, v18;
	v24 =	vmul.f32 v28, v27;
	v27 =	vld.idx.msk [tilespmem:v29+s2+$0x0], $0xffff  }
0x3d4: {  	v54 =	vor.u32 v41, v49;
	v28 =	vld.idx.msk [tilespmem:v29+s12+$0x0], $0xffff  }
0x3d5: {  	v20 =	vmul.f32 v30, v20;
	v30 =	vld.idx.msk [tilespmem:v51+s12+$0x0], $0xffff;
	v18 =	vadd.f32 v24, v18  }
0x3d6: {  	v55 =	vor.u32 v42, v49;
	v24 =	vld.idx.msk [tilespmem:v51+s2+$0x0], $0xffff  }
0x3d7: {  	v60 =	vld.idx.msk [tilespmem:v53+s12+$0x0], $0xffff;
	v18 =	vadd.f32 v20, v18;
	v20 =	vmul.f32 v59, v25  }
0x3d8: {  	v56 =	vor.u32 v43, v49;
	v25 =	vld.idx.msk [tilespmem:v53+s2+$0x0], $0xffff  }
0x3d9: {  	v18 =	vadd.f32 v20, v18;
	v20 =	vmul.f32 v28, v27;
	v27 =	vld.idx.msk [tilespmem:v54+s2+$0x0], $0xffff  }
0x3da: {  	v57 =	vor.u32 v44, v49;
	v28 =	vld.idx.msk [tilespmem:v54+s12+$0x0], $0xffff  }
0x3db: {  	v18 =	vadd.f32 v20, v18;
	v20 =	vmul.f32 v30, v24;
	v24 =	vld.idx.msk [tilespmem:v55+s2+$0x0], $0xffff  }
0x3dc: {  	v58 =	vor.u32 v45, v49;
	v30 =	vld.idx.msk [tilespmem:v55+s12+$0x0], $0xffff  }
0x3dd: {  	v52 =	vld.idx.msk [tilespmem:v56+s12+$0x0], $0xffff;
	v18 =	vadd.f32 v20, v18;
	v20 =	vmul.f32 v60, v25  }
0x3de: {  	v59 =	vor.u32 v46, v49;
	v25 =	vld.idx.msk [tilespmem:v56+s2+$0x0], $0xffff  }
0x3df: {  	v18 =	vadd.f32 v20, v18;
	v20 =	vmul.f32 v28, v27;
	v27 =	vld.idx.msk [tilespmem:v57+s2+$0x0], $0xffff  }
0x3e0: {  	v60 =	vor.u32 v47, v49;
	v28 =	vld.idx.msk [tilespmem:v57+s12+$0x0], $0xffff  }
0x3e1: {  	v18 =	vadd.f32 v20, v18;
	v20 =	vmul.f32 v30, v24;
	v24 =	vld.idx.msk [tilespmem:v58+s2+$0x0], $0xffff  }
0x3e2: {  	v49 =	vor.u32 v48, v49;
	v30 =	vld.idx.msk [tilespmem:v58+s12+$0x0], $0xffff  }
0x3e3: {  	v61 =	vld.idx.msk [tilespmem:v59+s12+$0x0], $0xffff;
	v18 =	vadd.f32 v20, v18;
	v20 =	vmul.f32 v52, v25  }
0x3e4: {  	v25 =	vld.idx.msk [tilespmem:v59+s2+$0x0], $0xffff  }
0x3e5: {  	v18 =	vadd.f32 v20, v18;
	v20 =	vmul.f32 v28, v27;
	v27 =	vld.idx.msk [tilespmem:v60+s2+$0x0], $0xffff  }
0x3e6: {  	v28 =	vld.idx.msk [tilespmem:v60+s12+$0x0], $0xffff  }
0x3e7: {  	v18 =	vadd.f32 v20, v18;
	v20 =	vmul.f32 v30, v24;
	v24 =	vld.idx.msk [tilespmem:v49+s2+$0x0], $0xffff  }
0x3e8: {  	v30 =	vld.idx.msk [tilespmem:v49+s12+$0x0], $0xffff  }
0x3e9: {  	v18 =	vadd.f32 v20, v18;
	v20 =	vmul.f32 v61, v25;
	_ =	sdelay $0x1  }
0x3ea: {  	v18 =	vadd.f32 v20, v18;
	v20 =	vmul.f32 v28, v27;
	_ =	sdelay $0x1  }
0x3eb: {  	v18 =	vadd.f32 v20, v18;
	v20 =	vmul.f32 v30, v24;
	_ =	sdelay $0x1  }
0x3ec: {  	v18 =	vadd.f32 v20, v18;
	_ =	sdelay $0x1  }
0x3ed: {  	v18 =	vmul.f32 $1.442695020e+00, v18;
	_ =	sdelay $0x1  }
0x3ee: {  	(erf) = vpow2.f32 v18;
	_ =	sdelay $0x4  }
0x3ef: {  	v18 =	vor.u32 $0x3, v50;
	_ =	sdelay $0x3  }
0x3f0: {  	v20 =	vpop (erf)  }
0x3f1: {  	[tilespmem:v18+s7+$0x0] =	vst.idx.msk $0xffff, v20  }
0x3f2: {  	v18 =	vld.idx.msk [tilespmem:v16+s13+$0x0], $0xffff;
	_ =	sdelay $0x4  }
0x3f3: {  	v18 =	vmul.f32 v20, v18;
	_ =	sdelay $0x1  }
0x3f4: {  	[tilespmem:v16+s18+$0x0] =	vst.idx.msk $0xffff, v18  }
0x3f5: {  	v16 =	vld.idx.msk [tilespmem:v17+s13+$0x0], $0xffff;
	_ =	sdelay $0x4  }
0x3f6: {  	v16 =	vmul.f32 v16, v20;
	_ =	sdelay $0x1  }
0x3f7: {  	[tilespmem:v17+s18+$0x0] =	vst.idx.msk $0xffff, v16  }
0x3f8: {  	v16 =	vld.idx.msk [tilespmem:v15+s13+$0x0], $0xffff;
	_ =	sdelay $0x4  }
0x3f9: {  	v16 =	vmul.f32 v16, v20;
	_ =	sdelay $0x1  }
0x3fa: {  	[tilespmem:v15+s18+$0x0] =	vst.idx.msk $0xffff, v16  }
0x3fb: {  	v15 =	vld.idx.msk [tilespmem:v23+s13+$0x0], $0xffff;
	_ =	sdelay $0x4  }
0x3fc: {  	v15 =	vmul.f32 v15, v20;
	_ =	sdelay $0x1  }
0x3fd: {  	[tilespmem:v23+s18+$0x0] =	vst.idx.msk $0xffff, v15  }
0x3fe: {  	v15 =	vld.idx.msk [tilespmem:v26+s13+$0x0], $0xffff;
	_ =	sdelay $0x4  }
0x3ff: {  	v15 =	vmul.f32 v15, v20;
	_ =	sdelay $0x1  }
0x400: {  	[tilespmem:v26+s18+$0x0] =	vst.idx.msk $0xffff, v15  }
0x401: {  	v15 =	vld.idx.msk [tilespmem:v29+s13+$0x0], $0xffff;
	_ =	sdelay $0x4  }
0x402: {  	v15 =	vmul.f32 v15, v20;
	_ =	sdelay $0x1  }
0x403: {  	[tilespmem:v29+s18+$0x0] =	vst.idx.msk $0xffff, v15  }
0x404: {  	v15 =	vld.idx.msk [tilespmem:v51+s13+$0x0], $0xffff;
	_ =	sdelay $0x4  }
0x405: {  	v15 =	vmul.f32 v15, v20;
	_ =	sdelay $0x1  }
0x406: {  	[tilespmem:v51+s18+$0x0] =	vst.idx.msk $0xffff, v15  }
0x407: {  	v15 =	vld.idx.msk [tilespmem:v53+s13+$0x0], $0xffff;
	_ =	sdelay $0x4  }
0x408: {  	v15 =	vmul.f32 v15, v20;
	_ =	sdelay $0x1  }
0x409: {  	[tilespmem:v53+s18+$0x0] =	vst.idx.msk $0xffff, v15  }
0x40a: {  	v15 =	vld.idx.msk [tilespmem:v54+s13+$0x0], $0xffff;
	_ =	sdelay $0x4  }
0x40b: {  	v15 =	vmul.f32 v15, v20;
	_ =	sdelay $0x1  }
0x40c: {  	[tilespmem:v54+s18+$0x0] =	vst.idx.msk $0xffff, v15  }
0x40d: {  	v15 =	vld.idx.msk [tilespmem:v55+s13+$0x0], $0xffff;
	_ =	sdelay $0x4  }
0x40e: {  	v15 =	vmul.f32 v15, v20;
	_ =	sdelay $0x1  }
0x40f: {  	[tilespmem:v55+s18+$0x0] =	vst.idx.msk $0xffff, v15  }
0x410: {  	v15 =	vld.idx.msk [tilespmem:v56+s13+$0x0], $0xffff;
	_ =	sdelay $0x4  }
0x411: {  	v15 =	vmul.f32 v15, v20;
	_ =	sdelay $0x1  }
0x412: {  	[tilespmem:v56+s18+$0x0] =	vst.idx.msk $0xffff, v15  }
0x413: {  	v15 =	vld.idx.msk [tilespmem:v57+s13+$0x0], $0xffff;
	_ =	sdelay $0x4  }
0x414: {  	v15 =	vmul.f32 v15, v20;
	_ =	sdelay $0x1  }
0x415: {  	[tilespmem:v57+s18+$0x0] =	vst.idx.msk $0xffff, v15  }
0x416: {  	v15 =	vld.idx.msk [tilespmem:v58+s13+$0x0], $0xffff;
	_ =	sdelay $0x4  }
0x417: {  	v15 =	vmul.f32 v15, v20;
	_ =	sdelay $0x1  }
0x418: {  	[tilespmem:v58+s18+$0x0] =	vst.idx.msk $0xffff, v15  }
0x419: {  	v15 =	vld.idx.msk [tilespmem:v59+s13+$0x0], $0xffff;
	_ =	sdelay $0x4  }
0x41a: {  	v15 =	vmul.f32 v15, v20;
	_ =	sdelay $0x1  }
0x41b: {  	[tilespmem:v59+s18+$0x0] =	vst.idx.msk $0xffff, v15  }
0x41c: {  	v15 =	vld.idx.msk [tilespmem:v60+s13+$0x0], $0xffff;
	_ =	sdelay $0x4  }
0x41d: {  	v15 =	vmul.f32 v15, v20;
	_ =	sdelay $0x1  }
0x41e: {  	[tilespmem:v60+s18+$0x0] =	vst.idx.msk $0xffff, v15  }
0x41f: {  	v15 =	vld.idx.msk [tilespmem:v49+s13+$0x0], $0xffff;
	_ =	sdelay $0x1  }
0x420: {  	p0 =	sne.s32 s4, $0x90  }
.Ltmp2:
0x421: {  	_ = 	snop;
	(pc) =	sbr.rel @p0 .LBB2_8-.Ltmp2, $3  }
0x422: {  	_ = 	snop  }
0x423: {  	v15 =	vmul.f32 v15, v20;
	_ =	sdelay $0x1  }
0x424: {  	s4 =	sadd.s32 $0x10, s4;
	v24 =	vld [tilespmem:$0x1FFF0];
	v23 =	vlaneseq.u32;
	[tilespmem:v49+s18+$0x0] =	vst.idx.msk $0xffff, v15  }
0x425: {  	s10 =	sadd.s32 $0x1, s10  }
0x426: {  	p0 =	sne.s32 s10, $0x19  }
.Ltmp3:
0x427: {  	_ = 	snop;
	(pc) =	sbr.rel @p0 .LBB2_5-.Ltmp3, $4  }
0x428: {  	_ = 	snop  }
0x429: {  	[spmem:s0] =	stream.indirect.scatter.add.f32 [tilespmem:s20], [sflag:$0x4], $0x40, s24, s11, $0xb8;
	[tilespmem:$0x1B080] =	vst v63  }
0x42a: {  	v61 =	vmovc v8;
	v25 =	vmovc v0;
	v53 =	vmov v1;
	v17 =	vmov v22;
	v55 =	vmov v2  }
0x42b: {  	v56 =	vmovc v3;
	v57 =	vmovc v4;
	v16 =	vmov v5;
	v59 =	vmov v6;
	v60 =	vmov v7;
	[spmem:s1] =	stream.indirect.scatter.add.f32 [tilespmem:s21], [sflag:$0x4], $0x10, s24, s11, $0xb8;
	[tilespmem:$0x1B080] =	vst v63  }
0x42c: {  	_ =	swait.ge [sflag:s22], $0x1400  }
0x42d: {  	[sflag:s22] =	ssyncset.done $0x0  }
0x42e: {  	[sflag:s22] =	ssyncadd.s32 $0xFFFFEC00  }
0x42f: {  	_ =	swait.ge [sflag:s22], $0x500  }
0x430: {  	[sflag:s22] =	ssyncset.done $0x0  }
0x431: {  	s25 =	sadd.s32 $0x1, s25;
	[sflag:s22] =	ssyncadd.s32 $0xFFFFFB00  }
0x432: {  	p0 =	sne.s32 s25, $0x5;
	_ =	swait.ge [sflag:s23], $0x1400  }
.Ltmp4:
0x433: {  	[sflag:s23] =	ssyncset.done $0x0;
	(pc) =	sbr.rel @p0 .LBB2_4-.Ltmp4, $4  }
0x434: {  	[sflag:s23] =	ssyncadd.s32 $0xFFFFEC00  }
0x435: {  	_ =	swait.ge [sflag:s23], $0x500  }
0x436: {  	[sflag:s23] =	ssyncset.done $0x0  }
0x437: {  	[sflag:s23] =	ssyncadd.s32 $0xFFFFFB00  }
0x438: {  	s3 =	stileid.u32;
	[bflag:$0x0] =	sbarrier.arrive $0xFFFF  }
0x439: {  	s9 =	simm.s32 $0x6;
	s3 =	sshll.u32 s3, $0x6;
	s6 =	rddreg [dreg:$0x9]  }
0x43a: {  	s5 =	rddreg [dreg:$0x1b];
	s3 =	sor.u32 $0x1C06, s3;
	s4 =	sshrl.u32 s6, $0x3  }
0x43b: {  	[hbm:s5], [sflag:s3] =	dma.local [spmem:s4], $0x1400  }
0x43c: {  	_ =	swait.ge [sflag:s9], $0x1400  }
0x43d: {  	[sflag:s9] =	ssyncset.done $0x0;
	s24 =	rddreg [dreg:$0xa]  }
0x43e: {  	s25 =	rddreg [dreg:$0x13];
	[sflag:s9] =	ssyncadd.s32 $0xFFFFEC00;
	s10 =	sshrl.u32 s24, $0x3  }
0x43f: {  	[hbm:s25], [sflag:s3] =	dma.local [spmem:s10], $0x500  }
0x440: {  	_ =	swait.ge [sflag:s9], $0x500  }
0x441: {  	s26 =	rddreg [dreg:$0x1d]  }
0x442: {  	s31 =	rddreg [dreg:$0x1c];
	s4 =	sadd.s32 $0x1, s26  }
0x443: {  	p0 =	sne.s32 s4, s31  }
.Ltmp5:
0x444: {  	_ = 	snop;
	(pc) =	sbr.rel @p0 .LBB2_1-.Ltmp5, $3  }
0x445: {  	_ =	sdelay $0x1  }
0x446: {  	[sflag:s9] =	ssyncset.done $0x0  }
0x447: {  	v0 =	vimm.f32 $0.0e+00;
	[sflag:s9] =	ssyncadd.s32 $0xFFFFFB00  }
0x448: {  	_ =	sfence.sel $0x180000  }
0x449: {  	[bflag:$0x0] =	sbarrier.arrive $0xFFFF  }
0x44a: {  	_ =	strace $0x90000047  }
0x44b: {  	s0 =	stileid.u32;
	[bflag:$0x2] =	sbarrier.arrive $0xFFFF  }
0x44c: {  	p0 =	sne.s32 s0, $0x0;
	s0 =	rddreg [dreg:$0x4]  }
0x44d: {  	s0 =	sadd.s32 @!p0 $0x100000, s0  }
0x44e: {  	[sflag:s0] =	ssyncadd.tile.s32 @!p0 $0x1;
	_ =	shalt  }
.Lfunc_end2:
_tile_overlayer_lowered:
.L_overlay_start_2:
0x44f: {  	(tag) =	ssettag $0x2  }
0x450: {  	s0 =	rddreg [dreg:$0x0];
	s2 =	stileid.u32  }
0x451: {  	s1 =	rddreg [dreg:$0x1];
	p0 =	sne.s32 s2, $0x0  }
0x452: {  	s3 =	rddreg [dreg:$0x2];
	[bflag:$0x3] =	sbarrier.arrive $0xFFFF;
	s2 =	simm.s32 @!p0 $0x1C06  }
0x453: {  	[timem:s3], [sflag:s2] =	dma.local @!p0 [hbm:s0], s1  }
0x454: {  	s0 =	simm.s32 @!p0 $0x6  }
0x455: {  	_ =	swait.ge @!p0 [sflag:s0], s1  }
0x456: {  	s1 =	ssub.s32 @!p0 $0x0, s1;
	[sflag:s0] =	ssyncset.done @!p0 $0x0  }
0x457: {  	[sflag:s0] =	ssyncadd.s32 @!p0 s1  }
0x458: {  	[bflag:$0x3] =	sbarrier.arrive $0xFFFF  }
0x459: {  	_ =	shalt  }

</sc_bundles>
